<compile_context>
chip_gen: v7x
topology: tpu7x:2x2x1
jax: 0.10.2.dev20260603
libtpu: 0.0.44.dev20260713+nightly
codegen_flags: <defaults>
</compile_context>

<pallas_src>
import functools
import jax
import jax.numpy as jnp
from jax import lax
from jax.experimental import pallas as pl
from jax.experimental.pallas import tpu as pltpu
from jax.experimental.pallas import tpu_sc as plsc

_K = 64
_N = 32768
_ROWS = 128
_L = 16
_NV = _N // _L
_CAP = 4096
_NC = 2
_NS = 16
_NW = _NC * _NS
_RPW = _ROWS // _NW
_GUESS0 = 0x40000000
_MARGIN = 1 << 21
_IMIN = -0x80000000


def _skey(v):
    s = lax.bitcast_convert_type(v, jnp.int32)
    return s ^ (lax.shift_right_arithmetic(s, 31) & jnp.int32(0x7FFFFFFF))


def _sc_body(x_hbm, o_hbm, b0_v, b1_v, out_v, candk_v, candi_v,
             ki0_v, ki1_v, ls0, ls1, osem):
    wid = lax.axis_index("s") * _NC + lax.axis_index("c")
    lane = lax.broadcasted_iota(jnp.int32, (_L,), 0)
    zero_v = jnp.zeros((_L,), jnp.int32)
    fzero_v = jnp.zeros((_L,), jnp.float32)
    neg1_v = jnp.full((_L,), -1, jnp.int32)
    bufs = [b0_v, b1_v]
    lsems = [ls0, ls1]
    kbufs = [ki0_v, ki1_v]

    @plsc.parallel_loop(0, _NV, unroll=8)
    def _(i):
        out_v[pl.ds(pl.multiple_of(i * _L, 8), _L)] = fzero_v

    def start_load(rr):
        return pltpu.async_copy(x_hbm.at[wid * _RPW + rr], bufs[rr % 2],
                                lsems[rr % 2])

    ld = [None] * _RPW
    for rr in range(min(2, _RPW)):
        ld[rr] = start_load(rr)
    odma = [None] * _RPW

    t_spec = jnp.int32(_GUESS0)
    for rr in range(_RPW):
        row_v = bufs[rr % 2]
        ld[rr].wait()

        def not_ok(carry):
            _, _, _, c, fin = carry
            bad = (c < _K) | (c > _CAP)
            return bad & jnp.logical_not(fin)

        def attempt(carry):
            t_prev, lo, hi, c, fin = carry
            ran = c >= 0
            lo = jnp.where(ran & (c > _CAP), t_prev, lo)
            hi = jnp.where(ran & (c < _K), t_prev, hi)
            ulo = lax.bitcast_convert_type(lo, jnp.uint32) ^ jnp.uint32(0x80000000)
            uhi = lax.bitcast_convert_type(hi, jnp.uint32) ^ jnp.uint32(0x80000000)
            umid = ulo + lax.shift_right_logical(uhi - ulo, jnp.uint32(1))
            mid = lax.bitcast_convert_type(umid ^ jnp.uint32(0x80000000), jnp.int32)
            narrow = (uhi - ulo) <= jnp.uint32(1)
            fin = ran & narrow
            t_s = jnp.where(ran, jnp.where(narrow, lo, mid), t_prev)
            tsu = lax.bitcast_convert_type(t_s, jnp.uint32)

            @plsc.parallel_loop(0, _NV, unroll=8, carry=(neg1_v, lane))
            def comp_out(i, cr):
                offm1, idxv = cr
                v = row_v[pl.ds(pl.multiple_of(i * _L, 8), _L)]
                key = _skey(v)
                m = key >= t_s
                du = lax.bitcast_convert_type(key, jnp.uint32) - tsu
                ci = jnp.cumsum(m.astype(jnp.int32))
                pos = offm1 + ci
                okm = m & (pos < _CAP)
                plsc.store_scatter(candk_v, [pos],
                                   lax.bitcast_convert_type(du, jnp.int32),
                                   mask=okm)
                plsc.store_scatter(candi_v, [pos], idxv, mask=okm)
                return (offm1 + plsc.all_reduce_population_count(m), idxv + _L)

            c_new = jnp.max(comp_out[0]) + jnp.int32(1)
            return (t_s, lo, hi, c_new, fin)

        t_s, _, _, c_tot, _ = lax.while_loop(
            not_ok, attempt,
            (t_spec, jnp.int32(_IMIN), jnp.int32(0x7FFFFFFF),
             jnp.int32(-1), jnp.bool_(False)))

        c_eff = jnp.minimum(c_tot, jnp.int32(_CAP))
        tpos = c_eff + lane
        okp = tpos < _CAP
        tposc = jnp.minimum(tpos, jnp.int32(_CAP - 1))
        plsc.store_scatter(candk_v, [tposc], zero_v, mask=okp)
        plsc.store_scatter(candi_v, [tposc], jnp.full((_L,), _N, jnp.int32),
                           mask=okp)
        nv = (c_eff + jnp.int32(_L - 1)) // _L

        @plsc.parallel_loop(0, nv, unroll=2, carry=zero_v)
        def mx_out(j, a):
            ck = lax.bitcast_convert_type(
                candk_v[pl.ds(pl.multiple_of(j * _L, 8), _L)], jnp.uint32)
            return jnp.maximum(a, lax.bitcast_convert_type(
                lax.shift_right_logical(ck, jnp.uint32(1)), jnp.int32))
        mx = jnp.max(mx_out)
        mxf = lax.bitcast_convert_type(
            lax.convert_element_type(mx, jnp.float32), jnp.int32)
        b0 = jnp.clip(lax.shift_right_logical(mxf, 23) - jnp.int32(125),
                      jnp.int32(1), jnp.int32(32))

        def bit_step(b_, t):
            b = (b0 - jnp.int32(1) - b_).astype(jnp.uint32)
            cand = t | lax.shift_left(jnp.uint32(1), b)

            @plsc.parallel_loop(0, nv, unroll=2, carry=zero_v)
            def acc_out(j, a):
                ck = lax.bitcast_convert_type(
                    candk_v[pl.ds(pl.multiple_of(j * _L, 8), _L)], jnp.uint32)
                return a + (ck >= cand).astype(jnp.int32)
            c = jnp.sum(acc_out)
            return jnp.where(c >= _K, cand, t)
        t_du = lax.fori_loop(0, b0, bit_step, jnp.uint32(0))

        def cnt2(j, carry):
            a_ge, a_gt = carry
            ck = lax.bitcast_convert_type(
                candk_v[pl.ds(pl.multiple_of(j * _L, 8), _L)], jnp.uint32)
            return (a_ge + (ck >= t_du).astype(jnp.int32),
                    a_gt + (ck > t_du).astype(jnp.int32))
        a_ge, a_gt = lax.fori_loop(0, nv, cnt2, (zero_v, zero_v))
        n_ge = jnp.sum(a_ge)
        r = jnp.int32(_K) - jnp.sum(a_gt)

        def tie(_):
            def jb(b_, J):
                b = jnp.int32(14) - b_
                cand = J | lax.shift_left(jnp.int32(1), b)
                def cnt(j, a):
                    o = pl.multiple_of(j * _L, 8)
                    ck = lax.bitcast_convert_type(candk_v[pl.ds(o, _L)],
                                                  jnp.uint32)
                    civ = candi_v[pl.ds(o, _L)]
                    m = (ck == t_du) & (civ < cand)
                    return a + m.astype(jnp.int32)
                c = jnp.sum(lax.fori_loop(0, nv, cnt, zero_v))
                return jnp.where(c < r, cand, J)
            return lax.fori_loop(0, 15, jb, jnp.int32(0))
        J = lax.cond(n_ge == _K, lambda _: jnp.int32(_N - 1), tie,
                     jnp.int32(0))

        if rr >= 1:
            odma[rr - 1].wait()
            kprev = kbufs[(rr - 1) % 2]
            for j in range(_K // _L):
                zi = kprev[pl.ds(j * _L, _L)]
                plsc.store_scatter(out_v, [zi], fzero_v)

        kcur = kbufs[rr % 2]

        @plsc.parallel_loop(0, nv, unroll=2, carry=neg1_v)
        def kc_out(j, offm1):
            o = pl.multiple_of(j * _L, 8)
            ck = lax.bitcast_convert_type(candk_v[pl.ds(o, _L)], jnp.uint32)
            civ = candi_v[pl.ds(o, _L)]
            m = (ck > t_du) | ((ck == t_du) & (civ <= J))
            ci = jnp.cumsum(m.astype(jnp.int32))
            pos = offm1 + ci
            okm = m & (pos < _K)
            cv = plsc.load_gather(row_v, [jnp.where(okm, civ, 0)])
            plsc.store_scatter(out_v, [civ], cv, mask=okm)
            plsc.store_scatter(kcur, [pos], civ, mask=okm)
            return offm1 + plsc.all_reduce_population_count(m)

        odma[rr] = pltpu.async_copy(out_v, o_hbm.at[wid * _RPW + rr], osem)

        t_key = lax.bitcast_convert_type(
            lax.bitcast_convert_type(t_s, jnp.uint32) + t_du, jnp.int32)
        t_spec = jnp.where(t_key < jnp.int32(_IMIN + _MARGIN),
                           jnp.int32(_IMIN), t_key - jnp.int32(_MARGIN))
        if rr + 2 < _RPW:
            ld[rr + 2] = start_load(rr + 2)

    odma[_RPW - 1].wait()


def kernel(x):
    mesh = plsc.VectorSubcoreMesh(core_axis_name="c", subcore_axis_name="s")
    fn = functools.partial(
        pl.kernel,
        mesh=mesh,
        compiler_params=pltpu.CompilerParams(needs_layout_passes=False),
        out_type=jax.ShapeDtypeStruct((_ROWS, _N), jnp.float32),
        scratch_types=[
            pltpu.VMEM((_N,), jnp.float32),
            pltpu.VMEM((_N,), jnp.float32),
            pltpu.VMEM((_N,), jnp.float32),
            pltpu.VMEM((_CAP,), jnp.int32),
            pltpu.VMEM((_CAP,), jnp.int32),
            pltpu.VMEM((_K,), jnp.int32),
            pltpu.VMEM((_K,), jnp.int32),
            pltpu.SemaphoreType.DMA,
            pltpu.SemaphoreType.DMA,
            pltpu.SemaphoreType.DMA,
        ],
    )(_sc_body)
    return fn(x)

# --- scband reference (transcript-rebuilt; emitter-appended) ---
"""Pipeline reference for scband-top-kactivation-21096879358068 (READ-ONLY COPY).

The authoritative reference and input builder live on the scoring server;
editing this copy changes nothing except your own understanding.
"""

import jax, jax.numpy as jnp
import numpy as np

K = 64

def setup_inputs(seed: int = 0) -> dict:
    key = jax.random.key(seed)
    x = jax.random.normal(key, (128, 32768), dtype=jnp.float32)
    return {"x": x}

def reference(x):
    # torch.topk along dim=1
    topk_values, topk_indices = jax.lax.top_k(x, K)
    # mask = zeros_like(x, bool); mask.scatter_(1, topk_indices, True)
    rows = jnp.arange(x.shape[0])[:, None]
    mask = jnp.zeros(x.shape, dtype=bool).at[rows, topk_indices].set(True)
    return x * mask.astype(jnp.float32)

if __name__ == "__main__":
    import jax
    _d = setup_inputs()
    print(jax.jit(kernel)(*tuple(_d.values())))

</pallas_src>

<mosaic_0001>
#map = affine_map<(d0, d1) -> (0, 0)>
module attributes {stable_mosaic.version = 14 : i64} {
  func.func @_sc_body(%arg0: i32, %arg1: i32, %arg2: memref<128x32768xf32, #tpu.memory_space<hbm>>, %arg3: memref<128x32768xf32, #tpu.memory_space<hbm>>, %arg4: memref<32768xf32, #tpu.memory_space<vmem>>, %arg5: memref<32768xf32, #tpu.memory_space<vmem>>, %arg6: memref<32768xf32, #tpu.memory_space<vmem>>, %arg7: memref<4096xi32, #tpu.memory_space<vmem>>, %arg8: memref<4096xi32, #tpu.memory_space<vmem>>, %arg9: memref<64xi32, #tpu.memory_space<vmem>>, %arg10: memref<64xi32, #tpu.memory_space<vmem>>, %arg11: memref<!tpu.dma_semaphore, #tpu.memory_space<semaphore_mem>>, %arg12: memref<!tpu.dma_semaphore, #tpu.memory_space<semaphore_mem>>, %arg13: memref<!tpu.dma_semaphore, #tpu.memory_space<semaphore_mem>>) attributes {dimension_semantics = [#tpu.dimension_semantics<core_parallel>, #tpu.dimension_semantics<subcore_parallel>], iteration_bounds = array<i64: 2, 16>, scalar_prefetch = 0 : i64, scratch_operands = 10 : i64, tpu.core_type = #tpu.core_type<sc_vector_subcore>, window_params = [{transform_indices = #map}, {transform_indices = #map}]} {
    %mul3A = arith.constant 2 : i32
    %mul3A_0 = arith.muli %arg1, %mul3A : i32
    %add3A = arith.addi %mul3A_0, %arg0 : i32
    %iota3A = tpu.iota {dimensions = array<i32: 0>} : vector<16xi32>
    %broadcast_in_dim3A = arith.constant 0 : i32
    %broadcast_in_dim3A_1 = vector.broadcast %broadcast_in_dim3A : i32 to vector<16xi32>
    %broadcast_in_dim3A_2 = arith.constant 0.000000e+00 : f32
    %broadcast_in_dim3A_3 = vector.broadcast %broadcast_in_dim3A_2 : f32 to vector<16xf32>
    %broadcast_in_dim3A_4 = arith.constant -1 : i32
    %broadcast_in_dim3A_5 = vector.broadcast %broadcast_in_dim3A_4 : i32 to vector<16xi32>
    %parallel_loop3A = arith.constant 0 : i32
    %parallel_loop3A_6 = arith.constant 2048 : i32
    %parallel_loop3A_7 = arith.constant 1 : i32
    scf.for %parallel_loop3A_603 = %parallel_loop3A to %parallel_loop3A_6 step %parallel_loop3A_7  : i32 {
      %parallel_loop3A_604 = arith.constant 16 : i32
      %parallel_loop3A_605 = arith.muli %parallel_loop3A_603, %parallel_loop3A_604 : i32
      %parallel_loop3A_606 = tpu.assume_multiple %parallel_loop3A_605, 8 : i32
      %parallel_loop3A_607 = arith.index_cast %parallel_loop3A_606 : i32 to index
      %parallel_loop3A_608 = tpu.vector_load %arg6[%parallel_loop3A_607] {strides = array<i32>} : memref<32768xf32, #tpu.memory_space<vmem>>, vector<16xf32>,
      tpu.vector_store %arg6[%parallel_loop3A_607], %broadcast_in_dim3A_3 {strides = array<i32>} : memref<32768xf32, #tpu.memory_space<vmem>>, vector<16xf32>,
    } {sc.loop_unroll_factor = 8 : i64, sc.parallel_access}
    %mul3A_8 = arith.constant 4 : i32
    %mul3A_9 = arith.muli %add3A, %mul3A_8 : i32
    %add3A_10 = arith.constant 0 : i32
    %add3A_11 = arith.addi %mul3A_9, %add3A_10 : i32
    %dma_start3A = arith.constant 0 : i32
    %dma_start3A_12 = tpu.memref_slice %arg2[%add3A_11, %dma_start3A] : memref<128x32768xf32, #tpu.memory_space<hbm>> -> memref<1x32768xf32, #tpu.memory_space<hbm>>
    %dma_start3A_13 = tpu.memref_squeeze %dma_start3A_12 : memref<1x32768xf32, #tpu.memory_space<hbm>> -> memref<32768xf32, #tpu.memory_space<hbm>>
    %dma_start3A_14 = arith.constant 0 : i32
    %dma_start3A_15 = tpu.memref_slice %arg2[%add3A_11, %dma_start3A_14] : memref<128x32768xf32, #tpu.memory_space<hbm>> -> memref<1x32768xf32, #tpu.memory_space<hbm>>
    %dma_start3A_16 = tpu.memref_squeeze %dma_start3A_15 : memref<1x32768xf32, #tpu.memory_space<hbm>> -> memref<32768xf32, #tpu.memory_space<hbm>>
    tpu.enqueue_dma source(%dma_start3A_16 : memref<32768xf32, #tpu.memory_space<hbm>>) target(%arg4 : memref<32768xf32, #tpu.memory_space<vmem>>) target_semaphore(%arg11 : memref<!tpu.dma_semaphore, #tpu.memory_space<semaphore_mem>>)
    %mul3A_17 = arith.constant 4 : i32
    %mul3A_18 = arith.muli %add3A, %mul3A_17 : i32
    %add3A_19 = arith.constant 1 : i32
    %add3A_20 = arith.addi %mul3A_18, %add3A_19 : i32
    %dma_start3A_21 = arith.constant 0 : i32
    %dma_start3A_22 = tpu.memref_slice %arg2[%add3A_20, %dma_start3A_21] : memref<128x32768xf32, #tpu.memory_space<hbm>> -> memref<1x32768xf32, #tpu.memory_space<hbm>>
    %dma_start3A_23 = tpu.memref_squeeze %dma_start3A_22 : memref<1x32768xf32, #tpu.memory_space<hbm>> -> memref<32768xf32, #tpu.memory_space<hbm>>
    %dma_start3A_24 = arith.constant 0 : i32
    %dma_start3A_25 = tpu.memref_slice %arg2[%add3A_20, %dma_start3A_24] : memref<128x32768xf32, #tpu.memory_space<hbm>> -> memref<1x32768xf32, #tpu.memory_space<hbm>>
    %dma_start3A_26 = tpu.memref_squeeze %dma_start3A_25 : memref<1x32768xf32, #tpu.memory_space<hbm>> -> memref<32768xf32, #tpu.memory_space<hbm>>
    tpu.enqueue_dma source(%dma_start3A_26 : memref<32768xf32, #tpu.memory_space<hbm>>) target(%arg5 : memref<32768xf32, #tpu.memory_space<vmem>>) target_semaphore(%arg12 : memref<!tpu.dma_semaphore, #tpu.memory_space<semaphore_mem>>)
    %dma_wait3A = arith.constant 0 : i32
    %dma_wait3A_27 = tpu.memref_slice %arg2[%add3A_11, %dma_wait3A] : memref<128x32768xf32, #tpu.memory_space<hbm>> -> memref<1x32768xf32, #tpu.memory_space<hbm>>
    %dma_wait3A_28 = tpu.memref_squeeze %dma_wait3A_27 : memref<1x32768xf32, #tpu.memory_space<hbm>> -> memref<32768xf32, #tpu.memory_space<hbm>>
    %dma_wait3A_29 = arith.constant 0 : i32
    %dma_wait3A_30 = tpu.memref_slice %arg2[%add3A_11, %dma_wait3A_29] : memref<128x32768xf32, #tpu.memory_space<hbm>> -> memref<1x32768xf32, #tpu.memory_space<hbm>>
    %dma_wait3A_31 = tpu.memref_squeeze %dma_wait3A_30 : memref<1x32768xf32, #tpu.memory_space<hbm>> -> memref<32768xf32, #tpu.memory_space<hbm>>
    tpu.wait_dma2 semaphore(%arg11 : memref<!tpu.dma_semaphore, #tpu.memory_space<semaphore_mem>>) src(%dma_wait3A_31 : memref<32768xf32, #tpu.memory_space<hbm>>) dst(%arg4 : memref<32768xf32, #tpu.memory_space<vmem>>)
    %while3A = arith.constant 1073741824 : i32
    %while3A_32 = arith.constant -2147483648 : i32
    %while3A_33 = arith.constant 2147483647 : i32
    %while3A_34 = arith.constant -1 : i32
    %while3A_35 = arith.constant false
    %while3A_36:5 = scf.while (%while3A_603 = %while3A, %while3A_604 = %while3A_32, %while3A_605 = %while3A_33, %while3A_606 = %while3A_34, %while3A_607 = %while3A_35) : (i32, i32, i32, i32, i1) -> (i32, i32, i32, i32, i1) {
      %lt3A_608 = arith.constant 64 : i32
      %lt3A_609 = arith.cmpi slt, %while3A_606, %lt3A_608 : i32
      %gt3A = arith.constant 4096 : i32
      %gt3A_610 = arith.cmpi sgt, %while3A_606, %gt3A : i32
      %or3A = arith.ori %lt3A_609, %gt3A_610 : i1
      %not3A = arith.constant true
      %not3A_611 = arith.xori %while3A_607, %not3A : i1
      %and3A_612 = arith.andi %or3A, %not3A_611 : i1
      scf.condition(%and3A_612) %while3A_603, %while3A_604, %while3A_605, %while3A_606, %while3A_607 : i32, i32, i32, i32, i1
    } do {
    ^bb0(%while3A_603: i32, %while3A_604: i32, %while3A_605: i32, %while3A_606: i32, %while3A_607: i1):
      %ge3A = arith.constant 0 : i32
      %ge3A_608 = arith.cmpi sge, %while3A_606, %ge3A : i32
      %gt3A = arith.constant 4096 : i32
      %gt3A_609 = arith.cmpi sgt, %while3A_606, %gt3A : i32
      %and3A_610 = arith.andi %ge3A_608, %gt3A_609 : i1
      %select_n3A_611 = arith.select %and3A_610, %while3A_603, %while3A_604 : i32
      %lt3A_612 = arith.constant 64 : i32
      %lt3A_613 = arith.cmpi slt, %while3A_606, %lt3A_612 : i32
      %and3A_614 = arith.andi %ge3A_608, %lt3A_613 : i1
      %select_n3A_615 = arith.select %and3A_614, %while3A_603, %while3A_605 : i32
      %bitcast_convert_type3A_616 = arith.bitcast %select_n3A_611 : i32 to i32
      %xor3A = arith.constant -2147483648 : i32
      %xor3A_617 = arith.xori %bitcast_convert_type3A_616, %xor3A : i32
      %bitcast_convert_type3A_618 = arith.bitcast %select_n3A_615 : i32 to i32
      %xor3A_619 = arith.constant -2147483648 : i32
      %xor3A_620 = arith.xori %bitcast_convert_type3A_618, %xor3A_619 : i32
      %sub3A_621 = arith.subi %xor3A_620, %xor3A_617 : i32
      %shift_right_logical3A_622 = arith.constant 1 : i32
      %shift_right_logical3A_623 = arith.shrui %sub3A_621, %shift_right_logical3A_622 : i32
      %add3A_624 = arith.addi %xor3A_617, %shift_right_logical3A_623 : i32
      %xor3A_625 = arith.constant -2147483648 : i32
      %xor3A_626 = arith.xori %add3A_624, %xor3A_625 : i32
      %bitcast_convert_type3A_627 = arith.bitcast %xor3A_626 : i32 to i32
      %sub3A_628 = arith.subi %xor3A_620, %xor3A_617 : i32
      %le3A = arith.constant 1 : i32
      %le3A_629 = arith.cmpi ule, %sub3A_628, %le3A : i32
      %and3A_630 = arith.andi %ge3A_608, %le3A_629 : i1
      %select_n3A_631 = arith.select %le3A_629, %select_n3A_611, %bitcast_convert_type3A_627 : i32
      %select_n3A_632 = arith.select %ge3A_608, %select_n3A_631, %while3A_603 : i32
      %bitcast_convert_type3A_633 = arith.bitcast %select_n3A_632 : i32 to i32
      %parallel_loop3A_634 = arith.constant 0 : i32
      %parallel_loop3A_635 = arith.constant 2048 : i32
      %parallel_loop3A_636 = arith.constant 1 : i32
      %parallel_loop3A_637:2 = scf.for %parallel_loop3A_648 = %parallel_loop3A_634 to %parallel_loop3A_635 step %parallel_loop3A_636 iter_args(%parallel_loop3A_649 = %broadcast_in_dim3A_5, %parallel_loop3A_650 = %iota3A) -> (vector<16xi32>, vector<16xi32>)  : i32 {
        %parallel_loop3A_651 = arith.constant 16 : i32
        %parallel_loop3A_652 = arith.muli %parallel_loop3A_648, %parallel_loop3A_651 : i32
        %parallel_loop3A_653 = tpu.assume_multiple %parallel_loop3A_652, 8 : i32
        %parallel_loop3A_654 = arith.index_cast %parallel_loop3A_653 : i32 to index
        %parallel_loop3A_655 = tpu.vector_load %arg4[%parallel_loop3A_654] {strides = array<i32>} : memref<32768xf32, #tpu.memory_space<vmem>>, vector<16xf32>,
        %parallel_loop3A_656 = tpu.bitcast %parallel_loop3A_655 : vector<16xf32> -> vector<16xi32>
        %parallel_loop3A_657 = arith.constant 31 : i32
        %parallel_loop3A_658 = vector.broadcast %parallel_loop3A_657 : i32 to vector<16xi32>
        %parallel_loop3A_659 = arith.shrsi %parallel_loop3A_656, %parallel_loop3A_658 : vector<16xi32>
        %parallel_loop3A_660 = arith.constant 2147483647 : i32
        %parallel_loop3A_661 = vector.broadcast %parallel_loop3A_660 : i32 to vector<16xi32>
        %parallel_loop3A_662 = arith.andi %parallel_loop3A_659, %parallel_loop3A_661 : vector<16xi32>
        %parallel_loop3A_663 = arith.xori %parallel_loop3A_656, %parallel_loop3A_662 : vector<16xi32>
        %parallel_loop3A_664 = vector.broadcast %select_n3A_632 : i32 to vector<16xi32>
        %parallel_loop3A_665 = arith.cmpi sge, %parallel_loop3A_663, %parallel_loop3A_664 : vector<16xi32>
        %parallel_loop3A_666 = tpu.bitcast %parallel_loop3A_663 : vector<16xi32> -> vector<16xi32>
        %parallel_loop3A_667 = vector.broadcast %bitcast_convert_type3A_633 : i32 to vector<16xi32>
        %parallel_loop3A_668 = arith.subi %parallel_loop3A_666, %parallel_loop3A_667 : vector<16xi32>
        %parallel_loop3A_669 = arith.extui %parallel_loop3A_665 : vector<16xi1> to vector<16xi32>
        %parallel_loop3A_670 = arith.constant true
        %parallel_loop3A_671 = vector.broadcast %parallel_loop3A_670 : i1 to vector<16xi1>
        %parallel_loop3A_672 = tpu.scan <sum>, %parallel_loop3A_669 masked %parallel_loop3A_671 : vector<16xi32>, vector<16xi1> -> vector<16xi32>
        %parallel_loop3A_673 = arith.addi %parallel_loop3A_649, %parallel_loop3A_672 : vector<16xi32>
        %parallel_loop3A_674 = arith.constant 4096 : i32
        %parallel_loop3A_675 = vector.broadcast %parallel_loop3A_674 : i32 to vector<16xi32>
        %parallel_loop3A_676 = arith.cmpi slt, %parallel_loop3A_673, %parallel_loop3A_675 : vector<16xi32>
        %parallel_loop3A_677 = arith.andi %parallel_loop3A_665, %parallel_loop3A_676 : vector<16xi1>
        %parallel_loop3A_678 = tpu.bitcast %parallel_loop3A_668 : vector<16xi32> -> vector<16xi32>
        tpu.vector_store_idx %arg7[%parallel_loop3A_673], %parallel_loop3A_678 masked %parallel_loop3A_677 : memref<4096xi32, #tpu.memory_space<vmem>>[vector<16xi32>], vector<16xi32>, vector<16xi1>
        tpu.vector_store_idx %arg8[%parallel_loop3A_673], %parallel_loop3A_650 masked %parallel_loop3A_677 : memref<4096xi32, #tpu.memory_space<vmem>>[vector<16xi32>], vector<16xi32>, vector<16xi1>
        %parallel_loop3A_679 = tpu.all_reduce %parallel_loop3A_665 {dim = 0 : i64, kind = #tpu.reduction_kind<sum>} : vector<16xi1> -> vector<16xi32>
        %parallel_loop3A_680 = arith.addi %parallel_loop3A_649, %parallel_loop3A_679 : vector<16xi32>
        %parallel_loop3A_681 = arith.constant 16 : i32
        %parallel_loop3A_682 = vector.broadcast %parallel_loop3A_681 : i32 to vector<16xi32>
        %parallel_loop3A_683 = arith.addi %parallel_loop3A_650, %parallel_loop3A_682 : vector<16xi32>
        scf.yield %parallel_loop3A_680, %parallel_loop3A_683 : vector<16xi32>, vector<16xi32>
      } {sc.loop_unroll_factor = 8 : i64, sc.parallel_access}
      %reduce_max3A_638 = arith.constant true
      %reduce_max3A_639 = vector.broadcast %reduce_max3A_638 : i1 to vector<16xi1>
      %reduce_max3A_640 = arith.constant -2147483648 : i32
      %reduce_max3A_641 = vector.broadcast %reduce_max3A_640 : i32 to vector<16xi32>
      %reduce_max3A_642 = arith.xori %parallel_loop3A_637#0, %reduce_max3A_641 : vector<16xi32>
      %reduce_max3A_643 = tpu.scan <max>, %reduce_max3A_642 masked %reduce_max3A_639 : vector<16xi32>, vector<16xi1> -> vector<16xi32>
      %reduce_max3A_644 = arith.xori %reduce_max3A_643, %reduce_max3A_641 : vector<16xi32>
      %reduce_max3A_645 = vector.extract %reduce_max3A_644[15] : i32 from vector<16xi32>
      %add3A_646 = arith.constant 1 : i32
      %add3A_647 = arith.addi %reduce_max3A_645, %add3A_646 : i32
      scf.yield %select_n3A_632, %select_n3A_611, %select_n3A_615, %add3A_647, %and3A_630 : i32, i32, i32, i32, i1
    }
    %min3A = arith.constant 4096 : i32
    %min3A_37 = arith.minsi %while3A_36#3, %min3A : i32
    %add3A_38 = vector.broadcast %min3A_37 : i32 to vector<16xi32>
    %add3A_39 = arith.addi %add3A_38, %iota3A : vector<16xi32>
    %lt3A = arith.constant 4096 : i32
    %lt3A_40 = vector.broadcast %lt3A : i32 to vector<16xi32>
    %lt3A_41 = arith.cmpi slt, %add3A_39, %lt3A_40 : vector<16xi32>
    %min3A_42 = arith.constant 4095 : i32
    %min3A_43 = vector.broadcast %min3A_42 : i32 to vector<16xi32>
    %min3A_44 = arith.minsi %add3A_39, %min3A_43 : vector<16xi32>
    tpu.vector_store_idx %arg7[%min3A_44], %broadcast_in_dim3A_1 masked %lt3A_41 : memref<4096xi32, #tpu.memory_space<vmem>>[vector<16xi32>], vector<16xi32>, vector<16xi1>
    %broadcast_in_dim3A_45 = arith.constant 32768 : i32
    %broadcast_in_dim3A_46 = vector.broadcast %broadcast_in_dim3A_45 : i32 to vector<16xi32>
    tpu.vector_store_idx %arg8[%min3A_44], %broadcast_in_dim3A_46 masked %lt3A_41 : memref<4096xi32, #tpu.memory_space<vmem>>[vector<16xi32>], vector<16xi32>, vector<16xi1>
    %add3A_47 = arith.constant 15 : i32
    %add3A_48 = arith.addi %min3A_37, %add3A_47 : i32
    %jit3A = arith.constant 16 : i32
    %div3A = arith.divsi %add3A_48, %jit3A : i32
    %sign3A = arith.constant 0 : i32
    %sign3A_49 = arith.cmpi sgt, %add3A_48, %sign3A : i32
    %sign3A_50 = arith.extui %sign3A_49 : i1 to i32
    %sign3A_51 = arith.constant 0 : i32
    %sign3A_52 = arith.cmpi slt, %add3A_48, %sign3A_51 : i32
    %sign3A_53 = arith.extui %sign3A_52 : i1 to i32
    %sign3A_54 = arith.subi %sign3A_50, %sign3A_53 : i32
    %sign3A_55 = arith.constant 0 : i32
    %sign3A_56 = arith.cmpi sgt, %jit3A, %sign3A_55 : i32
    %sign3A_57 = arith.extui %sign3A_56 : i1 to i32
    %sign3A_58 = arith.constant 0 : i32
    %sign3A_59 = arith.cmpi slt, %jit3A, %sign3A_58 : i32
    %sign3A_60 = arith.extui %sign3A_59 : i1 to i32
    %sign3A_61 = arith.subi %sign3A_57, %sign3A_60 : i32
    %ne3A = arith.cmpi ne, %sign3A_54, %sign3A_61 : i32
    %rem3A = arith.remsi %add3A_48, %jit3A : i32
    %ne3A_62 = arith.constant 0 : i32
    %ne3A_63 = arith.cmpi ne, %rem3A, %ne3A_62 : i32
    %and3A = arith.andi %ne3A, %ne3A_63 : i1
    %sub3A = arith.constant 1 : i32
    %sub3A_64 = arith.subi %div3A, %sub3A : i32
    %select_n3A = arith.select %and3A, %sub3A_64, %div3A : i32
    %parallel_loop3A_65 = arith.constant 0 : i32
    %parallel_loop3A_66 = arith.constant 1 : i32
    %parallel_loop3A_67 = scf.for %parallel_loop3A_603 = %parallel_loop3A_65 to %select_n3A step %parallel_loop3A_66 iter_args(%parallel_loop3A_604 = %broadcast_in_dim3A_1) -> (vector<16xi32>)  : i32 {
      %parallel_loop3A_605 = arith.constant 16 : i32
      %parallel_loop3A_606 = arith.muli %parallel_loop3A_603, %parallel_loop3A_605 : i32
      %parallel_loop3A_607 = tpu.assume_multiple %parallel_loop3A_606, 8 : i32
      %parallel_loop3A_608 = arith.index_cast %parallel_loop3A_607 : i32 to index
      %parallel_loop3A_609 = tpu.vector_load %arg7[%parallel_loop3A_608] {strides = array<i32>} : memref<4096xi32, #tpu.memory_space<vmem>>, vector<16xi32>,
      %parallel_loop3A_610 = tpu.bitcast %parallel_loop3A_609 : vector<16xi32> -> vector<16xi32>
      %parallel_loop3A_611 = arith.constant 1 : i32
      %parallel_loop3A_612 = vector.broadcast %parallel_loop3A_611 : i32 to vector<16xi32>
      %parallel_loop3A_613 = arith.shrui %parallel_loop3A_610, %parallel_loop3A_612 : vector<16xi32>
      %parallel_loop3A_614 = tpu.bitcast %parallel_loop3A_613 : vector<16xi32> -> vector<16xi32>
      %parallel_loop3A_615 = arith.maxsi %parallel_loop3A_604, %parallel_loop3A_614 : vector<16xi32>
      scf.yield %parallel_loop3A_615 : vector<16xi32>
    } {sc.loop_unroll_factor = 2 : i64, sc.parallel_access}
    %reduce_max3A = arith.constant true
    %reduce_max3A_68 = vector.broadcast %reduce_max3A : i1 to vector<16xi1>
    %reduce_max3A_69 = arith.constant -2147483648 : i32
    %reduce_max3A_70 = vector.broadcast %reduce_max3A_69 : i32 to vector<16xi32>
    %reduce_max3A_71 = arith.xori %parallel_loop3A_67, %reduce_max3A_70 : vector<16xi32>
    %reduce_max3A_72 = tpu.scan <max>, %reduce_max3A_71 masked %reduce_max3A_68 : vector<16xi32>, vector<16xi1> -> vector<16xi32>
    %reduce_max3A_73 = arith.xori %reduce_max3A_72, %reduce_max3A_70 : vector<16xi32>
    %reduce_max3A_74 = vector.extract %reduce_max3A_73[15] : i32 from vector<16xi32>
    %convert_element_type3A = arith.sitofp %reduce_max3A_74 : i32 to f32
    %bitcast_convert_type3A = arith.bitcast %convert_element_type3A : f32 to i32
    %shift_right_logical3A = arith.constant 23 : i32
    %shift_right_logical3A_75 = arith.shrui %bitcast_convert_type3A, %shift_right_logical3A : i32
    %sub3A_76 = arith.constant 125 : i32
    %sub3A_77 = arith.subi %shift_right_logical3A_75, %sub3A_76 : i32
    %jit3A_78 = arith.constant 1 : i32
    %jit3A_79 = arith.constant 32 : i32
    %max3A = arith.maxsi %jit3A_78, %sub3A_77 : i32
    %min3A_80 = arith.minsi %jit3A_79, %max3A : i32
    %while3A_81 = arith.constant 0 : i32
    %while3A_82 = arith.constant 0 : i32
    %while3A_83 = arith.subi %min3A_80, %while3A_81 : i32
    %while3A_84 = arith.addi %while3A_81, %while3A_83 : i32
    %while3A_85 = arith.constant 1 : i32
    %while3A_86 = arith.divsi %while3A_83, %while3A_85 : i32
    %while3A_87 = arith.muli %while3A_86, %while3A_85 : i32
    %while3A_88 = arith.addi %while3A_81, %while3A_87 : i32
    %while3A_89 = arith.constant 1 : i32
    %while3A_90 = scf.for %while3A_603 = %while3A_81 to %while3A_88 step %while3A_89 iter_args(%while3A_604 = %while3A_82) -> (i32)  : i32 {
      %sub3A_605 = arith.constant 1 : i32
      %sub3A_606 = arith.subi %min3A_80, %sub3A_605 : i32
      %sub3A_607 = arith.subi %sub3A_606, %while3A_603 : i32
      %shift_left3A = arith.constant 1 : i32
      %shift_left3A_608 = arith.shli %shift_left3A, %sub3A_607 : i32
      %or3A = arith.ori %while3A_604, %shift_left3A_608 : i32
      %parallel_loop3A_609 = arith.constant 0 : i32
      %parallel_loop3A_610 = arith.constant 1 : i32
      %parallel_loop3A_611 = scf.for %parallel_loop3A_618 = %parallel_loop3A_609 to %select_n3A step %parallel_loop3A_610 iter_args(%parallel_loop3A_619 = %broadcast_in_dim3A_1) -> (vector<16xi32>)  : i32 {
        %parallel_loop3A_620 = arith.constant 16 : i32
        %parallel_loop3A_621 = arith.muli %parallel_loop3A_618, %parallel_loop3A_620 : i32
        %parallel_loop3A_622 = tpu.assume_multiple %parallel_loop3A_621, 8 : i32
        %parallel_loop3A_623 = arith.index_cast %parallel_loop3A_622 : i32 to index
        %parallel_loop3A_624 = tpu.vector_load %arg7[%parallel_loop3A_623] {strides = array<i32>} : memref<4096xi32, #tpu.memory_space<vmem>>, vector<16xi32>,
        %parallel_loop3A_625 = tpu.bitcast %parallel_loop3A_624 : vector<16xi32> -> vector<16xi32>
        %parallel_loop3A_626 = vector.broadcast %or3A : i32 to vector<16xi32>
        %parallel_loop3A_627 = arith.cmpi uge, %parallel_loop3A_625, %parallel_loop3A_626 : vector<16xi32>
        %parallel_loop3A_628 = arith.extui %parallel_loop3A_627 : vector<16xi1> to vector<16xi32>
        %parallel_loop3A_629 = arith.addi %parallel_loop3A_619, %parallel_loop3A_628 : vector<16xi32>
        scf.yield %parallel_loop3A_629 : vector<16xi32>
      } {sc.loop_unroll_factor = 2 : i64, sc.parallel_access}
      %reduce_sum3A_612 = arith.constant true
      %reduce_sum3A_613 = vector.broadcast %reduce_sum3A_612 : i1 to vector<16xi1>
      %reduce_sum3A_614 = tpu.scan <sum>, %parallel_loop3A_611 masked %reduce_sum3A_613 : vector<16xi32>, vector<16xi1> -> vector<16xi32>
      %reduce_sum3A_615 = vector.extract %reduce_sum3A_614[15] : i32 from vector<16xi32>
      %ge3A = arith.constant 64 : i32
      %ge3A_616 = arith.cmpi sge, %reduce_sum3A_615, %ge3A : i32
      %select_n3A_617 = arith.select %ge3A_616, %or3A, %while3A_604 : i32
      scf.yield %select_n3A_617 : i32
    }
    %while3A_91 = arith.constant 1 : i32
    %while3A_92 = scf.for %while3A_603 = %while3A_88 to %while3A_84 step %while3A_91 iter_args(%while3A_604 = %while3A_90) -> (i32)  : i32 {
      %sub3A_605 = arith.constant 1 : i32
      %sub3A_606 = arith.subi %min3A_80, %sub3A_605 : i32
      %sub3A_607 = arith.subi %sub3A_606, %while3A_603 : i32
      %shift_left3A = arith.constant 1 : i32
      %shift_left3A_608 = arith.shli %shift_left3A, %sub3A_607 : i32
      %or3A = arith.ori %while3A_604, %shift_left3A_608 : i32
      %parallel_loop3A_609 = arith.constant 0 : i32
      %parallel_loop3A_610 = arith.constant 1 : i32
      %parallel_loop3A_611 = scf.for %parallel_loop3A_618 = %parallel_loop3A_609 to %select_n3A step %parallel_loop3A_610 iter_args(%parallel_loop3A_619 = %broadcast_in_dim3A_1) -> (vector<16xi32>)  : i32 {
        %parallel_loop3A_620 = arith.constant 16 : i32
        %parallel_loop3A_621 = arith.muli %parallel_loop3A_618, %parallel_loop3A_620 : i32
        %parallel_loop3A_622 = tpu.assume_multiple %parallel_loop3A_621, 8 : i32
        %parallel_loop3A_623 = arith.index_cast %parallel_loop3A_622 : i32 to index
        %parallel_loop3A_624 = tpu.vector_load %arg7[%parallel_loop3A_623] {strides = array<i32>} : memref<4096xi32, #tpu.memory_space<vmem>>, vector<16xi32>,
        %parallel_loop3A_625 = tpu.bitcast %parallel_loop3A_624 : vector<16xi32> -> vector<16xi32>
        %parallel_loop3A_626 = vector.broadcast %or3A : i32 to vector<16xi32>
        %parallel_loop3A_627 = arith.cmpi uge, %parallel_loop3A_625, %parallel_loop3A_626 : vector<16xi32>
        %parallel_loop3A_628 = arith.extui %parallel_loop3A_627 : vector<16xi1> to vector<16xi32>
        %parallel_loop3A_629 = arith.addi %parallel_loop3A_619, %parallel_loop3A_628 : vector<16xi32>
        scf.yield %parallel_loop3A_629 : vector<16xi32>
      } {sc.loop_unroll_factor = 2 : i64, sc.parallel_access}
      %reduce_sum3A_612 = arith.constant true
      %reduce_sum3A_613 = vector.broadcast %reduce_sum3A_612 : i1 to vector<16xi1>
      %reduce_sum3A_614 = tpu.scan <sum>, %parallel_loop3A_611 masked %reduce_sum3A_613 : vector<16xi32>, vector<16xi1> -> vector<16xi32>
      %reduce_sum3A_615 = vector.extract %reduce_sum3A_614[15] : i32 from vector<16xi32>
      %ge3A = arith.constant 64 : i32
      %ge3A_616 = arith.cmpi sge, %reduce_sum3A_615, %ge3A : i32
      %select_n3A_617 = arith.select %ge3A_616, %or3A, %while3A_604 : i32
      scf.yield %select_n3A_617 : i32
    }
    %while3A_93 = arith.constant 0 : i32
    %while3A_94 = arith.subi %select_n3A, %while3A_93 : i32
    %while3A_95 = arith.addi %while3A_93, %while3A_94 : i32
    %while3A_96 = arith.constant 1 : i32
    %while3A_97 = arith.divsi %while3A_94, %while3A_96 : i32
    %while3A_98 = arith.muli %while3A_97, %while3A_96 : i32
    %while3A_99 = arith.addi %while3A_93, %while3A_98 : i32
    %while3A_100 = arith.constant 1 : i32
    %while3A_101:2 = scf.for %while3A_603 = %while3A_93 to %while3A_99 step %while3A_100 iter_args(%while3A_604 = %broadcast_in_dim3A_1, %while3A_605 = %broadcast_in_dim3A_1) -> (vector<16xi32>, vector<16xi32>)  : i32 {
      %mul3A_606 = arith.constant 16 : i32
      %mul3A_607 = arith.muli %while3A_603, %mul3A_606 : i32
      %multiple_of3A = tpu.assume_multiple %mul3A_607, 8 : i32
      %get3A_608 = arith.index_cast %multiple_of3A : i32 to index
      %get3A_609 = tpu.vector_load %arg7[%get3A_608] {strides = array<i32>} : memref<4096xi32, #tpu.memory_space<vmem>>, vector<16xi32>,
      %bitcast_convert_type3A_610 = tpu.bitcast %get3A_609 : vector<16xi32> -> vector<16xi32>
      %ge3A = vector.broadcast %while3A_92 : i32 to vector<16xi32>
      %ge3A_611 = arith.cmpi uge, %bitcast_convert_type3A_610, %ge3A : vector<16xi32>
      %convert_element_type3A_612 = arith.extui %ge3A_611 : vector<16xi1> to vector<16xi32>
      %add3A_613 = arith.addi %while3A_604, %convert_element_type3A_612 : vector<16xi32>
      %gt3A = vector.broadcast %while3A_92 : i32 to vector<16xi32>
      %gt3A_614 = arith.cmpi ugt, %bitcast_convert_type3A_610, %gt3A : vector<16xi32>
      %convert_element_type3A_615 = arith.extui %gt3A_614 : vector<16xi1> to vector<16xi32>
      %add3A_616 = arith.addi %while3A_605, %convert_element_type3A_615 : vector<16xi32>
      scf.yield %add3A_613, %add3A_616 : vector<16xi32>, vector<16xi32>
    }
    %while3A_102 = arith.constant 1 : i32
    %while3A_103:2 = scf.for %while3A_603 = %while3A_99 to %while3A_95 step %while3A_102 iter_args(%while3A_604 = %while3A_101#0, %while3A_605 = %while3A_101#1) -> (vector<16xi32>, vector<16xi32>)  : i32 {
      %mul3A_606 = arith.constant 16 : i32
      %mul3A_607 = arith.muli %while3A_603, %mul3A_606 : i32
      %multiple_of3A = tpu.assume_multiple %mul3A_607, 8 : i32
      %get3A_608 = arith.index_cast %multiple_of3A : i32 to index
      %get3A_609 = tpu.vector_load %arg7[%get3A_608] {strides = array<i32>} : memref<4096xi32, #tpu.memory_space<vmem>>, vector<16xi32>,
      %bitcast_convert_type3A_610 = tpu.bitcast %get3A_609 : vector<16xi32> -> vector<16xi32>
      %ge3A = vector.broadcast %while3A_92 : i32 to vector<16xi32>
      %ge3A_611 = arith.cmpi uge, %bitcast_convert_type3A_610, %ge3A : vector<16xi32>
      %convert_element_type3A_612 = arith.extui %ge3A_611 : vector<16xi1> to vector<16xi32>
      %add3A_613 = arith.addi %while3A_604, %convert_element_type3A_612 : vector<16xi32>
      %gt3A = vector.broadcast %while3A_92 : i32 to vector<16xi32>
      %gt3A_614 = arith.cmpi ugt, %bitcast_convert_type3A_610, %gt3A : vector<16xi32>
      %convert_element_type3A_615 = arith.extui %gt3A_614 : vector<16xi1> to vector<16xi32>
      %add3A_616 = arith.addi %while3A_605, %convert_element_type3A_615 : vector<16xi32>
      scf.yield %add3A_613, %add3A_616 : vector<16xi32>, vector<16xi32>
    }
    %reduce_sum3A = arith.constant true
    %reduce_sum3A_104 = vector.broadcast %reduce_sum3A : i1 to vector<16xi1>
    %reduce_sum3A_105 = tpu.scan <sum>, %while3A_103#0 masked %reduce_sum3A_104 : vector<16xi32>, vector<16xi1> -> vector<16xi32>
    %reduce_sum3A_106 = vector.extract %reduce_sum3A_105[15] : i32 from vector<16xi32>
    %reduce_sum3A_107 = arith.constant true
    %reduce_sum3A_108 = vector.broadcast %reduce_sum3A_107 : i1 to vector<16xi1>
    %reduce_sum3A_109 = tpu.scan <sum>, %while3A_103#1 masked %reduce_sum3A_108 : vector<16xi32>, vector<16xi1> -> vector<16xi32>
    %reduce_sum3A_110 = vector.extract %reduce_sum3A_109[15] : i32 from vector<16xi32>
    %sub3A_111 = arith.constant 64 : i32
    %sub3A_112 = arith.subi %sub3A_111, %reduce_sum3A_110 : i32
    %eq3A = arith.constant 64 : i32
    %eq3A_113 = arith.cmpi eq, %reduce_sum3A_106, %eq3A : i32
    %convert_element_type3A_114 = arith.extui %eq3A_113 : i1 to i32
    %cond3A = arith.constant 0 : i32
    %cond3A_115 = arith.constant 0 : i32
    %cond3A_116 = arith.cmpi ne, %convert_element_type3A_114, %cond3A_115 : i32
    %cond3A_117 = scf.if %cond3A_116 -> (i32) {
      %cond3A_603 = arith.constant 32767 : i32
      scf.yield %cond3A_603 : i32
    } else {
      %scan3A = arith.constant 0 : i32
      %scan3A_603 = arith.constant 0 : i32
      %scan3A_604 = arith.constant 15 : i32
      %scan3A_605 = arith.addi %scan3A_603, %scan3A_604 : i32
      %scan3A_606 = arith.constant 1 : i32
      %scan3A_607 = scf.for %scan3A_609 = %scan3A_603 to %scan3A_605 step %scan3A_606 iter_args(%scan3A_610 = %scan3A) -> (i32)  : i32 {
        %sub3A_611 = arith.constant 14 : i32
        %sub3A_612 = arith.subi %sub3A_611, %scan3A_609 : i32
        %shift_left3A = arith.constant 1 : i32
        %shift_left3A_613 = arith.shli %shift_left3A, %sub3A_612 : i32
        %or3A = arith.ori %scan3A_610, %shift_left3A_613 : i32
        %while3A_614 = arith.constant 0 : i32
        %while3A_615 = arith.subi %select_n3A, %while3A_614 : i32
        %while3A_616 = arith.addi %while3A_614, %while3A_615 : i32
        %while3A_617 = arith.constant 1 : i32
        %while3A_618 = arith.divsi %while3A_615, %while3A_617 : i32
        %while3A_619 = arith.muli %while3A_618, %while3A_617 : i32
        %while3A_620 = arith.addi %while3A_614, %while3A_619 : i32
        %while3A_621 = arith.constant 1 : i32
        %while3A_622 = scf.for %while3A_631 = %while3A_614 to %while3A_620 step %while3A_621 iter_args(%while3A_632 = %broadcast_in_dim3A_1) -> (vector<16xi32>)  : i32 {
          %mul3A_633 = arith.constant 16 : i32
          %mul3A_634 = arith.muli %while3A_631, %mul3A_633 : i32
          %multiple_of3A = tpu.assume_multiple %mul3A_634, 8 : i32
          %get3A_635 = arith.index_cast %multiple_of3A : i32 to index
          %get3A_636 = tpu.vector_load %arg7[%get3A_635] {strides = array<i32>} : memref<4096xi32, #tpu.memory_space<vmem>>, vector<16xi32>,
          %bitcast_convert_type3A_637 = tpu.bitcast %get3A_636 : vector<16xi32> -> vector<16xi32>
          %get3A_638 = arith.index_cast %multiple_of3A : i32 to index
          %get3A_639 = tpu.vector_load %arg8[%get3A_638] {strides = array<i32>} : memref<4096xi32, #tpu.memory_space<vmem>>, vector<16xi32>,
          %eq3A_640 = vector.broadcast %while3A_92 : i32 to vector<16xi32>
          %eq3A_641 = arith.cmpi eq, %bitcast_convert_type3A_637, %eq3A_640 : vector<16xi32>
          %lt3A_642 = vector.broadcast %or3A : i32 to vector<16xi32>
          %lt3A_643 = arith.cmpi slt, %get3A_639, %lt3A_642 : vector<16xi32>
          %and3A_644 = arith.andi %eq3A_641, %lt3A_643 : vector<16xi1>
          %convert_element_type3A_645 = arith.extui %and3A_644 : vector<16xi1> to vector<16xi32>
          %add3A_646 = arith.addi %while3A_632, %convert_element_type3A_645 : vector<16xi32>
          scf.yield %add3A_646 : vector<16xi32>
        }
        %while3A_623 = arith.constant 1 : i32
        %while3A_624 = scf.for %while3A_631 = %while3A_620 to %while3A_616 step %while3A_623 iter_args(%while3A_632 = %while3A_622) -> (vector<16xi32>)  : i32 {
          %mul3A_633 = arith.constant 16 : i32
          %mul3A_634 = arith.muli %while3A_631, %mul3A_633 : i32
          %multiple_of3A = tpu.assume_multiple %mul3A_634, 8 : i32
          %get3A_635 = arith.index_cast %multiple_of3A : i32 to index
          %get3A_636 = tpu.vector_load %arg7[%get3A_635] {strides = array<i32>} : memref<4096xi32, #tpu.memory_space<vmem>>, vector<16xi32>,
          %bitcast_convert_type3A_637 = tpu.bitcast %get3A_636 : vector<16xi32> -> vector<16xi32>
          %get3A_638 = arith.index_cast %multiple_of3A : i32 to index
          %get3A_639 = tpu.vector_load %arg8[%get3A_638] {strides = array<i32>} : memref<4096xi32, #tpu.memory_space<vmem>>, vector<16xi32>,
          %eq3A_640 = vector.broadcast %while3A_92 : i32 to vector<16xi32>
          %eq3A_641 = arith.cmpi eq, %bitcast_convert_type3A_637, %eq3A_640 : vector<16xi32>
          %lt3A_642 = vector.broadcast %or3A : i32 to vector<16xi32>
          %lt3A_643 = arith.cmpi slt, %get3A_639, %lt3A_642 : vector<16xi32>
          %and3A_644 = arith.andi %eq3A_641, %lt3A_643 : vector<16xi1>
          %convert_element_type3A_645 = arith.extui %and3A_644 : vector<16xi1> to vector<16xi32>
          %add3A_646 = arith.addi %while3A_632, %convert_element_type3A_645 : vector<16xi32>
          scf.yield %add3A_646 : vector<16xi32>
        }
        %reduce_sum3A_625 = arith.constant true
        %reduce_sum3A_626 = vector.broadcast %reduce_sum3A_625 : i1 to vector<16xi1>
        %reduce_sum3A_627 = tpu.scan <sum>, %while3A_624 masked %reduce_sum3A_626 : vector<16xi32>, vector<16xi1> -> vector<16xi32>
        %reduce_sum3A_628 = vector.extract %reduce_sum3A_627[15] : i32 from vector<16xi32>
        %lt3A_629 = arith.cmpi slt, %reduce_sum3A_628, %sub3A_112 : i32
        %select_n3A_630 = arith.select %lt3A_629, %or3A, %scan3A_610 : i32
        scf.yield %select_n3A_630 : i32
      }
      %scan3A_608 = arith.constant 15 : i32
      scf.yield %scan3A_607 : i32
    }
    %parallel_loop3A_118 = arith.constant 0 : i32
    %parallel_loop3A_119 = arith.constant 1 : i32
    %parallel_loop3A_120 = scf.for %parallel_loop3A_603 = %parallel_loop3A_118 to %select_n3A step %parallel_loop3A_119 iter_args(%parallel_loop3A_604 = %broadcast_in_dim3A_5) -> (vector<16xi32>)  : i32 {
      %parallel_loop3A_605 = arith.constant 16 : i32
      %parallel_loop3A_606 = arith.muli %parallel_loop3A_603, %parallel_loop3A_605 : i32
      %parallel_loop3A_607 = tpu.assume_multiple %parallel_loop3A_606, 8 : i32
      %parallel_loop3A_608 = arith.index_cast %parallel_loop3A_607 : i32 to index
      %parallel_loop3A_609 = tpu.vector_load %arg7[%parallel_loop3A_608] {strides = array<i32>} : memref<4096xi32, #tpu.memory_space<vmem>>, vector<16xi32>,
      %parallel_loop3A_610 = tpu.bitcast %parallel_loop3A_609 : vector<16xi32> -> vector<16xi32>
      %parallel_loop3A_611 = arith.index_cast %parallel_loop3A_607 : i32 to index
      %parallel_loop3A_612 = tpu.vector_load %arg8[%parallel_loop3A_611] {strides = array<i32>} : memref<4096xi32, #tpu.memory_space<vmem>>, vector<16xi32>,
      %parallel_loop3A_613 = vector.broadcast %while3A_92 : i32 to vector<16xi32>
      %parallel_loop3A_614 = arith.cmpi ugt, %parallel_loop3A_610, %parallel_loop3A_613 : vector<16xi32>
      %parallel_loop3A_615 = vector.broadcast %while3A_92 : i32 to vector<16xi32>
      %parallel_loop3A_616 = arith.cmpi eq, %parallel_loop3A_610, %parallel_loop3A_615 : vector<16xi32>
      %parallel_loop3A_617 = vector.broadcast %cond3A_117 : i32 to vector<16xi32>
      %parallel_loop3A_618 = arith.cmpi sle, %parallel_loop3A_612, %parallel_loop3A_617 : vector<16xi32>
      %parallel_loop3A_619 = arith.andi %parallel_loop3A_616, %parallel_loop3A_618 : vector<16xi1>
      %parallel_loop3A_620 = arith.ori %parallel_loop3A_614, %parallel_loop3A_619 : vector<16xi1>
      %parallel_loop3A_621 = arith.extui %parallel_loop3A_620 : vector<16xi1> to vector<16xi32>
      %parallel_loop3A_622 = arith.constant true
      %parallel_loop3A_623 = vector.broadcast %parallel_loop3A_622 : i1 to vector<16xi1>
      %parallel_loop3A_624 = tpu.scan <sum>, %parallel_loop3A_621 masked %parallel_loop3A_623 : vector<16xi32>, vector<16xi1> -> vector<16xi32>
      %parallel_loop3A_625 = arith.addi %parallel_loop3A_604, %parallel_loop3A_624 : vector<16xi32>
      %parallel_loop3A_626 = arith.constant 64 : i32
      %parallel_loop3A_627 = vector.broadcast %parallel_loop3A_626 : i32 to vector<16xi32>
      %parallel_loop3A_628 = arith.cmpi slt, %parallel_loop3A_625, %parallel_loop3A_627 : vector<16xi32>
      %parallel_loop3A_629 = arith.andi %parallel_loop3A_620, %parallel_loop3A_628 : vector<16xi1>
      %parallel_loop3A_630 = arith.constant 0 : i32
      %parallel_loop3A_631 = vector.broadcast %parallel_loop3A_630 : i32 to vector<16xi32>
      %parallel_loop3A_632 = arith.select %parallel_loop3A_629, %parallel_loop3A_612, %parallel_loop3A_631 : vector<16xi1>, vector<16xi32>
      %parallel_loop3A_633 = tpu.vector_load_idx %arg4[%parallel_loop3A_632] : memref<32768xf32, #tpu.memory_space<vmem>>[vector<16xi32>], vector<16xf32>,
      tpu.vector_store_idx %arg6[%parallel_loop3A_612], %parallel_loop3A_633 masked %parallel_loop3A_629 : memref<32768xf32, #tpu.memory_space<vmem>>[vector<16xi32>], vector<16xf32>, vector<16xi1>
      tpu.vector_store_idx %arg9[%parallel_loop3A_625], %parallel_loop3A_612 masked %parallel_loop3A_629 : memref<64xi32, #tpu.memory_space<vmem>>[vector<16xi32>], vector<16xi32>, vector<16xi1>
      %parallel_loop3A_634 = tpu.all_reduce %parallel_loop3A_620 {dim = 0 : i64, kind = #tpu.reduction_kind<sum>} : vector<16xi1> -> vector<16xi32>
      %parallel_loop3A_635 = arith.addi %parallel_loop3A_604, %parallel_loop3A_634 : vector<16xi32>
      scf.yield %parallel_loop3A_635 : vector<16xi32>
    } {sc.loop_unroll_factor = 2 : i64, sc.parallel_access}
    %mul3A_121 = arith.constant 4 : i32
    %mul3A_122 = arith.muli %add3A, %mul3A_121 : i32
    %add3A_123 = arith.constant 0 : i32
    %add3A_124 = arith.addi %mul3A_122, %add3A_123 : i32
    %dma_start3A_125 = arith.constant 0 : i32
    %dma_start3A_126 = tpu.memref_slice %arg3[%add3A_124, %dma_start3A_125] : memref<128x32768xf32, #tpu.memory_space<hbm>> -> memref<1x32768xf32, #tpu.memory_space<hbm>>
    %dma_start3A_127 = tpu.memref_squeeze %dma_start3A_126 : memref<1x32768xf32, #tpu.memory_space<hbm>> -> memref<32768xf32, #tpu.memory_space<hbm>>
    %dma_start3A_128 = arith.constant 0 : i32
    %dma_start3A_129 = tpu.memref_slice %arg3[%add3A_124, %dma_start3A_128] : memref<128x32768xf32, #tpu.memory_space<hbm>> -> memref<1x32768xf32, #tpu.memory_space<hbm>>
    %dma_start3A_130 = tpu.memref_squeeze %dma_start3A_129 : memref<1x32768xf32, #tpu.memory_space<hbm>> -> memref<32768xf32, #tpu.memory_space<hbm>>
    tpu.enqueue_dma source(%arg6 : memref<32768xf32, #tpu.memory_space<vmem>>) target(%dma_start3A_130 : memref<32768xf32, #tpu.memory_space<hbm>>) target_semaphore(%arg13 : memref<!tpu.dma_semaphore, #tpu.memory_space<semaphore_mem>>)
    %bitcast_convert_type3A_131 = arith.bitcast %while3A_36#0 : i32 to i32
    %add3A_132 = arith.addi %bitcast_convert_type3A_131, %while3A_92 : i32
    %bitcast_convert_type3A_133 = arith.bitcast %add3A_132 : i32 to i32
    %lt3A_134 = arith.constant -2145386496 : i32
    %lt3A_135 = arith.cmpi slt, %bitcast_convert_type3A_133, %lt3A_134 : i32
    %sub3A_136 = arith.constant 2097152 : i32
    %sub3A_137 = arith.subi %bitcast_convert_type3A_133, %sub3A_136 : i32
    %jit3A_138 = arith.constant -2147483648 : i32
    %select_n3A_139 = arith.select %lt3A_135, %jit3A_138, %sub3A_137 : i32
    %mul3A_140 = arith.constant 4 : i32
    %mul3A_141 = arith.muli %add3A, %mul3A_140 : i32
    %add3A_142 = arith.constant 2 : i32
    %add3A_143 = arith.addi %mul3A_141, %add3A_142 : i32
    %dma_start3A_144 = arith.constant 0 : i32
    %dma_start3A_145 = tpu.memref_slice %arg2[%add3A_143, %dma_start3A_144] : memref<128x32768xf32, #tpu.memory_space<hbm>> -> memref<1x32768xf32, #tpu.memory_space<hbm>>
    %dma_start3A_146 = tpu.memref_squeeze %dma_start3A_145 : memref<1x32768xf32, #tpu.memory_space<hbm>> -> memref<32768xf32, #tpu.memory_space<hbm>>
    %dma_start3A_147 = arith.constant 0 : i32
    %dma_start3A_148 = tpu.memref_slice %arg2[%add3A_143, %dma_start3A_147] : memref<128x32768xf32, #tpu.memory_space<hbm>> -> memref<1x32768xf32, #tpu.memory_space<hbm>>
    %dma_start3A_149 = tpu.memref_squeeze %dma_start3A_148 : memref<1x32768xf32, #tpu.memory_space<hbm>> -> memref<32768xf32, #tpu.memory_space<hbm>>
    tpu.enqueue_dma source(%dma_start3A_149 : memref<32768xf32, #tpu.memory_space<hbm>>) target(%arg4 : memref<32768xf32, #tpu.memory_space<vmem>>) target_semaphore(%arg11 : memref<!tpu.dma_semaphore, #tpu.memory_space<semaphore_mem>>)
    %dma_wait3A_150 = arith.constant 0 : i32
    %dma_wait3A_151 = tpu.memref_slice %arg2[%add3A_20, %dma_wait3A_150] : memref<128x32768xf32, #tpu.memory_space<hbm>> -> memref<1x32768xf32, #tpu.memory_space<hbm>>
    %dma_wait3A_152 = tpu.memref_squeeze %dma_wait3A_151 : memref<1x32768xf32, #tpu.memory_space<hbm>> -> memref<32768xf32, #tpu.memory_space<hbm>>
    %dma_wait3A_153 = arith.constant 0 : i32
    %dma_wait3A_154 = tpu.memref_slice %arg2[%add3A_20, %dma_wait3A_153] : memref<128x32768xf32, #tpu.memory_space<hbm>> -> memref<1x32768xf32, #tpu.memory_space<hbm>>
    %dma_wait3A_155 = tpu.memref_squeeze %dma_wait3A_154 : memref<1x32768xf32, #tpu.memory_space<hbm>> -> memref<32768xf32, #tpu.memory_space<hbm>>
    tpu.wait_dma2 semaphore(%arg12 : memref<!tpu.dma_semaphore, #tpu.memory_space<semaphore_mem>>) src(%dma_wait3A_155 : memref<32768xf32, #tpu.memory_space<hbm>>) dst(%arg5 : memref<32768xf32, #tpu.memory_space<vmem>>)
    %while3A_156 = arith.constant -2147483648 : i32
    %while3A_157 = arith.constant 2147483647 : i32
    %while3A_158 = arith.constant -1 : i32
    %while3A_159 = arith.constant false
    %while3A_160:5 = scf.while (%while3A_603 = %select_n3A_139, %while3A_604 = %while3A_156, %while3A_605 = %while3A_157, %while3A_606 = %while3A_158, %while3A_607 = %while3A_159) : (i32, i32, i32, i32, i1) -> (i32, i32, i32, i32, i1) {
      %lt3A_608 = arith.constant 64 : i32
      %lt3A_609 = arith.cmpi slt, %while3A_606, %lt3A_608 : i32
      %gt3A = arith.constant 4096 : i32
      %gt3A_610 = arith.cmpi sgt, %while3A_606, %gt3A : i32
      %or3A = arith.ori %lt3A_609, %gt3A_610 : i1
      %not3A = arith.constant true
      %not3A_611 = arith.xori %while3A_607, %not3A : i1
      %and3A_612 = arith.andi %or3A, %not3A_611 : i1
      scf.condition(%and3A_612) %while3A_603, %while3A_604, %while3A_605, %while3A_606, %while3A_607 : i32, i32, i32, i32, i1
    } do {
    ^bb0(%while3A_603: i32, %while3A_604: i32, %while3A_605: i32, %while3A_606: i32, %while3A_607: i1):
      %ge3A = arith.constant 0 : i32
      %ge3A_608 = arith.cmpi sge, %while3A_606, %ge3A : i32
      %gt3A = arith.constant 4096 : i32
      %gt3A_609 = arith.cmpi sgt, %while3A_606, %gt3A : i32
      %and3A_610 = arith.andi %ge3A_608, %gt3A_609 : i1
      %select_n3A_611 = arith.select %and3A_610, %while3A_603, %while3A_604 : i32
      %lt3A_612 = arith.constant 64 : i32
      %lt3A_613 = arith.cmpi slt, %while3A_606, %lt3A_612 : i32
      %and3A_614 = arith.andi %ge3A_608, %lt3A_613 : i1
      %select_n3A_615 = arith.select %and3A_614, %while3A_603, %while3A_605 : i32
      %bitcast_convert_type3A_616 = arith.bitcast %select_n3A_611 : i32 to i32
      %xor3A = arith.constant -2147483648 : i32
      %xor3A_617 = arith.xori %bitcast_convert_type3A_616, %xor3A : i32
      %bitcast_convert_type3A_618 = arith.bitcast %select_n3A_615 : i32 to i32
      %xor3A_619 = arith.constant -2147483648 : i32
      %xor3A_620 = arith.xori %bitcast_convert_type3A_618, %xor3A_619 : i32
      %sub3A_621 = arith.subi %xor3A_620, %xor3A_617 : i32
      %shift_right_logical3A_622 = arith.constant 1 : i32
      %shift_right_logical3A_623 = arith.shrui %sub3A_621, %shift_right_logical3A_622 : i32
      %add3A_624 = arith.addi %xor3A_617, %shift_right_logical3A_623 : i32
      %xor3A_625 = arith.constant -2147483648 : i32
      %xor3A_626 = arith.xori %add3A_624, %xor3A_625 : i32
      %bitcast_convert_type3A_627 = arith.bitcast %xor3A_626 : i32 to i32
      %sub3A_628 = arith.subi %xor3A_620, %xor3A_617 : i32
      %le3A = arith.constant 1 : i32
      %le3A_629 = arith.cmpi ule, %sub3A_628, %le3A : i32
      %and3A_630 = arith.andi %ge3A_608, %le3A_629 : i1
      %select_n3A_631 = arith.select %le3A_629, %select_n3A_611, %bitcast_convert_type3A_627 : i32
      %select_n3A_632 = arith.select %ge3A_608, %select_n3A_631, %while3A_603 : i32
      %bitcast_convert_type3A_633 = arith.bitcast %select_n3A_632 : i32 to i32
      %parallel_loop3A_634 = arith.constant 0 : i32
      %parallel_loop3A_635 = arith.constant 2048 : i32
      %parallel_loop3A_636 = arith.constant 1 : i32
      %parallel_loop3A_637:2 = scf.for %parallel_loop3A_648 = %parallel_loop3A_634 to %parallel_loop3A_635 step %parallel_loop3A_636 iter_args(%parallel_loop3A_649 = %broadcast_in_dim3A_5, %parallel_loop3A_650 = %iota3A) -> (vector<16xi32>, vector<16xi32>)  : i32 {
        %parallel_loop3A_651 = arith.constant 16 : i32
        %parallel_loop3A_652 = arith.muli %parallel_loop3A_648, %parallel_loop3A_651 : i32
        %parallel_loop3A_653 = tpu.assume_multiple %parallel_loop3A_652, 8 : i32
        %parallel_loop3A_654 = arith.index_cast %parallel_loop3A_653 : i32 to index
        %parallel_loop3A_655 = tpu.vector_load %arg5[%parallel_loop3A_654] {strides = array<i32>} : memref<32768xf32, #tpu.memory_space<vmem>>, vector<16xf32>,
        %parallel_loop3A_656 = tpu.bitcast %parallel_loop3A_655 : vector<16xf32> -> vector<16xi32>
        %parallel_loop3A_657 = arith.constant 31 : i32
        %parallel_loop3A_658 = vector.broadcast %parallel_loop3A_657 : i32 to vector<16xi32>
        %parallel_loop3A_659 = arith.shrsi %parallel_loop3A_656, %parallel_loop3A_658 : vector<16xi32>
        %parallel_loop3A_660 = arith.constant 2147483647 : i32
        %parallel_loop3A_661 = vector.broadcast %parallel_loop3A_660 : i32 to vector<16xi32>
        %parallel_loop3A_662 = arith.andi %parallel_loop3A_659, %parallel_loop3A_661 : vector<16xi32>
        %parallel_loop3A_663 = arith.xori %parallel_loop3A_656, %parallel_loop3A_662 : vector<16xi32>
        %parallel_loop3A_664 = vector.broadcast %select_n3A_632 : i32 to vector<16xi32>
        %parallel_loop3A_665 = arith.cmpi sge, %parallel_loop3A_663, %parallel_loop3A_664 : vector<16xi32>
        %parallel_loop3A_666 = tpu.bitcast %parallel_loop3A_663 : vector<16xi32> -> vector<16xi32>
        %parallel_loop3A_667 = vector.broadcast %bitcast_convert_type3A_633 : i32 to vector<16xi32>
        %parallel_loop3A_668 = arith.subi %parallel_loop3A_666, %parallel_loop3A_667 : vector<16xi32>
        %parallel_loop3A_669 = arith.extui %parallel_loop3A_665 : vector<16xi1> to vector<16xi32>
        %parallel_loop3A_670 = arith.constant true
        %parallel_loop3A_671 = vector.broadcast %parallel_loop3A_670 : i1 to vector<16xi1>
        %parallel_loop3A_672 = tpu.scan <sum>, %parallel_loop3A_669 masked %parallel_loop3A_671 : vector<16xi32>, vector<16xi1> -> vector<16xi32>
        %parallel_loop3A_673 = arith.addi %parallel_loop3A_649, %parallel_loop3A_672 : vector<16xi32>
        %parallel_loop3A_674 = arith.constant 4096 : i32
        %parallel_loop3A_675 = vector.broadcast %parallel_loop3A_674 : i32 to vector<16xi32>
        %parallel_loop3A_676 = arith.cmpi slt, %parallel_loop3A_673, %parallel_loop3A_675 : vector<16xi32>
        %parallel_loop3A_677 = arith.andi %parallel_loop3A_665, %parallel_loop3A_676 : vector<16xi1>
        %parallel_loop3A_678 = tpu.bitcast %parallel_loop3A_668 : vector<16xi32> -> vector<16xi32>
        tpu.vector_store_idx %arg7[%parallel_loop3A_673], %parallel_loop3A_678 masked %parallel_loop3A_677 : memref<4096xi32, #tpu.memory_space<vmem>>[vector<16xi32>], vector<16xi32>, vector<16xi1>
        tpu.vector_store_idx %arg8[%parallel_loop3A_673], %parallel_loop3A_650 masked %parallel_loop3A_677 : memref<4096xi32, #tpu.memory_space<vmem>>[vector<16xi32>], vector<16xi32>, vector<16xi1>
        %parallel_loop3A_679 = tpu.all_reduce %parallel_loop3A_665 {dim = 0 : i64, kind = #tpu.reduction_kind<sum>} : vector<16xi1> -> vector<16xi32>
        %parallel_loop3A_680 = arith.addi %parallel_loop3A_649, %parallel_loop3A_679 : vector<16xi32>
        %parallel_loop3A_681 = arith.constant 16 : i32
        %parallel_loop3A_682 = vector.broadcast %parallel_loop3A_681 : i32 to vector<16xi32>
        %parallel_loop3A_683 = arith.addi %parallel_loop3A_650, %parallel_loop3A_682 : vector<16xi32>
        scf.yield %parallel_loop3A_680, %parallel_loop3A_683 : vector<16xi32>, vector<16xi32>
      } {sc.loop_unroll_factor = 8 : i64, sc.parallel_access}
      %reduce_max3A_638 = arith.constant true
      %reduce_max3A_639 = vector.broadcast %reduce_max3A_638 : i1 to vector<16xi1>
      %reduce_max3A_640 = arith.constant -2147483648 : i32
      %reduce_max3A_641 = vector.broadcast %reduce_max3A_640 : i32 to vector<16xi32>
      %reduce_max3A_642 = arith.xori %parallel_loop3A_637#0, %reduce_max3A_641 : vector<16xi32>
      %reduce_max3A_643 = tpu.scan <max>, %reduce_max3A_642 masked %reduce_max3A_639 : vector<16xi32>, vector<16xi1> -> vector<16xi32>
      %reduce_max3A_644 = arith.xori %reduce_max3A_643, %reduce_max3A_641 : vector<16xi32>
      %reduce_max3A_645 = vector.extract %reduce_max3A_644[15] : i32 from vector<16xi32>
      %add3A_646 = arith.constant 1 : i32
      %add3A_647 = arith.addi %reduce_max3A_645, %add3A_646 : i32
      scf.yield %select_n3A_632, %select_n3A_611, %select_n3A_615, %add3A_647, %and3A_630 : i32, i32, i32, i32, i1
    }
    %min3A_161 = arith.constant 4096 : i32
    %min3A_162 = arith.minsi %while3A_160#3, %min3A_161 : i32
    %add3A_163 = vector.broadcast %min3A_162 : i32 to vector<16xi32>
    %add3A_164 = arith.addi %add3A_163, %iota3A : vector<16xi32>
    %lt3A_165 = arith.constant 4096 : i32
    %lt3A_166 = vector.broadcast %lt3A_165 : i32 to vector<16xi32>
    %lt3A_167 = arith.cmpi slt, %add3A_164, %lt3A_166 : vector<16xi32>
    %min3A_168 = arith.constant 4095 : i32
    %min3A_169 = vector.broadcast %min3A_168 : i32 to vector<16xi32>
    %min3A_170 = arith.minsi %add3A_164, %min3A_169 : vector<16xi32>
    tpu.vector_store_idx %arg7[%min3A_170], %broadcast_in_dim3A_1 masked %lt3A_167 : memref<4096xi32, #tpu.memory_space<vmem>>[vector<16xi32>], vector<16xi32>, vector<16xi1>
    %broadcast_in_dim3A_171 = arith.constant 32768 : i32
    %broadcast_in_dim3A_172 = vector.broadcast %broadcast_in_dim3A_171 : i32 to vector<16xi32>
    tpu.vector_store_idx %arg8[%min3A_170], %broadcast_in_dim3A_172 masked %lt3A_167 : memref<4096xi32, #tpu.memory_space<vmem>>[vector<16xi32>], vector<16xi32>, vector<16xi1>
    %add3A_173 = arith.constant 15 : i32
    %add3A_174 = arith.addi %min3A_162, %add3A_173 : i32
    %jit3A_175 = arith.constant 16 : i32
    %div3A_176 = arith.divsi %add3A_174, %jit3A_175 : i32
    %sign3A_177 = arith.constant 0 : i32
    %sign3A_178 = arith.cmpi sgt, %add3A_174, %sign3A_177 : i32
    %sign3A_179 = arith.extui %sign3A_178 : i1 to i32
    %sign3A_180 = arith.constant 0 : i32
    %sign3A_181 = arith.cmpi slt, %add3A_174, %sign3A_180 : i32
    %sign3A_182 = arith.extui %sign3A_181 : i1 to i32
    %sign3A_183 = arith.subi %sign3A_179, %sign3A_182 : i32
    %sign3A_184 = arith.constant 0 : i32
    %sign3A_185 = arith.cmpi sgt, %jit3A_175, %sign3A_184 : i32
    %sign3A_186 = arith.extui %sign3A_185 : i1 to i32
    %sign3A_187 = arith.constant 0 : i32
    %sign3A_188 = arith.cmpi slt, %jit3A_175, %sign3A_187 : i32
    %sign3A_189 = arith.extui %sign3A_188 : i1 to i32
    %sign3A_190 = arith.subi %sign3A_186, %sign3A_189 : i32
    %ne3A_191 = arith.cmpi ne, %sign3A_183, %sign3A_190 : i32
    %rem3A_192 = arith.remsi %add3A_174, %jit3A_175 : i32
    %ne3A_193 = arith.constant 0 : i32
    %ne3A_194 = arith.cmpi ne, %rem3A_192, %ne3A_193 : i32
    %and3A_195 = arith.andi %ne3A_191, %ne3A_194 : i1
    %sub3A_196 = arith.constant 1 : i32
    %sub3A_197 = arith.subi %div3A_176, %sub3A_196 : i32
    %select_n3A_198 = arith.select %and3A_195, %sub3A_197, %div3A_176 : i32
    %parallel_loop3A_199 = arith.constant 0 : i32
    %parallel_loop3A_200 = arith.constant 1 : i32
    %parallel_loop3A_201 = scf.for %parallel_loop3A_603 = %parallel_loop3A_199 to %select_n3A_198 step %parallel_loop3A_200 iter_args(%parallel_loop3A_604 = %broadcast_in_dim3A_1) -> (vector<16xi32>)  : i32 {
      %parallel_loop3A_605 = arith.constant 16 : i32
      %parallel_loop3A_606 = arith.muli %parallel_loop3A_603, %parallel_loop3A_605 : i32
      %parallel_loop3A_607 = tpu.assume_multiple %parallel_loop3A_606, 8 : i32
      %parallel_loop3A_608 = arith.index_cast %parallel_loop3A_607 : i32 to index
      %parallel_loop3A_609 = tpu.vector_load %arg7[%parallel_loop3A_608] {strides = array<i32>} : memref<4096xi32, #tpu.memory_space<vmem>>, vector<16xi32>,
      %parallel_loop3A_610 = tpu.bitcast %parallel_loop3A_609 : vector<16xi32> -> vector<16xi32>
      %parallel_loop3A_611 = arith.constant 1 : i32
      %parallel_loop3A_612 = vector.broadcast %parallel_loop3A_611 : i32 to vector<16xi32>
      %parallel_loop3A_613 = arith.shrui %parallel_loop3A_610, %parallel_loop3A_612 : vector<16xi32>
      %parallel_loop3A_614 = tpu.bitcast %parallel_loop3A_613 : vector<16xi32> -> vector<16xi32>
      %parallel_loop3A_615 = arith.maxsi %parallel_loop3A_604, %parallel_loop3A_614 : vector<16xi32>
      scf.yield %parallel_loop3A_615 : vector<16xi32>
    } {sc.loop_unroll_factor = 2 : i64, sc.parallel_access}
    %reduce_max3A_202 = arith.constant true
    %reduce_max3A_203 = vector.broadcast %reduce_max3A_202 : i1 to vector<16xi1>
    %reduce_max3A_204 = arith.constant -2147483648 : i32
    %reduce_max3A_205 = vector.broadcast %reduce_max3A_204 : i32 to vector<16xi32>
    %reduce_max3A_206 = arith.xori %parallel_loop3A_201, %reduce_max3A_205 : vector<16xi32>
    %reduce_max3A_207 = tpu.scan <max>, %reduce_max3A_206 masked %reduce_max3A_203 : vector<16xi32>, vector<16xi1> -> vector<16xi32>
    %reduce_max3A_208 = arith.xori %reduce_max3A_207, %reduce_max3A_205 : vector<16xi32>
    %reduce_max3A_209 = vector.extract %reduce_max3A_208[15] : i32 from vector<16xi32>
    %convert_element_type3A_210 = arith.sitofp %reduce_max3A_209 : i32 to f32
    %bitcast_convert_type3A_211 = arith.bitcast %convert_element_type3A_210 : f32 to i32
    %shift_right_logical3A_212 = arith.constant 23 : i32
    %shift_right_logical3A_213 = arith.shrui %bitcast_convert_type3A_211, %shift_right_logical3A_212 : i32
    %sub3A_214 = arith.constant 125 : i32
    %sub3A_215 = arith.subi %shift_right_logical3A_213, %sub3A_214 : i32
    %jit3A_216 = arith.constant 1 : i32
    %jit3A_217 = arith.constant 32 : i32
    %max3A_218 = arith.maxsi %jit3A_216, %sub3A_215 : i32
    %min3A_219 = arith.minsi %jit3A_217, %max3A_218 : i32
    %while3A_220 = arith.constant 0 : i32
    %while3A_221 = arith.constant 0 : i32
    %while3A_222 = arith.subi %min3A_219, %while3A_220 : i32
    %while3A_223 = arith.addi %while3A_220, %while3A_222 : i32
    %while3A_224 = arith.constant 1 : i32
    %while3A_225 = arith.divsi %while3A_222, %while3A_224 : i32
    %while3A_226 = arith.muli %while3A_225, %while3A_224 : i32
    %while3A_227 = arith.addi %while3A_220, %while3A_226 : i32
    %while3A_228 = arith.constant 1 : i32
    %while3A_229 = scf.for %while3A_603 = %while3A_220 to %while3A_227 step %while3A_228 iter_args(%while3A_604 = %while3A_221) -> (i32)  : i32 {
      %sub3A_605 = arith.constant 1 : i32
      %sub3A_606 = arith.subi %min3A_219, %sub3A_605 : i32
      %sub3A_607 = arith.subi %sub3A_606, %while3A_603 : i32
      %shift_left3A = arith.constant 1 : i32
      %shift_left3A_608 = arith.shli %shift_left3A, %sub3A_607 : i32
      %or3A = arith.ori %while3A_604, %shift_left3A_608 : i32
      %parallel_loop3A_609 = arith.constant 0 : i32
      %parallel_loop3A_610 = arith.constant 1 : i32
      %parallel_loop3A_611 = scf.for %parallel_loop3A_618 = %parallel_loop3A_609 to %select_n3A_198 step %parallel_loop3A_610 iter_args(%parallel_loop3A_619 = %broadcast_in_dim3A_1) -> (vector<16xi32>)  : i32 {
        %parallel_loop3A_620 = arith.constant 16 : i32
        %parallel_loop3A_621 = arith.muli %parallel_loop3A_618, %parallel_loop3A_620 : i32
        %parallel_loop3A_622 = tpu.assume_multiple %parallel_loop3A_621, 8 : i32
        %parallel_loop3A_623 = arith.index_cast %parallel_loop3A_622 : i32 to index
        %parallel_loop3A_624 = tpu.vector_load %arg7[%parallel_loop3A_623] {strides = array<i32>} : memref<4096xi32, #tpu.memory_space<vmem>>, vector<16xi32>,
        %parallel_loop3A_625 = tpu.bitcast %parallel_loop3A_624 : vector<16xi32> -> vector<16xi32>
        %parallel_loop3A_626 = vector.broadcast %or3A : i32 to vector<16xi32>
        %parallel_loop3A_627 = arith.cmpi uge, %parallel_loop3A_625, %parallel_loop3A_626 : vector<16xi32>
        %parallel_loop3A_628 = arith.extui %parallel_loop3A_627 : vector<16xi1> to vector<16xi32>
        %parallel_loop3A_629 = arith.addi %parallel_loop3A_619, %parallel_loop3A_628 : vector<16xi32>
        scf.yield %parallel_loop3A_629 : vector<16xi32>
      } {sc.loop_unroll_factor = 2 : i64, sc.parallel_access}
      %reduce_sum3A_612 = arith.constant true
      %reduce_sum3A_613 = vector.broadcast %reduce_sum3A_612 : i1 to vector<16xi1>
      %reduce_sum3A_614 = tpu.scan <sum>, %parallel_loop3A_611 masked %reduce_sum3A_613 : vector<16xi32>, vector<16xi1> -> vector<16xi32>
      %reduce_sum3A_615 = vector.extract %reduce_sum3A_614[15] : i32 from vector<16xi32>
      %ge3A = arith.constant 64 : i32
      %ge3A_616 = arith.cmpi sge, %reduce_sum3A_615, %ge3A : i32
      %select_n3A_617 = arith.select %ge3A_616, %or3A, %while3A_604 : i32
      scf.yield %select_n3A_617 : i32
    }
    %while3A_230 = arith.constant 1 : i32
    %while3A_231 = scf.for %while3A_603 = %while3A_227 to %while3A_223 step %while3A_230 iter_args(%while3A_604 = %while3A_229) -> (i32)  : i32 {
      %sub3A_605 = arith.constant 1 : i32
      %sub3A_606 = arith.subi %min3A_219, %sub3A_605 : i32
      %sub3A_607 = arith.subi %sub3A_606, %while3A_603 : i32
      %shift_left3A = arith.constant 1 : i32
      %shift_left3A_608 = arith.shli %shift_left3A, %sub3A_607 : i32
      %or3A = arith.ori %while3A_604, %shift_left3A_608 : i32
      %parallel_loop3A_609 = arith.constant 0 : i32
      %parallel_loop3A_610 = arith.constant 1 : i32
      %parallel_loop3A_611 = scf.for %parallel_loop3A_618 = %parallel_loop3A_609 to %select_n3A_198 step %parallel_loop3A_610 iter_args(%parallel_loop3A_619 = %broadcast_in_dim3A_1) -> (vector<16xi32>)  : i32 {
        %parallel_loop3A_620 = arith.constant 16 : i32
        %parallel_loop3A_621 = arith.muli %parallel_loop3A_618, %parallel_loop3A_620 : i32
        %parallel_loop3A_622 = tpu.assume_multiple %parallel_loop3A_621, 8 : i32
        %parallel_loop3A_623 = arith.index_cast %parallel_loop3A_622 : i32 to index
        %parallel_loop3A_624 = tpu.vector_load %arg7[%parallel_loop3A_623] {strides = array<i32>} : memref<4096xi32, #tpu.memory_space<vmem>>, vector<16xi32>,
        %parallel_loop3A_625 = tpu.bitcast %parallel_loop3A_624 : vector<16xi32> -> vector<16xi32>
        %parallel_loop3A_626 = vector.broadcast %or3A : i32 to vector<16xi32>
        %parallel_loop3A_627 = arith.cmpi uge, %parallel_loop3A_625, %parallel_loop3A_626 : vector<16xi32>
        %parallel_loop3A_628 = arith.extui %parallel_loop3A_627 : vector<16xi1> to vector<16xi32>
        %parallel_loop3A_629 = arith.addi %parallel_loop3A_619, %parallel_loop3A_628 : vector<16xi32>
        scf.yield %parallel_loop3A_629 : vector<16xi32>
      } {sc.loop_unroll_factor = 2 : i64, sc.parallel_access}
      %reduce_sum3A_612 = arith.constant true
      %reduce_sum3A_613 = vector.broadcast %reduce_sum3A_612 : i1 to vector<16xi1>
      %reduce_sum3A_614 = tpu.scan <sum>, %parallel_loop3A_611 masked %reduce_sum3A_613 : vector<16xi32>, vector<16xi1> -> vector<16xi32>
      %reduce_sum3A_615 = vector.extract %reduce_sum3A_614[15] : i32 from vector<16xi32>
      %ge3A = arith.constant 64 : i32
      %ge3A_616 = arith.cmpi sge, %reduce_sum3A_615, %ge3A : i32
      %select_n3A_617 = arith.select %ge3A_616, %or3A, %while3A_604 : i32
      scf.yield %select_n3A_617 : i32
    }
    %while3A_232 = arith.constant 0 : i32
    %while3A_233 = arith.subi %select_n3A_198, %while3A_232 : i32
    %while3A_234 = arith.addi %while3A_232, %while3A_233 : i32
    %while3A_235 = arith.constant 1 : i32
    %while3A_236 = arith.divsi %while3A_233, %while3A_235 : i32
    %while3A_237 = arith.muli %while3A_236, %while3A_235 : i32
    %while3A_238 = arith.addi %while3A_232, %while3A_237 : i32
    %while3A_239 = arith.constant 1 : i32
    %while3A_240:2 = scf.for %while3A_603 = %while3A_232 to %while3A_238 step %while3A_239 iter_args(%while3A_604 = %broadcast_in_dim3A_1, %while3A_605 = %broadcast_in_dim3A_1) -> (vector<16xi32>, vector<16xi32>)  : i32 {
      %mul3A_606 = arith.constant 16 : i32
      %mul3A_607 = arith.muli %while3A_603, %mul3A_606 : i32
      %multiple_of3A = tpu.assume_multiple %mul3A_607, 8 : i32
      %get3A_608 = arith.index_cast %multiple_of3A : i32 to index
      %get3A_609 = tpu.vector_load %arg7[%get3A_608] {strides = array<i32>} : memref<4096xi32, #tpu.memory_space<vmem>>, vector<16xi32>,
      %bitcast_convert_type3A_610 = tpu.bitcast %get3A_609 : vector<16xi32> -> vector<16xi32>
      %ge3A = vector.broadcast %while3A_231 : i32 to vector<16xi32>
      %ge3A_611 = arith.cmpi uge, %bitcast_convert_type3A_610, %ge3A : vector<16xi32>
      %convert_element_type3A_612 = arith.extui %ge3A_611 : vector<16xi1> to vector<16xi32>
      %add3A_613 = arith.addi %while3A_604, %convert_element_type3A_612 : vector<16xi32>
      %gt3A = vector.broadcast %while3A_231 : i32 to vector<16xi32>
      %gt3A_614 = arith.cmpi ugt, %bitcast_convert_type3A_610, %gt3A : vector<16xi32>
      %convert_element_type3A_615 = arith.extui %gt3A_614 : vector<16xi1> to vector<16xi32>
      %add3A_616 = arith.addi %while3A_605, %convert_element_type3A_615 : vector<16xi32>
      scf.yield %add3A_613, %add3A_616 : vector<16xi32>, vector<16xi32>
    }
    %while3A_241 = arith.constant 1 : i32
    %while3A_242:2 = scf.for %while3A_603 = %while3A_238 to %while3A_234 step %while3A_241 iter_args(%while3A_604 = %while3A_240#0, %while3A_605 = %while3A_240#1) -> (vector<16xi32>, vector<16xi32>)  : i32 {
      %mul3A_606 = arith.constant 16 : i32
      %mul3A_607 = arith.muli %while3A_603, %mul3A_606 : i32
      %multiple_of3A = tpu.assume_multiple %mul3A_607, 8 : i32
      %get3A_608 = arith.index_cast %multiple_of3A : i32 to index
      %get3A_609 = tpu.vector_load %arg7[%get3A_608] {strides = array<i32>} : memref<4096xi32, #tpu.memory_space<vmem>>, vector<16xi32>,
      %bitcast_convert_type3A_610 = tpu.bitcast %get3A_609 : vector<16xi32> -> vector<16xi32>
      %ge3A = vector.broadcast %while3A_231 : i32 to vector<16xi32>
      %ge3A_611 = arith.cmpi uge, %bitcast_convert_type3A_610, %ge3A : vector<16xi32>
      %convert_element_type3A_612 = arith.extui %ge3A_611 : vector<16xi1> to vector<16xi32>
      %add3A_613 = arith.addi %while3A_604, %convert_element_type3A_612 : vector<16xi32>
      %gt3A = vector.broadcast %while3A_231 : i32 to vector<16xi32>
      %gt3A_614 = arith.cmpi ugt, %bitcast_convert_type3A_610, %gt3A : vector<16xi32>
      %convert_element_type3A_615 = arith.extui %gt3A_614 : vector<16xi1> to vector<16xi32>
      %add3A_616 = arith.addi %while3A_605, %convert_element_type3A_615 : vector<16xi32>
      scf.yield %add3A_613, %add3A_616 : vector<16xi32>, vector<16xi32>
    }
    %reduce_sum3A_243 = arith.constant true
    %reduce_sum3A_244 = vector.broadcast %reduce_sum3A_243 : i1 to vector<16xi1>
    %reduce_sum3A_245 = tpu.scan <sum>, %while3A_242#0 masked %reduce_sum3A_244 : vector<16xi32>, vector<16xi1> -> vector<16xi32>
    %reduce_sum3A_246 = vector.extract %reduce_sum3A_245[15] : i32 from vector<16xi32>
    %reduce_sum3A_247 = arith.constant true
    %reduce_sum3A_248 = vector.broadcast %reduce_sum3A_247 : i1 to vector<16xi1>
    %reduce_sum3A_249 = tpu.scan <sum>, %while3A_242#1 masked %reduce_sum3A_248 : vector<16xi32>, vector<16xi1> -> vector<16xi32>
    %reduce_sum3A_250 = vector.extract %reduce_sum3A_249[15] : i32 from vector<16xi32>
    %sub3A_251 = arith.constant 64 : i32
    %sub3A_252 = arith.subi %sub3A_251, %reduce_sum3A_250 : i32
    %eq3A_253 = arith.constant 64 : i32
    %eq3A_254 = arith.cmpi eq, %reduce_sum3A_246, %eq3A_253 : i32
    %convert_element_type3A_255 = arith.extui %eq3A_254 : i1 to i32
    %cond3A_256 = arith.constant 0 : i32
    %cond3A_257 = arith.constant 0 : i32
    %cond3A_258 = arith.cmpi ne, %convert_element_type3A_255, %cond3A_257 : i32
    %cond3A_259 = scf.if %cond3A_258 -> (i32) {
      %cond3A_603 = arith.constant 32767 : i32
      scf.yield %cond3A_603 : i32
    } else {
      %scan3A = arith.constant 0 : i32
      %scan3A_603 = arith.constant 0 : i32
      %scan3A_604 = arith.constant 15 : i32
      %scan3A_605 = arith.addi %scan3A_603, %scan3A_604 : i32
      %scan3A_606 = arith.constant 1 : i32
      %scan3A_607 = scf.for %scan3A_609 = %scan3A_603 to %scan3A_605 step %scan3A_606 iter_args(%scan3A_610 = %scan3A) -> (i32)  : i32 {
        %sub3A_611 = arith.constant 14 : i32
        %sub3A_612 = arith.subi %sub3A_611, %scan3A_609 : i32
        %shift_left3A = arith.constant 1 : i32
        %shift_left3A_613 = arith.shli %shift_left3A, %sub3A_612 : i32
        %or3A = arith.ori %scan3A_610, %shift_left3A_613 : i32
        %while3A_614 = arith.constant 0 : i32
        %while3A_615 = arith.subi %select_n3A_198, %while3A_614 : i32
        %while3A_616 = arith.addi %while3A_614, %while3A_615 : i32
        %while3A_617 = arith.constant 1 : i32
        %while3A_618 = arith.divsi %while3A_615, %while3A_617 : i32
        %while3A_619 = arith.muli %while3A_618, %while3A_617 : i32
        %while3A_620 = arith.addi %while3A_614, %while3A_619 : i32
        %while3A_621 = arith.constant 1 : i32
        %while3A_622 = scf.for %while3A_631 = %while3A_614 to %while3A_620 step %while3A_621 iter_args(%while3A_632 = %broadcast_in_dim3A_1) -> (vector<16xi32>)  : i32 {
          %mul3A_633 = arith.constant 16 : i32
          %mul3A_634 = arith.muli %while3A_631, %mul3A_633 : i32
          %multiple_of3A = tpu.assume_multiple %mul3A_634, 8 : i32
          %get3A_635 = arith.index_cast %multiple_of3A : i32 to index
          %get3A_636 = tpu.vector_load %arg7[%get3A_635] {strides = array<i32>} : memref<4096xi32, #tpu.memory_space<vmem>>, vector<16xi32>,
          %bitcast_convert_type3A_637 = tpu.bitcast %get3A_636 : vector<16xi32> -> vector<16xi32>
          %get3A_638 = arith.index_cast %multiple_of3A : i32 to index
          %get3A_639 = tpu.vector_load %arg8[%get3A_638] {strides = array<i32>} : memref<4096xi32, #tpu.memory_space<vmem>>, vector<16xi32>,
          %eq3A_640 = vector.broadcast %while3A_231 : i32 to vector<16xi32>
          %eq3A_641 = arith.cmpi eq, %bitcast_convert_type3A_637, %eq3A_640 : vector<16xi32>
          %lt3A_642 = vector.broadcast %or3A : i32 to vector<16xi32>
          %lt3A_643 = arith.cmpi slt, %get3A_639, %lt3A_642 : vector<16xi32>
          %and3A_644 = arith.andi %eq3A_641, %lt3A_643 : vector<16xi1>
          %convert_element_type3A_645 = arith.extui %and3A_644 : vector<16xi1> to vector<16xi32>
          %add3A_646 = arith.addi %while3A_632, %convert_element_type3A_645 : vector<16xi32>
          scf.yield %add3A_646 : vector<16xi32>
        }
        %while3A_623 = arith.constant 1 : i32
        %while3A_624 = scf.for %while3A_631 = %while3A_620 to %while3A_616 step %while3A_623 iter_args(%while3A_632 = %while3A_622) -> (vector<16xi32>)  : i32 {
          %mul3A_633 = arith.constant 16 : i32
          %mul3A_634 = arith.muli %while3A_631, %mul3A_633 : i32
          %multiple_of3A = tpu.assume_multiple %mul3A_634, 8 : i32
          %get3A_635 = arith.index_cast %multiple_of3A : i32 to index
          %get3A_636 = tpu.vector_load %arg7[%get3A_635] {strides = array<i32>} : memref<4096xi32, #tpu.memory_space<vmem>>, vector<16xi32>,
          %bitcast_convert_type3A_637 = tpu.bitcast %get3A_636 : vector<16xi32> -> vector<16xi32>
          %get3A_638 = arith.index_cast %multiple_of3A : i32 to index
          %get3A_639 = tpu.vector_load %arg8[%get3A_638] {strides = array<i32>} : memref<4096xi32, #tpu.memory_space<vmem>>, vector<16xi32>,
          %eq3A_640 = vector.broadcast %while3A_231 : i32 to vector<16xi32>
          %eq3A_641 = arith.cmpi eq, %bitcast_convert_type3A_637, %eq3A_640 : vector<16xi32>
          %lt3A_642 = vector.broadcast %or3A : i32 to vector<16xi32>
          %lt3A_643 = arith.cmpi slt, %get3A_639, %lt3A_642 : vector<16xi32>
          %and3A_644 = arith.andi %eq3A_641, %lt3A_643 : vector<16xi1>
          %convert_element_type3A_645 = arith.extui %and3A_644 : vector<16xi1> to vector<16xi32>
          %add3A_646 = arith.addi %while3A_632, %convert_element_type3A_645 : vector<16xi32>
          scf.yield %add3A_646 : vector<16xi32>
        }
        %reduce_sum3A_625 = arith.constant true
        %reduce_sum3A_626 = vector.broadcast %reduce_sum3A_625 : i1 to vector<16xi1>
        %reduce_sum3A_627 = tpu.scan <sum>, %while3A_624 masked %reduce_sum3A_626 : vector<16xi32>, vector<16xi1> -> vector<16xi32>
        %reduce_sum3A_628 = vector.extract %reduce_sum3A_627[15] : i32 from vector<16xi32>
        %lt3A_629 = arith.cmpi slt, %reduce_sum3A_628, %sub3A_252 : i32
        %select_n3A_630 = arith.select %lt3A_629, %or3A, %scan3A_610 : i32
        scf.yield %select_n3A_630 : i32
      }
      %scan3A_608 = arith.constant 15 : i32
      scf.yield %scan3A_607 : i32
    }
    %dma_wait3A_260 = arith.constant 0 : i32
    %dma_wait3A_261 = tpu.memref_slice %arg3[%add3A_124, %dma_wait3A_260] : memref<128x32768xf32, #tpu.memory_space<hbm>> -> memref<1x32768xf32, #tpu.memory_space<hbm>>
    %dma_wait3A_262 = tpu.memref_squeeze %dma_wait3A_261 : memref<1x32768xf32, #tpu.memory_space<hbm>> -> memref<32768xf32, #tpu.memory_space<hbm>>
    %dma_wait3A_263 = arith.constant 0 : i32
    %dma_wait3A_264 = tpu.memref_slice %arg3[%add3A_124, %dma_wait3A_263] : memref<128x32768xf32, #tpu.memory_space<hbm>> -> memref<1x32768xf32, #tpu.memory_space<hbm>>
    %dma_wait3A_265 = tpu.memref_squeeze %dma_wait3A_264 : memref<1x32768xf32, #tpu.memory_space<hbm>> -> memref<32768xf32, #tpu.memory_space<hbm>>
    tpu.wait_dma2 semaphore(%arg13 : memref<!tpu.dma_semaphore, #tpu.memory_space<semaphore_mem>>) src(%arg6 : memref<32768xf32, #tpu.memory_space<vmem>>) dst(%dma_wait3A_265 : memref<32768xf32, #tpu.memory_space<hbm>>)
    %get3A = arith.constant 0 : index
    %get3A_266 = tpu.vector_load %arg9[%get3A] {strides = array<i32>} : memref<64xi32, #tpu.memory_space<vmem>>, vector<16xi32>,
    tpu.vector_store_idx %arg6[%get3A_266], %broadcast_in_dim3A_3 : memref<32768xf32, #tpu.memory_space<vmem>>[vector<16xi32>], vector<16xf32>,
    %get3A_267 = arith.constant 16 : index
    %get3A_268 = tpu.vector_load %arg9[%get3A_267] {strides = array<i32>} : memref<64xi32, #tpu.memory_space<vmem>>, vector<16xi32>,
    tpu.vector_store_idx %arg6[%get3A_268], %broadcast_in_dim3A_3 : memref<32768xf32, #tpu.memory_space<vmem>>[vector<16xi32>], vector<16xf32>,
    %get3A_269 = arith.constant 32 : index
    %get3A_270 = tpu.vector_load %arg9[%get3A_269] {strides = array<i32>} : memref<64xi32, #tpu.memory_space<vmem>>, vector<16xi32>,
    tpu.vector_store_idx %arg6[%get3A_270], %broadcast_in_dim3A_3 : memref<32768xf32, #tpu.memory_space<vmem>>[vector<16xi32>], vector<16xf32>,
    %get3A_271 = arith.constant 48 : index
    %get3A_272 = tpu.vector_load %arg9[%get3A_271] {strides = array<i32>} : memref<64xi32, #tpu.memory_space<vmem>>, vector<16xi32>,
    tpu.vector_store_idx %arg6[%get3A_272], %broadcast_in_dim3A_3 : memref<32768xf32, #tpu.memory_space<vmem>>[vector<16xi32>], vector<16xf32>,
    %parallel_loop3A_273 = arith.constant 0 : i32
    %parallel_loop3A_274 = arith.constant 1 : i32
    %parallel_loop3A_275 = scf.for %parallel_loop3A_603 = %parallel_loop3A_273 to %select_n3A_198 step %parallel_loop3A_274 iter_args(%parallel_loop3A_604 = %broadcast_in_dim3A_5) -> (vector<16xi32>)  : i32 {
      %parallel_loop3A_605 = arith.constant 16 : i32
      %parallel_loop3A_606 = arith.muli %parallel_loop3A_603, %parallel_loop3A_605 : i32
      %parallel_loop3A_607 = tpu.assume_multiple %parallel_loop3A_606, 8 : i32
      %parallel_loop3A_608 = arith.index_cast %parallel_loop3A_607 : i32 to index
      %parallel_loop3A_609 = tpu.vector_load %arg7[%parallel_loop3A_608] {strides = array<i32>} : memref<4096xi32, #tpu.memory_space<vmem>>, vector<16xi32>,
      %parallel_loop3A_610 = tpu.bitcast %parallel_loop3A_609 : vector<16xi32> -> vector<16xi32>
      %parallel_loop3A_611 = arith.index_cast %parallel_loop3A_607 : i32 to index
      %parallel_loop3A_612 = tpu.vector_load %arg8[%parallel_loop3A_611] {strides = array<i32>} : memref<4096xi32, #tpu.memory_space<vmem>>, vector<16xi32>,
      %parallel_loop3A_613 = vector.broadcast %while3A_231 : i32 to vector<16xi32>
      %parallel_loop3A_614 = arith.cmpi ugt, %parallel_loop3A_610, %parallel_loop3A_613 : vector<16xi32>
      %parallel_loop3A_615 = vector.broadcast %while3A_231 : i32 to vector<16xi32>
      %parallel_loop3A_616 = arith.cmpi eq, %parallel_loop3A_610, %parallel_loop3A_615 : vector<16xi32>
      %parallel_loop3A_617 = vector.broadcast %cond3A_259 : i32 to vector<16xi32>
      %parallel_loop3A_618 = arith.cmpi sle, %parallel_loop3A_612, %parallel_loop3A_617 : vector<16xi32>
      %parallel_loop3A_619 = arith.andi %parallel_loop3A_616, %parallel_loop3A_618 : vector<16xi1>
      %parallel_loop3A_620 = arith.ori %parallel_loop3A_614, %parallel_loop3A_619 : vector<16xi1>
      %parallel_loop3A_621 = arith.extui %parallel_loop3A_620 : vector<16xi1> to vector<16xi32>
      %parallel_loop3A_622 = arith.constant true
      %parallel_loop3A_623 = vector.broadcast %parallel_loop3A_622 : i1 to vector<16xi1>
      %parallel_loop3A_624 = tpu.scan <sum>, %parallel_loop3A_621 masked %parallel_loop3A_623 : vector<16xi32>, vector<16xi1> -> vector<16xi32>
      %parallel_loop3A_625 = arith.addi %parallel_loop3A_604, %parallel_loop3A_624 : vector<16xi32>
      %parallel_loop3A_626 = arith.constant 64 : i32
      %parallel_loop3A_627 = vector.broadcast %parallel_loop3A_626 : i32 to vector<16xi32>
      %parallel_loop3A_628 = arith.cmpi slt, %parallel_loop3A_625, %parallel_loop3A_627 : vector<16xi32>
      %parallel_loop3A_629 = arith.andi %parallel_loop3A_620, %parallel_loop3A_628 : vector<16xi1>
      %parallel_loop3A_630 = arith.constant 0 : i32
      %parallel_loop3A_631 = vector.broadcast %parallel_loop3A_630 : i32 to vector<16xi32>
      %parallel_loop3A_632 = arith.select %parallel_loop3A_629, %parallel_loop3A_612, %parallel_loop3A_631 : vector<16xi1>, vector<16xi32>
      %parallel_loop3A_633 = tpu.vector_load_idx %arg5[%parallel_loop3A_632] : memref<32768xf32, #tpu.memory_space<vmem>>[vector<16xi32>], vector<16xf32>,
      tpu.vector_store_idx %arg6[%parallel_loop3A_612], %parallel_loop3A_633 masked %parallel_loop3A_629 : memref<32768xf32, #tpu.memory_space<vmem>>[vector<16xi32>], vector<16xf32>, vector<16xi1>
      tpu.vector_store_idx %arg10[%parallel_loop3A_625], %parallel_loop3A_612 masked %parallel_loop3A_629 : memref<64xi32, #tpu.memory_space<vmem>>[vector<16xi32>], vector<16xi32>, vector<16xi1>
      %parallel_loop3A_634 = tpu.all_reduce %parallel_loop3A_620 {dim = 0 : i64, kind = #tpu.reduction_kind<sum>} : vector<16xi1> -> vector<16xi32>
      %parallel_loop3A_635 = arith.addi %parallel_loop3A_604, %parallel_loop3A_634 : vector<16xi32>
      scf.yield %parallel_loop3A_635 : vector<16xi32>
    } {sc.loop_unroll_factor = 2 : i64, sc.parallel_access}
    %mul3A_276 = arith.constant 4 : i32
    %mul3A_277 = arith.muli %add3A, %mul3A_276 : i32
    %add3A_278 = arith.constant 1 : i32
    %add3A_279 = arith.addi %mul3A_277, %add3A_278 : i32
    %dma_start3A_280 = arith.constant 0 : i32
    %dma_start3A_281 = tpu.memref_slice %arg3[%add3A_279, %dma_start3A_280] : memref<128x32768xf32, #tpu.memory_space<hbm>> -> memref<1x32768xf32, #tpu.memory_space<hbm>>
    %dma_start3A_282 = tpu.memref_squeeze %dma_start3A_281 : memref<1x32768xf32, #tpu.memory_space<hbm>> -> memref<32768xf32, #tpu.memory_space<hbm>>
    %dma_start3A_283 = arith.constant 0 : i32
    %dma_start3A_284 = tpu.memref_slice %arg3[%add3A_279, %dma_start3A_283] : memref<128x32768xf32, #tpu.memory_space<hbm>> -> memref<1x32768xf32, #tpu.memory_space<hbm>>
    %dma_start3A_285 = tpu.memref_squeeze %dma_start3A_284 : memref<1x32768xf32, #tpu.memory_space<hbm>> -> memref<32768xf32, #tpu.memory_space<hbm>>
    tpu.enqueue_dma source(%arg6 : memref<32768xf32, #tpu.memory_space<vmem>>) target(%dma_start3A_285 : memref<32768xf32, #tpu.memory_space<hbm>>) target_semaphore(%arg13 : memref<!tpu.dma_semaphore, #tpu.memory_space<semaphore_mem>>)
    %bitcast_convert_type3A_286 = arith.bitcast %while3A_160#0 : i32 to i32
    %add3A_287 = arith.addi %bitcast_convert_type3A_286, %while3A_231 : i32
    %bitcast_convert_type3A_288 = arith.bitcast %add3A_287 : i32 to i32
    %lt3A_289 = arith.constant -2145386496 : i32
    %lt3A_290 = arith.cmpi slt, %bitcast_convert_type3A_288, %lt3A_289 : i32
    %sub3A_291 = arith.constant 2097152 : i32
    %sub3A_292 = arith.subi %bitcast_convert_type3A_288, %sub3A_291 : i32
    %jit3A_293 = arith.constant -2147483648 : i32
    %select_n3A_294 = arith.select %lt3A_290, %jit3A_293, %sub3A_292 : i32
    %mul3A_295 = arith.constant 4 : i32
    %mul3A_296 = arith.muli %add3A, %mul3A_295 : i32
    %add3A_297 = arith.constant 3 : i32
    %add3A_298 = arith.addi %mul3A_296, %add3A_297 : i32
    %dma_start3A_299 = arith.constant 0 : i32
    %dma_start3A_300 = tpu.memref_slice %arg2[%add3A_298, %dma_start3A_299] : memref<128x32768xf32, #tpu.memory_space<hbm>> -> memref<1x32768xf32, #tpu.memory_space<hbm>>
    %dma_start3A_301 = tpu.memref_squeeze %dma_start3A_300 : memref<1x32768xf32, #tpu.memory_space<hbm>> -> memref<32768xf32, #tpu.memory_space<hbm>>
    %dma_start3A_302 = arith.constant 0 : i32
    %dma_start3A_303 = tpu.memref_slice %arg2[%add3A_298, %dma_start3A_302] : memref<128x32768xf32, #tpu.memory_space<hbm>> -> memref<1x32768xf32, #tpu.memory_space<hbm>>
    %dma_start3A_304 = tpu.memref_squeeze %dma_start3A_303 : memref<1x32768xf32, #tpu.memory_space<hbm>> -> memref<32768xf32, #tpu.memory_space<hbm>>
    tpu.enqueue_dma source(%dma_start3A_304 : memref<32768xf32, #tpu.memory_space<hbm>>) target(%arg5 : memref<32768xf32, #tpu.memory_space<vmem>>) target_semaphore(%arg12 : memref<!tpu.dma_semaphore, #tpu.memory_space<semaphore_mem>>)
    %dma_wait3A_305 = arith.constant 0 : i32
    %dma_wait3A_306 = tpu.memref_slice %arg2[%add3A_143, %dma_wait3A_305] : memref<128x32768xf32, #tpu.memory_space<hbm>> -> memref<1x32768xf32, #tpu.memory_space<hbm>>
    %dma_wait3A_307 = tpu.memref_squeeze %dma_wait3A_306 : memref<1x32768xf32, #tpu.memory_space<hbm>> -> memref<32768xf32, #tpu.memory_space<hbm>>
    %dma_wait3A_308 = arith.constant 0 : i32
    %dma_wait3A_309 = tpu.memref_slice %arg2[%add3A_143, %dma_wait3A_308] : memref<128x32768xf32, #tpu.memory_space<hbm>> -> memref<1x32768xf32, #tpu.memory_space<hbm>>
    %dma_wait3A_310 = tpu.memref_squeeze %dma_wait3A_309 : memref<1x32768xf32, #tpu.memory_space<hbm>> -> memref<32768xf32, #tpu.memory_space<hbm>>
    tpu.wait_dma2 semaphore(%arg11 : memref<!tpu.dma_semaphore, #tpu.memory_space<semaphore_mem>>) src(%dma_wait3A_310 : memref<32768xf32, #tpu.memory_space<hbm>>) dst(%arg4 : memref<32768xf32, #tpu.memory_space<vmem>>)
    %while3A_311 = arith.constant -2147483648 : i32
    %while3A_312 = arith.constant 2147483647 : i32
    %while3A_313 = arith.constant -1 : i32
    %while3A_314 = arith.constant false
    %while3A_315:5 = scf.while (%while3A_603 = %select_n3A_294, %while3A_604 = %while3A_311, %while3A_605 = %while3A_312, %while3A_606 = %while3A_313, %while3A_607 = %while3A_314) : (i32, i32, i32, i32, i1) -> (i32, i32, i32, i32, i1) {
      %lt3A_608 = arith.constant 64 : i32
      %lt3A_609 = arith.cmpi slt, %while3A_606, %lt3A_608 : i32
      %gt3A = arith.constant 4096 : i32
      %gt3A_610 = arith.cmpi sgt, %while3A_606, %gt3A : i32
      %or3A = arith.ori %lt3A_609, %gt3A_610 : i1
      %not3A = arith.constant true
      %not3A_611 = arith.xori %while3A_607, %not3A : i1
      %and3A_612 = arith.andi %or3A, %not3A_611 : i1
      scf.condition(%and3A_612) %while3A_603, %while3A_604, %while3A_605, %while3A_606, %while3A_607 : i32, i32, i32, i32, i1
    } do {
    ^bb0(%while3A_603: i32, %while3A_604: i32, %while3A_605: i32, %while3A_606: i32, %while3A_607: i1):
      %ge3A = arith.constant 0 : i32
      %ge3A_608 = arith.cmpi sge, %while3A_606, %ge3A : i32
      %gt3A = arith.constant 4096 : i32
      %gt3A_609 = arith.cmpi sgt, %while3A_606, %gt3A : i32
      %and3A_610 = arith.andi %ge3A_608, %gt3A_609 : i1
      %select_n3A_611 = arith.select %and3A_610, %while3A_603, %while3A_604 : i32
      %lt3A_612 = arith.constant 64 : i32
      %lt3A_613 = arith.cmpi slt, %while3A_606, %lt3A_612 : i32
      %and3A_614 = arith.andi %ge3A_608, %lt3A_613 : i1
      %select_n3A_615 = arith.select %and3A_614, %while3A_603, %while3A_605 : i32
      %bitcast_convert_type3A_616 = arith.bitcast %select_n3A_611 : i32 to i32
      %xor3A = arith.constant -2147483648 : i32
      %xor3A_617 = arith.xori %bitcast_convert_type3A_616, %xor3A : i32
      %bitcast_convert_type3A_618 = arith.bitcast %select_n3A_615 : i32 to i32
      %xor3A_619 = arith.constant -2147483648 : i32
      %xor3A_620 = arith.xori %bitcast_convert_type3A_618, %xor3A_619 : i32
      %sub3A_621 = arith.subi %xor3A_620, %xor3A_617 : i32
      %shift_right_logical3A_622 = arith.constant 1 : i32
      %shift_right_logical3A_623 = arith.shrui %sub3A_621, %shift_right_logical3A_622 : i32
      %add3A_624 = arith.addi %xor3A_617, %shift_right_logical3A_623 : i32
      %xor3A_625 = arith.constant -2147483648 : i32
      %xor3A_626 = arith.xori %add3A_624, %xor3A_625 : i32
      %bitcast_convert_type3A_627 = arith.bitcast %xor3A_626 : i32 to i32
      %sub3A_628 = arith.subi %xor3A_620, %xor3A_617 : i32
      %le3A = arith.constant 1 : i32
      %le3A_629 = arith.cmpi ule, %sub3A_628, %le3A : i32
      %and3A_630 = arith.andi %ge3A_608, %le3A_629 : i1
      %select_n3A_631 = arith.select %le3A_629, %select_n3A_611, %bitcast_convert_type3A_627 : i32
      %select_n3A_632 = arith.select %ge3A_608, %select_n3A_631, %while3A_603 : i32
      %bitcast_convert_type3A_633 = arith.bitcast %select_n3A_632 : i32 to i32
      %parallel_loop3A_634 = arith.constant 0 : i32
      %parallel_loop3A_635 = arith.constant 2048 : i32
      %parallel_loop3A_636 = arith.constant 1 : i32
      %parallel_loop3A_637:2 = scf.for %parallel_loop3A_648 = %parallel_loop3A_634 to %parallel_loop3A_635 step %parallel_loop3A_636 iter_args(%parallel_loop3A_649 = %broadcast_in_dim3A_5, %parallel_loop3A_650 = %iota3A) -> (vector<16xi32>, vector<16xi32>)  : i32 {
        %parallel_loop3A_651 = arith.constant 16 : i32
        %parallel_loop3A_652 = arith.muli %parallel_loop3A_648, %parallel_loop3A_651 : i32
        %parallel_loop3A_653 = tpu.assume_multiple %parallel_loop3A_652, 8 : i32
        %parallel_loop3A_654 = arith.index_cast %parallel_loop3A_653 : i32 to index
        %parallel_loop3A_655 = tpu.vector_load %arg4[%parallel_loop3A_654] {strides = array<i32>} : memref<32768xf32, #tpu.memory_space<vmem>>, vector<16xf32>,
        %parallel_loop3A_656 = tpu.bitcast %parallel_loop3A_655 : vector<16xf32> -> vector<16xi32>
        %parallel_loop3A_657 = arith.constant 31 : i32
        %parallel_loop3A_658 = vector.broadcast %parallel_loop3A_657 : i32 to vector<16xi32>
        %parallel_loop3A_659 = arith.shrsi %parallel_loop3A_656, %parallel_loop3A_658 : vector<16xi32>
        %parallel_loop3A_660 = arith.constant 2147483647 : i32
        %parallel_loop3A_661 = vector.broadcast %parallel_loop3A_660 : i32 to vector<16xi32>
        %parallel_loop3A_662 = arith.andi %parallel_loop3A_659, %parallel_loop3A_661 : vector<16xi32>
        %parallel_loop3A_663 = arith.xori %parallel_loop3A_656, %parallel_loop3A_662 : vector<16xi32>
        %parallel_loop3A_664 = vector.broadcast %select_n3A_632 : i32 to vector<16xi32>
        %parallel_loop3A_665 = arith.cmpi sge, %parallel_loop3A_663, %parallel_loop3A_664 : vector<16xi32>
        %parallel_loop3A_666 = tpu.bitcast %parallel_loop3A_663 : vector<16xi32> -> vector<16xi32>
        %parallel_loop3A_667 = vector.broadcast %bitcast_convert_type3A_633 : i32 to vector<16xi32>
        %parallel_loop3A_668 = arith.subi %parallel_loop3A_666, %parallel_loop3A_667 : vector<16xi32>
        %parallel_loop3A_669 = arith.extui %parallel_loop3A_665 : vector<16xi1> to vector<16xi32>
        %parallel_loop3A_670 = arith.constant true
        %parallel_loop3A_671 = vector.broadcast %parallel_loop3A_670 : i1 to vector<16xi1>
        %parallel_loop3A_672 = tpu.scan <sum>, %parallel_loop3A_669 masked %parallel_loop3A_671 : vector<16xi32>, vector<16xi1> -> vector<16xi32>
        %parallel_loop3A_673 = arith.addi %parallel_loop3A_649, %parallel_loop3A_672 : vector<16xi32>
        %parallel_loop3A_674 = arith.constant 4096 : i32
        %parallel_loop3A_675 = vector.broadcast %parallel_loop3A_674 : i32 to vector<16xi32>
        %parallel_loop3A_676 = arith.cmpi slt, %parallel_loop3A_673, %parallel_loop3A_675 : vector<16xi32>
        %parallel_loop3A_677 = arith.andi %parallel_loop3A_665, %parallel_loop3A_676 : vector<16xi1>
        %parallel_loop3A_678 = tpu.bitcast %parallel_loop3A_668 : vector<16xi32> -> vector<16xi32>
        tpu.vector_store_idx %arg7[%parallel_loop3A_673], %parallel_loop3A_678 masked %parallel_loop3A_677 : memref<4096xi32, #tpu.memory_space<vmem>>[vector<16xi32>], vector<16xi32>, vector<16xi1>
        tpu.vector_store_idx %arg8[%parallel_loop3A_673], %parallel_loop3A_650 masked %parallel_loop3A_677 : memref<4096xi32, #tpu.memory_space<vmem>>[vector<16xi32>], vector<16xi32>, vector<16xi1>
        %parallel_loop3A_679 = tpu.all_reduce %parallel_loop3A_665 {dim = 0 : i64, kind = #tpu.reduction_kind<sum>} : vector<16xi1> -> vector<16xi32>
        %parallel_loop3A_680 = arith.addi %parallel_loop3A_649, %parallel_loop3A_679 : vector<16xi32>
        %parallel_loop3A_681 = arith.constant 16 : i32
        %parallel_loop3A_682 = vector.broadcast %parallel_loop3A_681 : i32 to vector<16xi32>
        %parallel_loop3A_683 = arith.addi %parallel_loop3A_650, %parallel_loop3A_682 : vector<16xi32>
        scf.yield %parallel_loop3A_680, %parallel_loop3A_683 : vector<16xi32>, vector<16xi32>
      } {sc.loop_unroll_factor = 8 : i64, sc.parallel_access}
      %reduce_max3A_638 = arith.constant true
      %reduce_max3A_639 = vector.broadcast %reduce_max3A_638 : i1 to vector<16xi1>
      %reduce_max3A_640 = arith.constant -2147483648 : i32
      %reduce_max3A_641 = vector.broadcast %reduce_max3A_640 : i32 to vector<16xi32>
      %reduce_max3A_642 = arith.xori %parallel_loop3A_637#0, %reduce_max3A_641 : vector<16xi32>
      %reduce_max3A_643 = tpu.scan <max>, %reduce_max3A_642 masked %reduce_max3A_639 : vector<16xi32>, vector<16xi1> -> vector<16xi32>
      %reduce_max3A_644 = arith.xori %reduce_max3A_643, %reduce_max3A_641 : vector<16xi32>
      %reduce_max3A_645 = vector.extract %reduce_max3A_644[15] : i32 from vector<16xi32>
      %add3A_646 = arith.constant 1 : i32
      %add3A_647 = arith.addi %reduce_max3A_645, %add3A_646 : i32
      scf.yield %select_n3A_632, %select_n3A_611, %select_n3A_615, %add3A_647, %and3A_630 : i32, i32, i32, i32, i1
    }
    %min3A_316 = arith.constant 4096 : i32
    %min3A_317 = arith.minsi %while3A_315#3, %min3A_316 : i32
    %add3A_318 = vector.broadcast %min3A_317 : i32 to vector<16xi32>
    %add3A_319 = arith.addi %add3A_318, %iota3A : vector<16xi32>
    %lt3A_320 = arith.constant 4096 : i32
    %lt3A_321 = vector.broadcast %lt3A_320 : i32 to vector<16xi32>
    %lt3A_322 = arith.cmpi slt, %add3A_319, %lt3A_321 : vector<16xi32>
    %min3A_323 = arith.constant 4095 : i32
    %min3A_324 = vector.broadcast %min3A_323 : i32 to vector<16xi32>
    %min3A_325 = arith.minsi %add3A_319, %min3A_324 : vector<16xi32>
    tpu.vector_store_idx %arg7[%min3A_325], %broadcast_in_dim3A_1 masked %lt3A_322 : memref<4096xi32, #tpu.memory_space<vmem>>[vector<16xi32>], vector<16xi32>, vector<16xi1>
    %broadcast_in_dim3A_326 = arith.constant 32768 : i32
    %broadcast_in_dim3A_327 = vector.broadcast %broadcast_in_dim3A_326 : i32 to vector<16xi32>
    tpu.vector_store_idx %arg8[%min3A_325], %broadcast_in_dim3A_327 masked %lt3A_322 : memref<4096xi32, #tpu.memory_space<vmem>>[vector<16xi32>], vector<16xi32>, vector<16xi1>
    %add3A_328 = arith.constant 15 : i32
    %add3A_329 = arith.addi %min3A_317, %add3A_328 : i32
    %jit3A_330 = arith.constant 16 : i32
    %div3A_331 = arith.divsi %add3A_329, %jit3A_330 : i32
    %sign3A_332 = arith.constant 0 : i32
    %sign3A_333 = arith.cmpi sgt, %add3A_329, %sign3A_332 : i32
    %sign3A_334 = arith.extui %sign3A_333 : i1 to i32
    %sign3A_335 = arith.constant 0 : i32
    %sign3A_336 = arith.cmpi slt, %add3A_329, %sign3A_335 : i32
    %sign3A_337 = arith.extui %sign3A_336 : i1 to i32
    %sign3A_338 = arith.subi %sign3A_334, %sign3A_337 : i32
    %sign3A_339 = arith.constant 0 : i32
    %sign3A_340 = arith.cmpi sgt, %jit3A_330, %sign3A_339 : i32
    %sign3A_341 = arith.extui %sign3A_340 : i1 to i32
    %sign3A_342 = arith.constant 0 : i32
    %sign3A_343 = arith.cmpi slt, %jit3A_330, %sign3A_342 : i32
    %sign3A_344 = arith.extui %sign3A_343 : i1 to i32
    %sign3A_345 = arith.subi %sign3A_341, %sign3A_344 : i32
    %ne3A_346 = arith.cmpi ne, %sign3A_338, %sign3A_345 : i32
    %rem3A_347 = arith.remsi %add3A_329, %jit3A_330 : i32
    %ne3A_348 = arith.constant 0 : i32
    %ne3A_349 = arith.cmpi ne, %rem3A_347, %ne3A_348 : i32
    %and3A_350 = arith.andi %ne3A_346, %ne3A_349 : i1
    %sub3A_351 = arith.constant 1 : i32
    %sub3A_352 = arith.subi %div3A_331, %sub3A_351 : i32
    %select_n3A_353 = arith.select %and3A_350, %sub3A_352, %div3A_331 : i32
    %parallel_loop3A_354 = arith.constant 0 : i32
    %parallel_loop3A_355 = arith.constant 1 : i32
    %parallel_loop3A_356 = scf.for %parallel_loop3A_603 = %parallel_loop3A_354 to %select_n3A_353 step %parallel_loop3A_355 iter_args(%parallel_loop3A_604 = %broadcast_in_dim3A_1) -> (vector<16xi32>)  : i32 {
      %parallel_loop3A_605 = arith.constant 16 : i32
      %parallel_loop3A_606 = arith.muli %parallel_loop3A_603, %parallel_loop3A_605 : i32
      %parallel_loop3A_607 = tpu.assume_multiple %parallel_loop3A_606, 8 : i32
      %parallel_loop3A_608 = arith.index_cast %parallel_loop3A_607 : i32 to index
      %parallel_loop3A_609 = tpu.vector_load %arg7[%parallel_loop3A_608] {strides = array<i32>} : memref<4096xi32, #tpu.memory_space<vmem>>, vector<16xi32>,
      %parallel_loop3A_610 = tpu.bitcast %parallel_loop3A_609 : vector<16xi32> -> vector<16xi32>
      %parallel_loop3A_611 = arith.constant 1 : i32
      %parallel_loop3A_612 = vector.broadcast %parallel_loop3A_611 : i32 to vector<16xi32>
      %parallel_loop3A_613 = arith.shrui %parallel_loop3A_610, %parallel_loop3A_612 : vector<16xi32>
      %parallel_loop3A_614 = tpu.bitcast %parallel_loop3A_613 : vector<16xi32> -> vector<16xi32>
      %parallel_loop3A_615 = arith.maxsi %parallel_loop3A_604, %parallel_loop3A_614 : vector<16xi32>
      scf.yield %parallel_loop3A_615 : vector<16xi32>
    } {sc.loop_unroll_factor = 2 : i64, sc.parallel_access}
    %reduce_max3A_357 = arith.constant true
    %reduce_max3A_358 = vector.broadcast %reduce_max3A_357 : i1 to vector<16xi1>
    %reduce_max3A_359 = arith.constant -2147483648 : i32
    %reduce_max3A_360 = vector.broadcast %reduce_max3A_359 : i32 to vector<16xi32>
    %reduce_max3A_361 = arith.xori %parallel_loop3A_356, %reduce_max3A_360 : vector<16xi32>
    %reduce_max3A_362 = tpu.scan <max>, %reduce_max3A_361 masked %reduce_max3A_358 : vector<16xi32>, vector<16xi1> -> vector<16xi32>
    %reduce_max3A_363 = arith.xori %reduce_max3A_362, %reduce_max3A_360 : vector<16xi32>
    %reduce_max3A_364 = vector.extract %reduce_max3A_363[15] : i32 from vector<16xi32>
    %convert_element_type3A_365 = arith.sitofp %reduce_max3A_364 : i32 to f32
    %bitcast_convert_type3A_366 = arith.bitcast %convert_element_type3A_365 : f32 to i32
    %shift_right_logical3A_367 = arith.constant 23 : i32
    %shift_right_logical3A_368 = arith.shrui %bitcast_convert_type3A_366, %shift_right_logical3A_367 : i32
    %sub3A_369 = arith.constant 125 : i32
    %sub3A_370 = arith.subi %shift_right_logical3A_368, %sub3A_369 : i32
    %jit3A_371 = arith.constant 1 : i32
    %jit3A_372 = arith.constant 32 : i32
    %max3A_373 = arith.maxsi %jit3A_371, %sub3A_370 : i32
    %min3A_374 = arith.minsi %jit3A_372, %max3A_373 : i32
    %while3A_375 = arith.constant 0 : i32
    %while3A_376 = arith.constant 0 : i32
    %while3A_377 = arith.subi %min3A_374, %while3A_375 : i32
    %while3A_378 = arith.addi %while3A_375, %while3A_377 : i32
    %while3A_379 = arith.constant 1 : i32
    %while3A_380 = arith.divsi %while3A_377, %while3A_379 : i32
    %while3A_381 = arith.muli %while3A_380, %while3A_379 : i32
    %while3A_382 = arith.addi %while3A_375, %while3A_381 : i32
    %while3A_383 = arith.constant 1 : i32
    %while3A_384 = scf.for %while3A_603 = %while3A_375 to %while3A_382 step %while3A_383 iter_args(%while3A_604 = %while3A_376) -> (i32)  : i32 {
      %sub3A_605 = arith.constant 1 : i32
      %sub3A_606 = arith.subi %min3A_374, %sub3A_605 : i32
      %sub3A_607 = arith.subi %sub3A_606, %while3A_603 : i32
      %shift_left3A = arith.constant 1 : i32
      %shift_left3A_608 = arith.shli %shift_left3A, %sub3A_607 : i32
      %or3A = arith.ori %while3A_604, %shift_left3A_608 : i32
      %parallel_loop3A_609 = arith.constant 0 : i32
      %parallel_loop3A_610 = arith.constant 1 : i32
      %parallel_loop3A_611 = scf.for %parallel_loop3A_618 = %parallel_loop3A_609 to %select_n3A_353 step %parallel_loop3A_610 iter_args(%parallel_loop3A_619 = %broadcast_in_dim3A_1) -> (vector<16xi32>)  : i32 {
        %parallel_loop3A_620 = arith.constant 16 : i32
        %parallel_loop3A_621 = arith.muli %parallel_loop3A_618, %parallel_loop3A_620 : i32
        %parallel_loop3A_622 = tpu.assume_multiple %parallel_loop3A_621, 8 : i32
        %parallel_loop3A_623 = arith.index_cast %parallel_loop3A_622 : i32 to index
        %parallel_loop3A_624 = tpu.vector_load %arg7[%parallel_loop3A_623] {strides = array<i32>} : memref<4096xi32, #tpu.memory_space<vmem>>, vector<16xi32>,
        %parallel_loop3A_625 = tpu.bitcast %parallel_loop3A_624 : vector<16xi32> -> vector<16xi32>
        %parallel_loop3A_626 = vector.broadcast %or3A : i32 to vector<16xi32>
        %parallel_loop3A_627 = arith.cmpi uge, %parallel_loop3A_625, %parallel_loop3A_626 : vector<16xi32>
        %parallel_loop3A_628 = arith.extui %parallel_loop3A_627 : vector<16xi1> to vector<16xi32>
        %parallel_loop3A_629 = arith.addi %parallel_loop3A_619, %parallel_loop3A_628 : vector<16xi32>
        scf.yield %parallel_loop3A_629 : vector<16xi32>
      } {sc.loop_unroll_factor = 2 : i64, sc.parallel_access}
      %reduce_sum3A_612 = arith.constant true
      %reduce_sum3A_613 = vector.broadcast %reduce_sum3A_612 : i1 to vector<16xi1>
      %reduce_sum3A_614 = tpu.scan <sum>, %parallel_loop3A_611 masked %reduce_sum3A_613 : vector<16xi32>, vector<16xi1> -> vector<16xi32>
      %reduce_sum3A_615 = vector.extract %reduce_sum3A_614[15] : i32 from vector<16xi32>
      %ge3A = arith.constant 64 : i32
      %ge3A_616 = arith.cmpi sge, %reduce_sum3A_615, %ge3A : i32
      %select_n3A_617 = arith.select %ge3A_616, %or3A, %while3A_604 : i32
      scf.yield %select_n3A_617 : i32
    }
    %while3A_385 = arith.constant 1 : i32
    %while3A_386 = scf.for %while3A_603 = %while3A_382 to %while3A_378 step %while3A_385 iter_args(%while3A_604 = %while3A_384) -> (i32)  : i32 {
      %sub3A_605 = arith.constant 1 : i32
      %sub3A_606 = arith.subi %min3A_374, %sub3A_605 : i32
      %sub3A_607 = arith.subi %sub3A_606, %while3A_603 : i32
      %shift_left3A = arith.constant 1 : i32
      %shift_left3A_608 = arith.shli %shift_left3A, %sub3A_607 : i32
      %or3A = arith.ori %while3A_604, %shift_left3A_608 : i32
      %parallel_loop3A_609 = arith.constant 0 : i32
      %parallel_loop3A_610 = arith.constant 1 : i32
      %parallel_loop3A_611 = scf.for %parallel_loop3A_618 = %parallel_loop3A_609 to %select_n3A_353 step %parallel_loop3A_610 iter_args(%parallel_loop3A_619 = %broadcast_in_dim3A_1) -> (vector<16xi32>)  : i32 {
        %parallel_loop3A_620 = arith.constant 16 : i32
        %parallel_loop3A_621 = arith.muli %parallel_loop3A_618, %parallel_loop3A_620 : i32
        %parallel_loop3A_622 = tpu.assume_multiple %parallel_loop3A_621, 8 : i32
        %parallel_loop3A_623 = arith.index_cast %parallel_loop3A_622 : i32 to index
        %parallel_loop3A_624 = tpu.vector_load %arg7[%parallel_loop3A_623] {strides = array<i32>} : memref<4096xi32, #tpu.memory_space<vmem>>, vector<16xi32>,
        %parallel_loop3A_625 = tpu.bitcast %parallel_loop3A_624 : vector<16xi32> -> vector<16xi32>
        %parallel_loop3A_626 = vector.broadcast %or3A : i32 to vector<16xi32>
        %parallel_loop3A_627 = arith.cmpi uge, %parallel_loop3A_625, %parallel_loop3A_626 : vector<16xi32>
        %parallel_loop3A_628 = arith.extui %parallel_loop3A_627 : vector<16xi1> to vector<16xi32>
        %parallel_loop3A_629 = arith.addi %parallel_loop3A_619, %parallel_loop3A_628 : vector<16xi32>
        scf.yield %parallel_loop3A_629 : vector<16xi32>
      } {sc.loop_unroll_factor = 2 : i64, sc.parallel_access}
      %reduce_sum3A_612 = arith.constant true
      %reduce_sum3A_613 = vector.broadcast %reduce_sum3A_612 : i1 to vector<16xi1>
      %reduce_sum3A_614 = tpu.scan <sum>, %parallel_loop3A_611 masked %reduce_sum3A_613 : vector<16xi32>, vector<16xi1> -> vector<16xi32>
      %reduce_sum3A_615 = vector.extract %reduce_sum3A_614[15] : i32 from vector<16xi32>
      %ge3A = arith.constant 64 : i32
      %ge3A_616 = arith.cmpi sge, %reduce_sum3A_615, %ge3A : i32
      %select_n3A_617 = arith.select %ge3A_616, %or3A, %while3A_604 : i32
      scf.yield %select_n3A_617 : i32
    }
    %while3A_387 = arith.constant 0 : i32
    %while3A_388 = arith.subi %select_n3A_353, %while3A_387 : i32
    %while3A_389 = arith.addi %while3A_387, %while3A_388 : i32
    %while3A_390 = arith.constant 1 : i32
    %while3A_391 = arith.divsi %while3A_388, %while3A_390 : i32
    %while3A_392 = arith.muli %while3A_391, %while3A_390 : i32
    %while3A_393 = arith.addi %while3A_387, %while3A_392 : i32
    %while3A_394 = arith.constant 1 : i32
    %while3A_395:2 = scf.for %while3A_603 = %while3A_387 to %while3A_393 step %while3A_394 iter_args(%while3A_604 = %broadcast_in_dim3A_1, %while3A_605 = %broadcast_in_dim3A_1) -> (vector<16xi32>, vector<16xi32>)  : i32 {
      %mul3A_606 = arith.constant 16 : i32
      %mul3A_607 = arith.muli %while3A_603, %mul3A_606 : i32
      %multiple_of3A = tpu.assume_multiple %mul3A_607, 8 : i32
      %get3A_608 = arith.index_cast %multiple_of3A : i32 to index
      %get3A_609 = tpu.vector_load %arg7[%get3A_608] {strides = array<i32>} : memref<4096xi32, #tpu.memory_space<vmem>>, vector<16xi32>,
      %bitcast_convert_type3A_610 = tpu.bitcast %get3A_609 : vector<16xi32> -> vector<16xi32>
      %ge3A = vector.broadcast %while3A_386 : i32 to vector<16xi32>
      %ge3A_611 = arith.cmpi uge, %bitcast_convert_type3A_610, %ge3A : vector<16xi32>
      %convert_element_type3A_612 = arith.extui %ge3A_611 : vector<16xi1> to vector<16xi32>
      %add3A_613 = arith.addi %while3A_604, %convert_element_type3A_612 : vector<16xi32>
      %gt3A = vector.broadcast %while3A_386 : i32 to vector<16xi32>
      %gt3A_614 = arith.cmpi ugt, %bitcast_convert_type3A_610, %gt3A : vector<16xi32>
      %convert_element_type3A_615 = arith.extui %gt3A_614 : vector<16xi1> to vector<16xi32>
      %add3A_616 = arith.addi %while3A_605, %convert_element_type3A_615 : vector<16xi32>
      scf.yield %add3A_613, %add3A_616 : vector<16xi32>, vector<16xi32>
    }
    %while3A_396 = arith.constant 1 : i32
    %while3A_397:2 = scf.for %while3A_603 = %while3A_393 to %while3A_389 step %while3A_396 iter_args(%while3A_604 = %while3A_395#0, %while3A_605 = %while3A_395#1) -> (vector<16xi32>, vector<16xi32>)  : i32 {
      %mul3A_606 = arith.constant 16 : i32
      %mul3A_607 = arith.muli %while3A_603, %mul3A_606 : i32
      %multiple_of3A = tpu.assume_multiple %mul3A_607, 8 : i32
      %get3A_608 = arith.index_cast %multiple_of3A : i32 to index
      %get3A_609 = tpu.vector_load %arg7[%get3A_608] {strides = array<i32>} : memref<4096xi32, #tpu.memory_space<vmem>>, vector<16xi32>,
      %bitcast_convert_type3A_610 = tpu.bitcast %get3A_609 : vector<16xi32> -> vector<16xi32>
      %ge3A = vector.broadcast %while3A_386 : i32 to vector<16xi32>
      %ge3A_611 = arith.cmpi uge, %bitcast_convert_type3A_610, %ge3A : vector<16xi32>
      %convert_element_type3A_612 = arith.extui %ge3A_611 : vector<16xi1> to vector<16xi32>
      %add3A_613 = arith.addi %while3A_604, %convert_element_type3A_612 : vector<16xi32>
      %gt3A = vector.broadcast %while3A_386 : i32 to vector<16xi32>
      %gt3A_614 = arith.cmpi ugt, %bitcast_convert_type3A_610, %gt3A : vector<16xi32>
      %convert_element_type3A_615 = arith.extui %gt3A_614 : vector<16xi1> to vector<16xi32>
      %add3A_616 = arith.addi %while3A_605, %convert_element_type3A_615 : vector<16xi32>
      scf.yield %add3A_613, %add3A_616 : vector<16xi32>, vector<16xi32>
    }
    %reduce_sum3A_398 = arith.constant true
    %reduce_sum3A_399 = vector.broadcast %reduce_sum3A_398 : i1 to vector<16xi1>
    %reduce_sum3A_400 = tpu.scan <sum>, %while3A_397#0 masked %reduce_sum3A_399 : vector<16xi32>, vector<16xi1> -> vector<16xi32>
    %reduce_sum3A_401 = vector.extract %reduce_sum3A_400[15] : i32 from vector<16xi32>
    %reduce_sum3A_402 = arith.constant true
    %reduce_sum3A_403 = vector.broadcast %reduce_sum3A_402 : i1 to vector<16xi1>
    %reduce_sum3A_404 = tpu.scan <sum>, %while3A_397#1 masked %reduce_sum3A_403 : vector<16xi32>, vector<16xi1> -> vector<16xi32>
    %reduce_sum3A_405 = vector.extract %reduce_sum3A_404[15] : i32 from vector<16xi32>
    %sub3A_406 = arith.constant 64 : i32
    %sub3A_407 = arith.subi %sub3A_406, %reduce_sum3A_405 : i32
    %eq3A_408 = arith.constant 64 : i32
    %eq3A_409 = arith.cmpi eq, %reduce_sum3A_401, %eq3A_408 : i32
    %convert_element_type3A_410 = arith.extui %eq3A_409 : i1 to i32
    %cond3A_411 = arith.constant 0 : i32
    %cond3A_412 = arith.constant 0 : i32
    %cond3A_413 = arith.cmpi ne, %convert_element_type3A_410, %cond3A_412 : i32
    %cond3A_414 = scf.if %cond3A_413 -> (i32) {
      %cond3A_603 = arith.constant 32767 : i32
      scf.yield %cond3A_603 : i32
    } else {
      %scan3A = arith.constant 0 : i32
      %scan3A_603 = arith.constant 0 : i32
      %scan3A_604 = arith.constant 15 : i32
      %scan3A_605 = arith.addi %scan3A_603, %scan3A_604 : i32
      %scan3A_606 = arith.constant 1 : i32
      %scan3A_607 = scf.for %scan3A_609 = %scan3A_603 to %scan3A_605 step %scan3A_606 iter_args(%scan3A_610 = %scan3A) -> (i32)  : i32 {
        %sub3A_611 = arith.constant 14 : i32
        %sub3A_612 = arith.subi %sub3A_611, %scan3A_609 : i32
        %shift_left3A = arith.constant 1 : i32
        %shift_left3A_613 = arith.shli %shift_left3A, %sub3A_612 : i32
        %or3A = arith.ori %scan3A_610, %shift_left3A_613 : i32
        %while3A_614 = arith.constant 0 : i32
        %while3A_615 = arith.subi %select_n3A_353, %while3A_614 : i32
        %while3A_616 = arith.addi %while3A_614, %while3A_615 : i32
        %while3A_617 = arith.constant 1 : i32
        %while3A_618 = arith.divsi %while3A_615, %while3A_617 : i32
        %while3A_619 = arith.muli %while3A_618, %while3A_617 : i32
        %while3A_620 = arith.addi %while3A_614, %while3A_619 : i32
        %while3A_621 = arith.constant 1 : i32
        %while3A_622 = scf.for %while3A_631 = %while3A_614 to %while3A_620 step %while3A_621 iter_args(%while3A_632 = %broadcast_in_dim3A_1) -> (vector<16xi32>)  : i32 {
          %mul3A_633 = arith.constant 16 : i32
          %mul3A_634 = arith.muli %while3A_631, %mul3A_633 : i32
          %multiple_of3A = tpu.assume_multiple %mul3A_634, 8 : i32
          %get3A_635 = arith.index_cast %multiple_of3A : i32 to index
          %get3A_636 = tpu.vector_load %arg7[%get3A_635] {strides = array<i32>} : memref<4096xi32, #tpu.memory_space<vmem>>, vector<16xi32>,
          %bitcast_convert_type3A_637 = tpu.bitcast %get3A_636 : vector<16xi32> -> vector<16xi32>
          %get3A_638 = arith.index_cast %multiple_of3A : i32 to index
          %get3A_639 = tpu.vector_load %arg8[%get3A_638] {strides = array<i32>} : memref<4096xi32, #tpu.memory_space<vmem>>, vector<16xi32>,
          %eq3A_640 = vector.broadcast %while3A_386 : i32 to vector<16xi32>
          %eq3A_641 = arith.cmpi eq, %bitcast_convert_type3A_637, %eq3A_640 : vector<16xi32>
          %lt3A_642 = vector.broadcast %or3A : i32 to vector<16xi32>
          %lt3A_643 = arith.cmpi slt, %get3A_639, %lt3A_642 : vector<16xi32>
          %and3A_644 = arith.andi %eq3A_641, %lt3A_643 : vector<16xi1>
          %convert_element_type3A_645 = arith.extui %and3A_644 : vector<16xi1> to vector<16xi32>
          %add3A_646 = arith.addi %while3A_632, %convert_element_type3A_645 : vector<16xi32>
          scf.yield %add3A_646 : vector<16xi32>
        }
        %while3A_623 = arith.constant 1 : i32
        %while3A_624 = scf.for %while3A_631 = %while3A_620 to %while3A_616 step %while3A_623 iter_args(%while3A_632 = %while3A_622) -> (vector<16xi32>)  : i32 {
          %mul3A_633 = arith.constant 16 : i32
          %mul3A_634 = arith.muli %while3A_631, %mul3A_633 : i32
          %multiple_of3A = tpu.assume_multiple %mul3A_634, 8 : i32
          %get3A_635 = arith.index_cast %multiple_of3A : i32 to index
          %get3A_636 = tpu.vector_load %arg7[%get3A_635] {strides = array<i32>} : memref<4096xi32, #tpu.memory_space<vmem>>, vector<16xi32>,
          %bitcast_convert_type3A_637 = tpu.bitcast %get3A_636 : vector<16xi32> -> vector<16xi32>
          %get3A_638 = arith.index_cast %multiple_of3A : i32 to index
          %get3A_639 = tpu.vector_load %arg8[%get3A_638] {strides = array<i32>} : memref<4096xi32, #tpu.memory_space<vmem>>, vector<16xi32>,
          %eq3A_640 = vector.broadcast %while3A_386 : i32 to vector<16xi32>
          %eq3A_641 = arith.cmpi eq, %bitcast_convert_type3A_637, %eq3A_640 : vector<16xi32>
          %lt3A_642 = vector.broadcast %or3A : i32 to vector<16xi32>
          %lt3A_643 = arith.cmpi slt, %get3A_639, %lt3A_642 : vector<16xi32>
          %and3A_644 = arith.andi %eq3A_641, %lt3A_643 : vector<16xi1>
          %convert_element_type3A_645 = arith.extui %and3A_644 : vector<16xi1> to vector<16xi32>
          %add3A_646 = arith.addi %while3A_632, %convert_element_type3A_645 : vector<16xi32>
          scf.yield %add3A_646 : vector<16xi32>
        }
        %reduce_sum3A_625 = arith.constant true
        %reduce_sum3A_626 = vector.broadcast %reduce_sum3A_625 : i1 to vector<16xi1>
        %reduce_sum3A_627 = tpu.scan <sum>, %while3A_624 masked %reduce_sum3A_626 : vector<16xi32>, vector<16xi1> -> vector<16xi32>
        %reduce_sum3A_628 = vector.extract %reduce_sum3A_627[15] : i32 from vector<16xi32>
        %lt3A_629 = arith.cmpi slt, %reduce_sum3A_628, %sub3A_407 : i32
        %select_n3A_630 = arith.select %lt3A_629, %or3A, %scan3A_610 : i32
        scf.yield %select_n3A_630 : i32
      }
      %scan3A_608 = arith.constant 15 : i32
      scf.yield %scan3A_607 : i32
    }
    %dma_wait3A_415 = arith.constant 0 : i32
    %dma_wait3A_416 = tpu.memref_slice %arg3[%add3A_279, %dma_wait3A_415] : memref<128x32768xf32, #tpu.memory_space<hbm>> -> memref<1x32768xf32, #tpu.memory_space<hbm>>
    %dma_wait3A_417 = tpu.memref_squeeze %dma_wait3A_416 : memref<1x32768xf32, #tpu.memory_space<hbm>> -> memref<32768xf32, #tpu.memory_space<hbm>>
    %dma_wait3A_418 = arith.constant 0 : i32
    %dma_wait3A_419 = tpu.memref_slice %arg3[%add3A_279, %dma_wait3A_418] : memref<128x32768xf32, #tpu.memory_space<hbm>> -> memref<1x32768xf32, #tpu.memory_space<hbm>>
    %dma_wait3A_420 = tpu.memref_squeeze %dma_wait3A_419 : memref<1x32768xf32, #tpu.memory_space<hbm>> -> memref<32768xf32, #tpu.memory_space<hbm>>
    tpu.wait_dma2 semaphore(%arg13 : memref<!tpu.dma_semaphore, #tpu.memory_space<semaphore_mem>>) src(%arg6 : memref<32768xf32, #tpu.memory_space<vmem>>) dst(%dma_wait3A_420 : memref<32768xf32, #tpu.memory_space<hbm>>)
    %get3A_421 = arith.constant 0 : index
    %get3A_422 = tpu.vector_load %arg10[%get3A_421] {strides = array<i32>} : memref<64xi32, #tpu.memory_space<vmem>>, vector<16xi32>,
    tpu.vector_store_idx %arg6[%get3A_422], %broadcast_in_dim3A_3 : memref<32768xf32, #tpu.memory_space<vmem>>[vector<16xi32>], vector<16xf32>,
    %get3A_423 = arith.constant 16 : index
    %get3A_424 = tpu.vector_load %arg10[%get3A_423] {strides = array<i32>} : memref<64xi32, #tpu.memory_space<vmem>>, vector<16xi32>,
    tpu.vector_store_idx %arg6[%get3A_424], %broadcast_in_dim3A_3 : memref<32768xf32, #tpu.memory_space<vmem>>[vector<16xi32>], vector<16xf32>,
    %get3A_425 = arith.constant 32 : index
    %get3A_426 = tpu.vector_load %arg10[%get3A_425] {strides = array<i32>} : memref<64xi32, #tpu.memory_space<vmem>>, vector<16xi32>,
    tpu.vector_store_idx %arg6[%get3A_426], %broadcast_in_dim3A_3 : memref<32768xf32, #tpu.memory_space<vmem>>[vector<16xi32>], vector<16xf32>,
    %get3A_427 = arith.constant 48 : index
    %get3A_428 = tpu.vector_load %arg10[%get3A_427] {strides = array<i32>} : memref<64xi32, #tpu.memory_space<vmem>>, vector<16xi32>,
    tpu.vector_store_idx %arg6[%get3A_428], %broadcast_in_dim3A_3 : memref<32768xf32, #tpu.memory_space<vmem>>[vector<16xi32>], vector<16xf32>,
    %parallel_loop3A_429 = arith.constant 0 : i32
    %parallel_loop3A_430 = arith.constant 1 : i32
    %parallel_loop3A_431 = scf.for %parallel_loop3A_603 = %parallel_loop3A_429 to %select_n3A_353 step %parallel_loop3A_430 iter_args(%parallel_loop3A_604 = %broadcast_in_dim3A_5) -> (vector<16xi32>)  : i32 {
      %parallel_loop3A_605 = arith.constant 16 : i32
      %parallel_loop3A_606 = arith.muli %parallel_loop3A_603, %parallel_loop3A_605 : i32
      %parallel_loop3A_607 = tpu.assume_multiple %parallel_loop3A_606, 8 : i32
      %parallel_loop3A_608 = arith.index_cast %parallel_loop3A_607 : i32 to index
      %parallel_loop3A_609 = tpu.vector_load %arg7[%parallel_loop3A_608] {strides = array<i32>} : memref<4096xi32, #tpu.memory_space<vmem>>, vector<16xi32>,
      %parallel_loop3A_610 = tpu.bitcast %parallel_loop3A_609 : vector<16xi32> -> vector<16xi32>
      %parallel_loop3A_611 = arith.index_cast %parallel_loop3A_607 : i32 to index
      %parallel_loop3A_612 = tpu.vector_load %arg8[%parallel_loop3A_611] {strides = array<i32>} : memref<4096xi32, #tpu.memory_space<vmem>>, vector<16xi32>,
      %parallel_loop3A_613 = vector.broadcast %while3A_386 : i32 to vector<16xi32>
      %parallel_loop3A_614 = arith.cmpi ugt, %parallel_loop3A_610, %parallel_loop3A_613 : vector<16xi32>
      %parallel_loop3A_615 = vector.broadcast %while3A_386 : i32 to vector<16xi32>
      %parallel_loop3A_616 = arith.cmpi eq, %parallel_loop3A_610, %parallel_loop3A_615 : vector<16xi32>
      %parallel_loop3A_617 = vector.broadcast %cond3A_414 : i32 to vector<16xi32>
      %parallel_loop3A_618 = arith.cmpi sle, %parallel_loop3A_612, %parallel_loop3A_617 : vector<16xi32>
      %parallel_loop3A_619 = arith.andi %parallel_loop3A_616, %parallel_loop3A_618 : vector<16xi1>
      %parallel_loop3A_620 = arith.ori %parallel_loop3A_614, %parallel_loop3A_619 : vector<16xi1>
      %parallel_loop3A_621 = arith.extui %parallel_loop3A_620 : vector<16xi1> to vector<16xi32>
      %parallel_loop3A_622 = arith.constant true
      %parallel_loop3A_623 = vector.broadcast %parallel_loop3A_622 : i1 to vector<16xi1>
      %parallel_loop3A_624 = tpu.scan <sum>, %parallel_loop3A_621 masked %parallel_loop3A_623 : vector<16xi32>, vector<16xi1> -> vector<16xi32>
      %parallel_loop3A_625 = arith.addi %parallel_loop3A_604, %parallel_loop3A_624 : vector<16xi32>
      %parallel_loop3A_626 = arith.constant 64 : i32
      %parallel_loop3A_627 = vector.broadcast %parallel_loop3A_626 : i32 to vector<16xi32>
      %parallel_loop3A_628 = arith.cmpi slt, %parallel_loop3A_625, %parallel_loop3A_627 : vector<16xi32>
      %parallel_loop3A_629 = arith.andi %parallel_loop3A_620, %parallel_loop3A_628 : vector<16xi1>
      %parallel_loop3A_630 = arith.constant 0 : i32
      %parallel_loop3A_631 = vector.broadcast %parallel_loop3A_630 : i32 to vector<16xi32>
      %parallel_loop3A_632 = arith.select %parallel_loop3A_629, %parallel_loop3A_612, %parallel_loop3A_631 : vector<16xi1>, vector<16xi32>
      %parallel_loop3A_633 = tpu.vector_load_idx %arg4[%parallel_loop3A_632] : memref<32768xf32, #tpu.memory_space<vmem>>[vector<16xi32>], vector<16xf32>,
      tpu.vector_store_idx %arg6[%parallel_loop3A_612], %parallel_loop3A_633 masked %parallel_loop3A_629 : memref<32768xf32, #tpu.memory_space<vmem>>[vector<16xi32>], vector<16xf32>, vector<16xi1>
      tpu.vector_store_idx %arg9[%parallel_loop3A_625], %parallel_loop3A_612 masked %parallel_loop3A_629 : memref<64xi32, #tpu.memory_space<vmem>>[vector<16xi32>], vector<16xi32>, vector<16xi1>
      %parallel_loop3A_634 = tpu.all_reduce %parallel_loop3A_620 {dim = 0 : i64, kind = #tpu.reduction_kind<sum>} : vector<16xi1> -> vector<16xi32>
      %parallel_loop3A_635 = arith.addi %parallel_loop3A_604, %parallel_loop3A_634 : vector<16xi32>
      scf.yield %parallel_loop3A_635 : vector<16xi32>
    } {sc.loop_unroll_factor = 2 : i64, sc.parallel_access}
    %mul3A_432 = arith.constant 4 : i32
    %mul3A_433 = arith.muli %add3A, %mul3A_432 : i32
    %add3A_434 = arith.constant 2 : i32
    %add3A_435 = arith.addi %mul3A_433, %add3A_434 : i32
    %dma_start3A_436 = arith.constant 0 : i32
    %dma_start3A_437 = tpu.memref_slice %arg3[%add3A_435, %dma_start3A_436] : memref<128x32768xf32, #tpu.memory_space<hbm>> -> memref<1x32768xf32, #tpu.memory_space<hbm>>
    %dma_start3A_438 = tpu.memref_squeeze %dma_start3A_437 : memref<1x32768xf32, #tpu.memory_space<hbm>> -> memref<32768xf32, #tpu.memory_space<hbm>>
    %dma_start3A_439 = arith.constant 0 : i32
    %dma_start3A_440 = tpu.memref_slice %arg3[%add3A_435, %dma_start3A_439] : memref<128x32768xf32, #tpu.memory_space<hbm>> -> memref<1x32768xf32, #tpu.memory_space<hbm>>
    %dma_start3A_441 = tpu.memref_squeeze %dma_start3A_440 : memref<1x32768xf32, #tpu.memory_space<hbm>> -> memref<32768xf32, #tpu.memory_space<hbm>>
    tpu.enqueue_dma source(%arg6 : memref<32768xf32, #tpu.memory_space<vmem>>) target(%dma_start3A_441 : memref<32768xf32, #tpu.memory_space<hbm>>) target_semaphore(%arg13 : memref<!tpu.dma_semaphore, #tpu.memory_space<semaphore_mem>>)
    %bitcast_convert_type3A_442 = arith.bitcast %while3A_315#0 : i32 to i32
    %add3A_443 = arith.addi %bitcast_convert_type3A_442, %while3A_386 : i32
    %bitcast_convert_type3A_444 = arith.bitcast %add3A_443 : i32 to i32
    %lt3A_445 = arith.constant -2145386496 : i32
    %lt3A_446 = arith.cmpi slt, %bitcast_convert_type3A_444, %lt3A_445 : i32
    %sub3A_447 = arith.constant 2097152 : i32
    %sub3A_448 = arith.subi %bitcast_convert_type3A_444, %sub3A_447 : i32
    %jit3A_449 = arith.constant -2147483648 : i32
    %select_n3A_450 = arith.select %lt3A_446, %jit3A_449, %sub3A_448 : i32
    %dma_wait3A_451 = arith.constant 0 : i32
    %dma_wait3A_452 = tpu.memref_slice %arg2[%add3A_298, %dma_wait3A_451] : memref<128x32768xf32, #tpu.memory_space<hbm>> -> memref<1x32768xf32, #tpu.memory_space<hbm>>
    %dma_wait3A_453 = tpu.memref_squeeze %dma_wait3A_452 : memref<1x32768xf32, #tpu.memory_space<hbm>> -> memref<32768xf32, #tpu.memory_space<hbm>>
    %dma_wait3A_454 = arith.constant 0 : i32
    %dma_wait3A_455 = tpu.memref_slice %arg2[%add3A_298, %dma_wait3A_454] : memref<128x32768xf32, #tpu.memory_space<hbm>> -> memref<1x32768xf32, #tpu.memory_space<hbm>>
    %dma_wait3A_456 = tpu.memref_squeeze %dma_wait3A_455 : memref<1x32768xf32, #tpu.memory_space<hbm>> -> memref<32768xf32, #tpu.memory_space<hbm>>
    tpu.wait_dma2 semaphore(%arg12 : memref<!tpu.dma_semaphore, #tpu.memory_space<semaphore_mem>>) src(%dma_wait3A_456 : memref<32768xf32, #tpu.memory_space<hbm>>) dst(%arg5 : memref<32768xf32, #tpu.memory_space<vmem>>)
    %while3A_457 = arith.constant -2147483648 : i32
    %while3A_458 = arith.constant 2147483647 : i32
    %while3A_459 = arith.constant -1 : i32
    %while3A_460 = arith.constant false
    %while3A_461:5 = scf.while (%while3A_603 = %select_n3A_450, %while3A_604 = %while3A_457, %while3A_605 = %while3A_458, %while3A_606 = %while3A_459, %while3A_607 = %while3A_460) : (i32, i32, i32, i32, i1) -> (i32, i32, i32, i32, i1) {
      %lt3A_608 = arith.constant 64 : i32
      %lt3A_609 = arith.cmpi slt, %while3A_606, %lt3A_608 : i32
      %gt3A = arith.constant 4096 : i32
      %gt3A_610 = arith.cmpi sgt, %while3A_606, %gt3A : i32
      %or3A = arith.ori %lt3A_609, %gt3A_610 : i1
      %not3A = arith.constant true
      %not3A_611 = arith.xori %while3A_607, %not3A : i1
      %and3A_612 = arith.andi %or3A, %not3A_611 : i1
      scf.condition(%and3A_612) %while3A_603, %while3A_604, %while3A_605, %while3A_606, %while3A_607 : i32, i32, i32, i32, i1
    } do {
    ^bb0(%while3A_603: i32, %while3A_604: i32, %while3A_605: i32, %while3A_606: i32, %while3A_607: i1):
      %ge3A = arith.constant 0 : i32
      %ge3A_608 = arith.cmpi sge, %while3A_606, %ge3A : i32
      %gt3A = arith.constant 4096 : i32
      %gt3A_609 = arith.cmpi sgt, %while3A_606, %gt3A : i32
      %and3A_610 = arith.andi %ge3A_608, %gt3A_609 : i1
      %select_n3A_611 = arith.select %and3A_610, %while3A_603, %while3A_604 : i32
      %lt3A_612 = arith.constant 64 : i32
      %lt3A_613 = arith.cmpi slt, %while3A_606, %lt3A_612 : i32
      %and3A_614 = arith.andi %ge3A_608, %lt3A_613 : i1
      %select_n3A_615 = arith.select %and3A_614, %while3A_603, %while3A_605 : i32
      %bitcast_convert_type3A_616 = arith.bitcast %select_n3A_611 : i32 to i32
      %xor3A = arith.constant -2147483648 : i32
      %xor3A_617 = arith.xori %bitcast_convert_type3A_616, %xor3A : i32
      %bitcast_convert_type3A_618 = arith.bitcast %select_n3A_615 : i32 to i32
      %xor3A_619 = arith.constant -2147483648 : i32
      %xor3A_620 = arith.xori %bitcast_convert_type3A_618, %xor3A_619 : i32
      %sub3A_621 = arith.subi %xor3A_620, %xor3A_617 : i32
      %shift_right_logical3A_622 = arith.constant 1 : i32
      %shift_right_logical3A_623 = arith.shrui %sub3A_621, %shift_right_logical3A_622 : i32
      %add3A_624 = arith.addi %xor3A_617, %shift_right_logical3A_623 : i32
      %xor3A_625 = arith.constant -2147483648 : i32
      %xor3A_626 = arith.xori %add3A_624, %xor3A_625 : i32
      %bitcast_convert_type3A_627 = arith.bitcast %xor3A_626 : i32 to i32
      %sub3A_628 = arith.subi %xor3A_620, %xor3A_617 : i32
      %le3A = arith.constant 1 : i32
      %le3A_629 = arith.cmpi ule, %sub3A_628, %le3A : i32
      %and3A_630 = arith.andi %ge3A_608, %le3A_629 : i1
      %select_n3A_631 = arith.select %le3A_629, %select_n3A_611, %bitcast_convert_type3A_627 : i32
      %select_n3A_632 = arith.select %ge3A_608, %select_n3A_631, %while3A_603 : i32
      %bitcast_convert_type3A_633 = arith.bitcast %select_n3A_632 : i32 to i32
      %parallel_loop3A_634 = arith.constant 0 : i32
      %parallel_loop3A_635 = arith.constant 2048 : i32
      %parallel_loop3A_636 = arith.constant 1 : i32
      %parallel_loop3A_637:2 = scf.for %parallel_loop3A_648 = %parallel_loop3A_634 to %parallel_loop3A_635 step %parallel_loop3A_636 iter_args(%parallel_loop3A_649 = %broadcast_in_dim3A_5, %parallel_loop3A_650 = %iota3A) -> (vector<16xi32>, vector<16xi32>)  : i32 {
        %parallel_loop3A_651 = arith.constant 16 : i32
        %parallel_loop3A_652 = arith.muli %parallel_loop3A_648, %parallel_loop3A_651 : i32
        %parallel_loop3A_653 = tpu.assume_multiple %parallel_loop3A_652, 8 : i32
        %parallel_loop3A_654 = arith.index_cast %parallel_loop3A_653 : i32 to index
        %parallel_loop3A_655 = tpu.vector_load %arg5[%parallel_loop3A_654] {strides = array<i32>} : memref<32768xf32, #tpu.memory_space<vmem>>, vector<16xf32>,
        %parallel_loop3A_656 = tpu.bitcast %parallel_loop3A_655 : vector<16xf32> -> vector<16xi32>
        %parallel_loop3A_657 = arith.constant 31 : i32
        %parallel_loop3A_658 = vector.broadcast %parallel_loop3A_657 : i32 to vector<16xi32>
        %parallel_loop3A_659 = arith.shrsi %parallel_loop3A_656, %parallel_loop3A_658 : vector<16xi32>
        %parallel_loop3A_660 = arith.constant 2147483647 : i32
        %parallel_loop3A_661 = vector.broadcast %parallel_loop3A_660 : i32 to vector<16xi32>
        %parallel_loop3A_662 = arith.andi %parallel_loop3A_659, %parallel_loop3A_661 : vector<16xi32>
        %parallel_loop3A_663 = arith.xori %parallel_loop3A_656, %parallel_loop3A_662 : vector<16xi32>
        %parallel_loop3A_664 = vector.broadcast %select_n3A_632 : i32 to vector<16xi32>
        %parallel_loop3A_665 = arith.cmpi sge, %parallel_loop3A_663, %parallel_loop3A_664 : vector<16xi32>
        %parallel_loop3A_666 = tpu.bitcast %parallel_loop3A_663 : vector<16xi32> -> vector<16xi32>
        %parallel_loop3A_667 = vector.broadcast %bitcast_convert_type3A_633 : i32 to vector<16xi32>
        %parallel_loop3A_668 = arith.subi %parallel_loop3A_666, %parallel_loop3A_667 : vector<16xi32>
        %parallel_loop3A_669 = arith.extui %parallel_loop3A_665 : vector<16xi1> to vector<16xi32>
        %parallel_loop3A_670 = arith.constant true
        %parallel_loop3A_671 = vector.broadcast %parallel_loop3A_670 : i1 to vector<16xi1>
        %parallel_loop3A_672 = tpu.scan <sum>, %parallel_loop3A_669 masked %parallel_loop3A_671 : vector<16xi32>, vector<16xi1> -> vector<16xi32>
        %parallel_loop3A_673 = arith.addi %parallel_loop3A_649, %parallel_loop3A_672 : vector<16xi32>
        %parallel_loop3A_674 = arith.constant 4096 : i32
        %parallel_loop3A_675 = vector.broadcast %parallel_loop3A_674 : i32 to vector<16xi32>
        %parallel_loop3A_676 = arith.cmpi slt, %parallel_loop3A_673, %parallel_loop3A_675 : vector<16xi32>
        %parallel_loop3A_677 = arith.andi %parallel_loop3A_665, %parallel_loop3A_676 : vector<16xi1>
        %parallel_loop3A_678 = tpu.bitcast %parallel_loop3A_668 : vector<16xi32> -> vector<16xi32>
        tpu.vector_store_idx %arg7[%parallel_loop3A_673], %parallel_loop3A_678 masked %parallel_loop3A_677 : memref<4096xi32, #tpu.memory_space<vmem>>[vector<16xi32>], vector<16xi32>, vector<16xi1>
        tpu.vector_store_idx %arg8[%parallel_loop3A_673], %parallel_loop3A_650 masked %parallel_loop3A_677 : memref<4096xi32, #tpu.memory_space<vmem>>[vector<16xi32>], vector<16xi32>, vector<16xi1>
        %parallel_loop3A_679 = tpu.all_reduce %parallel_loop3A_665 {dim = 0 : i64, kind = #tpu.reduction_kind<sum>} : vector<16xi1> -> vector<16xi32>
        %parallel_loop3A_680 = arith.addi %parallel_loop3A_649, %parallel_loop3A_679 : vector<16xi32>
        %parallel_loop3A_681 = arith.constant 16 : i32
        %parallel_loop3A_682 = vector.broadcast %parallel_loop3A_681 : i32 to vector<16xi32>
        %parallel_loop3A_683 = arith.addi %parallel_loop3A_650, %parallel_loop3A_682 : vector<16xi32>
        scf.yield %parallel_loop3A_680, %parallel_loop3A_683 : vector<16xi32>, vector<16xi32>
      } {sc.loop_unroll_factor = 8 : i64, sc.parallel_access}
      %reduce_max3A_638 = arith.constant true
      %reduce_max3A_639 = vector.broadcast %reduce_max3A_638 : i1 to vector<16xi1>
      %reduce_max3A_640 = arith.constant -2147483648 : i32
      %reduce_max3A_641 = vector.broadcast %reduce_max3A_640 : i32 to vector<16xi32>
      %reduce_max3A_642 = arith.xori %parallel_loop3A_637#0, %reduce_max3A_641 : vector<16xi32>
      %reduce_max3A_643 = tpu.scan <max>, %reduce_max3A_642 masked %reduce_max3A_639 : vector<16xi32>, vector<16xi1> -> vector<16xi32>
      %reduce_max3A_644 = arith.xori %reduce_max3A_643, %reduce_max3A_641 : vector<16xi32>
      %reduce_max3A_645 = vector.extract %reduce_max3A_644[15] : i32 from vector<16xi32>
      %add3A_646 = arith.constant 1 : i32
      %add3A_647 = arith.addi %reduce_max3A_645, %add3A_646 : i32
      scf.yield %select_n3A_632, %select_n3A_611, %select_n3A_615, %add3A_647, %and3A_630 : i32, i32, i32, i32, i1
    }
    %min3A_462 = arith.constant 4096 : i32
    %min3A_463 = arith.minsi %while3A_461#3, %min3A_462 : i32
    %add3A_464 = vector.broadcast %min3A_463 : i32 to vector<16xi32>
    %add3A_465 = arith.addi %add3A_464, %iota3A : vector<16xi32>
    %lt3A_466 = arith.constant 4096 : i32
    %lt3A_467 = vector.broadcast %lt3A_466 : i32 to vector<16xi32>
    %lt3A_468 = arith.cmpi slt, %add3A_465, %lt3A_467 : vector<16xi32>
    %min3A_469 = arith.constant 4095 : i32
    %min3A_470 = vector.broadcast %min3A_469 : i32 to vector<16xi32>
    %min3A_471 = arith.minsi %add3A_465, %min3A_470 : vector<16xi32>
    tpu.vector_store_idx %arg7[%min3A_471], %broadcast_in_dim3A_1 masked %lt3A_468 : memref<4096xi32, #tpu.memory_space<vmem>>[vector<16xi32>], vector<16xi32>, vector<16xi1>
    %broadcast_in_dim3A_472 = arith.constant 32768 : i32
    %broadcast_in_dim3A_473 = vector.broadcast %broadcast_in_dim3A_472 : i32 to vector<16xi32>
    tpu.vector_store_idx %arg8[%min3A_471], %broadcast_in_dim3A_473 masked %lt3A_468 : memref<4096xi32, #tpu.memory_space<vmem>>[vector<16xi32>], vector<16xi32>, vector<16xi1>
    %add3A_474 = arith.constant 15 : i32
    %add3A_475 = arith.addi %min3A_463, %add3A_474 : i32
    %jit3A_476 = arith.constant 16 : i32
    %div3A_477 = arith.divsi %add3A_475, %jit3A_476 : i32
    %sign3A_478 = arith.constant 0 : i32
    %sign3A_479 = arith.cmpi sgt, %add3A_475, %sign3A_478 : i32
    %sign3A_480 = arith.extui %sign3A_479 : i1 to i32
    %sign3A_481 = arith.constant 0 : i32
    %sign3A_482 = arith.cmpi slt, %add3A_475, %sign3A_481 : i32
    %sign3A_483 = arith.extui %sign3A_482 : i1 to i32
    %sign3A_484 = arith.subi %sign3A_480, %sign3A_483 : i32
    %sign3A_485 = arith.constant 0 : i32
    %sign3A_486 = arith.cmpi sgt, %jit3A_476, %sign3A_485 : i32
    %sign3A_487 = arith.extui %sign3A_486 : i1 to i32
    %sign3A_488 = arith.constant 0 : i32
    %sign3A_489 = arith.cmpi slt, %jit3A_476, %sign3A_488 : i32
    %sign3A_490 = arith.extui %sign3A_489 : i1 to i32
    %sign3A_491 = arith.subi %sign3A_487, %sign3A_490 : i32
    %ne3A_492 = arith.cmpi ne, %sign3A_484, %sign3A_491 : i32
    %rem3A_493 = arith.remsi %add3A_475, %jit3A_476 : i32
    %ne3A_494 = arith.constant 0 : i32
    %ne3A_495 = arith.cmpi ne, %rem3A_493, %ne3A_494 : i32
    %and3A_496 = arith.andi %ne3A_492, %ne3A_495 : i1
    %sub3A_497 = arith.constant 1 : i32
    %sub3A_498 = arith.subi %div3A_477, %sub3A_497 : i32
    %select_n3A_499 = arith.select %and3A_496, %sub3A_498, %div3A_477 : i32
    %parallel_loop3A_500 = arith.constant 0 : i32
    %parallel_loop3A_501 = arith.constant 1 : i32
    %parallel_loop3A_502 = scf.for %parallel_loop3A_603 = %parallel_loop3A_500 to %select_n3A_499 step %parallel_loop3A_501 iter_args(%parallel_loop3A_604 = %broadcast_in_dim3A_1) -> (vector<16xi32>)  : i32 {
      %parallel_loop3A_605 = arith.constant 16 : i32
      %parallel_loop3A_606 = arith.muli %parallel_loop3A_603, %parallel_loop3A_605 : i32
      %parallel_loop3A_607 = tpu.assume_multiple %parallel_loop3A_606, 8 : i32
      %parallel_loop3A_608 = arith.index_cast %parallel_loop3A_607 : i32 to index
      %parallel_loop3A_609 = tpu.vector_load %arg7[%parallel_loop3A_608] {strides = array<i32>} : memref<4096xi32, #tpu.memory_space<vmem>>, vector<16xi32>,
      %parallel_loop3A_610 = tpu.bitcast %parallel_loop3A_609 : vector<16xi32> -> vector<16xi32>
      %parallel_loop3A_611 = arith.constant 1 : i32
      %parallel_loop3A_612 = vector.broadcast %parallel_loop3A_611 : i32 to vector<16xi32>
      %parallel_loop3A_613 = arith.shrui %parallel_loop3A_610, %parallel_loop3A_612 : vector<16xi32>
      %parallel_loop3A_614 = tpu.bitcast %parallel_loop3A_613 : vector<16xi32> -> vector<16xi32>
      %parallel_loop3A_615 = arith.maxsi %parallel_loop3A_604, %parallel_loop3A_614 : vector<16xi32>
      scf.yield %parallel_loop3A_615 : vector<16xi32>
    } {sc.loop_unroll_factor = 2 : i64, sc.parallel_access}
    %reduce_max3A_503 = arith.constant true
    %reduce_max3A_504 = vector.broadcast %reduce_max3A_503 : i1 to vector<16xi1>
    %reduce_max3A_505 = arith.constant -2147483648 : i32
    %reduce_max3A_506 = vector.broadcast %reduce_max3A_505 : i32 to vector<16xi32>
    %reduce_max3A_507 = arith.xori %parallel_loop3A_502, %reduce_max3A_506 : vector<16xi32>
    %reduce_max3A_508 = tpu.scan <max>, %reduce_max3A_507 masked %reduce_max3A_504 : vector<16xi32>, vector<16xi1> -> vector<16xi32>
    %reduce_max3A_509 = arith.xori %reduce_max3A_508, %reduce_max3A_506 : vector<16xi32>
    %reduce_max3A_510 = vector.extract %reduce_max3A_509[15] : i32 from vector<16xi32>
    %convert_element_type3A_511 = arith.sitofp %reduce_max3A_510 : i32 to f32
    %bitcast_convert_type3A_512 = arith.bitcast %convert_element_type3A_511 : f32 to i32
    %shift_right_logical3A_513 = arith.constant 23 : i32
    %shift_right_logical3A_514 = arith.shrui %bitcast_convert_type3A_512, %shift_right_logical3A_513 : i32
    %sub3A_515 = arith.constant 125 : i32
    %sub3A_516 = arith.subi %shift_right_logical3A_514, %sub3A_515 : i32
    %jit3A_517 = arith.constant 1 : i32
    %jit3A_518 = arith.constant 32 : i32
    %max3A_519 = arith.maxsi %jit3A_517, %sub3A_516 : i32
    %min3A_520 = arith.minsi %jit3A_518, %max3A_519 : i32
    %while3A_521 = arith.constant 0 : i32
    %while3A_522 = arith.constant 0 : i32
    %while3A_523 = arith.subi %min3A_520, %while3A_521 : i32
    %while3A_524 = arith.addi %while3A_521, %while3A_523 : i32
    %while3A_525 = arith.constant 1 : i32
    %while3A_526 = arith.divsi %while3A_523, %while3A_525 : i32
    %while3A_527 = arith.muli %while3A_526, %while3A_525 : i32
    %while3A_528 = arith.addi %while3A_521, %while3A_527 : i32
    %while3A_529 = arith.constant 1 : i32
    %while3A_530 = scf.for %while3A_603 = %while3A_521 to %while3A_528 step %while3A_529 iter_args(%while3A_604 = %while3A_522) -> (i32)  : i32 {
      %sub3A_605 = arith.constant 1 : i32
      %sub3A_606 = arith.subi %min3A_520, %sub3A_605 : i32
      %sub3A_607 = arith.subi %sub3A_606, %while3A_603 : i32
      %shift_left3A = arith.constant 1 : i32
      %shift_left3A_608 = arith.shli %shift_left3A, %sub3A_607 : i32
      %or3A = arith.ori %while3A_604, %shift_left3A_608 : i32
      %parallel_loop3A_609 = arith.constant 0 : i32
      %parallel_loop3A_610 = arith.constant 1 : i32
      %parallel_loop3A_611 = scf.for %parallel_loop3A_618 = %parallel_loop3A_609 to %select_n3A_499 step %parallel_loop3A_610 iter_args(%parallel_loop3A_619 = %broadcast_in_dim3A_1) -> (vector<16xi32>)  : i32 {
        %parallel_loop3A_620 = arith.constant 16 : i32
        %parallel_loop3A_621 = arith.muli %parallel_loop3A_618, %parallel_loop3A_620 : i32
        %parallel_loop3A_622 = tpu.assume_multiple %parallel_loop3A_621, 8 : i32
        %parallel_loop3A_623 = arith.index_cast %parallel_loop3A_622 : i32 to index
        %parallel_loop3A_624 = tpu.vector_load %arg7[%parallel_loop3A_623] {strides = array<i32>} : memref<4096xi32, #tpu.memory_space<vmem>>, vector<16xi32>,
        %parallel_loop3A_625 = tpu.bitcast %parallel_loop3A_624 : vector<16xi32> -> vector<16xi32>
        %parallel_loop3A_626 = vector.broadcast %or3A : i32 to vector<16xi32>
        %parallel_loop3A_627 = arith.cmpi uge, %parallel_loop3A_625, %parallel_loop3A_626 : vector<16xi32>
        %parallel_loop3A_628 = arith.extui %parallel_loop3A_627 : vector<16xi1> to vector<16xi32>
        %parallel_loop3A_629 = arith.addi %parallel_loop3A_619, %parallel_loop3A_628 : vector<16xi32>
        scf.yield %parallel_loop3A_629 : vector<16xi32>
      } {sc.loop_unroll_factor = 2 : i64, sc.parallel_access}
      %reduce_sum3A_612 = arith.constant true
      %reduce_sum3A_613 = vector.broadcast %reduce_sum3A_612 : i1 to vector<16xi1>
      %reduce_sum3A_614 = tpu.scan <sum>, %parallel_loop3A_611 masked %reduce_sum3A_613 : vector<16xi32>, vector<16xi1> -> vector<16xi32>
      %reduce_sum3A_615 = vector.extract %reduce_sum3A_614[15] : i32 from vector<16xi32>
      %ge3A = arith.constant 64 : i32
      %ge3A_616 = arith.cmpi sge, %reduce_sum3A_615, %ge3A : i32
      %select_n3A_617 = arith.select %ge3A_616, %or3A, %while3A_604 : i32
      scf.yield %select_n3A_617 : i32
    }
    %while3A_531 = arith.constant 1 : i32
    %while3A_532 = scf.for %while3A_603 = %while3A_528 to %while3A_524 step %while3A_531 iter_args(%while3A_604 = %while3A_530) -> (i32)  : i32 {
      %sub3A_605 = arith.constant 1 : i32
      %sub3A_606 = arith.subi %min3A_520, %sub3A_605 : i32
      %sub3A_607 = arith.subi %sub3A_606, %while3A_603 : i32
      %shift_left3A = arith.constant 1 : i32
      %shift_left3A_608 = arith.shli %shift_left3A, %sub3A_607 : i32
      %or3A = arith.ori %while3A_604, %shift_left3A_608 : i32
      %parallel_loop3A_609 = arith.constant 0 : i32
      %parallel_loop3A_610 = arith.constant 1 : i32
      %parallel_loop3A_611 = scf.for %parallel_loop3A_618 = %parallel_loop3A_609 to %select_n3A_499 step %parallel_loop3A_610 iter_args(%parallel_loop3A_619 = %broadcast_in_dim3A_1) -> (vector<16xi32>)  : i32 {
        %parallel_loop3A_620 = arith.constant 16 : i32
        %parallel_loop3A_621 = arith.muli %parallel_loop3A_618, %parallel_loop3A_620 : i32
        %parallel_loop3A_622 = tpu.assume_multiple %parallel_loop3A_621, 8 : i32
        %parallel_loop3A_623 = arith.index_cast %parallel_loop3A_622 : i32 to index
        %parallel_loop3A_624 = tpu.vector_load %arg7[%parallel_loop3A_623] {strides = array<i32>} : memref<4096xi32, #tpu.memory_space<vmem>>, vector<16xi32>,
        %parallel_loop3A_625 = tpu.bitcast %parallel_loop3A_624 : vector<16xi32> -> vector<16xi32>
        %parallel_loop3A_626 = vector.broadcast %or3A : i32 to vector<16xi32>
        %parallel_loop3A_627 = arith.cmpi uge, %parallel_loop3A_625, %parallel_loop3A_626 : vector<16xi32>
        %parallel_loop3A_628 = arith.extui %parallel_loop3A_627 : vector<16xi1> to vector<16xi32>
        %parallel_loop3A_629 = arith.addi %parallel_loop3A_619, %parallel_loop3A_628 : vector<16xi32>
        scf.yield %parallel_loop3A_629 : vector<16xi32>
      } {sc.loop_unroll_factor = 2 : i64, sc.parallel_access}
      %reduce_sum3A_612 = arith.constant true
      %reduce_sum3A_613 = vector.broadcast %reduce_sum3A_612 : i1 to vector<16xi1>
      %reduce_sum3A_614 = tpu.scan <sum>, %parallel_loop3A_611 masked %reduce_sum3A_613 : vector<16xi32>, vector<16xi1> -> vector<16xi32>
      %reduce_sum3A_615 = vector.extract %reduce_sum3A_614[15] : i32 from vector<16xi32>
      %ge3A = arith.constant 64 : i32
      %ge3A_616 = arith.cmpi sge, %reduce_sum3A_615, %ge3A : i32
      %select_n3A_617 = arith.select %ge3A_616, %or3A, %while3A_604 : i32
      scf.yield %select_n3A_617 : i32
    }
    %while3A_533 = arith.constant 0 : i32
    %while3A_534 = arith.subi %select_n3A_499, %while3A_533 : i32
    %while3A_535 = arith.addi %while3A_533, %while3A_534 : i32
    %while3A_536 = arith.constant 1 : i32
    %while3A_537 = arith.divsi %while3A_534, %while3A_536 : i32
    %while3A_538 = arith.muli %while3A_537, %while3A_536 : i32
    %while3A_539 = arith.addi %while3A_533, %while3A_538 : i32
    %while3A_540 = arith.constant 1 : i32
    %while3A_541:2 = scf.for %while3A_603 = %while3A_533 to %while3A_539 step %while3A_540 iter_args(%while3A_604 = %broadcast_in_dim3A_1, %while3A_605 = %broadcast_in_dim3A_1) -> (vector<16xi32>, vector<16xi32>)  : i32 {
      %mul3A_606 = arith.constant 16 : i32
      %mul3A_607 = arith.muli %while3A_603, %mul3A_606 : i32
      %multiple_of3A = tpu.assume_multiple %mul3A_607, 8 : i32
      %get3A_608 = arith.index_cast %multiple_of3A : i32 to index
      %get3A_609 = tpu.vector_load %arg7[%get3A_608] {strides = array<i32>} : memref<4096xi32, #tpu.memory_space<vmem>>, vector<16xi32>,
      %bitcast_convert_type3A_610 = tpu.bitcast %get3A_609 : vector<16xi32> -> vector<16xi32>
      %ge3A = vector.broadcast %while3A_532 : i32 to vector<16xi32>
      %ge3A_611 = arith.cmpi uge, %bitcast_convert_type3A_610, %ge3A : vector<16xi32>
      %convert_element_type3A_612 = arith.extui %ge3A_611 : vector<16xi1> to vector<16xi32>
      %add3A_613 = arith.addi %while3A_604, %convert_element_type3A_612 : vector<16xi32>
      %gt3A = vector.broadcast %while3A_532 : i32 to vector<16xi32>
      %gt3A_614 = arith.cmpi ugt, %bitcast_convert_type3A_610, %gt3A : vector<16xi32>
      %convert_element_type3A_615 = arith.extui %gt3A_614 : vector<16xi1> to vector<16xi32>
      %add3A_616 = arith.addi %while3A_605, %convert_element_type3A_615 : vector<16xi32>
      scf.yield %add3A_613, %add3A_616 : vector<16xi32>, vector<16xi32>
    }
    %while3A_542 = arith.constant 1 : i32
    %while3A_543:2 = scf.for %while3A_603 = %while3A_539 to %while3A_535 step %while3A_542 iter_args(%while3A_604 = %while3A_541#0, %while3A_605 = %while3A_541#1) -> (vector<16xi32>, vector<16xi32>)  : i32 {
      %mul3A_606 = arith.constant 16 : i32
      %mul3A_607 = arith.muli %while3A_603, %mul3A_606 : i32
      %multiple_of3A = tpu.assume_multiple %mul3A_607, 8 : i32
      %get3A_608 = arith.index_cast %multiple_of3A : i32 to index
      %get3A_609 = tpu.vector_load %arg7[%get3A_608] {strides = array<i32>} : memref<4096xi32, #tpu.memory_space<vmem>>, vector<16xi32>,
      %bitcast_convert_type3A_610 = tpu.bitcast %get3A_609 : vector<16xi32> -> vector<16xi32>
      %ge3A = vector.broadcast %while3A_532 : i32 to vector<16xi32>
      %ge3A_611 = arith.cmpi uge, %bitcast_convert_type3A_610, %ge3A : vector<16xi32>
      %convert_element_type3A_612 = arith.extui %ge3A_611 : vector<16xi1> to vector<16xi32>
      %add3A_613 = arith.addi %while3A_604, %convert_element_type3A_612 : vector<16xi32>
      %gt3A = vector.broadcast %while3A_532 : i32 to vector<16xi32>
      %gt3A_614 = arith.cmpi ugt, %bitcast_convert_type3A_610, %gt3A : vector<16xi32>
      %convert_element_type3A_615 = arith.extui %gt3A_614 : vector<16xi1> to vector<16xi32>
      %add3A_616 = arith.addi %while3A_605, %convert_element_type3A_615 : vector<16xi32>
      scf.yield %add3A_613, %add3A_616 : vector<16xi32>, vector<16xi32>
    }
    %reduce_sum3A_544 = arith.constant true
    %reduce_sum3A_545 = vector.broadcast %reduce_sum3A_544 : i1 to vector<16xi1>
    %reduce_sum3A_546 = tpu.scan <sum>, %while3A_543#0 masked %reduce_sum3A_545 : vector<16xi32>, vector<16xi1> -> vector<16xi32>
    %reduce_sum3A_547 = vector.extract %reduce_sum3A_546[15] : i32 from vector<16xi32>
    %reduce_sum3A_548 = arith.constant true
    %reduce_sum3A_549 = vector.broadcast %reduce_sum3A_548 : i1 to vector<16xi1>
    %reduce_sum3A_550 = tpu.scan <sum>, %while3A_543#1 masked %reduce_sum3A_549 : vector<16xi32>, vector<16xi1> -> vector<16xi32>
    %reduce_sum3A_551 = vector.extract %reduce_sum3A_550[15] : i32 from vector<16xi32>
    %sub3A_552 = arith.constant 64 : i32
    %sub3A_553 = arith.subi %sub3A_552, %reduce_sum3A_551 : i32
    %eq3A_554 = arith.constant 64 : i32
    %eq3A_555 = arith.cmpi eq, %reduce_sum3A_547, %eq3A_554 : i32
    %convert_element_type3A_556 = arith.extui %eq3A_555 : i1 to i32
    %cond3A_557 = arith.constant 0 : i32
    %cond3A_558 = arith.constant 0 : i32
    %cond3A_559 = arith.cmpi ne, %convert_element_type3A_556, %cond3A_558 : i32
    %cond3A_560 = scf.if %cond3A_559 -> (i32) {
      %cond3A_603 = arith.constant 32767 : i32
      scf.yield %cond3A_603 : i32
    } else {
      %scan3A = arith.constant 0 : i32
      %scan3A_603 = arith.constant 0 : i32
      %scan3A_604 = arith.constant 15 : i32
      %scan3A_605 = arith.addi %scan3A_603, %scan3A_604 : i32
      %scan3A_606 = arith.constant 1 : i32
      %scan3A_607 = scf.for %scan3A_609 = %scan3A_603 to %scan3A_605 step %scan3A_606 iter_args(%scan3A_610 = %scan3A) -> (i32)  : i32 {
        %sub3A_611 = arith.constant 14 : i32
        %sub3A_612 = arith.subi %sub3A_611, %scan3A_609 : i32
        %shift_left3A = arith.constant 1 : i32
        %shift_left3A_613 = arith.shli %shift_left3A, %sub3A_612 : i32
        %or3A = arith.ori %scan3A_610, %shift_left3A_613 : i32
        %while3A_614 = arith.constant 0 : i32
        %while3A_615 = arith.subi %select_n3A_499, %while3A_614 : i32
        %while3A_616 = arith.addi %while3A_614, %while3A_615 : i32
        %while3A_617 = arith.constant 1 : i32
        %while3A_618 = arith.divsi %while3A_615, %while3A_617 : i32
        %while3A_619 = arith.muli %while3A_618, %while3A_617 : i32
        %while3A_620 = arith.addi %while3A_614, %while3A_619 : i32
        %while3A_621 = arith.constant 1 : i32
        %while3A_622 = scf.for %while3A_631 = %while3A_614 to %while3A_620 step %while3A_621 iter_args(%while3A_632 = %broadcast_in_dim3A_1) -> (vector<16xi32>)  : i32 {
          %mul3A_633 = arith.constant 16 : i32
          %mul3A_634 = arith.muli %while3A_631, %mul3A_633 : i32
          %multiple_of3A = tpu.assume_multiple %mul3A_634, 8 : i32
          %get3A_635 = arith.index_cast %multiple_of3A : i32 to index
          %get3A_636 = tpu.vector_load %arg7[%get3A_635] {strides = array<i32>} : memref<4096xi32, #tpu.memory_space<vmem>>, vector<16xi32>,
          %bitcast_convert_type3A_637 = tpu.bitcast %get3A_636 : vector<16xi32> -> vector<16xi32>
          %get3A_638 = arith.index_cast %multiple_of3A : i32 to index
          %get3A_639 = tpu.vector_load %arg8[%get3A_638] {strides = array<i32>} : memref<4096xi32, #tpu.memory_space<vmem>>, vector<16xi32>,
          %eq3A_640 = vector.broadcast %while3A_532 : i32 to vector<16xi32>
          %eq3A_641 = arith.cmpi eq, %bitcast_convert_type3A_637, %eq3A_640 : vector<16xi32>
          %lt3A_642 = vector.broadcast %or3A : i32 to vector<16xi32>
          %lt3A_643 = arith.cmpi slt, %get3A_639, %lt3A_642 : vector<16xi32>
          %and3A_644 = arith.andi %eq3A_641, %lt3A_643 : vector<16xi1>
          %convert_element_type3A_645 = arith.extui %and3A_644 : vector<16xi1> to vector<16xi32>
          %add3A_646 = arith.addi %while3A_632, %convert_element_type3A_645 : vector<16xi32>
          scf.yield %add3A_646 : vector<16xi32>
        }
        %while3A_623 = arith.constant 1 : i32
        %while3A_624 = scf.for %while3A_631 = %while3A_620 to %while3A_616 step %while3A_623 iter_args(%while3A_632 = %while3A_622) -> (vector<16xi32>)  : i32 {
          %mul3A_633 = arith.constant 16 : i32
          %mul3A_634 = arith.muli %while3A_631, %mul3A_633 : i32
          %multiple_of3A = tpu.assume_multiple %mul3A_634, 8 : i32
          %get3A_635 = arith.index_cast %multiple_of3A : i32 to index
          %get3A_636 = tpu.vector_load %arg7[%get3A_635] {strides = array<i32>} : memref<4096xi32, #tpu.memory_space<vmem>>, vector<16xi32>,
          %bitcast_convert_type3A_637 = tpu.bitcast %get3A_636 : vector<16xi32> -> vector<16xi32>
          %get3A_638 = arith.index_cast %multiple_of3A : i32 to index
          %get3A_639 = tpu.vector_load %arg8[%get3A_638] {strides = array<i32>} : memref<4096xi32, #tpu.memory_space<vmem>>, vector<16xi32>,
          %eq3A_640 = vector.broadcast %while3A_532 : i32 to vector<16xi32>
          %eq3A_641 = arith.cmpi eq, %bitcast_convert_type3A_637, %eq3A_640 : vector<16xi32>
          %lt3A_642 = vector.broadcast %or3A : i32 to vector<16xi32>
          %lt3A_643 = arith.cmpi slt, %get3A_639, %lt3A_642 : vector<16xi32>
          %and3A_644 = arith.andi %eq3A_641, %lt3A_643 : vector<16xi1>
          %convert_element_type3A_645 = arith.extui %and3A_644 : vector<16xi1> to vector<16xi32>
          %add3A_646 = arith.addi %while3A_632, %convert_element_type3A_645 : vector<16xi32>
          scf.yield %add3A_646 : vector<16xi32>
        }
        %reduce_sum3A_625 = arith.constant true
        %reduce_sum3A_626 = vector.broadcast %reduce_sum3A_625 : i1 to vector<16xi1>
        %reduce_sum3A_627 = tpu.scan <sum>, %while3A_624 masked %reduce_sum3A_626 : vector<16xi32>, vector<16xi1> -> vector<16xi32>
        %reduce_sum3A_628 = vector.extract %reduce_sum3A_627[15] : i32 from vector<16xi32>
        %lt3A_629 = arith.cmpi slt, %reduce_sum3A_628, %sub3A_553 : i32
        %select_n3A_630 = arith.select %lt3A_629, %or3A, %scan3A_610 : i32
        scf.yield %select_n3A_630 : i32
      }
      %scan3A_608 = arith.constant 15 : i32
      scf.yield %scan3A_607 : i32
    }
    %dma_wait3A_561 = arith.constant 0 : i32
    %dma_wait3A_562 = tpu.memref_slice %arg3[%add3A_435, %dma_wait3A_561] : memref<128x32768xf32, #tpu.memory_space<hbm>> -> memref<1x32768xf32, #tpu.memory_space<hbm>>
    %dma_wait3A_563 = tpu.memref_squeeze %dma_wait3A_562 : memref<1x32768xf32, #tpu.memory_space<hbm>> -> memref<32768xf32, #tpu.memory_space<hbm>>
    %dma_wait3A_564 = arith.constant 0 : i32
    %dma_wait3A_565 = tpu.memref_slice %arg3[%add3A_435, %dma_wait3A_564] : memref<128x32768xf32, #tpu.memory_space<hbm>> -> memref<1x32768xf32, #tpu.memory_space<hbm>>
    %dma_wait3A_566 = tpu.memref_squeeze %dma_wait3A_565 : memref<1x32768xf32, #tpu.memory_space<hbm>> -> memref<32768xf32, #tpu.memory_space<hbm>>
    tpu.wait_dma2 semaphore(%arg13 : memref<!tpu.dma_semaphore, #tpu.memory_space<semaphore_mem>>) src(%arg6 : memref<32768xf32, #tpu.memory_space<vmem>>) dst(%dma_wait3A_566 : memref<32768xf32, #tpu.memory_space<hbm>>)
    %get3A_567 = arith.constant 0 : index
    %get3A_568 = tpu.vector_load %arg9[%get3A_567] {strides = array<i32>} : memref<64xi32, #tpu.memory_space<vmem>>, vector<16xi32>,
    tpu.vector_store_idx %arg6[%get3A_568], %broadcast_in_dim3A_3 : memref<32768xf32, #tpu.memory_space<vmem>>[vector<16xi32>], vector<16xf32>,
    %get3A_569 = arith.constant 16 : index
    %get3A_570 = tpu.vector_load %arg9[%get3A_569] {strides = array<i32>} : memref<64xi32, #tpu.memory_space<vmem>>, vector<16xi32>,
    tpu.vector_store_idx %arg6[%get3A_570], %broadcast_in_dim3A_3 : memref<32768xf32, #tpu.memory_space<vmem>>[vector<16xi32>], vector<16xf32>,
    %get3A_571 = arith.constant 32 : index
    %get3A_572 = tpu.vector_load %arg9[%get3A_571] {strides = array<i32>} : memref<64xi32, #tpu.memory_space<vmem>>, vector<16xi32>,
    tpu.vector_store_idx %arg6[%get3A_572], %broadcast_in_dim3A_3 : memref<32768xf32, #tpu.memory_space<vmem>>[vector<16xi32>], vector<16xf32>,
    %get3A_573 = arith.constant 48 : index
    %get3A_574 = tpu.vector_load %arg9[%get3A_573] {strides = array<i32>} : memref<64xi32, #tpu.memory_space<vmem>>, vector<16xi32>,
    tpu.vector_store_idx %arg6[%get3A_574], %broadcast_in_dim3A_3 : memref<32768xf32, #tpu.memory_space<vmem>>[vector<16xi32>], vector<16xf32>,
    %parallel_loop3A_575 = arith.constant 0 : i32
    %parallel_loop3A_576 = arith.constant 1 : i32
    %parallel_loop3A_577 = scf.for %parallel_loop3A_603 = %parallel_loop3A_575 to %select_n3A_499 step %parallel_loop3A_576 iter_args(%parallel_loop3A_604 = %broadcast_in_dim3A_5) -> (vector<16xi32>)  : i32 {
      %parallel_loop3A_605 = arith.constant 16 : i32
      %parallel_loop3A_606 = arith.muli %parallel_loop3A_603, %parallel_loop3A_605 : i32
      %parallel_loop3A_607 = tpu.assume_multiple %parallel_loop3A_606, 8 : i32
      %parallel_loop3A_608 = arith.index_cast %parallel_loop3A_607 : i32 to index
      %parallel_loop3A_609 = tpu.vector_load %arg7[%parallel_loop3A_608] {strides = array<i32>} : memref<4096xi32, #tpu.memory_space<vmem>>, vector<16xi32>,
      %parallel_loop3A_610 = tpu.bitcast %parallel_loop3A_609 : vector<16xi32> -> vector<16xi32>
      %parallel_loop3A_611 = arith.index_cast %parallel_loop3A_607 : i32 to index
      %parallel_loop3A_612 = tpu.vector_load %arg8[%parallel_loop3A_611] {strides = array<i32>} : memref<4096xi32, #tpu.memory_space<vmem>>, vector<16xi32>,
      %parallel_loop3A_613 = vector.broadcast %while3A_532 : i32 to vector<16xi32>
      %parallel_loop3A_614 = arith.cmpi ugt, %parallel_loop3A_610, %parallel_loop3A_613 : vector<16xi32>
      %parallel_loop3A_615 = vector.broadcast %while3A_532 : i32 to vector<16xi32>
      %parallel_loop3A_616 = arith.cmpi eq, %parallel_loop3A_610, %parallel_loop3A_615 : vector<16xi32>
      %parallel_loop3A_617 = vector.broadcast %cond3A_560 : i32 to vector<16xi32>
      %parallel_loop3A_618 = arith.cmpi sle, %parallel_loop3A_612, %parallel_loop3A_617 : vector<16xi32>
      %parallel_loop3A_619 = arith.andi %parallel_loop3A_616, %parallel_loop3A_618 : vector<16xi1>
      %parallel_loop3A_620 = arith.ori %parallel_loop3A_614, %parallel_loop3A_619 : vector<16xi1>
      %parallel_loop3A_621 = arith.extui %parallel_loop3A_620 : vector<16xi1> to vector<16xi32>
      %parallel_loop3A_622 = arith.constant true
      %parallel_loop3A_623 = vector.broadcast %parallel_loop3A_622 : i1 to vector<16xi1>
      %parallel_loop3A_624 = tpu.scan <sum>, %parallel_loop3A_621 masked %parallel_loop3A_623 : vector<16xi32>, vector<16xi1> -> vector<16xi32>
      %parallel_loop3A_625 = arith.addi %parallel_loop3A_604, %parallel_loop3A_624 : vector<16xi32>
      %parallel_loop3A_626 = arith.constant 64 : i32
      %parallel_loop3A_627 = vector.broadcast %parallel_loop3A_626 : i32 to vector<16xi32>
      %parallel_loop3A_628 = arith.cmpi slt, %parallel_loop3A_625, %parallel_loop3A_627 : vector<16xi32>
      %parallel_loop3A_629 = arith.andi %parallel_loop3A_620, %parallel_loop3A_628 : vector<16xi1>
      %parallel_loop3A_630 = arith.constant 0 : i32
      %parallel_loop3A_631 = vector.broadcast %parallel_loop3A_630 : i32 to vector<16xi32>
      %parallel_loop3A_632 = arith.select %parallel_loop3A_629, %parallel_loop3A_612, %parallel_loop3A_631 : vector<16xi1>, vector<16xi32>
      %parallel_loop3A_633 = tpu.vector_load_idx %arg5[%parallel_loop3A_632] : memref<32768xf32, #tpu.memory_space<vmem>>[vector<16xi32>], vector<16xf32>,
      tpu.vector_store_idx %arg6[%parallel_loop3A_612], %parallel_loop3A_633 masked %parallel_loop3A_629 : memref<32768xf32, #tpu.memory_space<vmem>>[vector<16xi32>], vector<16xf32>, vector<16xi1>
      tpu.vector_store_idx %arg10[%parallel_loop3A_625], %parallel_loop3A_612 masked %parallel_loop3A_629 : memref<64xi32, #tpu.memory_space<vmem>>[vector<16xi32>], vector<16xi32>, vector<16xi1>
      %parallel_loop3A_634 = tpu.all_reduce %parallel_loop3A_620 {dim = 0 : i64, kind = #tpu.reduction_kind<sum>} : vector<16xi1> -> vector<16xi32>
      %parallel_loop3A_635 = arith.addi %parallel_loop3A_604, %parallel_loop3A_634 : vector<16xi32>
      scf.yield %parallel_loop3A_635 : vector<16xi32>
    } {sc.loop_unroll_factor = 2 : i64, sc.parallel_access}
    %mul3A_578 = arith.constant 4 : i32
    %mul3A_579 = arith.muli %add3A, %mul3A_578 : i32
    %add3A_580 = arith.constant 3 : i32
    %add3A_581 = arith.addi %mul3A_579, %add3A_580 : i32
    %dma_start3A_582 = arith.constant 0 : i32
    %dma_start3A_583 = tpu.memref_slice %arg3[%add3A_581, %dma_start3A_582] : memref<128x32768xf32, #tpu.memory_space<hbm>> -> memref<1x32768xf32, #tpu.memory_space<hbm>>
    %dma_start3A_584 = tpu.memref_squeeze %dma_start3A_583 : memref<1x32768xf32, #tpu.memory_space<hbm>> -> memref<32768xf32, #tpu.memory_space<hbm>>
    %dma_start3A_585 = arith.constant 0 : i32
    %dma_start3A_586 = tpu.memref_slice %arg3[%add3A_581, %dma_start3A_585] : memref<128x32768xf32, #tpu.memory_space<hbm>> -> memref<1x32768xf32, #tpu.memory_space<hbm>>
    %dma_start3A_587 = tpu.memref_squeeze %dma_start3A_586 : memref<1x32768xf32, #tpu.memory_space<hbm>> -> memref<32768xf32, #tpu.memory_space<hbm>>
    tpu.enqueue_dma source(%arg6 : memref<32768xf32, #tpu.memory_space<vmem>>) target(%dma_start3A_587 : memref<32768xf32, #tpu.memory_space<hbm>>) target_semaphore(%arg13 : memref<!tpu.dma_semaphore, #tpu.memory_space<semaphore_mem>>)
    %bitcast_convert_type3A_588 = arith.bitcast %while3A_461#0 : i32 to i32
    %add3A_589 = arith.addi %bitcast_convert_type3A_588, %while3A_532 : i32
    %bitcast_convert_type3A_590 = arith.bitcast %add3A_589 : i32 to i32
    %lt3A_591 = arith.constant -2145386496 : i32
    %lt3A_592 = arith.cmpi slt, %bitcast_convert_type3A_590, %lt3A_591 : i32
    %sub3A_593 = arith.constant 2097152 : i32
    %sub3A_594 = arith.subi %bitcast_convert_type3A_590, %sub3A_593 : i32
    %jit3A_595 = arith.constant -2147483648 : i32
    %select_n3A_596 = arith.select %lt3A_592, %jit3A_595, %sub3A_594 : i32
    %dma_wait3A_597 = arith.constant 0 : i32
    %dma_wait3A_598 = tpu.memref_slice %arg3[%add3A_581, %dma_wait3A_597] : memref<128x32768xf32, #tpu.memory_space<hbm>> -> memref<1x32768xf32, #tpu.memory_space<hbm>>
    %dma_wait3A_599 = tpu.memref_squeeze %dma_wait3A_598 : memref<1x32768xf32, #tpu.memory_space<hbm>> -> memref<32768xf32, #tpu.memory_space<hbm>>
    %dma_wait3A_600 = arith.constant 0 : i32
    %dma_wait3A_601 = tpu.memref_slice %arg3[%add3A_581, %dma_wait3A_600] : memref<128x32768xf32, #tpu.memory_space<hbm>> -> memref<1x32768xf32, #tpu.memory_space<hbm>>
    %dma_wait3A_602 = tpu.memref_squeeze %dma_wait3A_601 : memref<1x32768xf32, #tpu.memory_space<hbm>> -> memref<32768xf32, #tpu.memory_space<hbm>>
    tpu.wait_dma2 semaphore(%arg13 : memref<!tpu.dma_semaphore, #tpu.memory_space<semaphore_mem>>) src(%arg6 : memref<32768xf32, #tpu.memory_space<vmem>>) dst(%dma_wait3A_602 : memref<32768xf32, #tpu.memory_space<hbm>>)
    return
  }
}

</mosaic_0001>

<sc_bundles>
// kernel: kernel.3.cloned.1.call-start
scs
__scs_entry_jumppad:
0x0: {  	(pc) =	sbr.rel $0x88, $3  }
0x1: {  	(tag) =	ssettag $0x0;
	lr =	simm.s32 $0x1  }
0x2: {  	[smem:$0x3FA0] =	sst lr;
	_ =	strace $0xD0000000  }
0x3: {  	_ = 	snop  }
0x4: {  	_ = 	snop  }
0x5: {  	_ = 	snop  }
0x6: {  	_ = 	snop  }
0x7: {  	_ = 	snop  }
__scs_overlays_trampoline_lowered:
0x8: {  	[smem:$0x3FAF] =	sst s0  }
0x9: {  	[smem:$0x3FB0] =	sst s1  }
0xa: {  	[smem:$0x3FB1] =	sst s2  }
0xb: {  	[smem:$0x3FB2] =	sst s3  }
0xc: {  	[smem:$0x3FB3] =	sst s4  }
0xd: {  	[smem:$0x3FB4] =	sst s5  }
0xe: {  	[smem:$0x3FB5] =	sst s6  }
0xf: {  	[smem:$0x3FB6] =	sst s7  }
0x10: {  	[smem:$0x3FB7] =	sst s8  }
0x11: {  	[smem:$0x3FB8] =	sst s9;
	s0 =	simm.s32 @!p0 $0x0  }
0x12: {  	s1 =	sld [smem:$0x3F9E];
	s0 =	simm.s32 @p0 $0x1  }
0x13: {  	[smem:$0x3FB9] =	sst s0;
	s0 =	simm.s32 @!p1 $0x0  }
0x14: {  	s2 =	sld [smem:$0x3F9D];
	s0 =	simm.s32 @p1 $0x1  }
0x15: {  	[smem:$0x3FBA] =	sst s0;
	s0 =	simm.s32 @!p2 $0x0  }
0x16: {  	s3 =	sld [smem:$0x3FDB];
	s0 =	simm.s32 @p2 $0x1  }
0x17: {  	s4 =	simm.s32 $0x1BF5;
	[smem:$0x3FBC] =	sst s0  }
0x18: {  	s0 =	sld [smem:$0x3F9F];
	_ =	swait.ge [sflag:s4], $0x0  }
0x19: {  	s7 =	sld [smem:$0x3FA0]  }
0x1a: {  	s8 =	sadd.s32 $0xFFFFE003, lr  }
0x1b: {  	s9 =	sadd.s32 $0xFFFFFEF7, lr;
	s5 =	simm.s32 $0xFFFFFFFF;
	p2 =	slt.u32 s8, $0xFFFFF086  }
0x1c: {  	p1 =	slt.u32 s9, $0xF7A;
	s5 =	simm.s32 @!p2 $0x0  }
0x1d: {  	s5 =	simm.s32 @p1 $0x1;
	p0 =	seq.s32 s7, s2  }
0x1e: {  	s7 =	smul.u32 @!p0 $0xF7A, s2;
	p2 =	seq.s32 @!p0 s5, $0x0  }
0x1f: {  	s9 =	smul.u32 $0xF7A, s1;
	s8 =	simm.s32 @!p0 $0x1BF5;
	p2 =	por !p2, p0  }
0x20: {  	[sflag:s8] =	ssyncset.s32 @!p0 $0xFFFFF086;
	s6 =	sadd.s32 @!p0 s3, s7;
	s7 =	simm.s32 @!p0 $0x108  }
0x21: {  	s3 =	sadd.s32 s3, s9;
	s6 =	sadd.s32 @!p0 $0x88, s6;
	s7 =	simm.s32 @p2 $0x1082  }
0x22: {  	[simem:s7], [sflag:s8] =	dma.local @!p0 [hbm:s6], $0xF7A  }
0x23: {  	s9 =	sor.u32 $0xD0000000, s2;
	s6 =	simm.s32 $0x108;
	_ =	swait.ge @!p0 [sflag:s8], $0x0  }
0x24: {  	s3 =	sadd.s32 $0x88, s3;
	s6 =	simm.s32 @!p1 $0x1082;
	[sflag:s4] =	ssyncset.s32 $0xFFFFF086  }
0x25: {  	[simem:s6], [sflag:s4] =	dma.local [hbm:s3], $0xF7A  }
0x26: {  	[smem:$0x3FA0] =	sst s1;
	(tag) =	ssettag s2;
	_ =	strace s9  }
0x27: {  	s1 =	sld [smem:$0x3FB0]  }
0x28: {  	s2 =	sld [smem:$0x3FB1]  }
0x29: {  	s4 =	sld [smem:$0x3FB3]  }
0x2a: {  	p0 =	seq.s32 s5, $0x0;
	s5 =	sld [smem:$0x3FB4]  }
0x2b: {  	s6 =	sld [smem:$0x3FB5]  }
0x2c: {  	s7 =	sld [smem:$0x3FB6]  }
0x2d: {  	s3 =	simm.s32 $0x108;
	s8 =	sld [smem:$0x3FB7]  }
0x2e: {  	s3 =	simm.s32 @!p0 $0x1082;
	s9 =	sld [smem:$0x3FB8]  }
0x2f: {  	lr =	sadd.s32 s0, s3;
	s0 =	sld [smem:$0x3FAF]  }
0x30: {  	s3 =	sld [smem:$0x3FB2]  }
0x31: {  	[smem:$0x3FBB] =	sst s10  }
0x32: {  	s10 =	sld [smem:$0x3FB9];
	_ =	sdelay $0x3  }
0x33: {  	p0 =	seq.s32 s10, $0x1;
	s10 =	sld [smem:$0x3FBB];
	_ =	sdelay $0x3  }
0x34: {  	[smem:$0x3FBB] =	sst s10  }
0x35: {  	s10 =	sld [smem:$0x3FBA];
	_ =	sdelay $0x3  }
0x36: {  	p1 =	seq.s32 s10, $0x1;
	s10 =	sld [smem:$0x3FBB];
	_ =	sdelay $0x3  }
0x37: {  	[smem:$0x3FBB] =	sst s10  }
0x38: {  	s10 =	sld [smem:$0x3FBC]  }
0x39: {  	_ = 	snop;
	(pc) =	sbr.ind lr, $3  }
0x3a: {  	_ = 	snop  }
0x3b: {  	_ = 	snop  }
0x3c: {  	p2 =	seq.s32 s10, $0x1;
	s10 =	sld [smem:$0x3FBB]  }
0x3d: {  	_ =	shalt  }
0x3e: {  	_ =	shalt  }
0x3f: {  	_ =	shalt  }
0x40: {  	_ =	shalt  }
0x41: {  	_ =	shalt  }
0x42: {  	_ =	shalt  }
0x43: {  	_ =	shalt  }
0x44: {  	_ =	shalt  }
0x45: {  	_ =	shalt  }
0x46: {  	_ =	shalt  }
0x47: {  	_ =	shalt  }
0x48: {  	_ =	shalt  }
0x49: {  	_ =	shalt  }
0x4a: {  	_ =	shalt  }
0x4b: {  	_ =	shalt  }
0x4c: {  	_ =	shalt  }
0x4d: {  	_ =	shalt  }
0x4e: {  	_ =	shalt  }
0x4f: {  	_ =	shalt  }
0x50: {  	_ =	shalt  }
0x51: {  	_ =	shalt  }
0x52: {  	_ =	shalt  }
0x53: {  	_ =	shalt  }
0x54: {  	_ =	shalt  }
0x55: {  	_ =	shalt  }
0x56: {  	_ =	shalt  }
0x57: {  	_ =	shalt  }
0x58: {  	_ =	shalt  }
0x59: {  	_ =	shalt  }
0x5a: {  	_ =	shalt  }
0x5b: {  	_ =	shalt  }
0x5c: {  	_ =	shalt  }
0x5d: {  	_ =	shalt  }
0x5e: {  	_ =	shalt  }
0x5f: {  	_ =	shalt  }
0x60: {  	_ =	shalt  }
0x61: {  	_ =	shalt  }
0x62: {  	_ =	shalt  }
0x63: {  	_ =	shalt  }
0x64: {  	_ =	shalt  }
0x65: {  	_ =	shalt  }
0x66: {  	_ =	shalt  }
0x67: {  	_ =	shalt  }
0x68: {  	_ =	shalt  }
0x69: {  	_ =	shalt  }
0x6a: {  	_ =	shalt  }
0x6b: {  	_ =	shalt  }
0x6c: {  	_ =	shalt  }
0x6d: {  	_ =	shalt  }
0x6e: {  	_ =	shalt  }
0x6f: {  	_ =	shalt  }
0x70: {  	_ =	shalt  }
0x71: {  	_ =	shalt  }
0x72: {  	_ =	shalt  }
0x73: {  	_ =	shalt  }
0x74: {  	_ =	shalt  }
0x75: {  	_ =	shalt  }
0x76: {  	_ =	shalt  }
0x77: {  	_ =	shalt  }
0x78: {  	_ =	shalt  }
0x79: {  	_ =	shalt  }
0x7a: {  	_ =	shalt  }
0x7b: {  	_ =	shalt  }
0x7c: {  	_ =	shalt  }
0x7d: {  	_ =	shalt  }
0x7e: {  	_ =	shalt  }
0x7f: {  	_ =	shalt  }
0x80: {  	_ =	shalt  }
0x81: {  	_ =	shalt  }
0x82: {  	_ =	shalt  }
0x83: {  	_ =	shalt  }
0x84: {  	_ =	shalt  }
0x85: {  	_ =	shalt  }
0x86: {  	_ =	shalt  }
0x87: {  	_ =	shalt  }
.Lfunc_end0:
.L_simem_size_0:
called_computation_lowered:
.L_overlay_start_0:
0x88: {  	s2 =	sld [smem:$0x3FD9]  }
0x89: {  	s3 =	sld [smem:$0x3FFE];
	_ =	sdelay $0x1  }
0x8a: {  	s1 =	srdreg.scid  }
0x8b: {  	s0 =	sand.u32 $0x1, s1  }
0x8c: {  	s18 =	sshll.u32 s0, $0xA;
	s2 =	sadd.s32 s3, s2  }
0x8d: {  	s2 =	sadd.s32 s2, s18  }
0x8e: {  	[smem:$0x3FC7] =	sst s2  }
0x8f: {  	_ = 	snop  }
0x90: {  	s2 =	sld [smem:$0x3FC9]  }
0x91: {  	s19 =	sld [smem:$0x3FD0];
	(tm) =	ssettm $0x1  }
0x92: {  	s4 =	sld [smem:$0x3FFB];
	_ =	sdelay $0x3  }
0x93: {  	_ =	strace s4  }
0x94: {  	s4 =	sld [smem:$0x3FFC];
	_ =	sdelay $0x3  }
0x95: {  	_ =	strace s4  }
0x96: {  	s4 =	sld [smem:$0x3FFD];
	_ =	sdelay $0x3  }
0x97: {  	_ =	strace s4  }
0x98: {  	_ =	strace $0x8FFFFFFF  }
0x99: {  	s20 =	sld [smem:$0x3FDB];
	_ =	sdelay $0x1  }
0x9a: {  	s5 =	simm.s32 $_scs_section_size  }
0x9b: {  	s6 =	simm.s32 $_size__tile_overlayer_lowered;
	s7 =	simm.s32 $_tile_overlayer_lowered  }
0x9c: {  	s23 =	simm.s32 $0x1BFF;
	s22 =	sshll.u32 s7, $0x1;
	s4 =	sadd.s32 s5, s20  }
0x9d: {  	s8 =	simm.s32 $0x0;
	s21 =	sshll.u32 s6, $0x1;
	s6 =	sadd.s32 s22, s4  }
0x9e: {  	[timem:s8], [sflag:s23] =	dma.local [hbm:s6], s21  }
0x9f: {  	_ =	swait.ge [sflag:s23], s21  }
0xa0: {  	s5 =	ssub.s32 $0x0, s21;
	[sflag:s23] =	ssyncset.done $0x0  }
0xa1: {  	[sflag:s23] =	ssyncadd.s32 s5;
	_ =	sdelay $0x1  }
0xa2: {  	s24 =	simm.s32 $0x1B8B  }
0xa3: {  	_ =	swait.ge [sflag:s24], $0x1  }
0xa4: {  	[sflag:s24] =	ssyncset.done $0x0  }
0xa5: {  	s25 =	simm.s32 $0x1B8E;
	[sflag:s24] =	ssyncadd.s32 $0xFFFFFFFF  }
0xa6: {  	s26 =	simm.s32 $execute0_lowered;
	[smem:$0x3FD2] =	sst s25  }
0xa7: {  	s5 =	sshll.u32 s26, $0x1;
	_ =	strace $0x80000046;
	[dreg:$0x1] =	wrdreg $0xFFFFFFFF  }
0xa8: {  	s28 =	simm.s32 $_size_execute0_lowered;
	s4 =	sadd.s32 s4, s5;
	[dreg:$0x0] =	wrdreg $0x0  }
0xa9: {  	s5 =	sshll.u32 s28, $0x1;
	[dreg:$0x2] =	wrdreg s4  }
0xaa: {  	[dreg:$0x3] =	wrdreg s5  }
0xab: {  	[dreg:$0x4] =	wrdreg $0xC0  }
0xac: {  	_ =	task [dreg:s8], $0x5FFFF  }
0xad: {  	[dreg:$0x1] =	wrdreg $0xFFFFFFFF  }
0xae: {  	[dreg:$0x0] =	wrdreg $0x60  }
0xaf: {  	[dreg:$0x2] =	wrdreg s2  }
0xb0: {  	[dreg:$0x3] =	wrdreg s19  }
0xb1: {  	[dreg:$0x4] =	wrdreg $0x9  }
0xb2: {  	_ =	task.clear_ibuf [dreg:s8], $0x5FFFF;
	_ =	strace $0x90000046  }
0xb3: {  	s29 =	simm.s32 $0x9;
	_ =	strace $0x80000048  }
0xb4: {  	_ =	swait.ge [sflag:s29], $0x1  }
0xb5: {  	[sflag:s29] =	ssyncadd.s32 $0xFFFFFFFF  }
0xb6: {  	_ =	strace $0x90000048  }
0xb7: {  	_ =	sfence  }
0xb8: {  	s30 =	sld [smem:$0x0];
	_ =	sdelay $0x2  }
0xb9: {  	s31 =	sshll.u32 s1, $0xD;
	s1 =	sshrl.u32 s1, $0x2  }
0xba: {  	s3 =	sand.u32 $0x4000, s31;
	s1 =	sadd.s32 s1, s30  }
0xbb: {  	s0 =	sor.u32 s3, s0;
	s1 =	sshll.u32 s1, $0x11  }
0xbc: {  	s0 =	sor.u32 s1, s0  }
0xbd: {  	s0 =	sadd.s32 $0x8F2B, s0  }
0xbe: {  	[sflag:s0] =	ssyncadd.remote.s32 $0x1  }
0xbf: {  	_ =	sfence.sel $0xFFFF  }
0xc0: {  	[dreg:$0x0] =	wrdreg $0xFFFFFFFF;
	(pc) =	sbr.abs _section_cstart, $3  }
0xc1: {  	[dreg:$0x1] =	wrdreg $0xFFFFFFFF  }
0xc2: {  	_ =	task.clear_ibuf [dreg:s8], $0x2FFFF;
	_ =	strace $0x9FFFFFFF  }
0xc3: {  	(tm) =	ssettm $0x7FFFFFFF  }
tec
execute0_lowered:
.L_overlay_start_1:
0x0: {  	(tag) =	ssettag $0x1  }
0x1: {  	s0 =	rddreg [dreg:$0x0]  }
0x2: {  	s1 =	rddreg [dreg:$0x1];
	s3 =	srdreg.scid;
	s2 =	simm.s32 $0x0  }
0x3: {  	s5 =	stileid.u32;
	s12 =	simm.s32 $0x80;
	s13 =	simm.s32 $0x400  }
0x4: {  	s14 =	simm.s32 $0x8000;
	s15 =	simm.s32 $0x1;
	s16 =	simm.s32 $0x18000  }
0x5: {  	s17 =	simm.s32 $0x19000;
	s18 =	simm.s32 $0x10000;
	s19 =	simm.s32 $0x1A000  }
0x6: {  	s20 =	simm.s32 $0x2;
	s21 =	simm.s32 $0x3;
	s22 =	simm.s32 $0x1A080  }
0x7: {  	s23 =	simm.s32 $0x4000;
	s24 =	simm.s32 $0x0;
	s3 =	sand.u32 $0x1, s3  }
0x8: {  	s5 =	sshll.u32 s5, $0xF;
	s4 =	ssub.s32 $0x2, s3;
	s3 =	sshll.u32 s3, $0x6  }
0x9: {  	[smem:$0x7FF] =	sst s2;
	s6 =	sshrl.u32 s4, $0x1;
	s3 =	sor.u32 s3, s5  }
0xa: {  	_ =	strace $0x80000047;
	s4 =	ssub.s32 s4, s6;
	s5 =	sor.u32 $0x10, s3  }
.Ltmp0:
0xb: {  	s29 =	sadd.s32 s0, s3;
	s9 =	sor.u32 $0x20, s3;
	(pc) =	sbr.rel .LBB2_1-.Ltmp0, $4  }
0xc: {  	s31 =	sadd.s32 s1, s3;
	s3 =	sor.u32 $0x30, s3;
	[dreg:$0x3] =	wrdreg s29  }
0xd: {  	s30 =	sadd.s32 s0, s5;
	[dreg:$0x5] =	wrdreg s31;
	s6 =	sadd.s32 s0, s9  }
0xe: {  	v0 =	vimm.f32 $0.0e+00;
	s7 =	sadd.s32 s1, s5;
	s8 =	sadd.s32 s0, s3;
	s9 =	sadd.s32 s1, s9  }
0xf: {  	v1 =	vimm.s32 $0x0;
	v2 =	vlaneseq.u32;
	v3 =	vimm.s32 $0x8000;
	s10 =	sadd.s32 s1, s3;
	s11 =	smax.u32 s4, $0x1;
	[dreg:$0x4] =	wrdreg s30  }
.LBB2_183:
0x10: {  	v4 =	vimm.s32 $0xFFFFFFFF  }
.LBB2_184:
0x11: {  	s0 =	sshll.u32 @!p0 s25, $0x4  }
0x12: {  	v5 =	vld @!p0 [tilespmem:s0+$0x18000]  }
0x13: {  	v6 =	vld @!p0 [tilespmem:s0+$0x19000];
	_ =	sdelay $0x4  }
0x14: {  	vm0 =	veq.s32 @!p0 v5, s26;
	vm1 =	vle.s32 @!p0 v6, s28  }
0x15: {  	vm2 =	vgt.u32 @!p0 v5, s26;
	vm0 =	vmand @!p0 vm0, vm1  }
0x16: {  	v5 =	vimm.s32 @!p0 $0x0;
	vm0 =	vmor @!p0 vm2, vm0  }
0x17: {  	v5 =	vsel @!p0 vm0, $0x1, v5  }
0x18: {  	(xrf0) =	vadd.scan.msk.s32 @!p0 $0xffff, v5;
	_ =	sdelay $0x5  }
0x19: {  	v5, _, _ =	vpop @!p0 (xrf0)  }
0x1a: {  	v4 =	vadd.s32 @!p0 v4, v5  }
0x1b: {  	vm1 =	vlt.s32 @!p0 v4, $0x40  }
0x1c: {  	vm0 =	vmand @!p0 vm0, vm1  }
0x1d: {  	v5 =	vnsel @!p0 vm0, $0x0, v6;
	_ =	sdelay $0x3  }
0x1e: {  	s0 =	simm.s32 @!p0 $0x8000  }
0x1f: {  	v5 =	vld.idx.msk @!p0 [tilespmem:v5+s0+$0x0], $0xffff;
	_ =	sdelay $0x3  }
0x20: {  	s0 =	simm.s32 @!p0 $0x10000  }
0x21: {  	s24 =	sadd.s32 $0x1, s24;
	[tilespmem:v6+s0+$0x0] =	vst.idx.msk @!p0 vm0, v5;
	s0 =	simm.s32 @!p0 $0x1A080  }
0x22: {  	[tilespmem:v4+s0+$0x0] =	vst.idx.msk @!p0 vm0, v6;
	p0 =	sne.s32 s24, s11  }
.Ltmp1:
0x23: {  	_ = 	snop;
	(pc) =	sbr.rel @!p0 .LBB2_185-.Ltmp1, $4  }
0x24: {  	[hbm4b:s10+s12] =	stream.strided.scatter [tilespmem:s18], [sflag:$0x3], $0x8000, s13, s12, $0x38;
	[tilespmem:$0x1A100] =	vst v63  }
0x25: {  	_ =	swait.ge [sflag:s21], $0x8000  }
0x26: {  	[sflag:s21] =	ssyncset.done $0x0  }
0x27: {  	[sflag:s21] =	ssyncadd.s32 $0xFFFF8000  }
.LBB2_1:
0x28: {  	s0 =	simm.s32 $0x10040  }
0x29: {  	[tilespmem:s0+$0xFFFFFFC0] =	vst v0  }
0x2a: {  	[tilespmem:s0+$0x30] =	vst v0  }
0x2b: {  	[tilespmem:s0+$0x20] =	vst v0  }
0x2c: {  	[tilespmem:s0+$0x10] =	vst v0  }
0x2d: {  	[tilespmem:s0+$0x0] =	vst v0  }
0x2e: {  	[tilespmem:s0+$0xFFFFFFF0] =	vst v0  }
0x2f: {  	s1 =	simm.s32 $0x0;
	[tilespmem:s0+$0xFFFFFFE0] =	vst v0  }
.LBB2_2:
0x30: {  	s1 =	sadd.s32 $0x8, s1;
	[tilespmem:s0+$0xFFFFFFD0] =	vst v0;
	s0 =	sadd.s32 $0x80, s0  }
0x31: {  	[tilespmem:s0+$0xFFFFFFC0] =	vst v0;
	p0 =	slt.u32 s1, $0x7F8  }
0x32: {  	[tilespmem:s0+$0x30] =	vst v0  }
.Ltmp2:
0x33: {  	[tilespmem:s0+$0x20] =	vst v0;
	(pc) =	sbr.rel @p0 .LBB2_2-.Ltmp2, $4  }
0x34: {  	[tilespmem:s0+$0x10] =	vst v0  }
0x35: {  	[tilespmem:s0+$0x0] =	vst v0  }
0x36: {  	[tilespmem:s0+$0xFFFFFFF0] =	vst v0  }
0x37: {  	[tilespmem:s0+$0xFFFFFFE0] =	vst v0  }
0x38: {  	[tilespmem:s0+$0xFFFFFFD0] =	vst v0  }
0x39: {  	s0 =	rddreg [dreg:$0x3]  }
0x3a: {  	[tilespmem:s2], [sflag:$0x1] =	stream.strided.gather [hbm4b:s0+s12], $0x8000, s13, s12, $0x38;
	[tilespmem:$0x1A100] =	vst v63  }
0x3b: {  	s31 =	rddreg [dreg:$0x4]  }
0x3c: {  	[tilespmem:s14], [sflag:$0x2] =	stream.strided.gather [hbm4b:s31+s12], $0x8000, s13, s12, $0x38;
	[tilespmem:$0x1A100] =	vst v63  }
0x3d: {  	_ =	swait.ge [sflag:s15], $0x8000  }
0x3e: {  	s25 =	simm.s32 $0x40000000;
	s1 =	simm.s32 $0x7FFFFFFF;
	[sflag:s15] =	ssyncset.done $0x0  }
0x3f: {  	s3 =	simm.s32 $0xFFFFFFFF;
	s0 =	simm.s32 $0x80000000;
	[sflag:s15] =	ssyncadd.s32 $0xFFFF8000  }
.LBB2_4:
0x40: {  	s26 =	simm.s32 $0x40  }
0x41: {  	p0 =	sgt.s32 s3, $0x1000;
	p1 =	slt.u32 s3, $0x40;
	v8 =	vld [tilespmem:s26+$0xFFFFFFE0]  }
0x42: {  	s0 =	smov.u32 @p0 s25;
	s1 =	smov.u32 @p1 s25;
	v16 =	vld [tilespmem:s26+$0x0]  }
0x43: {  	v9 =	vld [tilespmem:s26+$0x10];
	s4 =	sxor.u32 $0x80000000, s0;
	s5 =	sxor.u32 $0x80000000, s1  }
0x44: {  	v10 =	vld [tilespmem:s26+$0xFFFFFFF0];
	s5 =	ssub.s32 s5, s4  }
0x45: {  	v11 =	vld [tilespmem:s26+$0x20];
	s28 =	sshrl.u32 s5, $0x1  }
0x46: {  	v6 =	vlaneseq.u32;
	v14 =	vimm.s32 $0xFFFFFFFF;
	v12 =	vld [tilespmem:s26+$0x30];
	s4 =	sadd.s32 s4, s28  }
0x47: {  	v13 =	vld [tilespmem:s26+$0xFFFFFFD0];
	v5 =	vadd.s32 $0x60, v6;
	p0 =	slt.u32 s5, $0x2;
	s4 =	sxor.u32 $0x80000000, s4;
	v15 =	vshra.s32 v8, $0x1F;
	v21 =	vshra.s32 v16, $0x1F  }
0x48: {  	p1 =	sgt.s32 s3, $0xFFFFFFFF;
	v18 =	vld [tilespmem:s26+$0xFFFFFFC0];
	v17 =	vshra.s32 v9, $0x1F;
	s4 =	smov.u32 @p0 s0;
	v15 =	vand.u32 $0x7FFFFFFF, v15;
	v21 =	vand.u32 $0x7FFFFFFF, v21  }
0x49: {  	s25 =	smov.u32 @p1 s4;
	v19 =	vxor.u32 v8, v15;
	v8 =	vand.u32 $0x7FFFFFFF, v17;
	v15 =	vshra.s32 v10, $0x1F  }
0x4a: {  	v17 =	vshra.s32 v11, $0x1F;
	v4 =	vmov s25;
	v15 =	vand.u32 $0x7FFFFFFF, v15  }
0x4b: {  	v20 =	vxor.u32 v9, v8;
	v9 =	vshra.s32 v12, $0x1F;
	v17 =	vand.u32 $0x7FFFFFFF, v17  }
0x4c: {  	vm5 =	vge.s32 v19, v4;
	v8 =	vxor.u32 v10, v15;
	v10 =	vshra.s32 v13, $0x1F  }
0x4d: {  	v15 =	vand.u32 $0x7FFFFFFF, v9;
	vm3 =	vge.s32 v20, v4;
	v9 =	vshra.s32 v18, $0x1F  }
0x4e: {  	v11 =	vxor.u32 v11, v17;
	v10 =	vand.u32 $0x7FFFFFFF, v10;
	v23 =	vand.u32 $0x7FFFFFFF, v9  }
0x4f: {  	v22 =	vsel vm5, $0x1, v1;
	v9 =	vxor.u32 v13, v10;
	v13 =	vxor.u32 v18, v23  }
0x50: {  	vm4 =	vge.s32 v8, v4;
	v24 =	vmpcnt.ones.xlane vm5;
	(xrf0) =	vadd.scan.msk.s32 $0xffff, v22;
	vm6 =	vge.s32 v13, v4  }
0x51: {  	v10 =	vxor.u32 v12, v15;
	vm2 =	vge.s32 v9, v4;
	v12 =	vmpcnt.ones.xlane vm6  }
0x52: {  	vm0 =	vge.s32 v11, v4;
	v18 =	vsel vm3, $0x1, v1;
	v23 =	vmpcnt.ones.xlane vm2  }
0x53: {  	v17 =	vsel vm4, $0x1, v1;
	vm8 =	vge.s32 v10, v4;
	v15 =	vadd.s32 v14, v12  }
0x54: {  	(xrf0) =	vadd.scan.msk.s32 $0xffff, v18;
	v22 =	vsel vm6, $0x1, v1;
	v18 =	vadd.s32 v15, v23;
	v23 =	vmpcnt.ones.xlane vm4  }
0x55: {  	(xrf0) =	vadd.scan.msk.s32 $0xffff, v22;
	v22 =	vsel vm0, $0x1, v1;
	v12 =	vxor.u32 v16, v21;
	v16 =	vadd.s32 v18, v24  }
0x56: {  	v21 =	vsel vm8, $0x1, v1;
	(xrf0) =	vadd.scan.msk.s32 $0xffff, v17;
	vm1 =	vge.s32 v12, v4;
	v17, _, _ =	vpop (xrf0);
	v25 =	vadd.s32 v16, v23  }
0x57: {  	(xrf0) =	vadd.scan.msk.s32 $0xffff, v21;
	v23 =	vmpcnt.ones.xlane vm1;
	v26 =	vadd.s32 v18, v17;
	v17 =	vsel vm1, $0x1, v1  }
0x58: {  	v7 =	vadd.s32 $0x70, v6;
	v27 =	vadd.s32 $0x20, v6;
	v28 =	vmpcnt.ones.xlane vm3;
	(xrf0) =	vadd.scan.msk.s32 $0xffff, v22  }
0x59: {  	v13 =	vsub.s32 v13, v4;
	v21 =	vsel vm2, $0x1, v1;
	vm7 =	vlt.s32 v26, $0x1000;
	(xrf0) =	vadd.scan.msk.s32 $0xffff, v17  }
0x5a: {  	v22 =	vmpcnt.ones.xlane vm8;
	v24 =	vadd.s32 v25, v23;
	vm5 =	vmand vm5, vm7;
	v17, _, _ =	vpop (xrf0)  }
0x5b: {  	(xrf0) =	vadd.scan.msk.s32 $0xffff, v21;
	v28 =	vadd.s32 v24, v28;
	v18 =	vadd.s32 v24, v17;
	v17 =	vmpcnt.ones.xlane vm0;
	v23, _, _ =	vpop (xrf0)  }
0x5c: {  	vm7 =	vlt.s32 v18, $0x1000;
	v21 =	vadd.s32 v14, v23;
	v23 =	vsub.s32 v20, v4;
	v14, _, _ =	vpop (xrf0)  }
0x5d: {  	vm3 =	vmand vm3, vm7;
	vm7 =	vlt.s32 v21, $0x1000;
	v20 =	vadd.s32 v16, v14;
	v14, _, _ =	vpop (xrf0)  }
0x5e: {  	v24 =	vadd.s32 v28, v17;
	vm6 =	vmand vm6, vm7;
	vm7 =	vlt.s32 v20, $0x1000;
	v16, _, _ =	vpop (xrf0)  }
0x5f: {  	v17 =	vsub.s32 v19, v4;
	v19 =	vadd.s32 v24, v14;
	vm4 =	vmand vm4, vm7;
	v14, _, _ =	vpop (xrf0)  }
0x60: {  	[tilespmem:v26+s16+$0x0] =	vst.idx.msk vm5, v17;
	v17 =	vadd.s32 v28, v16;
	vm9 =	vlt.s32 v19, $0x1000;
	v16 =	vadd.s32 v25, v14  }
0x61: {  	s26 =	simm.s32 $0x0;
	s28 =	simm.s32 $0xC0;
	[tilespmem:v26+s17+$0x0] =	vst.idx.msk vm5, v27;
	vm7 =	vlt.s32 v17, $0x1000;
	vm5 =	vmand vm8, vm9;
	v25, _, _ =	vpop (xrf0);
	v14 =	vlaneseq.u32  }
.LBB2_5:
0x62: {  	v26 =	vld [tilespmem:s28+$0xFFFFFFE0];
	s26 =	sadd.s32 $0x8, s26;
	v27 =	vadd.s32 $0x10, v6;
	v28 =	vadd.s32 $0x40, v6;
	v14 =	vadd.s32 $0x80, v14  }
0x63: {  	v15 =	vadd.s32 v15, v25;
	v29 =	vld [tilespmem:s28+$0x10];
	v30 =	vadd.s32 $0x60, v14;
	v31 =	vadd.s32 $0x70, v14;
	p2 =	slt.u32 s26, $0x7F8;
	[tilespmem:v18+s16+$0x0] =	vst.idx.msk vm3, v23  }
0x64: {  	v24 =	vadd.s32 v24, v22;
	vm8 =	vlt.s32 v15, $0x1000;
	v23 =	vld [tilespmem:s28+$0x20];
	[tilespmem:v21+s16+$0x0] =	vst.idx.msk vm6, v13;
	v13 =	vadd.s32 $0x50, v6  }
0x65: {  	v9 =	vsub.s32 v9, v4;
	v11 =	vsub.s32 v11, v4;
	vm2 =	vmand vm2, vm8;
	v22 =	vld [tilespmem:s28+$0xFFFFFFF0];
	[tilespmem:v21+s17+$0x0] =	vst.idx.msk vm6, v6  }
0x66: {  	v25 =	vadd.s32 $0x30, v6;
	v32 =	vsub.s32 v8, v4;
	v8 =	vsub.s32 v10, v4;
	v21 =	vld [tilespmem:s28+$0x30];
	[tilespmem:v18+s17+$0x0] =	vst.idx.msk vm3, v13  }
0x67: {  	v12 =	vsub.s32 v12, v4;
	vm0 =	vmand vm0, vm7;
	v6 =	vmovc v14;
	v10 =	vld [tilespmem:s28+$0xFFFFFFD0];
	v13 =	vshra.s32 v26, $0x1F;
	[tilespmem:v20+s16+$0x0] =	vst.idx.msk vm4, v32  }
0x68: {  	v13 =	vand.u32 $0x7FFFFFFF, v13;
	v18 =	vld [tilespmem:s28+$0x0];
	v32 =	vshra.s32 v29, $0x1F;
	[tilespmem:v20+s17+$0x0] =	vst.idx.msk vm4, v25;
	vm4 =	vlt.s32 v16, $0x1000  }
0x69: {  	v20 =	vld [tilespmem:s28+$0xFFFFFFC0];
	v25 =	vxor.u32 v26, v13;
	v13 =	vand.u32 $0x7FFFFFFF, v32;
	v26 =	vshra.s32 v23, $0x1F;
	[tilespmem:v19+s16+$0x0] =	vst.idx.msk vm5, v8  }
0x6a: {  	vm1 =	vmand vm1, vm4;
	vm3 =	vge.s32 v25, v4;
	v8 =	vshra.s32 v22, $0x1F;
	[tilespmem:v19+s17+$0x0] =	vst.idx.msk vm5, v7;
	v7 =	vmovc v31  }
0x6b: {  	v19 =	vxor.u32 v29, v13;
	v8 =	vand.u32 $0x7FFFFFFF, v8;
	v13 =	vshra.s32 v21, $0x1F;
	[tilespmem:v15+s16+$0x0] =	vst.idx.msk vm2, v9  }
0x6c: {  	v9 =	vshra.s32 v10, $0x1F;
	v8 =	vxor.u32 v22, v8;
	v13 =	vand.u32 $0x7FFFFFFF, v13;
	[tilespmem:v15+s17+$0x0] =	vst.idx.msk vm2, v27  }
0x6d: {  	vm5 =	vge.s32 v19, v4;
	vm4 =	vge.s32 v8, v4;
	v15 =	vshra.s32 v18, $0x1F;
	[tilespmem:v17+s16+$0x0] =	vst.idx.msk vm0, v11  }
0x6e: {  	v22 =	vsel vm3, $0x1, v1;
	v9 =	vand.u32 $0x7FFFFFFF, v9;
	v11 =	vshra.s32 v20, $0x1F;
	[tilespmem:v17+s17+$0x0] =	vst.idx.msk vm0, v5;
	v5 =	vmovc v30  }
0x6f: {  	v9 =	vxor.u32 v10, v9;
	v17 =	vand.u32 $0x7FFFFFFF, v15;
	v11 =	vand.u32 $0x7FFFFFFF, v11;
	(xrf0) =	vadd.scan.msk.s32 $0xffff, v22  }
0x70: {  	v15 =	vand.u32 $0x7FFFFFFF, v26;
	v10 =	vxor.u32 v21, v13;
	v11 =	vxor.u32 v20, v11;
	[tilespmem:v16+s16+$0x0] =	vst.idx.msk vm1, v12  }
0x71: {  	v12 =	vsel vm5, $0x1, v1;
	vm6 =	vge.s32 v11, v4;
	v13 =	vsub.s32 v11, v4;
	[tilespmem:v16+s17+$0x0] =	vst.idx.msk vm1, v28  }
0x72: {  	vm2 =	vge.s32 v9, v4;
	v16 =	vsel vm6, $0x1, v1;
	v20 =	vmpcnt.ones.xlane vm6  }
0x73: {  	v22 =	vmpcnt.ones.xlane vm3;
	v21 =	vmpcnt.ones.xlane vm2;
	v11 =	vxor.u32 v23, v15  }
0x74: {  	vm0 =	vge.s32 v11, v4;
	v15 =	vadd.s32 v24, v20;
	v20 =	vsel vm4, $0x1, v1;
	(xrf0) =	vadd.scan.msk.s32 $0xffff, v12  }
0x75: {  	vm8 =	vge.s32 v10, v4;
	v23 =	vmpcnt.ones.xlane vm4;
	v21 =	vadd.s32 v15, v21;
	(xrf0) =	vadd.scan.msk.s32 $0xffff, v16;
	v16, _, _ =	vpop (xrf0)  }
0x76: {  	v12 =	vxor.u32 v18, v17;
	v17 =	vsel vm8, $0x1, v1;
	v26 =	vadd.s32 v21, v22  }
0x77: {  	v18 =	vsel vm0, $0x1, v1;
	vm1 =	vge.s32 v12, v4;
	v27 =	vadd.s32 v26, v23;
	(xrf0) =	vadd.scan.msk.s32 $0xffff, v20  }
0x78: {  	v16 =	vadd.s32 v21, v16;
	v20 =	vsel vm2, $0x1, v1;
	v23 =	vmpcnt.ones.xlane vm1;
	(xrf0) =	vadd.scan.msk.s32 $0xffff, v17  }
0x79: {  	v28 =	vadd.s32 $0x20, v14;
	v22 =	vsel vm1, $0x1, v1;
	vm7 =	vlt.s32 v16, $0x1000;
	(xrf0) =	vadd.scan.msk.s32 $0xffff, v18  }
0x7a: {  	v30 =	vmpcnt.ones.xlane vm5;
	vm7 =	vmand vm3, vm7;
	v29 =	vadd.s32 v27, v23;
	(xrf0) =	vadd.scan.msk.s32 $0xffff, v22;
	v17, _, _ =	vpop (xrf0)  }
0x7b: {  	v31 =	vmpcnt.ones.xlane vm0;
	v22 =	vmpcnt.ones.xlane vm8;
	v18 =	vadd.s32 v29, v17;
	v21, _, _ =	vpop (xrf0);
	(xrf0) =	vadd.scan.msk.s32 $0xffff, v20  }
0x7c: {  	v23 =	vsub.s32 v19, v4;
	v21 =	vadd.s32 v24, v21;
	vm3 =	vlt.s32 v18, $0x1000  }
.Ltmp3:
0x7d: {  	v29 =	vadd.s32 v29, v30;
	vm9 =	vlt.s32 v21, $0x1000;
	vm3 =	vmand vm5, vm3;
	v19, _, _ =	vpop (xrf0);
	(pc) =	sbr.rel @p2 .LBB2_5-.Ltmp3, $4  }
0x7e: {  	v24 =	vadd.s32 v29, v31;
	vm6 =	vmand vm6, vm9;
	v20 =	vadd.s32 v26, v19;
	v17, _, _ =	vpop (xrf0)  }
0x7f: {  	v26 =	vsub.s32 v25, v4;
	vm5 =	vlt.s32 v20, $0x1000;
	v19 =	vadd.s32 v24, v17;
	v17, _, _ =	vpop (xrf0)  }
0x80: {  	[tilespmem:v16+s16+$0x0] =	vst.idx.msk vm7, v26;
	vm4 =	vmand vm4, vm5;
	v17 =	vadd.s32 v29, v17;
	vm5 =	vlt.s32 v19, $0x1000;
	v25, _, _ =	vpop (xrf0)  }
0x81: {  	s28 =	sadd.s32 $0x80, s28;
	[tilespmem:v16+s17+$0x0] =	vst.idx.msk vm7, v28;
	v16 =	vadd.s32 v27, v25;
	vm7 =	vlt.s32 v17, $0x1000;
	vm5 =	vmand vm8, vm5;
	v25, _, _ =	vpop (xrf0)  }
0x82: {  	v14 =	vadd.s32 v24, v22  }
0x83: {  	v14 =	vxor.u32 $0x80000000, v14  }
0x84: {  	(xrf0) =	vmax.scan.msk.u32 $0xffff, v14;
	_ =	sdelay $0x5  }
0x85: {  	v14, _, _ =	vpop (xrf0)  }
0x86: {  	(v2sf) =	vpush v14, $0xF;
	_ =	sdelay $0x9  }
0x87: {  	[tilespmem:v18+s16+$0x0] =	vst.idx.msk vm3, v23  }
0x88: {  	[tilespmem:v21+s16+$0x0] =	vst.idx.msk vm6, v13  }
0x89: {  	v58 =	vadd.s32 $0x50, v6;
	vm0 =	vmand vm0, vm7;
	[tilespmem:v21+s17+$0x0] =	vst.idx.msk vm6, v6  }
0x8a: {  	v57 =	vadd.s32 v15, v25;
	v8 =	vsub.s32 v8, v4;
	vm15 =	vlt.s32 v16, $0x1000;
	[tilespmem:v18+s17+$0x0] =	vst.idx.msk vm3, v58  }
0x8b: {  	v60 =	vsub.s32 v10, v4;
	vm8 =	vlt.s32 v57, $0x1000;
	[tilespmem:v20+s16+$0x0] =	vst.idx.msk vm4, v8;
	vm1 =	vmand vm1, vm15  }
0x8c: {  	v59 =	vadd.s32 $0x30, v6;
	p0 =	por !p1, !p0;
	[tilespmem:v19+s16+$0x0] =	vst.idx.msk vm5, v60;
	vm2 =	vmand vm2, vm8;
	s3 =	spop (v2sf)  }
0x8d: {  	p0 =	por !p0, !p0;
	[tilespmem:v20+s17+$0x0] =	vst.idx.msk vm4, v59;
	s4 =	sadd.s32 $0x7FFFFFC1, s3  }
0x8e: {  	v63 =	vsub.s32 v11, v4;
	[tilespmem:v19+s17+$0x0] =	vst.idx.msk vm5, v7;
	p1 =	sgt.u32 @!p0 s4, $0xFC0  }
0x8f: {  	[tilespmem:v17+s16+$0x0] =	vst.idx.msk vm0, v63;
	p0 =	por p0, !p1  }
.Ltmp4:
0x90: {  	v61 =	vsub.s32 v9, v4;
	v4 =	vsub.s32 v12, v4;
	[tilespmem:v17+s17+$0x0] =	vst.idx.msk vm0, v5;
	(pc) =	sbr.rel @!p0 .LBB2_4-.Ltmp4, $4  }
0x91: {  	[tilespmem:v16+s16+$0x0] =	vst.idx.msk vm1, v4  }
0x92: {  	v5 =	vadd.s32 $0x40, v6;
	[tilespmem:v57+s16+$0x0] =	vst.idx.msk vm2, v61  }
0x93: {  	v62 =	vadd.s32 $0x10, v6;
	[tilespmem:v16+s17+$0x0] =	vst.idx.msk vm1, v5  }
0x94: {  	[tilespmem:v57+s17+$0x0] =	vst.idx.msk vm2, v62;
	s3 =	sadd.s32 $0x80000001, s3  }
0x95: {  	p0 =	slt.s32 s3, $0x1000;
	s0 =	smov.u32 s3  }
0x96: {  	s0 =	simm.s32 @!p0 $0x1000  }
0x97: {  	s1 =	sadd.s32 $0xF, s0  }
0x98: {  	s4 =	sand.u32 $0xF, s1  }
0x99: {  	p6 =	slt.s32 s3, $0xFFFFFFF2;
	s30 =	sshra.s32 s1, $0x1F;
	p1 =	sne.s32 s4, $0x0  }
0x9a: {  	s31 =	sshrl.u32 s30, $0x1C;
	p0 =	por !p6, !p1  }
0x9b: {  	v4 =	vadd.s32 s0, v2;
	s0 =	sadd.s32 s31, s1;
	s1 =	simm.s32 $0x1;
	p0 =	por !p0, !p0  }
0x9c: {  	s0 =	sshra.s32 s0, $0x4;
	s1 =	simm.s32 @!p0 $0x0  }
0x9d: {  	s0 =	ssub.s32 s0, s1  }
0x9e: {  	s1 =	sshrl.u32 s0, $0x1F  }
0x9f: {  	vm0 =	vlt.s32 v4, $0x1000;
	vm1 =	vlt.s32 v4, $0xFFF;
	s1 =	sadd.s32 s1, s0  }
0xa0: {  	v5 =	vnsel vm1, $0xFFF, v4;
	s26 =	sand.u32 $0xFFFFFFFE, s1  }
0xa1: {  	p1 =	slt.s32 s26, $0x1  }
.Ltmp5:
0xa2: {  	_ = 	snop;
	(pc) =	sbr.rel @p1 .LBB2_13-.Ltmp5, $4  }
0xa3: {  	_ = 	snop  }
0xa4: {  	v4 =	vimm.s32 $0x0  }
0xa5: {  	[tilespmem:v5+s16+$0x0] =	vst.idx.msk vm0, v4  }
0xa6: {  	[tilespmem:v5+s17+$0x0] =	vst.idx.msk vm0, v3  }
0xa7: {  	p2 =	sgt.s32 s26, $0x2  }
.Ltmp6:
0xa8: {  	_ = 	snop;
	(pc) =	sbr.rel @!p2 .LBB2_9-.Ltmp6, $3  }
0xa9: {  	_ =	sdelay $0x1  }
0xaa: {  	s1 =	simm.s32 $0x18010  }
0xab: {  	v4 =	vimm.s32 $0x0;
	p0 =	por $0x0, $0x0;
	v5 =	vld [tilespmem:s1+$0xFFFFFFF0]  }
0xac: {  	_ = 	snop  }
0xad: {  	v7 =	vld [tilespmem:s1+$0x0];
	p2 =	sgt.s32 s26, $0x4  }
.Ltmp7:
0xae: {  	_ = 	snop;
	(pc) =	sbr.rel @!p2 .LBB2_12-.Ltmp7, $4  }
0xaf: {  	_ = 	snop  }
0xb0: {  	v6 =	vshrl.u32 v5, $0x1  }
0xb1: {  	s1 =	simm.s32 $0x18030;
	vm0 =	vgt.s32 v4, v6  }
0xb2: {  	s3 =	simm.s32 $0x4;
	p0 =	por $0x1, $0x1;
	v5 =	vld [tilespmem:s1+$0xFFFFFFF0];
	v7 =	vshrl.u32 v7, $0x1;
	v6 =	vsel vm0, v4, v6  }
.LBB2_11:
0xb3: {  	s3 =	sadd.s32 $0x2, s3  }
0xb4: {  	v8 =	vld [tilespmem:s1+$0x0];
	v6 =	vmax.u32 v6, v7;
	p2 =	slt.s32 s3, s26  }
.Ltmp8:
0xb5: {  	(pc) =	sbr.rel @p2 .LBB2_11-.Ltmp8, $4  }
0xb6: {  	_ = 	snop  }
0xb7: {  	s1 =	sadd.s32 $0x20, s1;
	v7 =	vshrl.u32 v5, $0x1  }
0xb8: {  	v5 =	vld [tilespmem:s1+$0xFFFFFFF0];
	vm0 =	vgt.s32 v6, v7  }
0xb9: {  	v6 =	vsel vm0, v6, v7;
	v7 =	vshrl.u32 v8, $0x1  }
.LBB2_12:
0xba: {  	_ = 	snop  }
0xbb: {  	v8 =	vld [tilespmem:s1+$0x0];
	_ =	sdelay $0x1  }
0xbc: {  	v6 =	vmax.u32 @p0 v6, v7  }
0xbd: {  	v4 =	vpsel p0, v6, v4;
	v5 =	vshrl.u32 v5, $0x1  }
0xbe: {  	vm0 =	vgt.s32 v4, v5  }
0xbf: {  	v4 =	vsel vm0, v4, v5;
	v5 =	vshrl.u32 v8, $0x1  }
0xc0: {  	v4 =	vmax.u32 v4, v5  }
.LBB2_13:
0xc1: {  	s1 =	ssub.s32 s0, s26  }
0xc2: {  	p0 =	slt.s32 s1, $0x1  }
0xc3: {  	s1 =	sshll.u32 @!p0 s26, $0x6  }
0xc4: {  	s1 =	sshra.s32 @!p0 s1, $0x2  }
0xc5: {  	v5 =	vld @!p0 [tilespmem:s1+$0x18000];
	_ =	sdelay $0x4  }
0xc6: {  	v5 =	vshrl.u32 @!p0 v5, $0x1  }
0xc7: {  	vm0 =	vgt.s32 @!p0 v4, v5  }
0xc8: {  	v5 =	vsel @!p0 vm0, v4, v5  }
0xc9: {  	v4 =	vpsel p0, v4, v5  }
0xca: {  	v4 =	vxor.u32 $0x80000000, v4  }
0xcb: {  	(xrf0) =	vmax.scan.msk.u32 $0xffff, v4;
	_ =	sdelay $0x5  }
0xcc: {  	v4, _, _ =	vpop (xrf0)  }
0xcd: {  	(v2sf) =	vpush v4, $0xF;
	_ =	sdelay $0xe  }
0xce: {  	s31 =	spop (v2sf)  }
0xcf: {  	s1 =	sxor.u32 $0x80000000, s31  }
0xd0: {  	s1 =	scvt.s32.f32 s1  }
.Ltmp9:
0xd1: {  	_ = 	snop;
	(pc) =	sbr.rel .LBB2_14-.Ltmp9, $4  }
0xd2: {  	s1 =	sshrl.u32 s1, $0x17  }
0xd3: {  	s1 =	smax.u32 s1, $0x7E  }
0xd4: {  	s3 =	sshll.u32 s26, $0x6;
	s30 =	simm.s32 $0x0;
	s1 =	smin.u32 s1, $0x9D  }
0xd5: {  	s28 =	simm.s32 $0x0;
	s29 =	sshra.s32 @!p0 s3, $0x2;
	s1 =	sadd.s32 $0xFFFFFF82, s1  }
.LBB2_15:
0xd6: {  	v4 =	vimm.s32 $0x0  }
.LBB2_16:
0xd7: {  	v5 =	vld @!p0 [tilespmem:s29+$0x18000];
	_ =	sdelay $0x4  }
0xd8: {  	vm0 =	vge.u32 @!p0 v5, s3;
	v5 =	vimm.s32 @!p0 $0x0  }
0xd9: {  	v5 =	vsel @!p0 vm0, $0x1, v5  }
0xda: {  	v5 =	vadd.s32 @!p0 v5, v4  }
0xdb: {  	v4 =	vpsel p0, v4, v5  }
0xdc: {  	(xrf0) =	vadd.scan.msk.s32 $0xffff, v4;
	_ =	sdelay $0x5  }
0xdd: {  	v4, _, _ =	vpop (xrf0)  }
0xde: {  	(v2sf) =	vpush v4, $0xF;
	_ =	sdelay $0xb  }
0xdf: {  	p3 =	seq.s32 s1, s30  }
.Ltmp10:
0xe0: {  	_ = 	snop;
	(pc) =	sbr.rel @p3 .LBB2_17-.Ltmp10, $4  }
0xe1: {  	_ = 	snop  }
0xe2: {  	s4 =	spop (v2sf)  }
0xe3: {  	s31 =	sadd.s32 $0x1, s30;
	p2 =	sgt.s32 s4, $0x3F  }
0xe4: {  	s30 =	smov.u32 s31;
	s28 =	smov.u32 @p2 s3  }
.LBB2_14:
.Ltmp11:
0xe5: {  	(pc) =	sbr.rel @p1 .LBB2_15-.Ltmp11, $4  }
0xe6: {  	_ = 	snop  }
0xe7: {  	s3 =	ssub.s32 s1, s30  }
0xe8: {  	s3 =	sshll.u32 s15, s3  }
0xe9: {  	s3 =	sor.u32 s28, s3  }
0xea: {  	p3 =	sgt.s32 s26, $0x2  }
.Ltmp12:
0xeb: {  	_ = 	snop;
	(pc) =	sbr.rel @!p3 .LBB2_20-.Ltmp12, $4  }
0xec: {  	_ = 	snop  }
0xed: {  	s4 =	simm.s32 $0x18010  }
0xee: {  	v7 =	vld [tilespmem:s4+$0xFFFFFFF0]  }
0xef: {  	v4 =	vmov s3;
	v5 =	vimm.s32 $0x0;
	p2 =	por $0x0, $0x0;
	v6 =	vld [tilespmem:s4+$0x0]  }
0xf0: {  	p3 =	sgt.s32 s26, $0x4  }
.Ltmp13:
0xf1: {  	_ = 	snop;
	(pc) =	sbr.rel @!p3 .LBB2_23-.Ltmp13, $4  }
0xf2: {  	_ = 	snop  }
0xf3: {  	s31 =	simm.s32 $0x18030;
	vm0 =	vge.u32 v7, v4  }
0xf4: {  	v7 =	vld [tilespmem:s31+$0xFFFFFFF0];
	v8 =	vsel vm0, $0x1, v1;
	vm15 =	vge.u32 v6, v4  }
0xf5: {  	s4 =	simm.s32 $0x4;
	p2 =	por $0x1, $0x1;
	v6 =	vld [tilespmem:s31+$0x0];
	v8 =	vadd.s32 v8, v5;
	v9 =	vsel vm15, $0x1, v1  }
.LBB2_22:
0xf6: {  	s4 =	sadd.s32 $0x2, s4  }
0xf7: {  	v8 =	vadd.s32 v9, v8;
	p3 =	slt.s32 s4, s26  }
.Ltmp14:
0xf8: {  	(pc) =	sbr.rel @p3 .LBB2_22-.Ltmp14, $4  }
0xf9: {  	_ = 	snop  }
0xfa: {  	s31 =	sadd.s32 $0x20, s31;
	vm0 =	vge.u32 v7, v4  }
0xfb: {  	v7 =	vld [tilespmem:s31+$0xFFFFFFF0];
	v9 =	vsel vm0, $0x1, v1;
	vm0 =	vge.u32 v6, v4  }
0xfc: {  	v6 =	vld [tilespmem:s31+$0x0];
	v8 =	vadd.s32 v9, v8;
	v9 =	vsel vm0, $0x1, v1  }
.LBB2_23:
0xfd: {  	_ =	sdelay $0x1  }
.Ltmp15:
0xfe: {  	_ = 	snop;
	(pc) =	sbr.rel .LBB2_16-.Ltmp15, $4  }
0xff: {  	v8 =	vadd.s32 @p2 v9, v8;
	vm0 =	vge.u32 v7, v4  }
0x100: {  	v7 =	vsel vm0, $0x1, v1;
	vm15 =	vge.u32 v6, v4;
	v4 =	vpsel p2, v8, v5  }
0x101: {  	v4 =	vadd.s32 v7, v4;
	v5 =	vsel vm15, $0x1, v1  }
0x102: {  	v4 =	vadd.s32 v5, v4  }
.LBB2_20:
.Ltmp16:
0x103: {  	(pc) =	sbr.rel .LBB2_23-.Ltmp16, $2  }
0x104: {  	_ =	sdelay $0x2  }
0x105: {  	_ = 	snop  }
.LBB2_17:
0x106: {  	p2 =	slt.s32 s0, $0x1  }
.Ltmp17:
0x107: {  	_ = 	snop;
	(pc) =	sbr.rel @p2 .LBB2_18-.Ltmp17, $2  }
0x108: {  	_ =	sdelay $0x2  }
0x109: {  	v4 =	vmov s28;
	v5 =	vimm.s32 $0x0  }
0x10a: {  	s1 =	simm.s32 $0x18000  }
0x10b: {  	p3 =	sne.s32 s0, $0x1;
	v6 =	vld [tilespmem:s1+$0x0]  }
.Ltmp18:
0x10c: {  	_ = 	snop;
	(pc) =	sbr.rel @!p3 .LBB2_26-.Ltmp18, $2  }
0x10d: {  	_ =	sdelay $0x2  }
0x10e: {  	s3 =	simm.s32 $0x18010;
	s1 =	sadd.s32 $0xFFFFFFFF, s0;
	vm0 =	vge.u32 v6, v4;
	vm1 =	vgt.u32 v6, v4;
	v6 =	vimm.s32 $0x0  }
.LBB2_25:
0x10f: {  	v7 =	vld [tilespmem:s3+$0x0];
	p3 =	sne.s32 s1, $0x1;
	s1 =	sadd.s32 $0xFFFFFFFF, s1;
	v8 =	vsel vm0, $0x1, v1;
	v9 =	vsel vm1, $0x1, v1  }
.Ltmp19:
0x110: {  	v5 =	vadd.s32 v8, v5;
	v6 =	vadd.s32 v9, v6;
	(pc) =	sbr.rel @p3 .LBB2_25-.Ltmp19, $2  }
0x111: {  	_ =	sdelay $0x2  }
0x112: {  	s3 =	sadd.s32 $0x10, s3;
	vm0 =	vge.u32 v7, v4;
	vm1 =	vgt.u32 v7, v4  }
.LBB2_26:
.Ltmp20:
0x113: {  	(pc) =	sbr.rel .LBB2_27-.Ltmp20, $3  }
0x114: {  	_ =	sdelay $0x1  }
0x115: {  	v7 =	vsel vm0, $0x1, v1;
	v8 =	vsel vm1, $0x1, v1  }
0x116: {  	v5 =	vadd.s32 v7, v5;
	v6 =	vadd.s32 v8, v6  }
.LBB2_18:
0x117: {  	v6 =	vimm.s32 $0x0  }
.LBB2_27:
0x118: {  	(xrf0) =	vadd.scan.msk.s32 $0xffff, v5;
	_ =	sdelay $0x5  }
0x119: {  	(xrf0) =	vadd.scan.msk.s32 $0xffff, v6;
	v5, _, _ =	vpop (xrf0)  }
0x11a: {  	(v2sf) =	vpush v5, $0xF;
	_ =	sdelay $0x4  }
0x11b: {  	v5, _, _ =	vpop (xrf0)  }
0x11c: {  	(v2sf) =	vpush v5, $0xF;
	_ =	sdelay $0x8  }
0x11d: {  	s1 =	spop (v2sf)  }
0x11e: {  	p3 =	seq.s32 s1, $0x40  }
.Ltmp21:
0x11f: {  	_ = 	snop;
	(pc) =	sbr.rel @!p3 .LBB2_28-.Ltmp21, $2  }
0x120: {  	_ =	sdelay $0x2  }
0x121: {  	s29 =	simm.s32 $0x7FFF;
	s1 =	spop (v2sf)  }
.LBB2_35:
.Ltmp22:
0x122: {  	(pc) =	sbr.rel @p1 .LBB2_36-.Ltmp22, $1  }
0x123: {  	_ =	sdelay $0x3  }
0x124: {  	p6 =	sgt.s32 s26, $0x2  }
.Ltmp23:
0x125: {  	_ = 	snop;
	(pc) =	sbr.rel @!p6 .LBB2_45-.Ltmp23, $4  }
0x126: {  	_ = 	snop  }
0x127: {  	s30 =	simm.s32 $0x19010  }
0x128: {  	s31 =	simm.s32 $0x18010;
	p1 =	por $0x0, $0x0;
	p2 =	por $0x0, $0x0  }
0x129: {  	v6 =	vmov s29;
	v5 =	vimm.s32 $0xFFFFFFFF;
	p3 =	por $0x0, $0x0;
	p4 =	por $0x0, $0x0;
	p5 =	por $0x0, $0x0  }
0x12a: {  	p6 =	sgt.s32 s26, $0x4  }
.Ltmp24:
0x12b: {  	_ = 	snop;
	(pc) =	sbr.rel @!p6 .LBB2_47-.Ltmp24, $4  }
0x12c: {  	_ = 	snop  }
0x12d: {  	v13 =	vld [tilespmem:s31+$0xFFFFFFF0]  }
0x12e: {  	v8 =	vld [tilespmem:s30+$0xFFFFFFF0]  }
0x12f: {  	v18 =	vld [tilespmem:s31+$0x0];
	p1 =	por $0x1, $0x1  }
0x130: {  	v7 =	vld [tilespmem:s30+$0x0];
	_ =	sdelay $0x3  }
0x131: {  	p6 =	sgt.s32 s26, $0x6;
	vm0 =	vgt.u32 v13, v4;
	vm1 =	veq.s32 v13, v4;
	vm2 =	vle.s32 v8, v6  }
.Ltmp25:
0x132: {  	vm1 =	vmand vm1, vm2;
	vm13 =	veq.s32 v18, v4;
	vm3 =	vle.s32 v7, v6;
	(pc) =	sbr.rel @!p6 .LBB2_49-.Ltmp25, $4  }
0x133: {  	s0 =	simm.s32 $0x19030;
	vm14 =	vgt.u32 v18, v4;
	vm8 =	vmor vm0, vm1;
	vm15 =	vmand vm13, vm3  }
0x134: {  	s1 =	simm.s32 $0x18030;
	v12 =	vld [tilespmem:s0+$0xFFFFFFF0];
	v9 =	vsel vm8, $0x1, v1;
	v10 =	vmpcnt.ones.xlane vm8;
	vm11 =	vmor vm14, vm15  }
0x135: {  	v13 =	vld [tilespmem:s1+$0xFFFFFFF0];
	(xrf0) =	vadd.scan.msk.s32 $0xffff, v9;
	v11 =	vsel vm11, $0x1, v1  }
0x136: {  	p2 =	por $0x1, $0x1;
	v18 =	vld [tilespmem:s1+$0x0];
	v30 =	vmpcnt.ones.xlane vm11;
	v16 =	vadd.s32 v5, v10;
	(xrf0) =	vadd.scan.msk.s32 $0xffff, v11  }
0x137: {  	_ =	sdelay $0x2  }
0x138: {  	vm2 =	vle.s32 v12, v6;
	vm1 =	veq.s32 v13, v4  }
0x139: {  	vm0 =	vgt.u32 v13, v4;
	vm1 =	vmand vm1, vm2  }
0x13a: {  	v14 =	vld [tilespmem:s0+$0x0];
	vm10 =	vmmov vm8;
	vm8 =	vmor vm0, vm1  }
0x13b: {  	v11 =	vmpcnt.ones.xlane vm8  }
0x13c: {  	s0 =	simm.s32 $0x19050;
	v28 =	vadd.s32 v16, v30  }
0x13d: {  	vm4 =	vmmov vm11;
	s1 =	simm.s32 $0x18050;
	v24 =	vld [tilespmem:s0+$0xFFFFFFF0];
	v15 =	vadd.s32 v28, v11;
	v11 =	vimm.s32 $0x0  }
0x13e: {  	p6 =	sgt.s32 s26, $0x8;
	v13 =	vld [tilespmem:s1+$0xFFFFFFF0];
	vm13 =	veq.s32 v18, v4;
	vm14 =	vgt.u32 v18, v4;
	v9, _, _ =	vpop (xrf0);
	v11 =	vsel vm10, $0xFFFFFFFF, v11  }
.Ltmp26:
0x13f: {  	v18 =	vld [tilespmem:s1+$0x0];
	vm3 =	vle.s32 v14, v6;
	v9 =	vadd.s32 v5, v9;
	[tilespmem:$0x1FFD0] =	vst v11;
	v11 =	vimm.s32 $0x0;
	(pc) =	sbr.rel @!p6 .LBB2_51-.Ltmp26, $4  }
0x140: {  	vm15 =	vmand vm13, vm3;
	v10 =	vsel vm8, $0x1, v1;
	v11 =	vsel vm4, $0xFFFFFFFF, v11  }
0x141: {  	vm5 =	vlt.s32 v9, $0x40;
	vm11 =	vmor vm14, vm15;
	[tilespmem:$0x1FFE0] =	vst v11;
	v11 =	vimm.s32 $0x0  }
0x142: {  	v17, _, _ =	vpop (xrf0);
	(xrf0) =	vadd.scan.msk.s32 $0xffff, v10;
	v19 =	vsel vm11, $0x1, v1;
	v11 =	vsel vm5, $0xFFFFFFFF, v11  }
0x143: {  	p3 =	por $0x1, $0x1;
	v10 =	vadd.s32 v16, v17;
	v30 =	vmpcnt.ones.xlane vm11;
	(xrf0) =	vadd.scan.msk.s32 $0xffff, v19;
	[tilespmem:$0x1FFF0] =	vst v11  }
0x144: {  	vm0 =	vmand vm10, vm5  }
0x145: {  	v11 =	vnsel vm0, $0x0, v8  }
0x146: {  	v20 =	vld [tilespmem:s0+$0x0];
	vm1 =	vlt.s32 v10, $0x40;
	vm10 =	vmmov vm8;
	vm7 =	vmmov vm11  }
0x147: {  	vm2 =	vle.s32 v24, v6;
	vm6 =	vmand vm4, vm1;
	vm1 =	veq.s32 v13, v4  }
0x148: {  	vm3 =	vmmov vm0;
	vm0 =	vgt.u32 v13, v4;
	vm1 =	vmand vm1, vm2  }
0x149: {  	v39 =	vadd.s32 v15, v30;
	v21 =	vnsel vm6, $0x0, v7;
	vm14 =	vmor vm0, vm1  }
0x14a: {  	s1 =	simm.s32 $0x18070;
	p6 =	sgt.s32 s26, $0xA;
	vm2 =	veq.s32 v18, v4;
	vm0 =	vgt.u32 v18, v4;
	v17 =	vmpcnt.ones.xlane vm14;
	v34 =	vld.idx.msk [tilespmem:v11+s2+$0x0], $0xffff;
	v11, _, _ =	vpop (xrf0)  }
.Ltmp27:
0x14b: {  	s0 =	simm.s32 $0x19070;
	v13 =	vld [tilespmem:s1+$0xFFFFFFF0];
	vm4 =	vle.s32 v20, v6;
	v36 =	vadd.s32 v28, v11;
	v11 =	vimm.s32 $0x0;
	(pc) =	sbr.rel @!p6 .LBB2_53-.Ltmp27, $4  }
0x14c: {  	v25 =	vld [tilespmem:s0+$0xFFFFFFF0];
	v16 =	vsel vm14, $0x1, v1;
	vm1 =	vmand vm2, vm4;
	v11 =	vsel vm10, $0xFFFFFFFF, v11  }
0x14d: {  	v18 =	vld [tilespmem:s1+$0x0];
	v26 =	vadd.s32 v39, v17;
	vm15 =	vmor vm0, vm1;
	[tilespmem:$0x1FFB0] =	vst v11;
	v11 =	vimm.s32 $0x0  }
0x14e: {  	(xrf0) =	vadd.scan.msk.s32 $0xffff, v16;
	v19, _, _ =	vpop (xrf0);
	v23 =	vsel vm15, $0x1, v1;
	v22 =	vmpcnt.ones.xlane vm15;
	v11 =	vsel vm7, $0xFFFFFFFF, v11  }
0x14f: {  	p4 =	por $0x1, $0x1;
	vm13 =	vlt.s32 v36, $0x40;
	v37 =	vadd.s32 v15, v19;
	(xrf0) =	vadd.scan.msk.s32 $0xffff, v23;
	[tilespmem:$0x1FFC0] =	vst v11  }
0x150: {  	v11 =	vld [tilespmem:s0+$0x0]  }
0x151: {  	vm1 =	vmand vm10, vm13  }
0x152: {  	vm5 =	veq.s32 v13, v4;
	v16 =	vnsel vm1, $0x0, v12;
	vm8 =	vle.s32 v25, v6  }
0x153: {  	vm4 =	vmmov vm1;
	vm1 =	vgt.u32 v13, v4;
	vm5 =	vmand vm5, vm8  }
0x154: {  	vm0 =	vlt.s32 v37, $0x40;
	vm8 =	vmor vm1, vm5  }
0x155: {  	vm11 =	veq.s32 v18, v4;
	v19 =	vmpcnt.ones.xlane vm8;
	vm9 =	vle.s32 v11, v6  }
0x156: {  	v28 =	vadd.s32 v26, v22;
	v17 =	vld.idx.msk [tilespmem:v21+s2+$0x0], $0xffff;
	vm1 =	vgt.u32 v18, v4;
	vm5 =	vmand vm11, vm9  }
0x157: {  	vm10 =	vmmov vm14;
	vm2 =	vmmov vm15;
	p6 =	sgt.s32 s26, $0xC;
	vm11 =	vmor vm1, vm5  }
.Ltmp28:
0x158: {  	[tilespmem:v8+s18+$0x0] =	vst.idx.msk vm3, v34;
	vm7 =	vmand vm7, vm0;
	vm0 =	vmmov vm6;
	v27 =	vld.idx.msk [tilespmem:v16+s2+$0x0], $0xffff;
	v16, _, _ =	vpop (xrf0);
	v23 =	vsel vm11, $0x1, v1;
	(pc) =	sbr.rel @!p6 .LBB2_55-.Ltmp28, $4  }
0x159: {  	s1 =	simm.s32 $0x18090;
	v29 =	vmovc v14;
	v18 =	vsel vm8, $0x1, v1;
	v40 =	vadd.s32 v39, v16;
	v16 =	vadd.s32 v28, v19;
	v19 =	vmovc v10  }
0x15a: {  	s0 =	simm.s32 $0x19090;
	v38 =	vmovc v20;
	v35 =	vmov v37;
	v31 =	vmov v24;
	v13 =	vld [tilespmem:s1+$0xFFFFFFF0];
	v15 =	vnsel vm7, $0x0, v14;
	(xrf0) =	vadd.scan.msk.s32 $0xffff, v18  }
0x15b: {  	v42 =	vld [tilespmem:s0+$0xFFFFFFF0];
	[tilespmem:v7+s18+$0x0] =	vst.idx.msk vm6, v17;
	v17, _, _ =	vpop (xrf0);
	v30 =	vmpcnt.ones.xlane vm11;
	(xrf0) =	vadd.scan.msk.s32 $0xffff, v23;
	v23 =	vmov v12  }
0x15c: {  	s3 =	simm.s32 $0xC;
	p5 =	por $0x1, $0x1;
	v32 =	vmovc v36;
	[tilespmem:v9+s19+$0x0] =	vst.idx.msk vm3, v8;
	v18 =	vld [tilespmem:s1+$0x0];
	vm5 =	vlt.s32 v40, $0x40;
	v33 =	vadd.s32 v26, v17;
	v17 =	vmov v7  }
.LBB2_56:
0x15d: {  	v41 =	vadd.s32 v16, v30;
	vm1 =	vmand vm10, vm5;
	vm5 =	vlt.s32 v33, $0x40  }
0x15e: {  	s3 =	sadd.s32 $0x2, s3;
	[tilespmem:v19+s19+$0x0] =	vst.idx.msk vm0, v17;
	v17 =	vmovc v29;
	v29 =	vmovc v38;
	v38 =	vmov v11;
	v11 =	vld [tilespmem:s0+$0x0];
	v19 =	vmov v35;
	v35 =	vmov v33  }
0x15f: {  	vm0 =	vmmov vm7;
	p6 =	slt.s32 s3, s26;
	v30 =	vnsel vm1, $0x0, v31;
	v33 =	vld.idx.msk [tilespmem:v15+s2+$0x0], $0xffff;
	vm7 =	vmand vm2, vm5  }
0x160: {  	vm10 =	vmmov vm8;
	vm2 =	vmmov vm11;
	v15 =	vnsel vm7, $0x0, v29;
	[tilespmem:v23+s18+$0x0] =	vst.idx.msk vm4, v27  }
0x161: {  	[tilespmem:v32+s19+$0x0] =	vst.idx.msk vm4, v23;
	v23 =	vmovc v31;
	v31 =	vmovc v25;
	v25 =	vmov v42;
	v32 =	vmov v40;
	vm4 =	vmmov vm1  }
0x162: {  	vm5 =	veq.s32 v13, v4;
	vm1 =	vgt.u32 v13, v4;
	vm8 =	vle.s32 v25, v6;
	v40, _, _ =	vpop (xrf0)  }
.Ltmp29:
0x163: {  	vm9 =	veq.s32 v18, v4;
	vm5 =	vmand vm5, vm8;
	vm11 =	vle.s32 v11, v6;
	v43, _, _ =	vpop (xrf0);
	(pc) =	sbr.rel @p6 .LBB2_56-.Ltmp29, $4  }
0x164: {  	s1 =	sadd.s32 $0x20, s1;
	vm8 =	vmor vm1, vm5;
	vm1 =	vgt.u32 v18, v4;
	vm5 =	vmand vm9, vm11;
	v27 =	vld.idx.msk [tilespmem:v30+s2+$0x0], $0xffff  }
0x165: {  	s0 =	sadd.s32 $0x20, s0;
	v13 =	vld [tilespmem:s1+$0xFFFFFFF0];
	v18 =	vsel vm8, $0x1, v1;
	v44 =	vmpcnt.ones.xlane vm8;
	vm11 =	vmor vm1, vm5;
	[tilespmem:v17+s18+$0x0] =	vst.idx.msk vm0, v33  }
0x166: {  	v40 =	vadd.s32 v28, v40;
	v28 =	vmovc v41;
	v42 =	vld [tilespmem:s0+$0xFFFFFFF0];
	v33 =	vsel vm11, $0x1, v1;
	v30 =	vmpcnt.ones.xlane vm11;
	(xrf0) =	vadd.scan.msk.s32 $0xffff, v18  }
0x167: {  	vm5 =	vlt.s32 v40, $0x40;
	v18 =	vld [tilespmem:s1+$0x0];
	(xrf0) =	vadd.scan.msk.s32 $0xffff, v33;
	v33 =	vadd.s32 v16, v43;
	v16 =	vadd.s32 v41, v44  }
0x168: {  	_ =	sdelay $0x2  }
0x169: {  	v41 =	vmov v25;
	v25 =	vmov v42  }
.LBB2_58:
0x16a: {  	vm5 =	vmand @p3 vm10, vm5;
	vm1 =	vlt.s32 @p3 v33, $0x40;
	vm9 =	veq.s32 @p1 v13, v4  }
0x16b: {  	vm10 =	vle.s32 @p1 v25, v6;
	vm8 =	vmmov @p2 vm8;
	v30 =	vadd.s32 @p2 v16, v30  }
0x16c: {  	v42 =	vld @p1 [tilespmem:s0+$0x0];
	vm7 =	vmmov @p4 vm7;
	v11 =	vpsel p2, v11, v14;
	v33 =	vpsel p3, v33, v10  }
0x16d: {  	v47 =	vld [tilespmem:$0x1FFB0];
	vm12 =	vmand @p3 vm2, vm1;
	vm1 =	vmand @p1 vm9, vm10;
	vm2 =	vgt.u32 @p1 v13, v4  }
0x16e: {  	v43 =	vld [tilespmem:$0x1FFC0];
	v24 =	vpsel p1, v25, v24;
	v13, _, _ =	vpop @p2 (xrf0);
	v30 =	vpsel p2, v30, v5;
	vm2 =	vmor @p1 vm2, vm1  }
0x16f: {  	v50 =	vld [tilespmem:$0x1FFD0];
	vm1 =	veq.s32 @p1 v18, v4;
	v28 =	vadd.s32 @p2 v28, v13;
	vm6 =	vmmov @p3 vm12;
	v44, _, _ =	vpop @p2 (xrf0)  }
0x170: {  	v51 =	vld [tilespmem:$0x1FFF0];
	v46 =	vsel @p1 vm2, $0x1, v1;
	v44 =	vadd.s32 @p2 v16, v44;
	vm14 =	vmmov @p1 vm2  }
0x171: {  	s1 =	sadd.s32 @p1 $0x20, s1;
	v52 =	vld [tilespmem:$0x1FFE0];
	[tilespmem:v19+s19+$0x0] =	vst.idx.msk @p5 vm0, v17;
	v25 =	vpsel p2, v28, v36;
	vm0 =	vmmov @p3 vm6;
	v37 =	vpsel p2, v44, v37  }
0x172: {  	s0 =	sadd.s32 @p1 $0x20, s0;
	[tilespmem:v23+s18+$0x0] =	vst.idx.msk @p4 vm4, v27;
	s31 =	smov.u32 @p1 s1;
	v44 =	vnsel @p3 vm5, $0x0, v31;
	vm5 =	vmmov @p3 vm5;
	vm6 =	vmmov @p3 vm0  }
0x173: {  	s30 =	smov.u32 @p1 s0;
	[tilespmem:v32+s19+$0x0] =	vst.idx.msk @p4 vm4, v23;
	v45 =	vld [tilespmem:s31+$0x0];
	v23 =	vmovc @p2 v25;
	vm9 =	vle.s32 @p1 v42, v6;
	vm10 =	vnez.u8 v47;
	vm3 =	vmmov @p3 vm5  }
0x174: {  	v49 =	vld [tilespmem:s30+$0x0];
	vm5 =	vlt.s32 @p2 v37, $0x40;
	v53 =	vpsel p1, v42, v20;
	v23 =	vpsel p2, v23, v0  }
0x175: {  	v20 =	vmovc @p3 v31;
	v31 =	vmovc @p3 v40;
	vm1 =	vmand @p1 vm1, vm9;
	vm9 =	vgt.u32 @p1 v18, v4;
	vm10 =	vmmov @p2 vm8  }
0x176: {  	vm8 =	vmmov @p2 vm11;
	v20 =	vpsel p3, v20, v8;
	v31 =	vpsel p3, v31, v9  }
0x177: {  	v18 =	vmovc @p1 v30;
	v8 =	vpsel p1, v24, v8;
	vm1 =	vmor @p1 vm9, vm1;
	vm9 =	vlt.s32 @p2 v28, $0x40  }
0x178: {  	v63 =	vld [tilespmem:s31+$0xFFFFFFF0];
	vm11 =	veq.s32 v45, v4;
	v18 =	vpsel p1, v18, v39;
	vm13 =	vmmov @p2 vm9  }
0x179: {  	v48 =	vld [tilespmem:s30+$0xFFFFFFF0];
	vm9 =	vnez.u8 v43;
	v43 =	vnsel @p3 vm12, $0x0, v38;
	vm12 =	vle.s32 v49, v6  }
0x17a: {  	(xrf0) =	vadd.scan.msk.s32 @p1 $0xffff, v46;
	v28 =	vmovc @p2 v37;
	v46 =	vsel @p1 vm1, $0x1, v1;
	vm15 =	vmmov @p1 vm1;
	v47 =	vmpcnt.ones.xlane @p1 vm1  }
0x17b: {  	v38 =	vpsel p3, v38, v7;
	v7 =	vpsel p1, v53, v7;
	v57 =	vpsel p2, v28, v0  }
0x17c: {  	vm9 =	vmmov @p2 vm8;
	vm10 =	vmand @p2 vm10, vm13;
	vm13 =	vnez.u8 v52  }
0x17d: {  	v21 =	vpsel p3, v43, v21;
	v14 =	vpsel p2, v57, v0;
	vm8 =	vmand @p2 vm9, vm5  }
0x17e: {  	vm5 =	veq.s32 v63, v4;
	vm9 =	vle.s32 v48, v6;
	v6 =	vmpcnt.ones.xlane @p1 vm2  }
0x17f: {  	vm2 =	vmand vm11, vm12;
	vm12 =	vgt.u32 v45, v4;
	v22 =	vpsel p1, v47, v22  }
0x180: {  	v39, _, _ =	vpop @p1 (xrf0);
	vm11 =	vmmov @p2 vm10;
	vm5 =	vmand vm5, vm9;
	vm9 =	vgt.u32 v63, v4  }
0x181: {  	v4 =	vadd.s32 @p1 v18, v39;
	vm2 =	vmor vm12, vm2;
	vm12 =	vnez.u8 v50  }
0x182: {  	(xrf0) =	vadd.scan.msk.s32 @p1 $0xffff, v46;
	v17 =	vnsel @p2 vm8, $0x0, v11;
	v11 =	vpsel p2, v11, v0;
	vm8 =	vmmov @p2 vm8  }
0x183: {  	vm4 =	vmmov @p2 vm11;
	vm5 =	vmor vm9, vm5;
	vm9 =	vmmov @p1 vm14  }
0x184: {  	vm1 =	vlt.s32 @p1 v4, $0x40;
	vm14 =	vnez.u8 v51;
	v6 =	vadd.s32 @p1 v30, v6  }
0x185: {  	v56 =	vsel vm2, $0x1, v1;
	v17 =	vpsel p2, v17, v0;
	v4 =	vpsel p1, v4, v9  }
0x186: {  	v18 =	vmovc @p4 v29;
	v29 =	vld.idx.msk @p3 [tilespmem:v44+s2+$0x0], $0xffff;
	vm12 =	vmmov @p1 vm9;
	vm14 =	vmmov @p1 vm1;
	vm1 =	vmmov @p1 vm15  }
0x187: {  	v30 =	vmovc @p4 v35;
	v35 =	vmovc @p2 v41;
	v6 =	vpsel p1, v6, v26;
	v26 =	vpsel p4, v18, v0;
	v54 =	vsel vm5, $0x1, v1  }
0x188: {  	v15 =	vld.idx.msk @p4 [tilespmem:v15+s2+$0x0], $0xffff;
	vm9 =	vmmov @p4 vm7;
	v30 =	vpsel p4, v30, v0;
	v12 =	vpsel p2, v35, v12;
	v19, _, _ =	vpop @p1 (xrf0);
	(xrf0) =	vadd.scan.msk.s32 $0xffff, v54  }
0x189: {  	v55 =	vmpcnt.ones.xlane vm5;
	vm5 =	vmmov vm5;
	v4 =	vpsel p1, v4, v0;
	(xrf0) =	vadd.scan.msk.s32 $0xffff, v56  }
0x18a: {  	vm13 =	vmmov @p1 vm1;
	v35 =	vnsel @p2 vm10, $0x0, v12;
	v22 =	vadd.s32 @p1 v6, v22  }
0x18b: {  	vm10 =	vmand @p1 vm12, vm14;
	v12 =	vpsel p2, v12, v0;
	v5 =	vpsel p1, v22, v5  }
0x18c: {  	v27 =	vmovc @p3 v38;
	v21 =	vld.idx.msk @p3 [tilespmem:v21+s2+$0x0], $0xffff;
	v9 =	vnsel @p1 vm10, $0x0, v8;
	v29 =	vpsel p3, v29, v34;
	v6 =	vadd.s32 @p1 v6, v19  }
0x18d: {  	v22 =	vadd.s32 v5, v55;
	[tilespmem:v18+s18+$0x0] =	vst.idx.msk @p4 vm7, v15;
	vm7 =	vmmov @p2 vm8;
	v6 =	vpsel p1, v6, v10  }
0x18e: {  	vm8 =	vmmov vm2;
	v17 =	vld.idx.msk @p2 [tilespmem:v17+s2+$0x0], $0xffff;
	v10 =	vmov @p3 v33;
	vm1 =	vlt.s32 @p1 v6, $0x40;
	v58, _, _ =	vpop (xrf0)  }
0x18f: {  	v19 =	vld.idx.msk @p2 [tilespmem:v35+s2+$0x0], $0xffff;
	v10 =	vpsel p3, v10, v0;
	vm1 =	vmand @p1 vm13, vm1;
	v59, _, _ =	vpop (xrf0);
	v5 =	vadd.s32 v5, v58  }
0x190: {  	[tilespmem:v20+s18+$0x0] =	vst.idx.msk @p3 vm3, v29;
	v15 =	vnsel @p1 vm1, $0x0, v7;
	vm13 =	vlt.s32 v5, $0x40;
	v60 =	vadd.s32 v22, v59  }
0x191: {  	[tilespmem:v31+s19+$0x0] =	vst.idx.msk @p3 vm3, v20;
	v15 =	vpsel p1, v15, v0;
	vm14 =	vmand vm5, vm13;
	vm5 =	vlt.s32 v60, $0x40  }
0x192: {  	[tilespmem:v30+s19+$0x0] =	vst.idx.msk @p4 vm9, v26;
	vm9 =	vmmov @p1 vm10;
	vm15 =	vmand vm8, vm5;
	vm5 =	vmmov @p2 vm7  }
0x193: {  	v8 =	vpsel p1, v8, v0;
	[tilespmem:v27+s18+$0x0] =	vst.idx.msk @p3 vm0, v21;
	v9 =	vld.idx.msk @p1 [tilespmem:v9+s2+$0x0], $0xffff;
	vm8 =	vmmov @p1 vm9;
	v61 =	vnsel vm14, $0x0, v48  }
0x194: {  	v33 =	vpsel p3, v27, v0;
	vm1 =	vmmov @p1 vm1;
	[tilespmem:v11+s18+$0x0] =	vst.idx.msk @p2 vm7, v17;
	v19 =	vpsel p2, v19, v0  }
0x195: {  	v6 =	vpsel p1, v6, v0;
	vm1 =	vmmov @p1 vm1;
	[tilespmem:v12+s18+$0x0] =	vst.idx.msk @p2 vm4, v19;
	v62 =	vnsel vm15, $0x0, v49  }
0x196: {  	v7 =	vpsel p1, v7, v0;
	[tilespmem:v23+s19+$0x0] =	vst.idx.msk @p2 vm4, v12;
	vm4 =	vmmov @p1 vm1;
	v12 =	vld.idx.msk @p1 [tilespmem:v15+s2+$0x0], $0xffff  }
0x197: {  	v6 =	vpsel p1, v6, v0;
	v11 =	vpsel p2, v11, v0;
	[tilespmem:v10+s19+$0x0] =	vst.idx.msk @p3 vm6, v33;
	vm3 =	vmmov vm14  }
0x198: {  	v9 =	vpsel p1, v9, v0;
	v63 =	vld.idx.msk [tilespmem:v61+s2+$0x0], $0xffff;
	[tilespmem:v14+s19+$0x0] =	vst.idx.msk @p2 vm5, v11  }
0x199: {  	vm0 =	vmmov vm15;
	[tilespmem:v8+s18+$0x0] =	vst.idx.msk @p1 vm8, v9  }
0x19a: {  	[tilespmem:v4+s19+$0x0] =	vst.idx.msk @p1 vm8, v8;
	v4 =	vld.idx.msk [tilespmem:v62+s2+$0x0], $0xffff  }
0x19b: {  	[tilespmem:v7+s18+$0x0] =	vst.idx.msk @p1 vm1, v12;
	v7 =	vpsel p1, v7, v0  }
.Ltmp30:
0x19c: {  	[tilespmem:v6+s19+$0x0] =	vst.idx.msk @p1 vm4, v7;
	(pc) =	sbr.rel .LBB2_37-.Ltmp30, $4  }
0x19d: {  	[tilespmem:v48+s18+$0x0] =	vst.idx.msk vm3, v63  }
0x19e: {  	v6 =	vmpcnt.ones.xlane vm2;
	[tilespmem:v5+s19+$0x0] =	vst.idx.msk vm3, v48  }
0x19f: {  	[tilespmem:v49+s18+$0x0] =	vst.idx.msk vm0, v4  }
0x1a0: {  	v4 =	vadd.s32 v22, v6;
	[tilespmem:v60+s19+$0x0] =	vst.idx.msk vm0, v49  }
.LBB2_28:
.Ltmp31:
0x1a1: {  	(pc) =	sbr.rel .LBB2_29-.Ltmp31, $2  }
0x1a2: {  	_ =	sdelay $0x2  }
0x1a3: {  	s1 =	ssub.s32 $0x40, s1;
	s29 =	simm.s32 $0x0;
	s3 =	simm.s32 $0x0  }
.LBB2_30:
0x1a4: {  	v5 =	vimm.s32 $0x0  }
.LBB2_34:
0x1a5: {  	(xrf0) =	vadd.scan.msk.s32 $0xffff, v5;
	_ =	sdelay $0x5  }
0x1a6: {  	v5, _, _ =	vpop (xrf0)  }
0x1a7: {  	(v2sf) =	vpush v5, $0xF;
	_ =	sdelay $0xa  }
0x1a8: {  	s3 =	sadd.s32 $0x1, s3  }
0x1a9: {  	p4 =	sne.s32 s3, $0xF  }
.Ltmp32:
0x1aa: {  	_ = 	snop;
	(pc) =	sbr.rel @!p4 .LBB2_35-.Ltmp32, $4  }
0x1ab: {  	_ = 	snop  }
0x1ac: {  	s4 =	spop (v2sf)  }
0x1ad: {  	p3 =	slt.s32 s4, s1  }
0x1ae: {  	s29 =	smov.u32 @p3 s30  }
.LBB2_29:
.Ltmp33:
0x1af: {  	(pc) =	sbr.rel @p2 .LBB2_30-.Ltmp33, $3  }
0x1b0: {  	_ =	sdelay $0x1  }
0x1b1: {  	s4 =	sshrl.u32 s23, s3  }
0x1b2: {  	s30 =	sor.u32 s4, s29  }
0x1b3: {  	s4 =	simm.s32 $0x18000  }
0x1b4: {  	s31 =	simm.s32 $0x19000;
	p3 =	sne.s32 s0, $0x1;
	v7 =	vld [tilespmem:s4+$0x0]  }
.Ltmp34:
0x1b5: {  	v8 =	vld [tilespmem:s31+$0x0];
	(pc) =	sbr.rel @!p3 .LBB2_33-.Ltmp34, $2  }
0x1b6: {  	_ =	sdelay $0x2  }
0x1b7: {  	v6 =	vmov s30;
	v5 =	vimm.s32 $0x0;
	s5 =	simm.s32 $0x18010;
	s4 =	sadd.s32 $0xFFFFFFFF, s0  }
.LBB2_32:
0x1b8: {  	vm0 =	veq.s32 v7, v4;
	v7 =	vld [tilespmem:s5+$0x0];
	vm1 =	vlt.s32 v8, v6;
	s31 =	sadd.s32 $0x10, s31;
	p3 =	sne.s32 s4, $0x1  }
.Ltmp35:
0x1b9: {  	s4 =	sadd.s32 $0xFFFFFFFF, s4;
	v8 =	vld [tilespmem:s31+$0x0];
	vm0 =	vmand vm0, vm1;
	(pc) =	sbr.rel @p3 .LBB2_32-.Ltmp35, $3  }
0x1ba: {  	v9 =	vsel vm0, $0x1, v1  }
0x1bb: {  	v5 =	vadd.s32 v9, v5;
	_ =	sdelay $0x1  }
0x1bc: {  	s5 =	sadd.s32 $0x10, s5  }
.LBB2_33:
.Ltmp36:
0x1bd: {  	(pc) =	sbr.rel .LBB2_34-.Ltmp36, $4  }
0x1be: {  	vm0 =	veq.s32 v7, v4;
	vm1 =	vlt.s32 v8, v6  }
0x1bf: {  	vm0 =	vmand vm0, vm1  }
0x1c0: {  	v6 =	vsel vm0, $0x1, v1  }
0x1c1: {  	v5 =	vadd.s32 v6, v5  }
.LBB2_36:
0x1c2: {  	v4 =	vimm.s32 $0xFFFFFFFF  }
.LBB2_37:
0x1c3: {  	s0 =	sshll.u32 @!p0 s26, $0x4  }
0x1c4: {  	v5 =	vld @!p0 [tilespmem:s0+$0x18000]  }
0x1c5: {  	v6 =	vld @!p0 [tilespmem:s0+$0x19000];
	_ =	sdelay $0x4  }
0x1c6: {  	vm0 =	veq.s32 @!p0 v5, s28;
	vm1 =	vle.s32 @!p0 v6, s29  }
0x1c7: {  	vm2 =	vgt.u32 @!p0 v5, s28;
	vm0 =	vmand @!p0 vm0, vm1  }
0x1c8: {  	v5 =	vimm.s32 @!p0 $0x0;
	vm0 =	vmor @!p0 vm2, vm0  }
0x1c9: {  	v5 =	vsel @!p0 vm0, $0x1, v5  }
0x1ca: {  	(xrf0) =	vadd.scan.msk.s32 @!p0 $0xffff, v5;
	_ =	sdelay $0x5  }
0x1cb: {  	v5, _, _ =	vpop @!p0 (xrf0)  }
0x1cc: {  	v4 =	vadd.s32 @!p0 v4, v5  }
0x1cd: {  	vm1 =	vlt.s32 @!p0 v4, $0x40  }
0x1ce: {  	vm0 =	vmand @!p0 vm0, vm1  }
0x1cf: {  	v5 =	vnsel @!p0 vm0, $0x0, v6;
	_ =	sdelay $0x3  }
0x1d0: {  	s0 =	simm.s32 @!p0 $0x0  }
0x1d1: {  	v5 =	vld.idx.msk @!p0 [tilespmem:v5+s0+$0x0], $0xffff;
	_ =	sdelay $0x3  }
0x1d2: {  	s0 =	simm.s32 @!p0 $0x10000  }
0x1d3: {  	[tilespmem:v6+s0+$0x0] =	vst.idx.msk @!p0 vm0, v5;
	s0 =	simm.s32 @!p0 $0x1A000  }
0x1d4: {  	s30 =	rddreg [dreg:$0x5];
	[tilespmem:v4+s0+$0x0] =	vst.idx.msk @!p0 vm0, v6  }
0x1d5: {  	[hbm4b:s30+s12] =	stream.strided.scatter [tilespmem:s18], [sflag:$0x3], $0x8000, s13, s12, $0x38;
	[tilespmem:$0x1A100] =	vst v63  }
0x1d6: {  	s31 =	sadd.s32 s25, s28  }
0x1d7: {  	[tilespmem:s2], [sflag:$0x1] =	stream.strided.gather [hbm4b:s6+s12], $0x8000, s13, s12, $0x38;
	[tilespmem:$0x1A100] =	vst v63  }
0x1d8: {  	s1 =	simm.s32 $0x7FFFFFFF;
	s25 =	sadd.s32 $0xFFE00000, s31;
	_ =	swait.ge [sflag:s20], $0x8000  }
0x1d9: {  	s3 =	simm.s32 $0xFFFFFFFF;
	p0 =	sge.s32 s25, s31;
	[sflag:s20] =	ssyncset.done $0x0  }
0x1da: {  	s0 =	simm.s32 $0x80000000;
	s25 =	simm.s32 @p0 $0x80000000;
	[sflag:s20] =	ssyncadd.s32 $0xFFFF8000  }
.LBB2_38:
0x1db: {  	s26 =	simm.s32 $0x8040  }
0x1dc: {  	p0 =	sgt.s32 s3, $0x1000;
	p1 =	slt.u32 s3, $0x40;
	v8 =	vld [tilespmem:s26+$0xFFFFFFE0]  }
0x1dd: {  	s0 =	smov.u32 @p0 s25;
	s1 =	smov.u32 @p1 s25;
	v16 =	vld [tilespmem:s26+$0x0]  }
0x1de: {  	v9 =	vld [tilespmem:s26+$0x10];
	s4 =	sxor.u32 $0x80000000, s0;
	s5 =	sxor.u32 $0x80000000, s1  }
0x1df: {  	v10 =	vld [tilespmem:s26+$0xFFFFFFF0];
	s5 =	ssub.s32 s5, s4  }
0x1e0: {  	v11 =	vld [tilespmem:s26+$0x20];
	s28 =	sshrl.u32 s5, $0x1  }
0x1e1: {  	v6 =	vlaneseq.u32;
	v14 =	vimm.s32 $0xFFFFFFFF;
	v12 =	vld [tilespmem:s26+$0x30];
	s4 =	sadd.s32 s4, s28  }
0x1e2: {  	v13 =	vld [tilespmem:s26+$0xFFFFFFD0];
	v5 =	vadd.s32 $0x60, v6;
	p0 =	slt.u32 s5, $0x2;
	s4 =	sxor.u32 $0x80000000, s4;
	v15 =	vshra.s32 v8, $0x1F;
	v21 =	vshra.s32 v16, $0x1F  }
0x1e3: {  	p1 =	sgt.s32 s3, $0xFFFFFFFF;
	v18 =	vld [tilespmem:s26+$0xFFFFFFC0];
	v17 =	vshra.s32 v9, $0x1F;
	s4 =	smov.u32 @p0 s0;
	v15 =	vand.u32 $0x7FFFFFFF, v15;
	v21 =	vand.u32 $0x7FFFFFFF, v21  }
0x1e4: {  	s25 =	smov.u32 @p1 s4;
	v19 =	vxor.u32 v8, v15;
	v8 =	vand.u32 $0x7FFFFFFF, v17;
	v15 =	vshra.s32 v10, $0x1F  }
0x1e5: {  	v17 =	vshra.s32 v11, $0x1F;
	v4 =	vmov s25;
	v15 =	vand.u32 $0x7FFFFFFF, v15  }
0x1e6: {  	v20 =	vxor.u32 v9, v8;
	v9 =	vshra.s32 v12, $0x1F;
	v17 =	vand.u32 $0x7FFFFFFF, v17  }
0x1e7: {  	vm5 =	vge.s32 v19, v4;
	v8 =	vxor.u32 v10, v15;
	v10 =	vshra.s32 v13, $0x1F  }
0x1e8: {  	v15 =	vand.u32 $0x7FFFFFFF, v9;
	vm3 =	vge.s32 v20, v4;
	v9 =	vshra.s32 v18, $0x1F  }
0x1e9: {  	v11 =	vxor.u32 v11, v17;
	v10 =	vand.u32 $0x7FFFFFFF, v10;
	v23 =	vand.u32 $0x7FFFFFFF, v9  }
0x1ea: {  	v22 =	vsel vm5, $0x1, v1;
	v9 =	vxor.u32 v13, v10;
	v13 =	vxor.u32 v18, v23  }
0x1eb: {  	vm4 =	vge.s32 v8, v4;
	v24 =	vmpcnt.ones.xlane vm5;
	(xrf0) =	vadd.scan.msk.s32 $0xffff, v22;
	vm6 =	vge.s32 v13, v4  }
0x1ec: {  	v10 =	vxor.u32 v12, v15;
	vm2 =	vge.s32 v9, v4;
	v12 =	vmpcnt.ones.xlane vm6  }
0x1ed: {  	vm0 =	vge.s32 v11, v4;
	v18 =	vsel vm3, $0x1, v1;
	v23 =	vmpcnt.ones.xlane vm2  }
0x1ee: {  	v17 =	vsel vm4, $0x1, v1;
	vm8 =	vge.s32 v10, v4;
	v15 =	vadd.s32 v14, v12  }
0x1ef: {  	(xrf0) =	vadd.scan.msk.s32 $0xffff, v18;
	v22 =	vsel vm6, $0x1, v1;
	v18 =	vadd.s32 v15, v23;
	v23 =	vmpcnt.ones.xlane vm4  }
0x1f0: {  	(xrf0) =	vadd.scan.msk.s32 $0xffff, v22;
	v22 =	vsel vm0, $0x1, v1;
	v12 =	vxor.u32 v16, v21;
	v16 =	vadd.s32 v18, v24  }
0x1f1: {  	v21 =	vsel vm8, $0x1, v1;
	(xrf0) =	vadd.scan.msk.s32 $0xffff, v17;
	vm1 =	vge.s32 v12, v4;
	v17, _, _ =	vpop (xrf0);
	v25 =	vadd.s32 v16, v23  }
0x1f2: {  	(xrf0) =	vadd.scan.msk.s32 $0xffff, v21;
	v23 =	vmpcnt.ones.xlane vm1;
	v26 =	vadd.s32 v18, v17;
	v17 =	vsel vm1, $0x1, v1  }
0x1f3: {  	v7 =	vadd.s32 $0x70, v6;
	v27 =	vadd.s32 $0x20, v6;
	v28 =	vmpcnt.ones.xlane vm3;
	(xrf0) =	vadd.scan.msk.s32 $0xffff, v22  }
0x1f4: {  	v13 =	vsub.s32 v13, v4;
	v21 =	vsel vm2, $0x1, v1;
	vm7 =	vlt.s32 v26, $0x1000;
	(xrf0) =	vadd.scan.msk.s32 $0xffff, v17  }
0x1f5: {  	v22 =	vmpcnt.ones.xlane vm8;
	v24 =	vadd.s32 v25, v23;
	vm5 =	vmand vm5, vm7;
	v17, _, _ =	vpop (xrf0)  }
0x1f6: {  	(xrf0) =	vadd.scan.msk.s32 $0xffff, v21;
	v28 =	vadd.s32 v24, v28;
	v18 =	vadd.s32 v24, v17;
	v17 =	vmpcnt.ones.xlane vm0;
	v23, _, _ =	vpop (xrf0)  }
0x1f7: {  	vm7 =	vlt.s32 v18, $0x1000;
	v21 =	vadd.s32 v14, v23;
	v23 =	vsub.s32 v20, v4;
	v14, _, _ =	vpop (xrf0)  }
0x1f8: {  	vm3 =	vmand vm3, vm7;
	vm7 =	vlt.s32 v21, $0x1000;
	v20 =	vadd.s32 v16, v14;
	v14, _, _ =	vpop (xrf0)  }
0x1f9: {  	v24 =	vadd.s32 v28, v17;
	vm6 =	vmand vm6, vm7;
	vm7 =	vlt.s32 v20, $0x1000;
	v16, _, _ =	vpop (xrf0)  }
0x1fa: {  	v17 =	vsub.s32 v19, v4;
	v19 =	vadd.s32 v24, v14;
	vm4 =	vmand vm4, vm7;
	v14, _, _ =	vpop (xrf0)  }
0x1fb: {  	[tilespmem:v26+s16+$0x0] =	vst.idx.msk vm5, v17;
	v17 =	vadd.s32 v28, v16;
	vm9 =	vlt.s32 v19, $0x1000;
	v16 =	vadd.s32 v25, v14  }
0x1fc: {  	s26 =	simm.s32 $0x0;
	s28 =	simm.s32 $0x80C0;
	[tilespmem:v26+s17+$0x0] =	vst.idx.msk vm5, v27;
	vm7 =	vlt.s32 v17, $0x1000;
	vm5 =	vmand vm8, vm9;
	v25, _, _ =	vpop (xrf0);
	v14 =	vlaneseq.u32  }
.LBB2_39:
0x1fd: {  	v26 =	vld [tilespmem:s28+$0xFFFFFFE0];
	s26 =	sadd.s32 $0x8, s26;
	v27 =	vadd.s32 $0x10, v6;
	v28 =	vadd.s32 $0x40, v6;
	v14 =	vadd.s32 $0x80, v14  }
0x1fe: {  	v15 =	vadd.s32 v15, v25;
	v29 =	vld [tilespmem:s28+$0x10];
	v30 =	vadd.s32 $0x60, v14;
	v31 =	vadd.s32 $0x70, v14;
	p2 =	slt.u32 s26, $0x7F8;
	[tilespmem:v18+s16+$0x0] =	vst.idx.msk vm3, v23  }
0x1ff: {  	v24 =	vadd.s32 v24, v22;
	vm8 =	vlt.s32 v15, $0x1000;
	v23 =	vld [tilespmem:s28+$0x20];
	[tilespmem:v21+s16+$0x0] =	vst.idx.msk vm6, v13;
	v13 =	vadd.s32 $0x50, v6  }
0x200: {  	v9 =	vsub.s32 v9, v4;
	v11 =	vsub.s32 v11, v4;
	vm2 =	vmand vm2, vm8;
	v22 =	vld [tilespmem:s28+$0xFFFFFFF0];
	[tilespmem:v21+s17+$0x0] =	vst.idx.msk vm6, v6  }
0x201: {  	v25 =	vadd.s32 $0x30, v6;
	v32 =	vsub.s32 v8, v4;
	v8 =	vsub.s32 v10, v4;
	v21 =	vld [tilespmem:s28+$0x30];
	[tilespmem:v18+s17+$0x0] =	vst.idx.msk vm3, v13  }
0x202: {  	v12 =	vsub.s32 v12, v4;
	vm0 =	vmand vm0, vm7;
	v6 =	vmovc v14;
	v10 =	vld [tilespmem:s28+$0xFFFFFFD0];
	v13 =	vshra.s32 v26, $0x1F;
	[tilespmem:v20+s16+$0x0] =	vst.idx.msk vm4, v32  }
0x203: {  	v13 =	vand.u32 $0x7FFFFFFF, v13;
	v18 =	vld [tilespmem:s28+$0x0];
	v32 =	vshra.s32 v29, $0x1F;
	[tilespmem:v20+s17+$0x0] =	vst.idx.msk vm4, v25;
	vm4 =	vlt.s32 v16, $0x1000  }
0x204: {  	v20 =	vld [tilespmem:s28+$0xFFFFFFC0];
	v25 =	vxor.u32 v26, v13;
	v13 =	vand.u32 $0x7FFFFFFF, v32;
	v26 =	vshra.s32 v23, $0x1F;
	[tilespmem:v19+s16+$0x0] =	vst.idx.msk vm5, v8  }
0x205: {  	vm1 =	vmand vm1, vm4;
	vm3 =	vge.s32 v25, v4;
	v8 =	vshra.s32 v22, $0x1F;
	[tilespmem:v19+s17+$0x0] =	vst.idx.msk vm5, v7;
	v7 =	vmovc v31  }
0x206: {  	v19 =	vxor.u32 v29, v13;
	v8 =	vand.u32 $0x7FFFFFFF, v8;
	v13 =	vshra.s32 v21, $0x1F;
	[tilespmem:v15+s16+$0x0] =	vst.idx.msk vm2, v9  }
0x207: {  	v9 =	vshra.s32 v10, $0x1F;
	v8 =	vxor.u32 v22, v8;
	v13 =	vand.u32 $0x7FFFFFFF, v13;
	[tilespmem:v15+s17+$0x0] =	vst.idx.msk vm2, v27  }
0x208: {  	vm5 =	vge.s32 v19, v4;
	vm4 =	vge.s32 v8, v4;
	v15 =	vshra.s32 v18, $0x1F;
	[tilespmem:v17+s16+$0x0] =	vst.idx.msk vm0, v11  }
0x209: {  	v22 =	vsel vm3, $0x1, v1;
	v9 =	vand.u32 $0x7FFFFFFF, v9;
	v11 =	vshra.s32 v20, $0x1F;
	[tilespmem:v17+s17+$0x0] =	vst.idx.msk vm0, v5;
	v5 =	vmovc v30  }
0x20a: {  	v9 =	vxor.u32 v10, v9;
	v17 =	vand.u32 $0x7FFFFFFF, v15;
	v11 =	vand.u32 $0x7FFFFFFF, v11;
	(xrf0) =	vadd.scan.msk.s32 $0xffff, v22  }
0x20b: {  	v15 =	vand.u32 $0x7FFFFFFF, v26;
	v10 =	vxor.u32 v21, v13;
	v11 =	vxor.u32 v20, v11;
	[tilespmem:v16+s16+$0x0] =	vst.idx.msk vm1, v12  }
0x20c: {  	v12 =	vsel vm5, $0x1, v1;
	vm6 =	vge.s32 v11, v4;
	v13 =	vsub.s32 v11, v4;
	[tilespmem:v16+s17+$0x0] =	vst.idx.msk vm1, v28  }
0x20d: {  	vm2 =	vge.s32 v9, v4;
	v16 =	vsel vm6, $0x1, v1;
	v20 =	vmpcnt.ones.xlane vm6  }
0x20e: {  	v22 =	vmpcnt.ones.xlane vm3;
	v21 =	vmpcnt.ones.xlane vm2;
	v11 =	vxor.u32 v23, v15  }
0x20f: {  	vm0 =	vge.s32 v11, v4;
	v15 =	vadd.s32 v24, v20;
	v20 =	vsel vm4, $0x1, v1;
	(xrf0) =	vadd.scan.msk.s32 $0xffff, v12  }
0x210: {  	vm8 =	vge.s32 v10, v4;
	v23 =	vmpcnt.ones.xlane vm4;
	v21 =	vadd.s32 v15, v21;
	(xrf0) =	vadd.scan.msk.s32 $0xffff, v16;
	v16, _, _ =	vpop (xrf0)  }
0x211: {  	v12 =	vxor.u32 v18, v17;
	v17 =	vsel vm8, $0x1, v1;
	v26 =	vadd.s32 v21, v22  }
0x212: {  	v18 =	vsel vm0, $0x1, v1;
	vm1 =	vge.s32 v12, v4;
	v27 =	vadd.s32 v26, v23;
	(xrf0) =	vadd.scan.msk.s32 $0xffff, v20  }
0x213: {  	v16 =	vadd.s32 v21, v16;
	v20 =	vsel vm2, $0x1, v1;
	v23 =	vmpcnt.ones.xlane vm1;
	(xrf0) =	vadd.scan.msk.s32 $0xffff, v17  }
0x214: {  	v28 =	vadd.s32 $0x20, v14;
	v22 =	vsel vm1, $0x1, v1;
	vm7 =	vlt.s32 v16, $0x1000;
	(xrf0) =	vadd.scan.msk.s32 $0xffff, v18  }
0x215: {  	v30 =	vmpcnt.ones.xlane vm5;
	vm7 =	vmand vm3, vm7;
	v29 =	vadd.s32 v27, v23;
	(xrf0) =	vadd.scan.msk.s32 $0xffff, v22;
	v17, _, _ =	vpop (xrf0)  }
0x216: {  	v31 =	vmpcnt.ones.xlane vm0;
	v22 =	vmpcnt.ones.xlane vm8;
	v18 =	vadd.s32 v29, v17;
	v21, _, _ =	vpop (xrf0);
	(xrf0) =	vadd.scan.msk.s32 $0xffff, v20  }
0x217: {  	v23 =	vsub.s32 v19, v4;
	v21 =	vadd.s32 v24, v21;
	vm3 =	vlt.s32 v18, $0x1000  }
.Ltmp37:
0x218: {  	v29 =	vadd.s32 v29, v30;
	vm9 =	vlt.s32 v21, $0x1000;
	vm3 =	vmand vm5, vm3;
	v19, _, _ =	vpop (xrf0);
	(pc) =	sbr.rel @p2 .LBB2_39-.Ltmp37, $4  }
0x219: {  	v24 =	vadd.s32 v29, v31;
	vm6 =	vmand vm6, vm9;
	v20 =	vadd.s32 v26, v19;
	v17, _, _ =	vpop (xrf0)  }
0x21a: {  	v26 =	vsub.s32 v25, v4;
	vm5 =	vlt.s32 v20, $0x1000;
	v19 =	vadd.s32 v24, v17;
	v17, _, _ =	vpop (xrf0)  }
0x21b: {  	[tilespmem:v16+s16+$0x0] =	vst.idx.msk vm7, v26;
	vm4 =	vmand vm4, vm5;
	v17 =	vadd.s32 v29, v17;
	vm5 =	vlt.s32 v19, $0x1000;
	v25, _, _ =	vpop (xrf0)  }
0x21c: {  	s28 =	sadd.s32 $0x80, s28;
	[tilespmem:v16+s17+$0x0] =	vst.idx.msk vm7, v28;
	v16 =	vadd.s32 v27, v25;
	vm7 =	vlt.s32 v17, $0x1000;
	vm5 =	vmand vm8, vm5;
	v25, _, _ =	vpop (xrf0)  }
0x21d: {  	v14 =	vadd.s32 v24, v22  }
0x21e: {  	v14 =	vxor.u32 $0x80000000, v14  }
0x21f: {  	(xrf0) =	vmax.scan.msk.u32 $0xffff, v14;
	_ =	sdelay $0x5  }
0x220: {  	v14, _, _ =	vpop (xrf0)  }
0x221: {  	(v2sf) =	vpush v14, $0xF;
	_ =	sdelay $0x9  }
0x222: {  	[tilespmem:v18+s16+$0x0] =	vst.idx.msk vm3, v23  }
0x223: {  	[tilespmem:v21+s16+$0x0] =	vst.idx.msk vm6, v13  }
0x224: {  	v58 =	vadd.s32 $0x50, v6;
	vm0 =	vmand vm0, vm7;
	[tilespmem:v21+s17+$0x0] =	vst.idx.msk vm6, v6  }
0x225: {  	v57 =	vadd.s32 v15, v25;
	v8 =	vsub.s32 v8, v4;
	vm15 =	vlt.s32 v16, $0x1000;
	[tilespmem:v18+s17+$0x0] =	vst.idx.msk vm3, v58  }
0x226: {  	v60 =	vsub.s32 v10, v4;
	vm8 =	vlt.s32 v57, $0x1000;
	[tilespmem:v20+s16+$0x0] =	vst.idx.msk vm4, v8;
	vm1 =	vmand vm1, vm15  }
0x227: {  	v59 =	vadd.s32 $0x30, v6;
	p0 =	por !p1, !p0;
	[tilespmem:v19+s16+$0x0] =	vst.idx.msk vm5, v60;
	vm2 =	vmand vm2, vm8;
	s3 =	spop (v2sf)  }
0x228: {  	p0 =	por !p0, !p0;
	[tilespmem:v20+s17+$0x0] =	vst.idx.msk vm4, v59;
	s4 =	sadd.s32 $0x7FFFFFC1, s3  }
0x229: {  	v63 =	vsub.s32 v11, v4;
	[tilespmem:v19+s17+$0x0] =	vst.idx.msk vm5, v7;
	p1 =	sgt.u32 @!p0 s4, $0xFC0  }
0x22a: {  	[tilespmem:v17+s16+$0x0] =	vst.idx.msk vm0, v63;
	p0 =	por p0, !p1  }
.Ltmp38:
0x22b: {  	v61 =	vsub.s32 v9, v4;
	v4 =	vsub.s32 v12, v4;
	[tilespmem:v17+s17+$0x0] =	vst.idx.msk vm0, v5;
	(pc) =	sbr.rel @!p0 .LBB2_38-.Ltmp38, $4  }
0x22c: {  	[tilespmem:v16+s16+$0x0] =	vst.idx.msk vm1, v4  }
0x22d: {  	v5 =	vadd.s32 $0x40, v6;
	[tilespmem:v57+s16+$0x0] =	vst.idx.msk vm2, v61  }
0x22e: {  	v62 =	vadd.s32 $0x10, v6;
	[tilespmem:v16+s17+$0x0] =	vst.idx.msk vm1, v5  }
0x22f: {  	[tilespmem:v57+s17+$0x0] =	vst.idx.msk vm2, v62;
	s3 =	sadd.s32 $0x80000001, s3  }
0x230: {  	p0 =	slt.s32 s3, $0x1000;
	s0 =	smov.u32 s3  }
0x231: {  	s0 =	simm.s32 @!p0 $0x1000  }
0x232: {  	s1 =	sadd.s32 $0xF, s0  }
0x233: {  	s4 =	sand.u32 $0xF, s1  }
0x234: {  	p6 =	slt.s32 s3, $0xFFFFFFF2;
	s30 =	sshra.s32 s1, $0x1F;
	p1 =	sne.s32 s4, $0x0  }
0x235: {  	s31 =	sshrl.u32 s30, $0x1C;
	p0 =	por !p6, !p1  }
0x236: {  	v4 =	vadd.s32 s0, v2;
	s0 =	sadd.s32 s31, s1;
	s1 =	simm.s32 $0x1;
	p0 =	por !p0, !p0  }
0x237: {  	s0 =	sshra.s32 s0, $0x4;
	s1 =	simm.s32 @!p0 $0x0  }
0x238: {  	s0 =	ssub.s32 s0, s1  }
0x239: {  	s1 =	sshrl.u32 s0, $0x1F  }
0x23a: {  	vm0 =	vlt.s32 v4, $0x1000;
	vm1 =	vlt.s32 v4, $0xFFF;
	s1 =	sadd.s32 s1, s0  }
0x23b: {  	v5 =	vnsel vm1, $0xFFF, v4;
	s26 =	sand.u32 $0xFFFFFFFE, s1  }
0x23c: {  	p1 =	slt.s32 s26, $0x1  }
.Ltmp39:
0x23d: {  	_ = 	snop;
	(pc) =	sbr.rel @p1 .LBB2_62-.Ltmp39, $4  }
0x23e: {  	_ = 	snop  }
0x23f: {  	v4 =	vimm.s32 $0x0  }
0x240: {  	[tilespmem:v5+s16+$0x0] =	vst.idx.msk vm0, v4  }
0x241: {  	[tilespmem:v5+s17+$0x0] =	vst.idx.msk vm0, v3  }
0x242: {  	p2 =	sgt.s32 s26, $0x2  }
.Ltmp40:
0x243: {  	_ = 	snop;
	(pc) =	sbr.rel @!p2 .LBB2_43-.Ltmp40, $3  }
0x244: {  	_ =	sdelay $0x1  }
0x245: {  	s1 =	simm.s32 $0x18010  }
0x246: {  	v4 =	vimm.s32 $0x0;
	p0 =	por $0x0, $0x0;
	v5 =	vld [tilespmem:s1+$0xFFFFFFF0]  }
0x247: {  	_ = 	snop  }
0x248: {  	v7 =	vld [tilespmem:s1+$0x0];
	p2 =	sgt.s32 s26, $0x4  }
.Ltmp41:
0x249: {  	_ = 	snop;
	(pc) =	sbr.rel @!p2 .LBB2_61-.Ltmp41, $4  }
0x24a: {  	_ = 	snop  }
0x24b: {  	v6 =	vshrl.u32 v5, $0x1  }
0x24c: {  	s1 =	simm.s32 $0x18030;
	vm0 =	vgt.s32 v4, v6  }
0x24d: {  	s3 =	simm.s32 $0x4;
	p0 =	por $0x1, $0x1;
	v5 =	vld [tilespmem:s1+$0xFFFFFFF0];
	v7 =	vshrl.u32 v7, $0x1;
	v6 =	vsel vm0, v4, v6  }
.LBB2_60:
0x24e: {  	s3 =	sadd.s32 $0x2, s3  }
0x24f: {  	v8 =	vld [tilespmem:s1+$0x0];
	v6 =	vmax.u32 v6, v7;
	p2 =	slt.s32 s3, s26  }
.Ltmp42:
0x250: {  	(pc) =	sbr.rel @p2 .LBB2_60-.Ltmp42, $4  }
0x251: {  	_ = 	snop  }
0x252: {  	s1 =	sadd.s32 $0x20, s1;
	v7 =	vshrl.u32 v5, $0x1  }
0x253: {  	v5 =	vld [tilespmem:s1+$0xFFFFFFF0];
	vm0 =	vgt.s32 v6, v7  }
0x254: {  	v6 =	vsel vm0, v6, v7;
	v7 =	vshrl.u32 v8, $0x1  }
.LBB2_61:
0x255: {  	_ = 	snop  }
0x256: {  	v8 =	vld [tilespmem:s1+$0x0];
	_ =	sdelay $0x1  }
0x257: {  	v6 =	vmax.u32 @p0 v6, v7  }
0x258: {  	v4 =	vpsel p0, v6, v4;
	v5 =	vshrl.u32 v5, $0x1  }
0x259: {  	vm0 =	vgt.s32 v4, v5  }
0x25a: {  	v4 =	vsel vm0, v4, v5;
	v5 =	vshrl.u32 v8, $0x1  }
0x25b: {  	v4 =	vmax.u32 v4, v5  }
.LBB2_62:
0x25c: {  	s1 =	ssub.s32 s0, s26  }
0x25d: {  	p0 =	slt.s32 s1, $0x1  }
0x25e: {  	s1 =	sshll.u32 @!p0 s26, $0x6  }
0x25f: {  	s1 =	sshra.s32 @!p0 s1, $0x2  }
0x260: {  	v5 =	vld @!p0 [tilespmem:s1+$0x18000];
	_ =	sdelay $0x4  }
0x261: {  	v5 =	vshrl.u32 @!p0 v5, $0x1  }
0x262: {  	vm0 =	vgt.s32 @!p0 v4, v5  }
0x263: {  	v5 =	vsel @!p0 vm0, v4, v5  }
0x264: {  	v4 =	vpsel p0, v4, v5  }
0x265: {  	v4 =	vxor.u32 $0x80000000, v4  }
0x266: {  	(xrf0) =	vmax.scan.msk.u32 $0xffff, v4;
	_ =	sdelay $0x5  }
0x267: {  	v4, _, _ =	vpop (xrf0)  }
0x268: {  	(v2sf) =	vpush v4, $0xF;
	_ =	sdelay $0xe  }
0x269: {  	s31 =	spop (v2sf)  }
0x26a: {  	s1 =	sxor.u32 $0x80000000, s31  }
0x26b: {  	s1 =	scvt.s32.f32 s1  }
.Ltmp43:
0x26c: {  	_ = 	snop;
	(pc) =	sbr.rel .LBB2_63-.Ltmp43, $4  }
0x26d: {  	s1 =	sshrl.u32 s1, $0x17  }
0x26e: {  	s1 =	smax.u32 s1, $0x7E  }
0x26f: {  	s3 =	sshll.u32 s26, $0x6;
	s30 =	simm.s32 $0x0;
	s1 =	smin.u32 s1, $0x9D  }
0x270: {  	s28 =	simm.s32 $0x0;
	s29 =	sshra.s32 @!p0 s3, $0x2;
	s1 =	sadd.s32 $0xFFFFFF82, s1  }
.LBB2_64:
0x271: {  	v4 =	vimm.s32 $0x0  }
.LBB2_65:
0x272: {  	v5 =	vld @!p0 [tilespmem:s29+$0x18000];
	_ =	sdelay $0x4  }
0x273: {  	vm0 =	vge.u32 @!p0 v5, s3;
	v5 =	vimm.s32 @!p0 $0x0  }
0x274: {  	v5 =	vsel @!p0 vm0, $0x1, v5  }
0x275: {  	v5 =	vadd.s32 @!p0 v5, v4  }
0x276: {  	v4 =	vpsel p0, v4, v5  }
0x277: {  	(xrf0) =	vadd.scan.msk.s32 $0xffff, v4;
	_ =	sdelay $0x5  }
0x278: {  	v4, _, _ =	vpop (xrf0)  }
0x279: {  	(v2sf) =	vpush v4, $0xF;
	_ =	sdelay $0xb  }
0x27a: {  	p3 =	seq.s32 s1, s30  }
.Ltmp44:
0x27b: {  	_ = 	snop;
	(pc) =	sbr.rel @p3 .LBB2_66-.Ltmp44, $4  }
0x27c: {  	_ = 	snop  }
0x27d: {  	s4 =	spop (v2sf)  }
0x27e: {  	s31 =	sadd.s32 $0x1, s30;
	p2 =	sgt.s32 s4, $0x3F  }
0x27f: {  	s30 =	smov.u32 s31;
	s28 =	smov.u32 @p2 s3  }
.LBB2_63:
.Ltmp45:
0x280: {  	(pc) =	sbr.rel @p1 .LBB2_64-.Ltmp45, $4  }
0x281: {  	_ = 	snop  }
0x282: {  	s3 =	ssub.s32 s1, s30  }
0x283: {  	s3 =	sshll.u32 s15, s3  }
0x284: {  	s3 =	sor.u32 s28, s3  }
0x285: {  	p3 =	sgt.s32 s26, $0x2  }
.Ltmp46:
0x286: {  	_ = 	snop;
	(pc) =	sbr.rel @!p3 .LBB2_69-.Ltmp46, $4  }
0x287: {  	_ = 	snop  }
0x288: {  	s4 =	simm.s32 $0x18010  }
0x289: {  	v7 =	vld [tilespmem:s4+$0xFFFFFFF0]  }
0x28a: {  	v4 =	vmov s3;
	v5 =	vimm.s32 $0x0;
	p2 =	por $0x0, $0x0;
	v6 =	vld [tilespmem:s4+$0x0]  }
0x28b: {  	p3 =	sgt.s32 s26, $0x4  }
.Ltmp47:
0x28c: {  	_ = 	snop;
	(pc) =	sbr.rel @!p3 .LBB2_72-.Ltmp47, $4  }
0x28d: {  	_ = 	snop  }
0x28e: {  	s31 =	simm.s32 $0x18030;
	vm0 =	vge.u32 v7, v4  }
0x28f: {  	v7 =	vld [tilespmem:s31+$0xFFFFFFF0];
	v8 =	vsel vm0, $0x1, v1;
	vm15 =	vge.u32 v6, v4  }
0x290: {  	s4 =	simm.s32 $0x4;
	p2 =	por $0x1, $0x1;
	v6 =	vld [tilespmem:s31+$0x0];
	v8 =	vadd.s32 v8, v5;
	v9 =	vsel vm15, $0x1, v1  }
.LBB2_71:
0x291: {  	s4 =	sadd.s32 $0x2, s4  }
0x292: {  	v8 =	vadd.s32 v9, v8;
	p3 =	slt.s32 s4, s26  }
.Ltmp48:
0x293: {  	(pc) =	sbr.rel @p3 .LBB2_71-.Ltmp48, $4  }
0x294: {  	_ = 	snop  }
0x295: {  	s31 =	sadd.s32 $0x20, s31;
	vm0 =	vge.u32 v7, v4  }
0x296: {  	v7 =	vld [tilespmem:s31+$0xFFFFFFF0];
	v9 =	vsel vm0, $0x1, v1;
	vm0 =	vge.u32 v6, v4  }
0x297: {  	v6 =	vld [tilespmem:s31+$0x0];
	v8 =	vadd.s32 v9, v8;
	v9 =	vsel vm0, $0x1, v1  }
.LBB2_72:
0x298: {  	_ =	sdelay $0x1  }
.Ltmp49:
0x299: {  	_ = 	snop;
	(pc) =	sbr.rel .LBB2_65-.Ltmp49, $4  }
0x29a: {  	v8 =	vadd.s32 @p2 v9, v8;
	vm0 =	vge.u32 v7, v4  }
0x29b: {  	v7 =	vsel vm0, $0x1, v1;
	vm15 =	vge.u32 v6, v4;
	v4 =	vpsel p2, v8, v5  }
0x29c: {  	v4 =	vadd.s32 v7, v4;
	v5 =	vsel vm15, $0x1, v1  }
0x29d: {  	v4 =	vadd.s32 v5, v4  }
.LBB2_69:
.Ltmp50:
0x29e: {  	(pc) =	sbr.rel .LBB2_72-.Ltmp50, $2  }
0x29f: {  	_ =	sdelay $0x2  }
0x2a0: {  	_ = 	snop  }
.LBB2_66:
0x2a1: {  	p2 =	slt.s32 s0, $0x1  }
.Ltmp51:
0x2a2: {  	_ = 	snop;
	(pc) =	sbr.rel @p2 .LBB2_67-.Ltmp51, $2  }
0x2a3: {  	_ =	sdelay $0x2  }
0x2a4: {  	v4 =	vmov s28;
	v5 =	vimm.s32 $0x0  }
0x2a5: {  	s1 =	simm.s32 $0x18000  }
0x2a6: {  	p3 =	sne.s32 s0, $0x1;
	v6 =	vld [tilespmem:s1+$0x0]  }
.Ltmp52:
0x2a7: {  	_ = 	snop;
	(pc) =	sbr.rel @!p3 .LBB2_75-.Ltmp52, $2  }
0x2a8: {  	_ =	sdelay $0x2  }
0x2a9: {  	s3 =	simm.s32 $0x18010;
	s1 =	sadd.s32 $0xFFFFFFFF, s0;
	vm0 =	vge.u32 v6, v4;
	vm1 =	vgt.u32 v6, v4;
	v6 =	vimm.s32 $0x0  }
.LBB2_74:
0x2aa: {  	v7 =	vld [tilespmem:s3+$0x0];
	p3 =	sne.s32 s1, $0x1;
	s1 =	sadd.s32 $0xFFFFFFFF, s1;
	v8 =	vsel vm0, $0x1, v1;
	v9 =	vsel vm1, $0x1, v1  }
.Ltmp53:
0x2ab: {  	v5 =	vadd.s32 v8, v5;
	v6 =	vadd.s32 v9, v6;
	(pc) =	sbr.rel @p3 .LBB2_74-.Ltmp53, $2  }
0x2ac: {  	_ =	sdelay $0x2  }
0x2ad: {  	s3 =	sadd.s32 $0x10, s3;
	vm0 =	vge.u32 v7, v4;
	vm1 =	vgt.u32 v7, v4  }
.LBB2_75:
.Ltmp54:
0x2ae: {  	(pc) =	sbr.rel .LBB2_76-.Ltmp54, $3  }
0x2af: {  	_ =	sdelay $0x1  }
0x2b0: {  	v7 =	vsel vm0, $0x1, v1;
	v8 =	vsel vm1, $0x1, v1  }
0x2b1: {  	v5 =	vadd.s32 v7, v5;
	v6 =	vadd.s32 v8, v6  }
.LBB2_67:
0x2b2: {  	v6 =	vimm.s32 $0x0  }
.LBB2_76:
0x2b3: {  	(xrf0) =	vadd.scan.msk.s32 $0xffff, v5;
	_ =	sdelay $0x5  }
0x2b4: {  	(xrf0) =	vadd.scan.msk.s32 $0xffff, v6;
	v5, _, _ =	vpop (xrf0)  }
0x2b5: {  	(v2sf) =	vpush v5, $0xF;
	_ =	sdelay $0x4  }
0x2b6: {  	v5, _, _ =	vpop (xrf0)  }
0x2b7: {  	(v2sf) =	vpush v5, $0xF;
	_ =	sdelay $0x8  }
0x2b8: {  	s1 =	spop (v2sf)  }
0x2b9: {  	p3 =	seq.s32 s1, $0x40  }
.Ltmp55:
0x2ba: {  	_ = 	snop;
	(pc) =	sbr.rel @!p3 .LBB2_77-.Ltmp55, $2  }
0x2bb: {  	_ =	sdelay $0x2  }
0x2bc: {  	s29 =	simm.s32 $0x7FFF;
	s1 =	spop (v2sf)  }
.LBB2_84:
0x2bd: {  	_ =	swait.ge [sflag:s21], $0x8000  }
0x2be: {  	[sflag:s21] =	ssyncset.done $0x0  }
0x2bf: {  	[sflag:s21] =	ssyncadd.s32 $0xFFFF8000  }
0x2c0: {  	v5 =	vld [tilespmem:$0x1A000];
	_ =	sdelay $0x7  }
0x2c1: {  	[tilespmem:v5+s18+$0x0] =	vst.idx.msk $0xffff, v0  }
0x2c2: {  	v5 =	vld [tilespmem:$0x1A010];
	_ =	sdelay $0x7  }
0x2c3: {  	[tilespmem:v5+s18+$0x0] =	vst.idx.msk $0xffff, v0  }
0x2c4: {  	v5 =	vld [tilespmem:$0x1A020];
	_ =	sdelay $0x7  }
0x2c5: {  	[tilespmem:v5+s18+$0x0] =	vst.idx.msk $0xffff, v0  }
0x2c6: {  	v5 =	vld [tilespmem:$0x1A030];
	_ =	sdelay $0x3  }
.Ltmp56:
0x2c7: {  	_ = 	snop;
	(pc) =	sbr.rel @p1 .LBB2_85-.Ltmp56, $2  }
0x2c8: {  	_ =	sdelay $0x2  }
0x2c9: {  	[tilespmem:v5+s18+$0x0] =	vst.idx.msk $0xffff, v0  }
0x2ca: {  	p6 =	sgt.s32 s26, $0x2  }
.Ltmp57:
0x2cb: {  	_ = 	snop;
	(pc) =	sbr.rel @!p6 .LBB2_94-.Ltmp57, $4  }
0x2cc: {  	_ = 	snop  }
0x2cd: {  	s30 =	simm.s32 $0x19010  }
0x2ce: {  	s31 =	simm.s32 $0x18010;
	p1 =	por $0x0, $0x0;
	p2 =	por $0x0, $0x0  }
0x2cf: {  	v6 =	vmov s29;
	v5 =	vimm.s32 $0xFFFFFFFF;
	p3 =	por $0x0, $0x0;
	p4 =	por $0x0, $0x0;
	p5 =	por $0x0, $0x0  }
0x2d0: {  	p6 =	sgt.s32 s26, $0x4  }
.Ltmp58:
0x2d1: {  	_ = 	snop;
	(pc) =	sbr.rel @!p6 .LBB2_96-.Ltmp58, $4  }
0x2d2: {  	_ = 	snop  }
0x2d3: {  	v13 =	vld [tilespmem:s31+$0xFFFFFFF0]  }
0x2d4: {  	v8 =	vld [tilespmem:s30+$0xFFFFFFF0]  }
0x2d5: {  	v18 =	vld [tilespmem:s31+$0x0];
	p1 =	por $0x1, $0x1  }
0x2d6: {  	v7 =	vld [tilespmem:s30+$0x0];
	_ =	sdelay $0x3  }
0x2d7: {  	p6 =	sgt.s32 s26, $0x6;
	vm0 =	vgt.u32 v13, v4;
	vm1 =	veq.s32 v13, v4;
	vm2 =	vle.s32 v8, v6  }
.Ltmp59:
0x2d8: {  	vm1 =	vmand vm1, vm2;
	vm13 =	veq.s32 v18, v4;
	vm3 =	vle.s32 v7, v6;
	(pc) =	sbr.rel @!p6 .LBB2_98-.Ltmp59, $4  }
0x2d9: {  	s0 =	simm.s32 $0x19030;
	vm14 =	vgt.u32 v18, v4;
	vm8 =	vmor vm0, vm1;
	vm15 =	vmand vm13, vm3  }
0x2da: {  	s1 =	simm.s32 $0x18030;
	v12 =	vld [tilespmem:s0+$0xFFFFFFF0];
	v9 =	vsel vm8, $0x1, v1;
	v10 =	vmpcnt.ones.xlane vm8;
	vm11 =	vmor vm14, vm15  }
0x2db: {  	v13 =	vld [tilespmem:s1+$0xFFFFFFF0];
	(xrf0) =	vadd.scan.msk.s32 $0xffff, v9;
	v11 =	vsel vm11, $0x1, v1  }
0x2dc: {  	p2 =	por $0x1, $0x1;
	v18 =	vld [tilespmem:s1+$0x0];
	v30 =	vmpcnt.ones.xlane vm11;
	v16 =	vadd.s32 v5, v10;
	(xrf0) =	vadd.scan.msk.s32 $0xffff, v11  }
0x2dd: {  	_ =	sdelay $0x2  }
0x2de: {  	vm2 =	vle.s32 v12, v6;
	vm1 =	veq.s32 v13, v4  }
0x2df: {  	vm0 =	vgt.u32 v13, v4;
	vm1 =	vmand vm1, vm2  }
0x2e0: {  	v14 =	vld [tilespmem:s0+$0x0];
	vm10 =	vmmov vm8;
	vm8 =	vmor vm0, vm1  }
0x2e1: {  	v11 =	vmpcnt.ones.xlane vm8  }
0x2e2: {  	s0 =	simm.s32 $0x19050;
	v28 =	vadd.s32 v16, v30  }
0x2e3: {  	vm4 =	vmmov vm11;
	s1 =	simm.s32 $0x18050;
	v24 =	vld [tilespmem:s0+$0xFFFFFFF0];
	v15 =	vadd.s32 v28, v11;
	v11 =	vimm.s32 $0x0  }
0x2e4: {  	p6 =	sgt.s32 s26, $0x8;
	v13 =	vld [tilespmem:s1+$0xFFFFFFF0];
	vm13 =	veq.s32 v18, v4;
	vm14 =	vgt.u32 v18, v4;
	v9, _, _ =	vpop (xrf0);
	v11 =	vsel vm10, $0xFFFFFFFF, v11  }
.Ltmp60:
0x2e5: {  	v18 =	vld [tilespmem:s1+$0x0];
	vm3 =	vle.s32 v14, v6;
	v9 =	vadd.s32 v5, v9;
	[tilespmem:$0x1FF80] =	vst v11;
	v11 =	vimm.s32 $0x0;
	(pc) =	sbr.rel @!p6 .LBB2_100-.Ltmp60, $4  }
0x2e6: {  	vm15 =	vmand vm13, vm3;
	v10 =	vsel vm8, $0x1, v1;
	v11 =	vsel vm4, $0xFFFFFFFF, v11  }
0x2e7: {  	vm5 =	vlt.s32 v9, $0x40;
	vm11 =	vmor vm14, vm15;
	[tilespmem:$0x1FF90] =	vst v11;
	v11 =	vimm.s32 $0x0  }
0x2e8: {  	v17, _, _ =	vpop (xrf0);
	(xrf0) =	vadd.scan.msk.s32 $0xffff, v10;
	v19 =	vsel vm11, $0x1, v1;
	v11 =	vsel vm5, $0xFFFFFFFF, v11  }
0x2e9: {  	p3 =	por $0x1, $0x1;
	v10 =	vadd.s32 v16, v17;
	v30 =	vmpcnt.ones.xlane vm11;
	(xrf0) =	vadd.scan.msk.s32 $0xffff, v19;
	[tilespmem:$0x1FFA0] =	vst v11  }
0x2ea: {  	vm0 =	vmand vm10, vm5  }
0x2eb: {  	v11 =	vnsel vm0, $0x0, v8  }
0x2ec: {  	v20 =	vld [tilespmem:s0+$0x0];
	vm1 =	vlt.s32 v10, $0x40;
	vm10 =	vmmov vm8;
	vm7 =	vmmov vm11  }
0x2ed: {  	vm2 =	vle.s32 v24, v6;
	vm6 =	vmand vm4, vm1;
	vm1 =	veq.s32 v13, v4  }
0x2ee: {  	vm3 =	vmmov vm0;
	vm0 =	vgt.u32 v13, v4;
	vm1 =	vmand vm1, vm2  }
0x2ef: {  	v39 =	vadd.s32 v15, v30;
	v21 =	vnsel vm6, $0x0, v7;
	vm14 =	vmor vm0, vm1  }
0x2f0: {  	s1 =	simm.s32 $0x18070;
	p6 =	sgt.s32 s26, $0xA;
	vm2 =	veq.s32 v18, v4;
	vm0 =	vgt.u32 v18, v4;
	v17 =	vmpcnt.ones.xlane vm14;
	v34 =	vld.idx.msk [tilespmem:v11+s14+$0x0], $0xffff;
	v11, _, _ =	vpop (xrf0)  }
.Ltmp61:
0x2f1: {  	s0 =	simm.s32 $0x19070;
	v13 =	vld [tilespmem:s1+$0xFFFFFFF0];
	vm4 =	vle.s32 v20, v6;
	v36 =	vadd.s32 v28, v11;
	v11 =	vimm.s32 $0x0;
	(pc) =	sbr.rel @!p6 .LBB2_102-.Ltmp61, $4  }
0x2f2: {  	v25 =	vld [tilespmem:s0+$0xFFFFFFF0];
	v16 =	vsel vm14, $0x1, v1;
	vm1 =	vmand vm2, vm4;
	v11 =	vsel vm10, $0xFFFFFFFF, v11  }
0x2f3: {  	v18 =	vld [tilespmem:s1+$0x0];
	v26 =	vadd.s32 v39, v17;
	vm15 =	vmor vm0, vm1;
	[tilespmem:$0x1FF60] =	vst v11;
	v11 =	vimm.s32 $0x0  }
0x2f4: {  	(xrf0) =	vadd.scan.msk.s32 $0xffff, v16;
	v19, _, _ =	vpop (xrf0);
	v23 =	vsel vm15, $0x1, v1;
	v22 =	vmpcnt.ones.xlane vm15;
	v11 =	vsel vm7, $0xFFFFFFFF, v11  }
0x2f5: {  	p4 =	por $0x1, $0x1;
	vm13 =	vlt.s32 v36, $0x40;
	v37 =	vadd.s32 v15, v19;
	(xrf0) =	vadd.scan.msk.s32 $0xffff, v23;
	[tilespmem:$0x1FF70] =	vst v11  }
0x2f6: {  	v11 =	vld [tilespmem:s0+$0x0]  }
0x2f7: {  	vm1 =	vmand vm10, vm13  }
0x2f8: {  	vm5 =	veq.s32 v13, v4;
	v16 =	vnsel vm1, $0x0, v12;
	vm8 =	vle.s32 v25, v6  }
0x2f9: {  	vm4 =	vmmov vm1;
	vm1 =	vgt.u32 v13, v4;
	vm5 =	vmand vm5, vm8  }
0x2fa: {  	vm0 =	vlt.s32 v37, $0x40;
	vm8 =	vmor vm1, vm5  }
0x2fb: {  	vm11 =	veq.s32 v18, v4;
	v19 =	vmpcnt.ones.xlane vm8;
	vm9 =	vle.s32 v11, v6  }
0x2fc: {  	v28 =	vadd.s32 v26, v22;
	v17 =	vld.idx.msk [tilespmem:v21+s14+$0x0], $0xffff;
	vm1 =	vgt.u32 v18, v4;
	vm5 =	vmand vm11, vm9  }
0x2fd: {  	vm10 =	vmmov vm14;
	vm2 =	vmmov vm15;
	p6 =	sgt.s32 s26, $0xC;
	vm11 =	vmor vm1, vm5  }
.Ltmp62:
0x2fe: {  	[tilespmem:v8+s18+$0x0] =	vst.idx.msk vm3, v34;
	vm7 =	vmand vm7, vm0;
	vm0 =	vmmov vm6;
	v27 =	vld.idx.msk [tilespmem:v16+s14+$0x0], $0xffff;
	v16, _, _ =	vpop (xrf0);
	v23 =	vsel vm11, $0x1, v1;
	(pc) =	sbr.rel @!p6 .LBB2_104-.Ltmp62, $4  }
0x2ff: {  	s1 =	simm.s32 $0x18090;
	v29 =	vmovc v14;
	v18 =	vsel vm8, $0x1, v1;
	v40 =	vadd.s32 v39, v16;
	v16 =	vadd.s32 v28, v19;
	v19 =	vmovc v10  }
0x300: {  	s0 =	simm.s32 $0x19090;
	v38 =	vmovc v20;
	v35 =	vmov v37;
	v31 =	vmov v24;
	v13 =	vld [tilespmem:s1+$0xFFFFFFF0];
	v15 =	vnsel vm7, $0x0, v14;
	(xrf0) =	vadd.scan.msk.s32 $0xffff, v18  }
0x301: {  	v42 =	vld [tilespmem:s0+$0xFFFFFFF0];
	[tilespmem:v7+s18+$0x0] =	vst.idx.msk vm6, v17;
	v17, _, _ =	vpop (xrf0);
	v30 =	vmpcnt.ones.xlane vm11;
	(xrf0) =	vadd.scan.msk.s32 $0xffff, v23;
	v23 =	vmov v12  }
0x302: {  	s3 =	simm.s32 $0xC;
	p5 =	por $0x1, $0x1;
	v32 =	vmovc v36;
	[tilespmem:v9+s22+$0x0] =	vst.idx.msk vm3, v8;
	v18 =	vld [tilespmem:s1+$0x0];
	vm5 =	vlt.s32 v40, $0x40;
	v33 =	vadd.s32 v26, v17;
	v17 =	vmov v7  }
.LBB2_105:
0x303: {  	v41 =	vadd.s32 v16, v30;
	vm1 =	vmand vm10, vm5;
	vm5 =	vlt.s32 v33, $0x40  }
0x304: {  	s3 =	sadd.s32 $0x2, s3;
	[tilespmem:v19+s22+$0x0] =	vst.idx.msk vm0, v17;
	v17 =	vmovc v29;
	v29 =	vmovc v38;
	v38 =	vmov v11;
	v11 =	vld [tilespmem:s0+$0x0];
	v19 =	vmov v35;
	v35 =	vmov v33  }
0x305: {  	vm0 =	vmmov vm7;
	p6 =	slt.s32 s3, s26;
	v30 =	vnsel vm1, $0x0, v31;
	v33 =	vld.idx.msk [tilespmem:v15+s14+$0x0], $0xffff;
	vm7 =	vmand vm2, vm5  }
0x306: {  	vm10 =	vmmov vm8;
	vm2 =	vmmov vm11;
	v15 =	vnsel vm7, $0x0, v29;
	[tilespmem:v23+s18+$0x0] =	vst.idx.msk vm4, v27  }
0x307: {  	[tilespmem:v32+s22+$0x0] =	vst.idx.msk vm4, v23;
	v23 =	vmovc v31;
	v31 =	vmovc v25;
	v25 =	vmov v42;
	v32 =	vmov v40;
	vm4 =	vmmov vm1  }
0x308: {  	vm5 =	veq.s32 v13, v4;
	vm1 =	vgt.u32 v13, v4;
	vm8 =	vle.s32 v25, v6;
	v40, _, _ =	vpop (xrf0)  }
.Ltmp63:
0x309: {  	vm9 =	veq.s32 v18, v4;
	vm5 =	vmand vm5, vm8;
	vm11 =	vle.s32 v11, v6;
	v43, _, _ =	vpop (xrf0);
	(pc) =	sbr.rel @p6 .LBB2_105-.Ltmp63, $4  }
0x30a: {  	s1 =	sadd.s32 $0x20, s1;
	vm8 =	vmor vm1, vm5;
	vm1 =	vgt.u32 v18, v4;
	vm5 =	vmand vm9, vm11;
	v27 =	vld.idx.msk [tilespmem:v30+s14+$0x0], $0xffff  }
0x30b: {  	s0 =	sadd.s32 $0x20, s0;
	v13 =	vld [tilespmem:s1+$0xFFFFFFF0];
	v18 =	vsel vm8, $0x1, v1;
	v44 =	vmpcnt.ones.xlane vm8;
	vm11 =	vmor vm1, vm5;
	[tilespmem:v17+s18+$0x0] =	vst.idx.msk vm0, v33  }
0x30c: {  	v40 =	vadd.s32 v28, v40;
	v28 =	vmovc v41;
	v42 =	vld [tilespmem:s0+$0xFFFFFFF0];
	v33 =	vsel vm11, $0x1, v1;
	v30 =	vmpcnt.ones.xlane vm11;
	(xrf0) =	vadd.scan.msk.s32 $0xffff, v18  }
0x30d: {  	vm5 =	vlt.s32 v40, $0x40;
	v18 =	vld [tilespmem:s1+$0x0];
	(xrf0) =	vadd.scan.msk.s32 $0xffff, v33;
	v33 =	vadd.s32 v16, v43;
	v16 =	vadd.s32 v41, v44  }
0x30e: {  	_ =	sdelay $0x2  }
0x30f: {  	v41 =	vmov v25;
	v25 =	vmov v42  }
.LBB2_107:
0x310: {  	vm5 =	vmand @p3 vm10, vm5;
	vm1 =	vlt.s32 @p3 v33, $0x40;
	vm9 =	veq.s32 @p1 v13, v4  }
0x311: {  	vm10 =	vle.s32 @p1 v25, v6;
	vm8 =	vmmov @p2 vm8;
	v30 =	vadd.s32 @p2 v16, v30  }
0x312: {  	v42 =	vld @p1 [tilespmem:s0+$0x0];
	vm7 =	vmmov @p4 vm7;
	v11 =	vpsel p2, v11, v14;
	v33 =	vpsel p3, v33, v10  }
0x313: {  	v47 =	vld [tilespmem:$0x1FF60];
	vm12 =	vmand @p3 vm2, vm1;
	vm1 =	vmand @p1 vm9, vm10;
	vm2 =	vgt.u32 @p1 v13, v4  }
0x314: {  	v43 =	vld [tilespmem:$0x1FF70];
	v24 =	vpsel p1, v25, v24;
	v13, _, _ =	vpop @p2 (xrf0);
	v30 =	vpsel p2, v30, v5;
	vm2 =	vmor @p1 vm2, vm1  }
0x315: {  	v50 =	vld [tilespmem:$0x1FF80];
	vm1 =	veq.s32 @p1 v18, v4;
	v28 =	vadd.s32 @p2 v28, v13;
	vm6 =	vmmov @p3 vm12;
	v44, _, _ =	vpop @p2 (xrf0)  }
0x316: {  	v51 =	vld [tilespmem:$0x1FFA0];
	v46 =	vsel @p1 vm2, $0x1, v1;
	v44 =	vadd.s32 @p2 v16, v44;
	vm14 =	vmmov @p1 vm2  }
0x317: {  	s1 =	sadd.s32 @p1 $0x20, s1;
	v52 =	vld [tilespmem:$0x1FF90];
	[tilespmem:v19+s22+$0x0] =	vst.idx.msk @p5 vm0, v17;
	v25 =	vpsel p2, v28, v36;
	vm0 =	vmmov @p3 vm6;
	v37 =	vpsel p2, v44, v37  }
0x318: {  	s0 =	sadd.s32 @p1 $0x20, s0;
	[tilespmem:v23+s18+$0x0] =	vst.idx.msk @p4 vm4, v27;
	s31 =	smov.u32 @p1 s1;
	v44 =	vnsel @p3 vm5, $0x0, v31;
	vm5 =	vmmov @p3 vm5;
	vm6 =	vmmov @p3 vm0  }
0x319: {  	s30 =	smov.u32 @p1 s0;
	[tilespmem:v32+s22+$0x0] =	vst.idx.msk @p4 vm4, v23;
	v45 =	vld [tilespmem:s31+$0x0];
	v23 =	vmovc @p2 v25;
	vm9 =	vle.s32 @p1 v42, v6;
	vm10 =	vnez.u8 v47;
	vm3 =	vmmov @p3 vm5  }
0x31a: {  	v49 =	vld [tilespmem:s30+$0x0];
	vm5 =	vlt.s32 @p2 v37, $0x40;
	v53 =	vpsel p1, v42, v20;
	v23 =	vpsel p2, v23, v0  }
0x31b: {  	v20 =	vmovc @p3 v31;
	v31 =	vmovc @p3 v40;
	vm1 =	vmand @p1 vm1, vm9;
	vm9 =	vgt.u32 @p1 v18, v4;
	vm10 =	vmmov @p2 vm8  }
0x31c: {  	vm8 =	vmmov @p2 vm11;
	v20 =	vpsel p3, v20, v8;
	v31 =	vpsel p3, v31, v9  }
0x31d: {  	v18 =	vmovc @p1 v30;
	v8 =	vpsel p1, v24, v8;
	vm1 =	vmor @p1 vm9, vm1;
	vm9 =	vlt.s32 @p2 v28, $0x40  }
0x31e: {  	v63 =	vld [tilespmem:s31+$0xFFFFFFF0];
	vm11 =	veq.s32 v45, v4;
	v18 =	vpsel p1, v18, v39;
	vm13 =	vmmov @p2 vm9  }
0x31f: {  	v48 =	vld [tilespmem:s30+$0xFFFFFFF0];
	vm9 =	vnez.u8 v43;
	v43 =	vnsel @p3 vm12, $0x0, v38;
	vm12 =	vle.s32 v49, v6  }
0x320: {  	(xrf0) =	vadd.scan.msk.s32 @p1 $0xffff, v46;
	v28 =	vmovc @p2 v37;
	v46 =	vsel @p1 vm1, $0x1, v1;
	vm15 =	vmmov @p1 vm1;
	v47 =	vmpcnt.ones.xlane @p1 vm1  }
0x321: {  	v38 =	vpsel p3, v38, v7;
	v7 =	vpsel p1, v53, v7;
	v57 =	vpsel p2, v28, v0  }
0x322: {  	vm9 =	vmmov @p2 vm8;
	vm10 =	vmand @p2 vm10, vm13;
	vm13 =	vnez.u8 v52  }
0x323: {  	v21 =	vpsel p3, v43, v21;
	v14 =	vpsel p2, v57, v0;
	vm8 =	vmand @p2 vm9, vm5  }
0x324: {  	vm5 =	veq.s32 v63, v4;
	vm9 =	vle.s32 v48, v6;
	v6 =	vmpcnt.ones.xlane @p1 vm2  }
0x325: {  	vm2 =	vmand vm11, vm12;
	vm12 =	vgt.u32 v45, v4;
	v22 =	vpsel p1, v47, v22  }
0x326: {  	v39, _, _ =	vpop @p1 (xrf0);
	vm11 =	vmmov @p2 vm10;
	vm5 =	vmand vm5, vm9;
	vm9 =	vgt.u32 v63, v4  }
0x327: {  	v4 =	vadd.s32 @p1 v18, v39;
	vm2 =	vmor vm12, vm2;
	vm12 =	vnez.u8 v50  }
0x328: {  	(xrf0) =	vadd.scan.msk.s32 @p1 $0xffff, v46;
	v17 =	vnsel @p2 vm8, $0x0, v11;
	v11 =	vpsel p2, v11, v0;
	vm8 =	vmmov @p2 vm8  }
0x329: {  	vm4 =	vmmov @p2 vm11;
	vm5 =	vmor vm9, vm5;
	vm9 =	vmmov @p1 vm14  }
0x32a: {  	vm1 =	vlt.s32 @p1 v4, $0x40;
	vm14 =	vnez.u8 v51;
	v6 =	vadd.s32 @p1 v30, v6  }
0x32b: {  	v56 =	vsel vm2, $0x1, v1;
	v17 =	vpsel p2, v17, v0;
	v4 =	vpsel p1, v4, v9  }
0x32c: {  	v18 =	vmovc @p4 v29;
	v29 =	vld.idx.msk @p3 [tilespmem:v44+s14+$0x0], $0xffff;
	vm12 =	vmmov @p1 vm9;
	vm14 =	vmmov @p1 vm1;
	vm1 =	vmmov @p1 vm15  }
0x32d: {  	v30 =	vmovc @p4 v35;
	v35 =	vmovc @p2 v41;
	v6 =	vpsel p1, v6, v26;
	v26 =	vpsel p4, v18, v0;
	v54 =	vsel vm5, $0x1, v1  }
0x32e: {  	v15 =	vld.idx.msk @p4 [tilespmem:v15+s14+$0x0], $0xffff;
	vm9 =	vmmov @p4 vm7;
	v30 =	vpsel p4, v30, v0;
	v12 =	vpsel p2, v35, v12;
	v19, _, _ =	vpop @p1 (xrf0);
	(xrf0) =	vadd.scan.msk.s32 $0xffff, v54  }
0x32f: {  	v55 =	vmpcnt.ones.xlane vm5;
	vm5 =	vmmov vm5;
	v4 =	vpsel p1, v4, v0;
	(xrf0) =	vadd.scan.msk.s32 $0xffff, v56  }
0x330: {  	vm13 =	vmmov @p1 vm1;
	v35 =	vnsel @p2 vm10, $0x0, v12;
	v22 =	vadd.s32 @p1 v6, v22  }
0x331: {  	vm10 =	vmand @p1 vm12, vm14;
	v12 =	vpsel p2, v12, v0;
	v5 =	vpsel p1, v22, v5  }
0x332: {  	v27 =	vmovc @p3 v38;
	v21 =	vld.idx.msk @p3 [tilespmem:v21+s14+$0x0], $0xffff;
	v9 =	vnsel @p1 vm10, $0x0, v8;
	v29 =	vpsel p3, v29, v34;
	v6 =	vadd.s32 @p1 v6, v19  }
0x333: {  	v22 =	vadd.s32 v5, v55;
	[tilespmem:v18+s18+$0x0] =	vst.idx.msk @p4 vm7, v15;
	vm7 =	vmmov @p2 vm8;
	v6 =	vpsel p1, v6, v10  }
0x334: {  	vm8 =	vmmov vm2;
	v17 =	vld.idx.msk @p2 [tilespmem:v17+s14+$0x0], $0xffff;
	v10 =	vmov @p3 v33;
	vm1 =	vlt.s32 @p1 v6, $0x40;
	v58, _, _ =	vpop (xrf0)  }
0x335: {  	v19 =	vld.idx.msk @p2 [tilespmem:v35+s14+$0x0], $0xffff;
	v10 =	vpsel p3, v10, v0;
	vm1 =	vmand @p1 vm13, vm1;
	v59, _, _ =	vpop (xrf0);
	v5 =	vadd.s32 v5, v58  }
0x336: {  	[tilespmem:v20+s18+$0x0] =	vst.idx.msk @p3 vm3, v29;
	v15 =	vnsel @p1 vm1, $0x0, v7;
	vm13 =	vlt.s32 v5, $0x40;
	v60 =	vadd.s32 v22, v59  }
0x337: {  	[tilespmem:v31+s22+$0x0] =	vst.idx.msk @p3 vm3, v20;
	v15 =	vpsel p1, v15, v0;
	vm14 =	vmand vm5, vm13;
	vm5 =	vlt.s32 v60, $0x40  }
0x338: {  	[tilespmem:v30+s22+$0x0] =	vst.idx.msk @p4 vm9, v26;
	vm9 =	vmmov @p1 vm10;
	vm15 =	vmand vm8, vm5;
	vm5 =	vmmov @p2 vm7  }
0x339: {  	v8 =	vpsel p1, v8, v0;
	[tilespmem:v27+s18+$0x0] =	vst.idx.msk @p3 vm0, v21;
	v9 =	vld.idx.msk @p1 [tilespmem:v9+s14+$0x0], $0xffff;
	vm8 =	vmmov @p1 vm9;
	v61 =	vnsel vm14, $0x0, v48  }
0x33a: {  	v33 =	vpsel p3, v27, v0;
	vm1 =	vmmov @p1 vm1;
	[tilespmem:v11+s18+$0x0] =	vst.idx.msk @p2 vm7, v17;
	v19 =	vpsel p2, v19, v0  }
0x33b: {  	v6 =	vpsel p1, v6, v0;
	vm1 =	vmmov @p1 vm1;
	[tilespmem:v12+s18+$0x0] =	vst.idx.msk @p2 vm4, v19;
	v62 =	vnsel vm15, $0x0, v49  }
0x33c: {  	v7 =	vpsel p1, v7, v0;
	[tilespmem:v23+s22+$0x0] =	vst.idx.msk @p2 vm4, v12;
	vm4 =	vmmov @p1 vm1;
	v12 =	vld.idx.msk @p1 [tilespmem:v15+s14+$0x0], $0xffff  }
0x33d: {  	v6 =	vpsel p1, v6, v0;
	v11 =	vpsel p2, v11, v0;
	[tilespmem:v10+s22+$0x0] =	vst.idx.msk @p3 vm6, v33;
	vm3 =	vmmov vm14  }
0x33e: {  	v9 =	vpsel p1, v9, v0;
	v63 =	vld.idx.msk [tilespmem:v61+s14+$0x0], $0xffff;
	[tilespmem:v14+s22+$0x0] =	vst.idx.msk @p2 vm5, v11  }
0x33f: {  	vm0 =	vmmov vm15;
	[tilespmem:v8+s18+$0x0] =	vst.idx.msk @p1 vm8, v9  }
0x340: {  	[tilespmem:v4+s22+$0x0] =	vst.idx.msk @p1 vm8, v8;
	v4 =	vld.idx.msk [tilespmem:v62+s14+$0x0], $0xffff  }
0x341: {  	[tilespmem:v7+s18+$0x0] =	vst.idx.msk @p1 vm1, v12;
	v7 =	vpsel p1, v7, v0  }
.Ltmp64:
0x342: {  	[tilespmem:v6+s22+$0x0] =	vst.idx.msk @p1 vm4, v7;
	(pc) =	sbr.rel .LBB2_86-.Ltmp64, $4  }
0x343: {  	[tilespmem:v48+s18+$0x0] =	vst.idx.msk vm3, v63  }
0x344: {  	v6 =	vmpcnt.ones.xlane vm2;
	[tilespmem:v5+s22+$0x0] =	vst.idx.msk vm3, v48  }
0x345: {  	[tilespmem:v49+s18+$0x0] =	vst.idx.msk vm0, v4  }
0x346: {  	v4 =	vadd.s32 v22, v6;
	[tilespmem:v60+s22+$0x0] =	vst.idx.msk vm0, v49  }
.LBB2_77:
.Ltmp65:
0x347: {  	(pc) =	sbr.rel .LBB2_78-.Ltmp65, $2  }
0x348: {  	_ =	sdelay $0x2  }
0x349: {  	s1 =	ssub.s32 $0x40, s1;
	s29 =	simm.s32 $0x0;
	s3 =	simm.s32 $0x0  }
.LBB2_79:
0x34a: {  	v5 =	vimm.s32 $0x0  }
.LBB2_83:
0x34b: {  	(xrf0) =	vadd.scan.msk.s32 $0xffff, v5;
	_ =	sdelay $0x5  }
0x34c: {  	v5, _, _ =	vpop (xrf0)  }
0x34d: {  	(v2sf) =	vpush v5, $0xF;
	_ =	sdelay $0xa  }
0x34e: {  	s3 =	sadd.s32 $0x1, s3  }
0x34f: {  	p4 =	sne.s32 s3, $0xF  }
.Ltmp66:
0x350: {  	_ = 	snop;
	(pc) =	sbr.rel @!p4 .LBB2_84-.Ltmp66, $4  }
0x351: {  	_ = 	snop  }
0x352: {  	s4 =	spop (v2sf)  }
0x353: {  	p3 =	slt.s32 s4, s1  }
0x354: {  	s29 =	smov.u32 @p3 s30  }
.LBB2_78:
.Ltmp67:
0x355: {  	(pc) =	sbr.rel @p2 .LBB2_79-.Ltmp67, $3  }
0x356: {  	_ =	sdelay $0x1  }
0x357: {  	s4 =	sshrl.u32 s23, s3  }
0x358: {  	s30 =	sor.u32 s4, s29  }
0x359: {  	s4 =	simm.s32 $0x18000  }
0x35a: {  	s31 =	simm.s32 $0x19000;
	p3 =	sne.s32 s0, $0x1;
	v7 =	vld [tilespmem:s4+$0x0]  }
.Ltmp68:
0x35b: {  	v8 =	vld [tilespmem:s31+$0x0];
	(pc) =	sbr.rel @!p3 .LBB2_82-.Ltmp68, $2  }
0x35c: {  	_ =	sdelay $0x2  }
0x35d: {  	v6 =	vmov s30;
	v5 =	vimm.s32 $0x0;
	s5 =	simm.s32 $0x18010;
	s4 =	sadd.s32 $0xFFFFFFFF, s0  }
.LBB2_81:
0x35e: {  	vm0 =	veq.s32 v7, v4;
	v7 =	vld [tilespmem:s5+$0x0];
	vm1 =	vlt.s32 v8, v6;
	s31 =	sadd.s32 $0x10, s31;
	p3 =	sne.s32 s4, $0x1  }
.Ltmp69:
0x35f: {  	s4 =	sadd.s32 $0xFFFFFFFF, s4;
	v8 =	vld [tilespmem:s31+$0x0];
	vm0 =	vmand vm0, vm1;
	(pc) =	sbr.rel @p3 .LBB2_81-.Ltmp69, $3  }
0x360: {  	v9 =	vsel vm0, $0x1, v1  }
0x361: {  	v5 =	vadd.s32 v9, v5;
	_ =	sdelay $0x1  }
0x362: {  	s5 =	sadd.s32 $0x10, s5  }
.LBB2_82:
.Ltmp70:
0x363: {  	(pc) =	sbr.rel .LBB2_83-.Ltmp70, $4  }
0x364: {  	vm0 =	veq.s32 v7, v4;
	vm1 =	vlt.s32 v8, v6  }
0x365: {  	vm0 =	vmand vm0, vm1  }
0x366: {  	v6 =	vsel vm0, $0x1, v1  }
0x367: {  	v5 =	vadd.s32 v6, v5  }
.LBB2_85:
0x368: {  	v4 =	vimm.s32 $0xFFFFFFFF  }
.LBB2_86:
0x369: {  	s0 =	sshll.u32 @!p0 s26, $0x4  }
0x36a: {  	v5 =	vld @!p0 [tilespmem:s0+$0x18000]  }
0x36b: {  	v6 =	vld @!p0 [tilespmem:s0+$0x19000];
	_ =	sdelay $0x4  }
0x36c: {  	vm0 =	veq.s32 @!p0 v5, s28;
	vm1 =	vle.s32 @!p0 v6, s29  }
0x36d: {  	vm2 =	vgt.u32 @!p0 v5, s28;
	vm0 =	vmand @!p0 vm0, vm1  }
0x36e: {  	v5 =	vimm.s32 @!p0 $0x0;
	vm0 =	vmor @!p0 vm2, vm0  }
0x36f: {  	v5 =	vsel @!p0 vm0, $0x1, v5  }
0x370: {  	(xrf0) =	vadd.scan.msk.s32 @!p0 $0xffff, v5;
	_ =	sdelay $0x5  }
0x371: {  	v5, _, _ =	vpop @!p0 (xrf0)  }
0x372: {  	v4 =	vadd.s32 @!p0 v4, v5  }
0x373: {  	vm1 =	vlt.s32 @!p0 v4, $0x40  }
0x374: {  	vm0 =	vmand @!p0 vm0, vm1  }
0x375: {  	v5 =	vnsel @!p0 vm0, $0x0, v6;
	_ =	sdelay $0x3  }
0x376: {  	s0 =	simm.s32 @!p0 $0x8000  }
0x377: {  	v5 =	vld.idx.msk @!p0 [tilespmem:v5+s0+$0x0], $0xffff;
	_ =	sdelay $0x3  }
0x378: {  	s0 =	simm.s32 @!p0 $0x10000  }
0x379: {  	[tilespmem:v6+s0+$0x0] =	vst.idx.msk @!p0 vm0, v5;
	s0 =	simm.s32 @!p0 $0x1A080  }
0x37a: {  	[tilespmem:v4+s0+$0x0] =	vst.idx.msk @!p0 vm0, v6  }
0x37b: {  	[hbm4b:s7+s12] =	stream.strided.scatter [tilespmem:s18], [sflag:$0x3], $0x8000, s13, s12, $0x38;
	[tilespmem:$0x1A100] =	vst v63  }
0x37c: {  	s31 =	sadd.s32 s25, s28  }
0x37d: {  	[tilespmem:s14], [sflag:$0x2] =	stream.strided.gather [hbm4b:s8+s12], $0x8000, s13, s12, $0x38;
	[tilespmem:$0x1A100] =	vst v63  }
0x37e: {  	s1 =	simm.s32 $0x7FFFFFFF;
	s25 =	sadd.s32 $0xFFE00000, s31;
	_ =	swait.ge [sflag:s15], $0x8000  }
0x37f: {  	s3 =	simm.s32 $0xFFFFFFFF;
	p0 =	sge.s32 s25, s31;
	[sflag:s15] =	ssyncset.done $0x0  }
0x380: {  	s0 =	simm.s32 $0x80000000;
	s25 =	simm.s32 @p0 $0x80000000;
	[sflag:s15] =	ssyncadd.s32 $0xFFFF8000  }
.LBB2_87:
0x381: {  	s26 =	simm.s32 $0x40  }
0x382: {  	p0 =	sgt.s32 s3, $0x1000;
	p1 =	slt.u32 s3, $0x40;
	v8 =	vld [tilespmem:s26+$0xFFFFFFE0]  }
0x383: {  	s0 =	smov.u32 @p0 s25;
	s1 =	smov.u32 @p1 s25;
	v16 =	vld [tilespmem:s26+$0x0]  }
0x384: {  	v9 =	vld [tilespmem:s26+$0x10];
	s4 =	sxor.u32 $0x80000000, s0;
	s5 =	sxor.u32 $0x80000000, s1  }
0x385: {  	v10 =	vld [tilespmem:s26+$0xFFFFFFF0];
	s5 =	ssub.s32 s5, s4  }
0x386: {  	v11 =	vld [tilespmem:s26+$0x20];
	s28 =	sshrl.u32 s5, $0x1  }
0x387: {  	v6 =	vlaneseq.u32;
	v14 =	vimm.s32 $0xFFFFFFFF;
	v12 =	vld [tilespmem:s26+$0x30];
	s4 =	sadd.s32 s4, s28  }
0x388: {  	v13 =	vld [tilespmem:s26+$0xFFFFFFD0];
	v5 =	vadd.s32 $0x60, v6;
	p0 =	slt.u32 s5, $0x2;
	s4 =	sxor.u32 $0x80000000, s4;
	v15 =	vshra.s32 v8, $0x1F;
	v21 =	vshra.s32 v16, $0x1F  }
0x389: {  	p1 =	sgt.s32 s3, $0xFFFFFFFF;
	v18 =	vld [tilespmem:s26+$0xFFFFFFC0];
	v17 =	vshra.s32 v9, $0x1F;
	s4 =	smov.u32 @p0 s0;
	v15 =	vand.u32 $0x7FFFFFFF, v15;
	v21 =	vand.u32 $0x7FFFFFFF, v21  }
0x38a: {  	s25 =	smov.u32 @p1 s4;
	v19 =	vxor.u32 v8, v15;
	v8 =	vand.u32 $0x7FFFFFFF, v17;
	v15 =	vshra.s32 v10, $0x1F  }
0x38b: {  	v17 =	vshra.s32 v11, $0x1F;
	v4 =	vmov s25;
	v15 =	vand.u32 $0x7FFFFFFF, v15  }
0x38c: {  	v20 =	vxor.u32 v9, v8;
	v9 =	vshra.s32 v12, $0x1F;
	v17 =	vand.u32 $0x7FFFFFFF, v17  }
0x38d: {  	vm5 =	vge.s32 v19, v4;
	v8 =	vxor.u32 v10, v15;
	v10 =	vshra.s32 v13, $0x1F  }
0x38e: {  	v15 =	vand.u32 $0x7FFFFFFF, v9;
	vm3 =	vge.s32 v20, v4;
	v9 =	vshra.s32 v18, $0x1F  }
0x38f: {  	v11 =	vxor.u32 v11, v17;
	v10 =	vand.u32 $0x7FFFFFFF, v10;
	v23 =	vand.u32 $0x7FFFFFFF, v9  }
0x390: {  	v22 =	vsel vm5, $0x1, v1;
	v9 =	vxor.u32 v13, v10;
	v13 =	vxor.u32 v18, v23  }
0x391: {  	vm4 =	vge.s32 v8, v4;
	v24 =	vmpcnt.ones.xlane vm5;
	(xrf0) =	vadd.scan.msk.s32 $0xffff, v22;
	vm6 =	vge.s32 v13, v4  }
0x392: {  	v10 =	vxor.u32 v12, v15;
	vm2 =	vge.s32 v9, v4;
	v12 =	vmpcnt.ones.xlane vm6  }
0x393: {  	vm0 =	vge.s32 v11, v4;
	v18 =	vsel vm3, $0x1, v1;
	v23 =	vmpcnt.ones.xlane vm2  }
0x394: {  	v17 =	vsel vm4, $0x1, v1;
	vm8 =	vge.s32 v10, v4;
	v15 =	vadd.s32 v14, v12  }
0x395: {  	(xrf0) =	vadd.scan.msk.s32 $0xffff, v18;
	v22 =	vsel vm6, $0x1, v1;
	v18 =	vadd.s32 v15, v23;
	v23 =	vmpcnt.ones.xlane vm4  }
0x396: {  	(xrf0) =	vadd.scan.msk.s32 $0xffff, v22;
	v22 =	vsel vm0, $0x1, v1;
	v12 =	vxor.u32 v16, v21;
	v16 =	vadd.s32 v18, v24  }
0x397: {  	v21 =	vsel vm8, $0x1, v1;
	(xrf0) =	vadd.scan.msk.s32 $0xffff, v17;
	vm1 =	vge.s32 v12, v4;
	v17, _, _ =	vpop (xrf0);
	v25 =	vadd.s32 v16, v23  }
0x398: {  	(xrf0) =	vadd.scan.msk.s32 $0xffff, v21;
	v23 =	vmpcnt.ones.xlane vm1;
	v26 =	vadd.s32 v18, v17;
	v17 =	vsel vm1, $0x1, v1  }
0x399: {  	v7 =	vadd.s32 $0x70, v6;
	v27 =	vadd.s32 $0x20, v6;
	v28 =	vmpcnt.ones.xlane vm3;
	(xrf0) =	vadd.scan.msk.s32 $0xffff, v22  }
0x39a: {  	v13 =	vsub.s32 v13, v4;
	v21 =	vsel vm2, $0x1, v1;
	vm7 =	vlt.s32 v26, $0x1000;
	(xrf0) =	vadd.scan.msk.s32 $0xffff, v17  }
0x39b: {  	v22 =	vmpcnt.ones.xlane vm8;
	v24 =	vadd.s32 v25, v23;
	vm5 =	vmand vm5, vm7;
	v17, _, _ =	vpop (xrf0)  }
0x39c: {  	(xrf0) =	vadd.scan.msk.s32 $0xffff, v21;
	v28 =	vadd.s32 v24, v28;
	v18 =	vadd.s32 v24, v17;
	v17 =	vmpcnt.ones.xlane vm0;
	v23, _, _ =	vpop (xrf0)  }
0x39d: {  	vm7 =	vlt.s32 v18, $0x1000;
	v21 =	vadd.s32 v14, v23;
	v23 =	vsub.s32 v20, v4;
	v14, _, _ =	vpop (xrf0)  }
0x39e: {  	vm3 =	vmand vm3, vm7;
	vm7 =	vlt.s32 v21, $0x1000;
	v20 =	vadd.s32 v16, v14;
	v14, _, _ =	vpop (xrf0)  }
0x39f: {  	v24 =	vadd.s32 v28, v17;
	vm6 =	vmand vm6, vm7;
	vm7 =	vlt.s32 v20, $0x1000;
	v16, _, _ =	vpop (xrf0)  }
0x3a0: {  	v17 =	vsub.s32 v19, v4;
	v19 =	vadd.s32 v24, v14;
	vm4 =	vmand vm4, vm7;
	v14, _, _ =	vpop (xrf0)  }
0x3a1: {  	[tilespmem:v26+s16+$0x0] =	vst.idx.msk vm5, v17;
	v17 =	vadd.s32 v28, v16;
	vm9 =	vlt.s32 v19, $0x1000;
	v16 =	vadd.s32 v25, v14  }
0x3a2: {  	s26 =	simm.s32 $0x0;
	s28 =	simm.s32 $0xC0;
	[tilespmem:v26+s17+$0x0] =	vst.idx.msk vm5, v27;
	vm7 =	vlt.s32 v17, $0x1000;
	vm5 =	vmand vm8, vm9;
	v25, _, _ =	vpop (xrf0);
	v14 =	vlaneseq.u32  }
.LBB2_88:
0x3a3: {  	v26 =	vld [tilespmem:s28+$0xFFFFFFE0];
	s26 =	sadd.s32 $0x8, s26;
	v27 =	vadd.s32 $0x10, v6;
	v28 =	vadd.s32 $0x40, v6;
	v14 =	vadd.s32 $0x80, v14  }
0x3a4: {  	v15 =	vadd.s32 v15, v25;
	v29 =	vld [tilespmem:s28+$0x10];
	v30 =	vadd.s32 $0x60, v14;
	v31 =	vadd.s32 $0x70, v14;
	p2 =	slt.u32 s26, $0x7F8;
	[tilespmem:v18+s16+$0x0] =	vst.idx.msk vm3, v23  }
0x3a5: {  	v24 =	vadd.s32 v24, v22;
	vm8 =	vlt.s32 v15, $0x1000;
	v23 =	vld [tilespmem:s28+$0x20];
	[tilespmem:v21+s16+$0x0] =	vst.idx.msk vm6, v13;
	v13 =	vadd.s32 $0x50, v6  }
0x3a6: {  	v9 =	vsub.s32 v9, v4;
	v11 =	vsub.s32 v11, v4;
	vm2 =	vmand vm2, vm8;
	v22 =	vld [tilespmem:s28+$0xFFFFFFF0];
	[tilespmem:v21+s17+$0x0] =	vst.idx.msk vm6, v6  }
0x3a7: {  	v25 =	vadd.s32 $0x30, v6;
	v32 =	vsub.s32 v8, v4;
	v8 =	vsub.s32 v10, v4;
	v21 =	vld [tilespmem:s28+$0x30];
	[tilespmem:v18+s17+$0x0] =	vst.idx.msk vm3, v13  }
0x3a8: {  	v12 =	vsub.s32 v12, v4;
	vm0 =	vmand vm0, vm7;
	v6 =	vmovc v14;
	v10 =	vld [tilespmem:s28+$0xFFFFFFD0];
	v13 =	vshra.s32 v26, $0x1F;
	[tilespmem:v20+s16+$0x0] =	vst.idx.msk vm4, v32  }
0x3a9: {  	v13 =	vand.u32 $0x7FFFFFFF, v13;
	v18 =	vld [tilespmem:s28+$0x0];
	v32 =	vshra.s32 v29, $0x1F;
	[tilespmem:v20+s17+$0x0] =	vst.idx.msk vm4, v25;
	vm4 =	vlt.s32 v16, $0x1000  }
0x3aa: {  	v20 =	vld [tilespmem:s28+$0xFFFFFFC0];
	v25 =	vxor.u32 v26, v13;
	v13 =	vand.u32 $0x7FFFFFFF, v32;
	v26 =	vshra.s32 v23, $0x1F;
	[tilespmem:v19+s16+$0x0] =	vst.idx.msk vm5, v8  }
0x3ab: {  	vm1 =	vmand vm1, vm4;
	vm3 =	vge.s32 v25, v4;
	v8 =	vshra.s32 v22, $0x1F;
	[tilespmem:v19+s17+$0x0] =	vst.idx.msk vm5, v7;
	v7 =	vmovc v31  }
0x3ac: {  	v19 =	vxor.u32 v29, v13;
	v8 =	vand.u32 $0x7FFFFFFF, v8;
	v13 =	vshra.s32 v21, $0x1F;
	[tilespmem:v15+s16+$0x0] =	vst.idx.msk vm2, v9  }
0x3ad: {  	v9 =	vshra.s32 v10, $0x1F;
	v8 =	vxor.u32 v22, v8;
	v13 =	vand.u32 $0x7FFFFFFF, v13;
	[tilespmem:v15+s17+$0x0] =	vst.idx.msk vm2, v27  }
0x3ae: {  	vm5 =	vge.s32 v19, v4;
	vm4 =	vge.s32 v8, v4;
	v15 =	vshra.s32 v18, $0x1F;
	[tilespmem:v17+s16+$0x0] =	vst.idx.msk vm0, v11  }
0x3af: {  	v22 =	vsel vm3, $0x1, v1;
	v9 =	vand.u32 $0x7FFFFFFF, v9;
	v11 =	vshra.s32 v20, $0x1F;
	[tilespmem:v17+s17+$0x0] =	vst.idx.msk vm0, v5;
	v5 =	vmovc v30  }
0x3b0: {  	v9 =	vxor.u32 v10, v9;
	v17 =	vand.u32 $0x7FFFFFFF, v15;
	v11 =	vand.u32 $0x7FFFFFFF, v11;
	(xrf0) =	vadd.scan.msk.s32 $0xffff, v22  }
0x3b1: {  	v15 =	vand.u32 $0x7FFFFFFF, v26;
	v10 =	vxor.u32 v21, v13;
	v11 =	vxor.u32 v20, v11;
	[tilespmem:v16+s16+$0x0] =	vst.idx.msk vm1, v12  }
0x3b2: {  	v12 =	vsel vm5, $0x1, v1;
	vm6 =	vge.s32 v11, v4;
	v13 =	vsub.s32 v11, v4;
	[tilespmem:v16+s17+$0x0] =	vst.idx.msk vm1, v28  }
0x3b3: {  	vm2 =	vge.s32 v9, v4;
	v16 =	vsel vm6, $0x1, v1;
	v20 =	vmpcnt.ones.xlane vm6  }
0x3b4: {  	v22 =	vmpcnt.ones.xlane vm3;
	v21 =	vmpcnt.ones.xlane vm2;
	v11 =	vxor.u32 v23, v15  }
0x3b5: {  	vm0 =	vge.s32 v11, v4;
	v15 =	vadd.s32 v24, v20;
	v20 =	vsel vm4, $0x1, v1;
	(xrf0) =	vadd.scan.msk.s32 $0xffff, v12  }
0x3b6: {  	vm8 =	vge.s32 v10, v4;
	v23 =	vmpcnt.ones.xlane vm4;
	v21 =	vadd.s32 v15, v21;
	(xrf0) =	vadd.scan.msk.s32 $0xffff, v16;
	v16, _, _ =	vpop (xrf0)  }
0x3b7: {  	v12 =	vxor.u32 v18, v17;
	v17 =	vsel vm8, $0x1, v1;
	v26 =	vadd.s32 v21, v22  }
0x3b8: {  	v18 =	vsel vm0, $0x1, v1;
	vm1 =	vge.s32 v12, v4;
	v27 =	vadd.s32 v26, v23;
	(xrf0) =	vadd.scan.msk.s32 $0xffff, v20  }
0x3b9: {  	v16 =	vadd.s32 v21, v16;
	v20 =	vsel vm2, $0x1, v1;
	v23 =	vmpcnt.ones.xlane vm1;
	(xrf0) =	vadd.scan.msk.s32 $0xffff, v17  }
0x3ba: {  	v28 =	vadd.s32 $0x20, v14;
	v22 =	vsel vm1, $0x1, v1;
	vm7 =	vlt.s32 v16, $0x1000;
	(xrf0) =	vadd.scan.msk.s32 $0xffff, v18  }
0x3bb: {  	v30 =	vmpcnt.ones.xlane vm5;
	vm7 =	vmand vm3, vm7;
	v29 =	vadd.s32 v27, v23;
	(xrf0) =	vadd.scan.msk.s32 $0xffff, v22;
	v17, _, _ =	vpop (xrf0)  }
0x3bc: {  	v31 =	vmpcnt.ones.xlane vm0;
	v22 =	vmpcnt.ones.xlane vm8;
	v18 =	vadd.s32 v29, v17;
	v21, _, _ =	vpop (xrf0);
	(xrf0) =	vadd.scan.msk.s32 $0xffff, v20  }
0x3bd: {  	v23 =	vsub.s32 v19, v4;
	v21 =	vadd.s32 v24, v21;
	vm3 =	vlt.s32 v18, $0x1000  }
.Ltmp71:
0x3be: {  	v29 =	vadd.s32 v29, v30;
	vm9 =	vlt.s32 v21, $0x1000;
	vm3 =	vmand vm5, vm3;
	v19, _, _ =	vpop (xrf0);
	(pc) =	sbr.rel @p2 .LBB2_88-.Ltmp71, $4  }
0x3bf: {  	v24 =	vadd.s32 v29, v31;
	vm6 =	vmand vm6, vm9;
	v20 =	vadd.s32 v26, v19;
	v17, _, _ =	vpop (xrf0)  }
0x3c0: {  	v26 =	vsub.s32 v25, v4;
	vm5 =	vlt.s32 v20, $0x1000;
	v19 =	vadd.s32 v24, v17;
	v17, _, _ =	vpop (xrf0)  }
0x3c1: {  	[tilespmem:v16+s16+$0x0] =	vst.idx.msk vm7, v26;
	vm4 =	vmand vm4, vm5;
	v17 =	vadd.s32 v29, v17;
	vm5 =	vlt.s32 v19, $0x1000;
	v25, _, _ =	vpop (xrf0)  }
0x3c2: {  	s28 =	sadd.s32 $0x80, s28;
	[tilespmem:v16+s17+$0x0] =	vst.idx.msk vm7, v28;
	v16 =	vadd.s32 v27, v25;
	vm7 =	vlt.s32 v17, $0x1000;
	vm5 =	vmand vm8, vm5;
	v25, _, _ =	vpop (xrf0)  }
0x3c3: {  	v14 =	vadd.s32 v24, v22  }
0x3c4: {  	v14 =	vxor.u32 $0x80000000, v14  }
0x3c5: {  	(xrf0) =	vmax.scan.msk.u32 $0xffff, v14;
	_ =	sdelay $0x5  }
0x3c6: {  	v14, _, _ =	vpop (xrf0)  }
0x3c7: {  	(v2sf) =	vpush v14, $0xF;
	_ =	sdelay $0x9  }
0x3c8: {  	[tilespmem:v18+s16+$0x0] =	vst.idx.msk vm3, v23  }
0x3c9: {  	[tilespmem:v21+s16+$0x0] =	vst.idx.msk vm6, v13  }
0x3ca: {  	v58 =	vadd.s32 $0x50, v6;
	vm0 =	vmand vm0, vm7;
	[tilespmem:v21+s17+$0x0] =	vst.idx.msk vm6, v6  }
0x3cb: {  	v57 =	vadd.s32 v15, v25;
	v8 =	vsub.s32 v8, v4;
	vm15 =	vlt.s32 v16, $0x1000;
	[tilespmem:v18+s17+$0x0] =	vst.idx.msk vm3, v58  }
0x3cc: {  	v60 =	vsub.s32 v10, v4;
	vm8 =	vlt.s32 v57, $0x1000;
	[tilespmem:v20+s16+$0x0] =	vst.idx.msk vm4, v8;
	vm1 =	vmand vm1, vm15  }
0x3cd: {  	v59 =	vadd.s32 $0x30, v6;
	p0 =	por !p1, !p0;
	[tilespmem:v19+s16+$0x0] =	vst.idx.msk vm5, v60;
	vm2 =	vmand vm2, vm8;
	s3 =	spop (v2sf)  }
0x3ce: {  	p0 =	por !p0, !p0;
	[tilespmem:v20+s17+$0x0] =	vst.idx.msk vm4, v59;
	s4 =	sadd.s32 $0x7FFFFFC1, s3  }
0x3cf: {  	v63 =	vsub.s32 v11, v4;
	[tilespmem:v19+s17+$0x0] =	vst.idx.msk vm5, v7;
	p1 =	sgt.u32 @!p0 s4, $0xFC0  }
0x3d0: {  	[tilespmem:v17+s16+$0x0] =	vst.idx.msk vm0, v63;
	p0 =	por p0, !p1  }
.Ltmp72:
0x3d1: {  	v61 =	vsub.s32 v9, v4;
	v4 =	vsub.s32 v12, v4;
	[tilespmem:v17+s17+$0x0] =	vst.idx.msk vm0, v5;
	(pc) =	sbr.rel @!p0 .LBB2_87-.Ltmp72, $4  }
0x3d2: {  	[tilespmem:v16+s16+$0x0] =	vst.idx.msk vm1, v4  }
0x3d3: {  	v5 =	vadd.s32 $0x40, v6;
	[tilespmem:v57+s16+$0x0] =	vst.idx.msk vm2, v61  }
0x3d4: {  	v62 =	vadd.s32 $0x10, v6;
	[tilespmem:v16+s17+$0x0] =	vst.idx.msk vm1, v5  }
0x3d5: {  	[tilespmem:v57+s17+$0x0] =	vst.idx.msk vm2, v62;
	s3 =	sadd.s32 $0x80000001, s3  }
0x3d6: {  	p0 =	slt.s32 s3, $0x1000;
	s0 =	smov.u32 s3  }
0x3d7: {  	s0 =	simm.s32 @!p0 $0x1000  }
0x3d8: {  	s1 =	sadd.s32 $0xF, s0  }
0x3d9: {  	s4 =	sand.u32 $0xF, s1  }
0x3da: {  	p6 =	slt.s32 s3, $0xFFFFFFF2;
	s30 =	sshra.s32 s1, $0x1F;
	p1 =	sne.s32 s4, $0x0  }
0x3db: {  	s31 =	sshrl.u32 s30, $0x1C;
	p0 =	por !p6, !p1  }
0x3dc: {  	v4 =	vadd.s32 s0, v2;
	s0 =	sadd.s32 s31, s1;
	s1 =	simm.s32 $0x1;
	p0 =	por !p0, !p0  }
0x3dd: {  	s0 =	sshra.s32 s0, $0x4;
	s1 =	simm.s32 @!p0 $0x0  }
0x3de: {  	s0 =	ssub.s32 s0, s1  }
0x3df: {  	s1 =	sshrl.u32 s0, $0x1F  }
0x3e0: {  	vm0 =	vlt.s32 v4, $0x1000;
	vm1 =	vlt.s32 v4, $0xFFF;
	s1 =	sadd.s32 s1, s0  }
0x3e1: {  	v5 =	vnsel vm1, $0xFFF, v4;
	s26 =	sand.u32 $0xFFFFFFFE, s1  }
0x3e2: {  	p1 =	slt.s32 s26, $0x1  }
.Ltmp73:
0x3e3: {  	_ = 	snop;
	(pc) =	sbr.rel @p1 .LBB2_111-.Ltmp73, $4  }
0x3e4: {  	_ = 	snop  }
0x3e5: {  	v4 =	vimm.s32 $0x0  }
0x3e6: {  	[tilespmem:v5+s16+$0x0] =	vst.idx.msk vm0, v4  }
0x3e7: {  	[tilespmem:v5+s17+$0x0] =	vst.idx.msk vm0, v3  }
0x3e8: {  	p2 =	sgt.s32 s26, $0x2  }
.Ltmp74:
0x3e9: {  	_ = 	snop;
	(pc) =	sbr.rel @!p2 .LBB2_92-.Ltmp74, $3  }
0x3ea: {  	_ =	sdelay $0x1  }
0x3eb: {  	s1 =	simm.s32 $0x18010  }
0x3ec: {  	v4 =	vimm.s32 $0x0;
	p0 =	por $0x0, $0x0;
	v5 =	vld [tilespmem:s1+$0xFFFFFFF0]  }
0x3ed: {  	_ = 	snop  }
0x3ee: {  	v7 =	vld [tilespmem:s1+$0x0];
	p2 =	sgt.s32 s26, $0x4  }
.Ltmp75:
0x3ef: {  	_ = 	snop;
	(pc) =	sbr.rel @!p2 .LBB2_110-.Ltmp75, $4  }
0x3f0: {  	_ = 	snop  }
0x3f1: {  	v6 =	vshrl.u32 v5, $0x1  }
0x3f2: {  	s1 =	simm.s32 $0x18030;
	vm0 =	vgt.s32 v4, v6  }
0x3f3: {  	s3 =	simm.s32 $0x4;
	p0 =	por $0x1, $0x1;
	v5 =	vld [tilespmem:s1+$0xFFFFFFF0];
	v7 =	vshrl.u32 v7, $0x1;
	v6 =	vsel vm0, v4, v6  }
.LBB2_109:
0x3f4: {  	s3 =	sadd.s32 $0x2, s3  }
0x3f5: {  	v8 =	vld [tilespmem:s1+$0x0];
	v6 =	vmax.u32 v6, v7;
	p2 =	slt.s32 s3, s26  }
.Ltmp76:
0x3f6: {  	(pc) =	sbr.rel @p2 .LBB2_109-.Ltmp76, $4  }
0x3f7: {  	_ = 	snop  }
0x3f8: {  	s1 =	sadd.s32 $0x20, s1;
	v7 =	vshrl.u32 v5, $0x1  }
0x3f9: {  	v5 =	vld [tilespmem:s1+$0xFFFFFFF0];
	vm0 =	vgt.s32 v6, v7  }
0x3fa: {  	v6 =	vsel vm0, v6, v7;
	v7 =	vshrl.u32 v8, $0x1  }
.LBB2_110:
0x3fb: {  	_ = 	snop  }
0x3fc: {  	v8 =	vld [tilespmem:s1+$0x0];
	_ =	sdelay $0x1  }
0x3fd: {  	v6 =	vmax.u32 @p0 v6, v7  }
0x3fe: {  	v4 =	vpsel p0, v6, v4;
	v5 =	vshrl.u32 v5, $0x1  }
0x3ff: {  	vm0 =	vgt.s32 v4, v5  }
0x400: {  	v4 =	vsel vm0, v4, v5;
	v5 =	vshrl.u32 v8, $0x1  }
0x401: {  	v4 =	vmax.u32 v4, v5  }
.LBB2_111:
0x402: {  	s1 =	ssub.s32 s0, s26  }
0x403: {  	p0 =	slt.s32 s1, $0x1  }
0x404: {  	s1 =	sshll.u32 @!p0 s26, $0x6  }
0x405: {  	s1 =	sshra.s32 @!p0 s1, $0x2  }
0x406: {  	v5 =	vld @!p0 [tilespmem:s1+$0x18000];
	_ =	sdelay $0x4  }
0x407: {  	v5 =	vshrl.u32 @!p0 v5, $0x1  }
0x408: {  	vm0 =	vgt.s32 @!p0 v4, v5  }
0x409: {  	v5 =	vsel @!p0 vm0, v4, v5  }
0x40a: {  	v4 =	vpsel p0, v4, v5  }
0x40b: {  	v4 =	vxor.u32 $0x80000000, v4  }
0x40c: {  	(xrf0) =	vmax.scan.msk.u32 $0xffff, v4;
	_ =	sdelay $0x5  }
0x40d: {  	v4, _, _ =	vpop (xrf0)  }
0x40e: {  	(v2sf) =	vpush v4, $0xF;
	_ =	sdelay $0xe  }
0x40f: {  	s31 =	spop (v2sf)  }
0x410: {  	s1 =	sxor.u32 $0x80000000, s31  }
0x411: {  	s1 =	scvt.s32.f32 s1  }
.Ltmp77:
0x412: {  	_ = 	snop;
	(pc) =	sbr.rel .LBB2_112-.Ltmp77, $4  }
0x413: {  	s1 =	sshrl.u32 s1, $0x17  }
0x414: {  	s1 =	smax.u32 s1, $0x7E  }
0x415: {  	s3 =	sshll.u32 s26, $0x6;
	s30 =	simm.s32 $0x0;
	s1 =	smin.u32 s1, $0x9D  }
0x416: {  	s28 =	simm.s32 $0x0;
	s29 =	sshra.s32 @!p0 s3, $0x2;
	s1 =	sadd.s32 $0xFFFFFF82, s1  }
.LBB2_113:
0x417: {  	v4 =	vimm.s32 $0x0  }
.LBB2_114:
0x418: {  	v5 =	vld @!p0 [tilespmem:s29+$0x18000];
	_ =	sdelay $0x4  }
0x419: {  	vm0 =	vge.u32 @!p0 v5, s3;
	v5 =	vimm.s32 @!p0 $0x0  }
0x41a: {  	v5 =	vsel @!p0 vm0, $0x1, v5  }
0x41b: {  	v5 =	vadd.s32 @!p0 v5, v4  }
0x41c: {  	v4 =	vpsel p0, v4, v5  }
0x41d: {  	(xrf0) =	vadd.scan.msk.s32 $0xffff, v4;
	_ =	sdelay $0x5  }
0x41e: {  	v4, _, _ =	vpop (xrf0)  }
0x41f: {  	(v2sf) =	vpush v4, $0xF;
	_ =	sdelay $0xb  }
0x420: {  	p3 =	seq.s32 s1, s30  }
.Ltmp78:
0x421: {  	_ = 	snop;
	(pc) =	sbr.rel @p3 .LBB2_115-.Ltmp78, $4  }
0x422: {  	_ = 	snop  }
0x423: {  	s4 =	spop (v2sf)  }
0x424: {  	s31 =	sadd.s32 $0x1, s30;
	p2 =	sgt.s32 s4, $0x3F  }
0x425: {  	s30 =	smov.u32 s31;
	s28 =	smov.u32 @p2 s3  }
.LBB2_112:
.Ltmp79:
0x426: {  	(pc) =	sbr.rel @p1 .LBB2_113-.Ltmp79, $4  }
0x427: {  	_ = 	snop  }
0x428: {  	s3 =	ssub.s32 s1, s30  }
0x429: {  	s3 =	sshll.u32 s15, s3  }
0x42a: {  	s3 =	sor.u32 s28, s3  }
0x42b: {  	p3 =	sgt.s32 s26, $0x2  }
.Ltmp80:
0x42c: {  	_ = 	snop;
	(pc) =	sbr.rel @!p3 .LBB2_118-.Ltmp80, $4  }
0x42d: {  	_ = 	snop  }
0x42e: {  	s4 =	simm.s32 $0x18010  }
0x42f: {  	v7 =	vld [tilespmem:s4+$0xFFFFFFF0]  }
0x430: {  	v4 =	vmov s3;
	v5 =	vimm.s32 $0x0;
	p2 =	por $0x0, $0x0;
	v6 =	vld [tilespmem:s4+$0x0]  }
0x431: {  	p3 =	sgt.s32 s26, $0x4  }
.Ltmp81:
0x432: {  	_ = 	snop;
	(pc) =	sbr.rel @!p3 .LBB2_121-.Ltmp81, $4  }
0x433: {  	_ = 	snop  }
0x434: {  	s31 =	simm.s32 $0x18030;
	vm0 =	vge.u32 v7, v4  }
0x435: {  	v7 =	vld [tilespmem:s31+$0xFFFFFFF0];
	v8 =	vsel vm0, $0x1, v1;
	vm15 =	vge.u32 v6, v4  }
0x436: {  	s4 =	simm.s32 $0x4;
	p2 =	por $0x1, $0x1;
	v6 =	vld [tilespmem:s31+$0x0];
	v8 =	vadd.s32 v8, v5;
	v9 =	vsel vm15, $0x1, v1  }
.LBB2_120:
0x437: {  	s4 =	sadd.s32 $0x2, s4  }
0x438: {  	v8 =	vadd.s32 v9, v8;
	p3 =	slt.s32 s4, s26  }
.Ltmp82:
0x439: {  	(pc) =	sbr.rel @p3 .LBB2_120-.Ltmp82, $4  }
0x43a: {  	_ = 	snop  }
0x43b: {  	s31 =	sadd.s32 $0x20, s31;
	vm0 =	vge.u32 v7, v4  }
0x43c: {  	v7 =	vld [tilespmem:s31+$0xFFFFFFF0];
	v9 =	vsel vm0, $0x1, v1;
	vm0 =	vge.u32 v6, v4  }
0x43d: {  	v6 =	vld [tilespmem:s31+$0x0];
	v8 =	vadd.s32 v9, v8;
	v9 =	vsel vm0, $0x1, v1  }
.LBB2_121:
0x43e: {  	_ =	sdelay $0x1  }
.Ltmp83:
0x43f: {  	_ = 	snop;
	(pc) =	sbr.rel .LBB2_114-.Ltmp83, $4  }
0x440: {  	v8 =	vadd.s32 @p2 v9, v8;
	vm0 =	vge.u32 v7, v4  }
0x441: {  	v7 =	vsel vm0, $0x1, v1;
	vm15 =	vge.u32 v6, v4;
	v4 =	vpsel p2, v8, v5  }
0x442: {  	v4 =	vadd.s32 v7, v4;
	v5 =	vsel vm15, $0x1, v1  }
0x443: {  	v4 =	vadd.s32 v5, v4  }
.LBB2_118:
.Ltmp84:
0x444: {  	(pc) =	sbr.rel .LBB2_121-.Ltmp84, $2  }
0x445: {  	_ =	sdelay $0x2  }
0x446: {  	_ = 	snop  }
.LBB2_115:
0x447: {  	p2 =	slt.s32 s0, $0x1  }
.Ltmp85:
0x448: {  	_ = 	snop;
	(pc) =	sbr.rel @p2 .LBB2_116-.Ltmp85, $2  }
0x449: {  	_ =	sdelay $0x2  }
0x44a: {  	v4 =	vmov s28;
	v5 =	vimm.s32 $0x0  }
0x44b: {  	s1 =	simm.s32 $0x18000  }
0x44c: {  	p3 =	sne.s32 s0, $0x1;
	v6 =	vld [tilespmem:s1+$0x0]  }
.Ltmp86:
0x44d: {  	_ = 	snop;
	(pc) =	sbr.rel @!p3 .LBB2_124-.Ltmp86, $2  }
0x44e: {  	_ =	sdelay $0x2  }
0x44f: {  	s3 =	simm.s32 $0x18010;
	s1 =	sadd.s32 $0xFFFFFFFF, s0;
	vm0 =	vge.u32 v6, v4;
	vm1 =	vgt.u32 v6, v4;
	v6 =	vimm.s32 $0x0  }
.LBB2_123:
0x450: {  	v7 =	vld [tilespmem:s3+$0x0];
	p3 =	sne.s32 s1, $0x1;
	s1 =	sadd.s32 $0xFFFFFFFF, s1;
	v8 =	vsel vm0, $0x1, v1;
	v9 =	vsel vm1, $0x1, v1  }
.Ltmp87:
0x451: {  	v5 =	vadd.s32 v8, v5;
	v6 =	vadd.s32 v9, v6;
	(pc) =	sbr.rel @p3 .LBB2_123-.Ltmp87, $2  }
0x452: {  	_ =	sdelay $0x2  }
0x453: {  	s3 =	sadd.s32 $0x10, s3;
	vm0 =	vge.u32 v7, v4;
	vm1 =	vgt.u32 v7, v4  }
.LBB2_124:
.Ltmp88:
0x454: {  	(pc) =	sbr.rel .LBB2_125-.Ltmp88, $3  }
0x455: {  	_ =	sdelay $0x1  }
0x456: {  	v7 =	vsel vm0, $0x1, v1;
	v8 =	vsel vm1, $0x1, v1  }
0x457: {  	v5 =	vadd.s32 v7, v5;
	v6 =	vadd.s32 v8, v6  }
.LBB2_116:
0x458: {  	v6 =	vimm.s32 $0x0  }
.LBB2_125:
0x459: {  	(xrf0) =	vadd.scan.msk.s32 $0xffff, v5;
	_ =	sdelay $0x5  }
0x45a: {  	(xrf0) =	vadd.scan.msk.s32 $0xffff, v6;
	v5, _, _ =	vpop (xrf0)  }
0x45b: {  	(v2sf) =	vpush v5, $0xF;
	_ =	sdelay $0x4  }
0x45c: {  	v5, _, _ =	vpop (xrf0)  }
0x45d: {  	(v2sf) =	vpush v5, $0xF;
	_ =	sdelay $0x8  }
0x45e: {  	s1 =	spop (v2sf)  }
0x45f: {  	p3 =	seq.s32 s1, $0x40  }
.Ltmp89:
0x460: {  	_ = 	snop;
	(pc) =	sbr.rel @!p3 .LBB2_126-.Ltmp89, $2  }
0x461: {  	_ =	sdelay $0x2  }
0x462: {  	s29 =	simm.s32 $0x7FFF;
	s1 =	spop (v2sf)  }
.LBB2_133:
0x463: {  	_ =	swait.ge [sflag:s21], $0x8000  }
0x464: {  	[sflag:s21] =	ssyncset.done $0x0  }
0x465: {  	[sflag:s21] =	ssyncadd.s32 $0xFFFF8000  }
0x466: {  	v5 =	vld [tilespmem:$0x1A080];
	_ =	sdelay $0x7  }
0x467: {  	[tilespmem:v5+s18+$0x0] =	vst.idx.msk $0xffff, v0  }
0x468: {  	v5 =	vld [tilespmem:$0x1A090];
	_ =	sdelay $0x7  }
0x469: {  	[tilespmem:v5+s18+$0x0] =	vst.idx.msk $0xffff, v0  }
0x46a: {  	v5 =	vld [tilespmem:$0x1A0A0];
	_ =	sdelay $0x7  }
0x46b: {  	[tilespmem:v5+s18+$0x0] =	vst.idx.msk $0xffff, v0  }
0x46c: {  	v5 =	vld [tilespmem:$0x1A0B0];
	_ =	sdelay $0x3  }
.Ltmp90:
0x46d: {  	_ = 	snop;
	(pc) =	sbr.rel @p1 .LBB2_134-.Ltmp90, $2  }
0x46e: {  	_ =	sdelay $0x2  }
0x46f: {  	[tilespmem:v5+s18+$0x0] =	vst.idx.msk $0xffff, v0  }
0x470: {  	p6 =	sgt.s32 s26, $0x2  }
.Ltmp91:
0x471: {  	_ = 	snop;
	(pc) =	sbr.rel @!p6 .LBB2_143-.Ltmp91, $4  }
0x472: {  	_ = 	snop  }
0x473: {  	s30 =	simm.s32 $0x19010  }
0x474: {  	s31 =	simm.s32 $0x18010;
	p1 =	por $0x0, $0x0;
	p2 =	por $0x0, $0x0  }
0x475: {  	v6 =	vmov s29;
	v5 =	vimm.s32 $0xFFFFFFFF;
	p3 =	por $0x0, $0x0;
	p4 =	por $0x0, $0x0;
	p5 =	por $0x0, $0x0  }
0x476: {  	p6 =	sgt.s32 s26, $0x4  }
.Ltmp92:
0x477: {  	_ = 	snop;
	(pc) =	sbr.rel @!p6 .LBB2_145-.Ltmp92, $4  }
0x478: {  	_ = 	snop  }
0x479: {  	v13 =	vld [tilespmem:s31+$0xFFFFFFF0]  }
0x47a: {  	v8 =	vld [tilespmem:s30+$0xFFFFFFF0]  }
0x47b: {  	v18 =	vld [tilespmem:s31+$0x0];
	p1 =	por $0x1, $0x1  }
0x47c: {  	v7 =	vld [tilespmem:s30+$0x0];
	_ =	sdelay $0x3  }
0x47d: {  	p6 =	sgt.s32 s26, $0x6;
	vm0 =	vgt.u32 v13, v4;
	vm1 =	veq.s32 v13, v4;
	vm2 =	vle.s32 v8, v6  }
.Ltmp93:
0x47e: {  	vm1 =	vmand vm1, vm2;
	vm13 =	veq.s32 v18, v4;
	vm3 =	vle.s32 v7, v6;
	(pc) =	sbr.rel @!p6 .LBB2_147-.Ltmp93, $4  }
0x47f: {  	s0 =	simm.s32 $0x19030;
	vm14 =	vgt.u32 v18, v4;
	vm8 =	vmor vm0, vm1;
	vm15 =	vmand vm13, vm3  }
0x480: {  	s1 =	simm.s32 $0x18030;
	v12 =	vld [tilespmem:s0+$0xFFFFFFF0];
	v9 =	vsel vm8, $0x1, v1;
	v10 =	vmpcnt.ones.xlane vm8;
	vm11 =	vmor vm14, vm15  }
0x481: {  	v13 =	vld [tilespmem:s1+$0xFFFFFFF0];
	(xrf0) =	vadd.scan.msk.s32 $0xffff, v9;
	v11 =	vsel vm11, $0x1, v1  }
0x482: {  	p2 =	por $0x1, $0x1;
	v18 =	vld [tilespmem:s1+$0x0];
	v30 =	vmpcnt.ones.xlane vm11;
	v16 =	vadd.s32 v5, v10;
	(xrf0) =	vadd.scan.msk.s32 $0xffff, v11  }
0x483: {  	_ =	sdelay $0x2  }
0x484: {  	vm2 =	vle.s32 v12, v6;
	vm1 =	veq.s32 v13, v4  }
0x485: {  	vm0 =	vgt.u32 v13, v4;
	vm1 =	vmand vm1, vm2  }
0x486: {  	v14 =	vld [tilespmem:s0+$0x0];
	vm10 =	vmmov vm8;
	vm8 =	vmor vm0, vm1  }
0x487: {  	v11 =	vmpcnt.ones.xlane vm8  }
0x488: {  	s0 =	simm.s32 $0x19050;
	v28 =	vadd.s32 v16, v30  }
0x489: {  	vm4 =	vmmov vm11;
	s1 =	simm.s32 $0x18050;
	v24 =	vld [tilespmem:s0+$0xFFFFFFF0];
	v15 =	vadd.s32 v28, v11;
	v11 =	vimm.s32 $0x0  }
0x48a: {  	p6 =	sgt.s32 s26, $0x8;
	v13 =	vld [tilespmem:s1+$0xFFFFFFF0];
	vm13 =	veq.s32 v18, v4;
	vm14 =	vgt.u32 v18, v4;
	v9, _, _ =	vpop (xrf0);
	v11 =	vsel vm10, $0xFFFFFFFF, v11  }
.Ltmp94:
0x48b: {  	v18 =	vld [tilespmem:s1+$0x0];
	vm3 =	vle.s32 v14, v6;
	v9 =	vadd.s32 v5, v9;
	[tilespmem:$0x1FF30] =	vst v11;
	v11 =	vimm.s32 $0x0;
	(pc) =	sbr.rel @!p6 .LBB2_149-.Ltmp94, $4  }
0x48c: {  	vm15 =	vmand vm13, vm3;
	v10 =	vsel vm8, $0x1, v1;
	v11 =	vsel vm4, $0xFFFFFFFF, v11  }
0x48d: {  	vm5 =	vlt.s32 v9, $0x40;
	vm11 =	vmor vm14, vm15;
	[tilespmem:$0x1FF40] =	vst v11;
	v11 =	vimm.s32 $0x0  }
0x48e: {  	v17, _, _ =	vpop (xrf0);
	(xrf0) =	vadd.scan.msk.s32 $0xffff, v10;
	v19 =	vsel vm11, $0x1, v1;
	v11 =	vsel vm5, $0xFFFFFFFF, v11  }
0x48f: {  	p3 =	por $0x1, $0x1;
	v10 =	vadd.s32 v16, v17;
	v30 =	vmpcnt.ones.xlane vm11;
	(xrf0) =	vadd.scan.msk.s32 $0xffff, v19;
	[tilespmem:$0x1FF50] =	vst v11  }
0x490: {  	vm0 =	vmand vm10, vm5  }
0x491: {  	v11 =	vnsel vm0, $0x0, v8  }
0x492: {  	v20 =	vld [tilespmem:s0+$0x0];
	vm1 =	vlt.s32 v10, $0x40;
	vm10 =	vmmov vm8;
	vm7 =	vmmov vm11  }
0x493: {  	vm2 =	vle.s32 v24, v6;
	vm6 =	vmand vm4, vm1;
	vm1 =	veq.s32 v13, v4  }
0x494: {  	vm3 =	vmmov vm0;
	vm0 =	vgt.u32 v13, v4;
	vm1 =	vmand vm1, vm2  }
0x495: {  	v39 =	vadd.s32 v15, v30;
	v21 =	vnsel vm6, $0x0, v7;
	vm14 =	vmor vm0, vm1  }
0x496: {  	s1 =	simm.s32 $0x18070;
	p6 =	sgt.s32 s26, $0xA;
	vm2 =	veq.s32 v18, v4;
	vm0 =	vgt.u32 v18, v4;
	v17 =	vmpcnt.ones.xlane vm14;
	v34 =	vld.idx.msk [tilespmem:v11+s2+$0x0], $0xffff;
	v11, _, _ =	vpop (xrf0)  }
.Ltmp95:
0x497: {  	s0 =	simm.s32 $0x19070;
	v13 =	vld [tilespmem:s1+$0xFFFFFFF0];
	vm4 =	vle.s32 v20, v6;
	v36 =	vadd.s32 v28, v11;
	v11 =	vimm.s32 $0x0;
	(pc) =	sbr.rel @!p6 .LBB2_151-.Ltmp95, $4  }
0x498: {  	v25 =	vld [tilespmem:s0+$0xFFFFFFF0];
	v16 =	vsel vm14, $0x1, v1;
	vm1 =	vmand vm2, vm4;
	v11 =	vsel vm10, $0xFFFFFFFF, v11  }
0x499: {  	v18 =	vld [tilespmem:s1+$0x0];
	v26 =	vadd.s32 v39, v17;
	vm15 =	vmor vm0, vm1;
	[tilespmem:$0x1FF10] =	vst v11;
	v11 =	vimm.s32 $0x0  }
0x49a: {  	(xrf0) =	vadd.scan.msk.s32 $0xffff, v16;
	v19, _, _ =	vpop (xrf0);
	v23 =	vsel vm15, $0x1, v1;
	v22 =	vmpcnt.ones.xlane vm15;
	v11 =	vsel vm7, $0xFFFFFFFF, v11  }
0x49b: {  	p4 =	por $0x1, $0x1;
	vm13 =	vlt.s32 v36, $0x40;
	v37 =	vadd.s32 v15, v19;
	(xrf0) =	vadd.scan.msk.s32 $0xffff, v23;
	[tilespmem:$0x1FF20] =	vst v11  }
0x49c: {  	v11 =	vld [tilespmem:s0+$0x0]  }
0x49d: {  	vm1 =	vmand vm10, vm13  }
0x49e: {  	vm5 =	veq.s32 v13, v4;
	v16 =	vnsel vm1, $0x0, v12;
	vm8 =	vle.s32 v25, v6  }
0x49f: {  	vm4 =	vmmov vm1;
	vm1 =	vgt.u32 v13, v4;
	vm5 =	vmand vm5, vm8  }
0x4a0: {  	vm0 =	vlt.s32 v37, $0x40;
	vm8 =	vmor vm1, vm5  }
0x4a1: {  	vm11 =	veq.s32 v18, v4;
	v19 =	vmpcnt.ones.xlane vm8;
	vm9 =	vle.s32 v11, v6  }
0x4a2: {  	v28 =	vadd.s32 v26, v22;
	v17 =	vld.idx.msk [tilespmem:v21+s2+$0x0], $0xffff;
	vm1 =	vgt.u32 v18, v4;
	vm5 =	vmand vm11, vm9  }
0x4a3: {  	vm10 =	vmmov vm14;
	vm2 =	vmmov vm15;
	p6 =	sgt.s32 s26, $0xC;
	vm11 =	vmor vm1, vm5  }
.Ltmp96:
0x4a4: {  	[tilespmem:v8+s18+$0x0] =	vst.idx.msk vm3, v34;
	vm7 =	vmand vm7, vm0;
	vm0 =	vmmov vm6;
	v27 =	vld.idx.msk [tilespmem:v16+s2+$0x0], $0xffff;
	v16, _, _ =	vpop (xrf0);
	v23 =	vsel vm11, $0x1, v1;
	(pc) =	sbr.rel @!p6 .LBB2_153-.Ltmp96, $4  }
0x4a5: {  	s1 =	simm.s32 $0x18090;
	v29 =	vmovc v14;
	v18 =	vsel vm8, $0x1, v1;
	v40 =	vadd.s32 v39, v16;
	v16 =	vadd.s32 v28, v19;
	v19 =	vmovc v10  }
0x4a6: {  	s0 =	simm.s32 $0x19090;
	v38 =	vmovc v20;
	v35 =	vmov v37;
	v31 =	vmov v24;
	v13 =	vld [tilespmem:s1+$0xFFFFFFF0];
	v15 =	vnsel vm7, $0x0, v14;
	(xrf0) =	vadd.scan.msk.s32 $0xffff, v18  }
0x4a7: {  	v42 =	vld [tilespmem:s0+$0xFFFFFFF0];
	[tilespmem:v7+s18+$0x0] =	vst.idx.msk vm6, v17;
	v17, _, _ =	vpop (xrf0);
	v30 =	vmpcnt.ones.xlane vm11;
	(xrf0) =	vadd.scan.msk.s32 $0xffff, v23;
	v23 =	vmov v12  }
0x4a8: {  	s3 =	simm.s32 $0xC;
	p5 =	por $0x1, $0x1;
	v32 =	vmovc v36;
	[tilespmem:v9+s19+$0x0] =	vst.idx.msk vm3, v8;
	v18 =	vld [tilespmem:s1+$0x0];
	vm5 =	vlt.s32 v40, $0x40;
	v33 =	vadd.s32 v26, v17;
	v17 =	vmov v7  }
.LBB2_154:
0x4a9: {  	v41 =	vadd.s32 v16, v30;
	vm1 =	vmand vm10, vm5;
	vm5 =	vlt.s32 v33, $0x40  }
0x4aa: {  	s3 =	sadd.s32 $0x2, s3;
	[tilespmem:v19+s19+$0x0] =	vst.idx.msk vm0, v17;
	v17 =	vmovc v29;
	v29 =	vmovc v38;
	v38 =	vmov v11;
	v11 =	vld [tilespmem:s0+$0x0];
	v19 =	vmov v35;
	v35 =	vmov v33  }
0x4ab: {  	vm0 =	vmmov vm7;
	p6 =	slt.s32 s3, s26;
	v30 =	vnsel vm1, $0x0, v31;
	v33 =	vld.idx.msk [tilespmem:v15+s2+$0x0], $0xffff;
	vm7 =	vmand vm2, vm5  }
0x4ac: {  	vm10 =	vmmov vm8;
	vm2 =	vmmov vm11;
	v15 =	vnsel vm7, $0x0, v29;
	[tilespmem:v23+s18+$0x0] =	vst.idx.msk vm4, v27  }
0x4ad: {  	[tilespmem:v32+s19+$0x0] =	vst.idx.msk vm4, v23;
	v23 =	vmovc v31;
	v31 =	vmovc v25;
	v25 =	vmov v42;
	v32 =	vmov v40;
	vm4 =	vmmov vm1  }
0x4ae: {  	vm5 =	veq.s32 v13, v4;
	vm1 =	vgt.u32 v13, v4;
	vm8 =	vle.s32 v25, v6;
	v40, _, _ =	vpop (xrf0)  }
.Ltmp97:
0x4af: {  	vm9 =	veq.s32 v18, v4;
	vm5 =	vmand vm5, vm8;
	vm11 =	vle.s32 v11, v6;
	v43, _, _ =	vpop (xrf0);
	(pc) =	sbr.rel @p6 .LBB2_154-.Ltmp97, $4  }
0x4b0: {  	s1 =	sadd.s32 $0x20, s1;
	vm8 =	vmor vm1, vm5;
	vm1 =	vgt.u32 v18, v4;
	vm5 =	vmand vm9, vm11;
	v27 =	vld.idx.msk [tilespmem:v30+s2+$0x0], $0xffff  }
0x4b1: {  	s0 =	sadd.s32 $0x20, s0;
	v13 =	vld [tilespmem:s1+$0xFFFFFFF0];
	v18 =	vsel vm8, $0x1, v1;
	v44 =	vmpcnt.ones.xlane vm8;
	vm11 =	vmor vm1, vm5;
	[tilespmem:v17+s18+$0x0] =	vst.idx.msk vm0, v33  }
0x4b2: {  	v40 =	vadd.s32 v28, v40;
	v28 =	vmovc v41;
	v42 =	vld [tilespmem:s0+$0xFFFFFFF0];
	v33 =	vsel vm11, $0x1, v1;
	v30 =	vmpcnt.ones.xlane vm11;
	(xrf0) =	vadd.scan.msk.s32 $0xffff, v18  }
0x4b3: {  	vm5 =	vlt.s32 v40, $0x40;
	v18 =	vld [tilespmem:s1+$0x0];
	(xrf0) =	vadd.scan.msk.s32 $0xffff, v33;
	v33 =	vadd.s32 v16, v43;
	v16 =	vadd.s32 v41, v44  }
0x4b4: {  	_ =	sdelay $0x2  }
0x4b5: {  	v41 =	vmov v25;
	v25 =	vmov v42  }
.LBB2_156:
0x4b6: {  	vm5 =	vmand @p3 vm10, vm5;
	vm1 =	vlt.s32 @p3 v33, $0x40;
	vm9 =	veq.s32 @p1 v13, v4  }
0x4b7: {  	vm10 =	vle.s32 @p1 v25, v6;
	vm8 =	vmmov @p2 vm8;
	v30 =	vadd.s32 @p2 v16, v30  }
0x4b8: {  	v42 =	vld @p1 [tilespmem:s0+$0x0];
	vm7 =	vmmov @p4 vm7;
	v11 =	vpsel p2, v11, v14;
	v33 =	vpsel p3, v33, v10  }
0x4b9: {  	v47 =	vld [tilespmem:$0x1FF10];
	vm12 =	vmand @p3 vm2, vm1;
	vm1 =	vmand @p1 vm9, vm10;
	vm2 =	vgt.u32 @p1 v13, v4  }
0x4ba: {  	v43 =	vld [tilespmem:$0x1FF20];
	v24 =	vpsel p1, v25, v24;
	v13, _, _ =	vpop @p2 (xrf0);
	v30 =	vpsel p2, v30, v5;
	vm2 =	vmor @p1 vm2, vm1  }
0x4bb: {  	v50 =	vld [tilespmem:$0x1FF30];
	vm1 =	veq.s32 @p1 v18, v4;
	v28 =	vadd.s32 @p2 v28, v13;
	vm6 =	vmmov @p3 vm12;
	v44, _, _ =	vpop @p2 (xrf0)  }
0x4bc: {  	v51 =	vld [tilespmem:$0x1FF50];
	v46 =	vsel @p1 vm2, $0x1, v1;
	v44 =	vadd.s32 @p2 v16, v44;
	vm14 =	vmmov @p1 vm2  }
0x4bd: {  	s1 =	sadd.s32 @p1 $0x20, s1;
	v52 =	vld [tilespmem:$0x1FF40];
	[tilespmem:v19+s19+$0x0] =	vst.idx.msk @p5 vm0, v17;
	v25 =	vpsel p2, v28, v36;
	vm0 =	vmmov @p3 vm6;
	v37 =	vpsel p2, v44, v37  }
0x4be: {  	s0 =	sadd.s32 @p1 $0x20, s0;
	[tilespmem:v23+s18+$0x0] =	vst.idx.msk @p4 vm4, v27;
	s31 =	smov.u32 @p1 s1;
	v44 =	vnsel @p3 vm5, $0x0, v31;
	vm5 =	vmmov @p3 vm5;
	vm6 =	vmmov @p3 vm0  }
0x4bf: {  	s30 =	smov.u32 @p1 s0;
	[tilespmem:v32+s19+$0x0] =	vst.idx.msk @p4 vm4, v23;
	v45 =	vld [tilespmem:s31+$0x0];
	v23 =	vmovc @p2 v25;
	vm9 =	vle.s32 @p1 v42, v6;
	vm10 =	vnez.u8 v47;
	vm3 =	vmmov @p3 vm5  }
0x4c0: {  	v49 =	vld [tilespmem:s30+$0x0];
	vm5 =	vlt.s32 @p2 v37, $0x40;
	v53 =	vpsel p1, v42, v20;
	v23 =	vpsel p2, v23, v0  }
0x4c1: {  	v20 =	vmovc @p3 v31;
	v31 =	vmovc @p3 v40;
	vm1 =	vmand @p1 vm1, vm9;
	vm9 =	vgt.u32 @p1 v18, v4;
	vm10 =	vmmov @p2 vm8  }
0x4c2: {  	vm8 =	vmmov @p2 vm11;
	v20 =	vpsel p3, v20, v8;
	v31 =	vpsel p3, v31, v9  }
0x4c3: {  	v18 =	vmovc @p1 v30;
	v8 =	vpsel p1, v24, v8;
	vm1 =	vmor @p1 vm9, vm1;
	vm9 =	vlt.s32 @p2 v28, $0x40  }
0x4c4: {  	v63 =	vld [tilespmem:s31+$0xFFFFFFF0];
	vm11 =	veq.s32 v45, v4;
	v18 =	vpsel p1, v18, v39;
	vm13 =	vmmov @p2 vm9  }
0x4c5: {  	v48 =	vld [tilespmem:s30+$0xFFFFFFF0];
	vm9 =	vnez.u8 v43;
	v43 =	vnsel @p3 vm12, $0x0, v38;
	vm12 =	vle.s32 v49, v6  }
0x4c6: {  	(xrf0) =	vadd.scan.msk.s32 @p1 $0xffff, v46;
	v28 =	vmovc @p2 v37;
	v46 =	vsel @p1 vm1, $0x1, v1;
	vm15 =	vmmov @p1 vm1;
	v47 =	vmpcnt.ones.xlane @p1 vm1  }
0x4c7: {  	v38 =	vpsel p3, v38, v7;
	v7 =	vpsel p1, v53, v7;
	v57 =	vpsel p2, v28, v0  }
0x4c8: {  	vm9 =	vmmov @p2 vm8;
	vm10 =	vmand @p2 vm10, vm13;
	vm13 =	vnez.u8 v52  }
0x4c9: {  	v21 =	vpsel p3, v43, v21;
	v14 =	vpsel p2, v57, v0;
	vm8 =	vmand @p2 vm9, vm5  }
0x4ca: {  	vm5 =	veq.s32 v63, v4;
	vm9 =	vle.s32 v48, v6;
	v6 =	vmpcnt.ones.xlane @p1 vm2  }
0x4cb: {  	vm2 =	vmand vm11, vm12;
	vm12 =	vgt.u32 v45, v4;
	v22 =	vpsel p1, v47, v22  }
0x4cc: {  	v39, _, _ =	vpop @p1 (xrf0);
	vm11 =	vmmov @p2 vm10;
	vm5 =	vmand vm5, vm9;
	vm9 =	vgt.u32 v63, v4  }
0x4cd: {  	v4 =	vadd.s32 @p1 v18, v39;
	vm2 =	vmor vm12, vm2;
	vm12 =	vnez.u8 v50  }
0x4ce: {  	(xrf0) =	vadd.scan.msk.s32 @p1 $0xffff, v46;
	v17 =	vnsel @p2 vm8, $0x0, v11;
	v11 =	vpsel p2, v11, v0;
	vm8 =	vmmov @p2 vm8  }
0x4cf: {  	vm4 =	vmmov @p2 vm11;
	vm5 =	vmor vm9, vm5;
	vm9 =	vmmov @p1 vm14  }
0x4d0: {  	vm1 =	vlt.s32 @p1 v4, $0x40;
	vm14 =	vnez.u8 v51;
	v6 =	vadd.s32 @p1 v30, v6  }
0x4d1: {  	v56 =	vsel vm2, $0x1, v1;
	v17 =	vpsel p2, v17, v0;
	v4 =	vpsel p1, v4, v9  }
0x4d2: {  	v18 =	vmovc @p4 v29;
	v29 =	vld.idx.msk @p3 [tilespmem:v44+s2+$0x0], $0xffff;
	vm12 =	vmmov @p1 vm9;
	vm14 =	vmmov @p1 vm1;
	vm1 =	vmmov @p1 vm15  }
0x4d3: {  	v30 =	vmovc @p4 v35;
	v35 =	vmovc @p2 v41;
	v6 =	vpsel p1, v6, v26;
	v26 =	vpsel p4, v18, v0;
	v54 =	vsel vm5, $0x1, v1  }
0x4d4: {  	v15 =	vld.idx.msk @p4 [tilespmem:v15+s2+$0x0], $0xffff;
	vm9 =	vmmov @p4 vm7;
	v30 =	vpsel p4, v30, v0;
	v12 =	vpsel p2, v35, v12;
	v19, _, _ =	vpop @p1 (xrf0);
	(xrf0) =	vadd.scan.msk.s32 $0xffff, v54  }
0x4d5: {  	v55 =	vmpcnt.ones.xlane vm5;
	vm5 =	vmmov vm5;
	v4 =	vpsel p1, v4, v0;
	(xrf0) =	vadd.scan.msk.s32 $0xffff, v56  }
0x4d6: {  	vm13 =	vmmov @p1 vm1;
	v35 =	vnsel @p2 vm10, $0x0, v12;
	v22 =	vadd.s32 @p1 v6, v22  }
0x4d7: {  	vm10 =	vmand @p1 vm12, vm14;
	v12 =	vpsel p2, v12, v0;
	v5 =	vpsel p1, v22, v5  }
0x4d8: {  	v27 =	vmovc @p3 v38;
	v21 =	vld.idx.msk @p3 [tilespmem:v21+s2+$0x0], $0xffff;
	v9 =	vnsel @p1 vm10, $0x0, v8;
	v29 =	vpsel p3, v29, v34;
	v6 =	vadd.s32 @p1 v6, v19  }
0x4d9: {  	v22 =	vadd.s32 v5, v55;
	[tilespmem:v18+s18+$0x0] =	vst.idx.msk @p4 vm7, v15;
	vm7 =	vmmov @p2 vm8;
	v6 =	vpsel p1, v6, v10  }
0x4da: {  	vm8 =	vmmov vm2;
	v17 =	vld.idx.msk @p2 [tilespmem:v17+s2+$0x0], $0xffff;
	v10 =	vmov @p3 v33;
	vm1 =	vlt.s32 @p1 v6, $0x40;
	v58, _, _ =	vpop (xrf0)  }
0x4db: {  	v19 =	vld.idx.msk @p2 [tilespmem:v35+s2+$0x0], $0xffff;
	v10 =	vpsel p3, v10, v0;
	vm1 =	vmand @p1 vm13, vm1;
	v59, _, _ =	vpop (xrf0);
	v5 =	vadd.s32 v5, v58  }
0x4dc: {  	[tilespmem:v20+s18+$0x0] =	vst.idx.msk @p3 vm3, v29;
	v15 =	vnsel @p1 vm1, $0x0, v7;
	vm13 =	vlt.s32 v5, $0x40;
	v60 =	vadd.s32 v22, v59  }
0x4dd: {  	[tilespmem:v31+s19+$0x0] =	vst.idx.msk @p3 vm3, v20;
	v15 =	vpsel p1, v15, v0;
	vm14 =	vmand vm5, vm13;
	vm5 =	vlt.s32 v60, $0x40  }
0x4de: {  	[tilespmem:v30+s19+$0x0] =	vst.idx.msk @p4 vm9, v26;
	vm9 =	vmmov @p1 vm10;
	vm15 =	vmand vm8, vm5;
	vm5 =	vmmov @p2 vm7  }
0x4df: {  	v8 =	vpsel p1, v8, v0;
	[tilespmem:v27+s18+$0x0] =	vst.idx.msk @p3 vm0, v21;
	v9 =	vld.idx.msk @p1 [tilespmem:v9+s2+$0x0], $0xffff;
	vm8 =	vmmov @p1 vm9;
	v61 =	vnsel vm14, $0x0, v48  }
0x4e0: {  	v33 =	vpsel p3, v27, v0;
	vm1 =	vmmov @p1 vm1;
	[tilespmem:v11+s18+$0x0] =	vst.idx.msk @p2 vm7, v17;
	v19 =	vpsel p2, v19, v0  }
0x4e1: {  	v6 =	vpsel p1, v6, v0;
	vm1 =	vmmov @p1 vm1;
	[tilespmem:v12+s18+$0x0] =	vst.idx.msk @p2 vm4, v19;
	v62 =	vnsel vm15, $0x0, v49  }
0x4e2: {  	v7 =	vpsel p1, v7, v0;
	[tilespmem:v23+s19+$0x0] =	vst.idx.msk @p2 vm4, v12;
	vm4 =	vmmov @p1 vm1;
	v12 =	vld.idx.msk @p1 [tilespmem:v15+s2+$0x0], $0xffff  }
0x4e3: {  	v6 =	vpsel p1, v6, v0;
	v11 =	vpsel p2, v11, v0;
	[tilespmem:v10+s19+$0x0] =	vst.idx.msk @p3 vm6, v33;
	vm3 =	vmmov vm14  }
0x4e4: {  	v9 =	vpsel p1, v9, v0;
	v63 =	vld.idx.msk [tilespmem:v61+s2+$0x0], $0xffff;
	[tilespmem:v14+s19+$0x0] =	vst.idx.msk @p2 vm5, v11  }
0x4e5: {  	vm0 =	vmmov vm15;
	[tilespmem:v8+s18+$0x0] =	vst.idx.msk @p1 vm8, v9  }
0x4e6: {  	[tilespmem:v4+s19+$0x0] =	vst.idx.msk @p1 vm8, v8;
	v4 =	vld.idx.msk [tilespmem:v62+s2+$0x0], $0xffff  }
0x4e7: {  	[tilespmem:v7+s18+$0x0] =	vst.idx.msk @p1 vm1, v12;
	v7 =	vpsel p1, v7, v0  }
.Ltmp98:
0x4e8: {  	[tilespmem:v6+s19+$0x0] =	vst.idx.msk @p1 vm4, v7;
	(pc) =	sbr.rel .LBB2_135-.Ltmp98, $4  }
0x4e9: {  	[tilespmem:v48+s18+$0x0] =	vst.idx.msk vm3, v63  }
0x4ea: {  	v6 =	vmpcnt.ones.xlane vm2;
	[tilespmem:v5+s19+$0x0] =	vst.idx.msk vm3, v48  }
0x4eb: {  	[tilespmem:v49+s18+$0x0] =	vst.idx.msk vm0, v4  }
0x4ec: {  	v4 =	vadd.s32 v22, v6;
	[tilespmem:v60+s19+$0x0] =	vst.idx.msk vm0, v49  }
.LBB2_126:
.Ltmp99:
0x4ed: {  	(pc) =	sbr.rel .LBB2_127-.Ltmp99, $2  }
0x4ee: {  	_ =	sdelay $0x2  }
0x4ef: {  	s1 =	ssub.s32 $0x40, s1;
	s29 =	simm.s32 $0x0;
	s3 =	simm.s32 $0x0  }
.LBB2_128:
0x4f0: {  	v5 =	vimm.s32 $0x0  }
.LBB2_132:
0x4f1: {  	(xrf0) =	vadd.scan.msk.s32 $0xffff, v5;
	_ =	sdelay $0x5  }
0x4f2: {  	v5, _, _ =	vpop (xrf0)  }
0x4f3: {  	(v2sf) =	vpush v5, $0xF;
	_ =	sdelay $0xa  }
0x4f4: {  	s3 =	sadd.s32 $0x1, s3  }
0x4f5: {  	p4 =	sne.s32 s3, $0xF  }
.Ltmp100:
0x4f6: {  	_ = 	snop;
	(pc) =	sbr.rel @!p4 .LBB2_133-.Ltmp100, $4  }
0x4f7: {  	_ = 	snop  }
0x4f8: {  	s4 =	spop (v2sf)  }
0x4f9: {  	p3 =	slt.s32 s4, s1  }
0x4fa: {  	s29 =	smov.u32 @p3 s30  }
.LBB2_127:
.Ltmp101:
0x4fb: {  	(pc) =	sbr.rel @p2 .LBB2_128-.Ltmp101, $3  }
0x4fc: {  	_ =	sdelay $0x1  }
0x4fd: {  	s4 =	sshrl.u32 s23, s3  }
0x4fe: {  	s30 =	sor.u32 s4, s29  }
0x4ff: {  	s4 =	simm.s32 $0x18000  }
0x500: {  	s31 =	simm.s32 $0x19000;
	p3 =	sne.s32 s0, $0x1;
	v7 =	vld [tilespmem:s4+$0x0]  }
.Ltmp102:
0x501: {  	v8 =	vld [tilespmem:s31+$0x0];
	(pc) =	sbr.rel @!p3 .LBB2_131-.Ltmp102, $2  }
0x502: {  	_ =	sdelay $0x2  }
0x503: {  	v6 =	vmov s30;
	v5 =	vimm.s32 $0x0;
	s5 =	simm.s32 $0x18010;
	s4 =	sadd.s32 $0xFFFFFFFF, s0  }
.LBB2_130:
0x504: {  	vm0 =	veq.s32 v7, v4;
	v7 =	vld [tilespmem:s5+$0x0];
	vm1 =	vlt.s32 v8, v6;
	s31 =	sadd.s32 $0x10, s31;
	p3 =	sne.s32 s4, $0x1  }
.Ltmp103:
0x505: {  	s4 =	sadd.s32 $0xFFFFFFFF, s4;
	v8 =	vld [tilespmem:s31+$0x0];
	vm0 =	vmand vm0, vm1;
	(pc) =	sbr.rel @p3 .LBB2_130-.Ltmp103, $3  }
0x506: {  	v9 =	vsel vm0, $0x1, v1  }
0x507: {  	v5 =	vadd.s32 v9, v5;
	_ =	sdelay $0x1  }
0x508: {  	s5 =	sadd.s32 $0x10, s5  }
.LBB2_131:
.Ltmp104:
0x509: {  	(pc) =	sbr.rel .LBB2_132-.Ltmp104, $4  }
0x50a: {  	vm0 =	veq.s32 v7, v4;
	vm1 =	vlt.s32 v8, v6  }
0x50b: {  	vm0 =	vmand vm0, vm1  }
0x50c: {  	v6 =	vsel vm0, $0x1, v1  }
0x50d: {  	v5 =	vadd.s32 v6, v5  }
.LBB2_134:
0x50e: {  	v4 =	vimm.s32 $0xFFFFFFFF  }
.LBB2_135:
0x50f: {  	s0 =	sshll.u32 @!p0 s26, $0x4  }
0x510: {  	v5 =	vld @!p0 [tilespmem:s0+$0x18000]  }
0x511: {  	v6 =	vld @!p0 [tilespmem:s0+$0x19000];
	_ =	sdelay $0x4  }
0x512: {  	vm0 =	veq.s32 @!p0 v5, s28;
	vm1 =	vle.s32 @!p0 v6, s29  }
0x513: {  	vm2 =	vgt.u32 @!p0 v5, s28;
	vm0 =	vmand @!p0 vm0, vm1  }
0x514: {  	v5 =	vimm.s32 @!p0 $0x0;
	vm0 =	vmor @!p0 vm2, vm0  }
0x515: {  	v5 =	vsel @!p0 vm0, $0x1, v5  }
0x516: {  	(xrf0) =	vadd.scan.msk.s32 @!p0 $0xffff, v5;
	_ =	sdelay $0x5  }
0x517: {  	v5, _, _ =	vpop @!p0 (xrf0)  }
0x518: {  	v4 =	vadd.s32 @!p0 v4, v5  }
0x519: {  	vm1 =	vlt.s32 @!p0 v4, $0x40  }
0x51a: {  	vm0 =	vmand @!p0 vm0, vm1  }
0x51b: {  	v5 =	vnsel @!p0 vm0, $0x0, v6;
	_ =	sdelay $0x3  }
0x51c: {  	s0 =	simm.s32 @!p0 $0x0  }
0x51d: {  	v5 =	vld.idx.msk @!p0 [tilespmem:v5+s0+$0x0], $0xffff;
	_ =	sdelay $0x3  }
0x51e: {  	s0 =	simm.s32 @!p0 $0x10000  }
0x51f: {  	[tilespmem:v6+s0+$0x0] =	vst.idx.msk @!p0 vm0, v5;
	s0 =	simm.s32 @!p0 $0x1A000  }
0x520: {  	s1 =	sadd.s32 s25, s28;
	[tilespmem:v4+s0+$0x0] =	vst.idx.msk @!p0 vm0, v6  }
0x521: {  	[hbm4b:s9+s12] =	stream.strided.scatter [tilespmem:s18], [sflag:$0x3], $0x8000, s13, s12, $0x38;
	[tilespmem:$0x1A100] =	vst v63  }
0x522: {  	s25 =	simm.s32 $0x7FFFFFFF;
	s0 =	sadd.s32 $0xFFE00000, s1;
	_ =	swait.ge [sflag:s20], $0x8000  }
0x523: {  	s3 =	simm.s32 $0xFFFFFFFF;
	p0 =	sge.s32 s0, s1;
	[sflag:s20] =	ssyncset.done $0x0  }
0x524: {  	s1 =	simm.s32 $0x80000000;
	s0 =	simm.s32 @p0 $0x80000000;
	[sflag:s20] =	ssyncadd.s32 $0xFFFF8000  }
.LBB2_136:
0x525: {  	s26 =	simm.s32 $0x8040  }
0x526: {  	p0 =	sgt.s32 s3, $0x1000;
	p1 =	slt.u32 s3, $0x40;
	v8 =	vld [tilespmem:s26+$0xFFFFFFE0]  }
0x527: {  	s1 =	smov.u32 @p0 s0;
	s25 =	smov.u32 @p1 s0;
	v16 =	vld [tilespmem:s26+$0x0]  }
0x528: {  	v9 =	vld [tilespmem:s26+$0x10];
	s4 =	sxor.u32 $0x80000000, s1;
	s5 =	sxor.u32 $0x80000000, s25  }
0x529: {  	v10 =	vld [tilespmem:s26+$0xFFFFFFF0];
	s5 =	ssub.s32 s5, s4  }
0x52a: {  	v11 =	vld [tilespmem:s26+$0x20];
	s28 =	sshrl.u32 s5, $0x1  }
0x52b: {  	v6 =	vlaneseq.u32;
	v14 =	vimm.s32 $0xFFFFFFFF;
	v12 =	vld [tilespmem:s26+$0x30];
	s4 =	sadd.s32 s4, s28  }
0x52c: {  	v13 =	vld [tilespmem:s26+$0xFFFFFFD0];
	v5 =	vadd.s32 $0x60, v6;
	p0 =	slt.u32 s5, $0x2;
	s4 =	sxor.u32 $0x80000000, s4;
	v15 =	vshra.s32 v8, $0x1F;
	v21 =	vshra.s32 v16, $0x1F  }
0x52d: {  	p1 =	sgt.s32 s3, $0xFFFFFFFF;
	v18 =	vld [tilespmem:s26+$0xFFFFFFC0];
	v17 =	vshra.s32 v9, $0x1F;
	s4 =	smov.u32 @p0 s1;
	v15 =	vand.u32 $0x7FFFFFFF, v15;
	v21 =	vand.u32 $0x7FFFFFFF, v21  }
0x52e: {  	s0 =	smov.u32 @p1 s4;
	v19 =	vxor.u32 v8, v15;
	v8 =	vand.u32 $0x7FFFFFFF, v17;
	v15 =	vshra.s32 v10, $0x1F  }
0x52f: {  	v17 =	vshra.s32 v11, $0x1F;
	v4 =	vmov s0;
	v15 =	vand.u32 $0x7FFFFFFF, v15  }
0x530: {  	v20 =	vxor.u32 v9, v8;
	v9 =	vshra.s32 v12, $0x1F;
	v17 =	vand.u32 $0x7FFFFFFF, v17  }
0x531: {  	vm5 =	vge.s32 v19, v4;
	v8 =	vxor.u32 v10, v15;
	v10 =	vshra.s32 v13, $0x1F  }
0x532: {  	v15 =	vand.u32 $0x7FFFFFFF, v9;
	vm3 =	vge.s32 v20, v4;
	v9 =	vshra.s32 v18, $0x1F  }
0x533: {  	v11 =	vxor.u32 v11, v17;
	v10 =	vand.u32 $0x7FFFFFFF, v10;
	v23 =	vand.u32 $0x7FFFFFFF, v9  }
0x534: {  	v22 =	vsel vm5, $0x1, v1;
	v9 =	vxor.u32 v13, v10;
	v13 =	vxor.u32 v18, v23  }
0x535: {  	vm4 =	vge.s32 v8, v4;
	v24 =	vmpcnt.ones.xlane vm5;
	(xrf0) =	vadd.scan.msk.s32 $0xffff, v22;
	vm6 =	vge.s32 v13, v4  }
0x536: {  	v10 =	vxor.u32 v12, v15;
	vm2 =	vge.s32 v9, v4;
	v12 =	vmpcnt.ones.xlane vm6  }
0x537: {  	vm0 =	vge.s32 v11, v4;
	v18 =	vsel vm3, $0x1, v1;
	v23 =	vmpcnt.ones.xlane vm2  }
0x538: {  	v17 =	vsel vm4, $0x1, v1;
	vm8 =	vge.s32 v10, v4;
	v15 =	vadd.s32 v14, v12  }
0x539: {  	(xrf0) =	vadd.scan.msk.s32 $0xffff, v18;
	v22 =	vsel vm6, $0x1, v1;
	v18 =	vadd.s32 v15, v23;
	v23 =	vmpcnt.ones.xlane vm4  }
0x53a: {  	(xrf0) =	vadd.scan.msk.s32 $0xffff, v22;
	v22 =	vsel vm0, $0x1, v1;
	v12 =	vxor.u32 v16, v21;
	v16 =	vadd.s32 v18, v24  }
0x53b: {  	v21 =	vsel vm8, $0x1, v1;
	(xrf0) =	vadd.scan.msk.s32 $0xffff, v17;
	vm1 =	vge.s32 v12, v4;
	v17, _, _ =	vpop (xrf0);
	v25 =	vadd.s32 v16, v23  }
0x53c: {  	(xrf0) =	vadd.scan.msk.s32 $0xffff, v21;
	v23 =	vmpcnt.ones.xlane vm1;
	v26 =	vadd.s32 v18, v17;
	v17 =	vsel vm1, $0x1, v1  }
0x53d: {  	v7 =	vadd.s32 $0x70, v6;
	v27 =	vadd.s32 $0x20, v6;
	v28 =	vmpcnt.ones.xlane vm3;
	(xrf0) =	vadd.scan.msk.s32 $0xffff, v22  }
0x53e: {  	v13 =	vsub.s32 v13, v4;
	v21 =	vsel vm2, $0x1, v1;
	vm7 =	vlt.s32 v26, $0x1000;
	(xrf0) =	vadd.scan.msk.s32 $0xffff, v17  }
0x53f: {  	v22 =	vmpcnt.ones.xlane vm8;
	v24 =	vadd.s32 v25, v23;
	vm5 =	vmand vm5, vm7;
	v17, _, _ =	vpop (xrf0)  }
0x540: {  	(xrf0) =	vadd.scan.msk.s32 $0xffff, v21;
	v28 =	vadd.s32 v24, v28;
	v18 =	vadd.s32 v24, v17;
	v17 =	vmpcnt.ones.xlane vm0;
	v23, _, _ =	vpop (xrf0)  }
0x541: {  	vm7 =	vlt.s32 v18, $0x1000;
	v21 =	vadd.s32 v14, v23;
	v23 =	vsub.s32 v20, v4;
	v14, _, _ =	vpop (xrf0)  }
0x542: {  	vm3 =	vmand vm3, vm7;
	vm7 =	vlt.s32 v21, $0x1000;
	v20 =	vadd.s32 v16, v14;
	v14, _, _ =	vpop (xrf0)  }
0x543: {  	v24 =	vadd.s32 v28, v17;
	vm6 =	vmand vm6, vm7;
	vm7 =	vlt.s32 v20, $0x1000;
	v16, _, _ =	vpop (xrf0)  }
0x544: {  	v17 =	vsub.s32 v19, v4;
	v19 =	vadd.s32 v24, v14;
	vm4 =	vmand vm4, vm7;
	v14, _, _ =	vpop (xrf0)  }
0x545: {  	[tilespmem:v26+s16+$0x0] =	vst.idx.msk vm5, v17;
	v17 =	vadd.s32 v28, v16;
	vm9 =	vlt.s32 v19, $0x1000;
	v16 =	vadd.s32 v25, v14  }
0x546: {  	s26 =	simm.s32 $0x0;
	s28 =	simm.s32 $0x80C0;
	[tilespmem:v26+s17+$0x0] =	vst.idx.msk vm5, v27;
	vm7 =	vlt.s32 v17, $0x1000;
	vm5 =	vmand vm8, vm9;
	v25, _, _ =	vpop (xrf0);
	v14 =	vlaneseq.u32  }
.LBB2_137:
0x547: {  	v26 =	vld [tilespmem:s28+$0xFFFFFFE0];
	s26 =	sadd.s32 $0x8, s26;
	v27 =	vadd.s32 $0x10, v6;
	v28 =	vadd.s32 $0x40, v6;
	v14 =	vadd.s32 $0x80, v14  }
0x548: {  	v15 =	vadd.s32 v15, v25;
	v29 =	vld [tilespmem:s28+$0x10];
	v30 =	vadd.s32 $0x60, v14;
	v31 =	vadd.s32 $0x70, v14;
	p2 =	slt.u32 s26, $0x7F8;
	[tilespmem:v18+s16+$0x0] =	vst.idx.msk vm3, v23  }
0x549: {  	v24 =	vadd.s32 v24, v22;
	vm8 =	vlt.s32 v15, $0x1000;
	v23 =	vld [tilespmem:s28+$0x20];
	[tilespmem:v21+s16+$0x0] =	vst.idx.msk vm6, v13;
	v13 =	vadd.s32 $0x50, v6  }
0x54a: {  	v9 =	vsub.s32 v9, v4;
	v11 =	vsub.s32 v11, v4;
	vm2 =	vmand vm2, vm8;
	v22 =	vld [tilespmem:s28+$0xFFFFFFF0];
	[tilespmem:v21+s17+$0x0] =	vst.idx.msk vm6, v6  }
0x54b: {  	v25 =	vadd.s32 $0x30, v6;
	v32 =	vsub.s32 v8, v4;
	v8 =	vsub.s32 v10, v4;
	v21 =	vld [tilespmem:s28+$0x30];
	[tilespmem:v18+s17+$0x0] =	vst.idx.msk vm3, v13  }
0x54c: {  	v12 =	vsub.s32 v12, v4;
	vm0 =	vmand vm0, vm7;
	v6 =	vmovc v14;
	v10 =	vld [tilespmem:s28+$0xFFFFFFD0];
	v13 =	vshra.s32 v26, $0x1F;
	[tilespmem:v20+s16+$0x0] =	vst.idx.msk vm4, v32  }
0x54d: {  	v13 =	vand.u32 $0x7FFFFFFF, v13;
	v18 =	vld [tilespmem:s28+$0x0];
	v32 =	vshra.s32 v29, $0x1F;
	[tilespmem:v20+s17+$0x0] =	vst.idx.msk vm4, v25;
	vm4 =	vlt.s32 v16, $0x1000  }
0x54e: {  	v20 =	vld [tilespmem:s28+$0xFFFFFFC0];
	v25 =	vxor.u32 v26, v13;
	v13 =	vand.u32 $0x7FFFFFFF, v32;
	v26 =	vshra.s32 v23, $0x1F;
	[tilespmem:v19+s16+$0x0] =	vst.idx.msk vm5, v8  }
0x54f: {  	vm1 =	vmand vm1, vm4;
	vm3 =	vge.s32 v25, v4;
	v8 =	vshra.s32 v22, $0x1F;
	[tilespmem:v19+s17+$0x0] =	vst.idx.msk vm5, v7;
	v7 =	vmovc v31  }
0x550: {  	v19 =	vxor.u32 v29, v13;
	v8 =	vand.u32 $0x7FFFFFFF, v8;
	v13 =	vshra.s32 v21, $0x1F;
	[tilespmem:v15+s16+$0x0] =	vst.idx.msk vm2, v9  }
0x551: {  	v9 =	vshra.s32 v10, $0x1F;
	v8 =	vxor.u32 v22, v8;
	v13 =	vand.u32 $0x7FFFFFFF, v13;
	[tilespmem:v15+s17+$0x0] =	vst.idx.msk vm2, v27  }
0x552: {  	vm5 =	vge.s32 v19, v4;
	vm4 =	vge.s32 v8, v4;
	v15 =	vshra.s32 v18, $0x1F;
	[tilespmem:v17+s16+$0x0] =	vst.idx.msk vm0, v11  }
0x553: {  	v22 =	vsel vm3, $0x1, v1;
	v9 =	vand.u32 $0x7FFFFFFF, v9;
	v11 =	vshra.s32 v20, $0x1F;
	[tilespmem:v17+s17+$0x0] =	vst.idx.msk vm0, v5;
	v5 =	vmovc v30  }
0x554: {  	v9 =	vxor.u32 v10, v9;
	v17 =	vand.u32 $0x7FFFFFFF, v15;
	v11 =	vand.u32 $0x7FFFFFFF, v11;
	(xrf0) =	vadd.scan.msk.s32 $0xffff, v22  }
0x555: {  	v15 =	vand.u32 $0x7FFFFFFF, v26;
	v10 =	vxor.u32 v21, v13;
	v11 =	vxor.u32 v20, v11;
	[tilespmem:v16+s16+$0x0] =	vst.idx.msk vm1, v12  }
0x556: {  	v12 =	vsel vm5, $0x1, v1;
	vm6 =	vge.s32 v11, v4;
	v13 =	vsub.s32 v11, v4;
	[tilespmem:v16+s17+$0x0] =	vst.idx.msk vm1, v28  }
0x557: {  	vm2 =	vge.s32 v9, v4;
	v16 =	vsel vm6, $0x1, v1;
	v20 =	vmpcnt.ones.xlane vm6  }
0x558: {  	v22 =	vmpcnt.ones.xlane vm3;
	v21 =	vmpcnt.ones.xlane vm2;
	v11 =	vxor.u32 v23, v15  }
0x559: {  	vm0 =	vge.s32 v11, v4;
	v15 =	vadd.s32 v24, v20;
	v20 =	vsel vm4, $0x1, v1;
	(xrf0) =	vadd.scan.msk.s32 $0xffff, v12  }
0x55a: {  	vm8 =	vge.s32 v10, v4;
	v23 =	vmpcnt.ones.xlane vm4;
	v21 =	vadd.s32 v15, v21;
	(xrf0) =	vadd.scan.msk.s32 $0xffff, v16;
	v16, _, _ =	vpop (xrf0)  }
0x55b: {  	v12 =	vxor.u32 v18, v17;
	v17 =	vsel vm8, $0x1, v1;
	v26 =	vadd.s32 v21, v22  }
0x55c: {  	v18 =	vsel vm0, $0x1, v1;
	vm1 =	vge.s32 v12, v4;
	v27 =	vadd.s32 v26, v23;
	(xrf0) =	vadd.scan.msk.s32 $0xffff, v20  }
0x55d: {  	v16 =	vadd.s32 v21, v16;
	v20 =	vsel vm2, $0x1, v1;
	v23 =	vmpcnt.ones.xlane vm1;
	(xrf0) =	vadd.scan.msk.s32 $0xffff, v17  }
0x55e: {  	v28 =	vadd.s32 $0x20, v14;
	v22 =	vsel vm1, $0x1, v1;
	vm7 =	vlt.s32 v16, $0x1000;
	(xrf0) =	vadd.scan.msk.s32 $0xffff, v18  }
0x55f: {  	v30 =	vmpcnt.ones.xlane vm5;
	vm7 =	vmand vm3, vm7;
	v29 =	vadd.s32 v27, v23;
	(xrf0) =	vadd.scan.msk.s32 $0xffff, v22;
	v17, _, _ =	vpop (xrf0)  }
0x560: {  	v31 =	vmpcnt.ones.xlane vm0;
	v22 =	vmpcnt.ones.xlane vm8;
	v18 =	vadd.s32 v29, v17;
	v21, _, _ =	vpop (xrf0);
	(xrf0) =	vadd.scan.msk.s32 $0xffff, v20  }
0x561: {  	v23 =	vsub.s32 v19, v4;
	v21 =	vadd.s32 v24, v21;
	vm3 =	vlt.s32 v18, $0x1000  }
.Ltmp105:
0x562: {  	v29 =	vadd.s32 v29, v30;
	vm9 =	vlt.s32 v21, $0x1000;
	vm3 =	vmand vm5, vm3;
	v19, _, _ =	vpop (xrf0);
	(pc) =	sbr.rel @p2 .LBB2_137-.Ltmp105, $4  }
0x563: {  	v24 =	vadd.s32 v29, v31;
	vm6 =	vmand vm6, vm9;
	v20 =	vadd.s32 v26, v19;
	v17, _, _ =	vpop (xrf0)  }
0x564: {  	v26 =	vsub.s32 v25, v4;
	vm5 =	vlt.s32 v20, $0x1000;
	v19 =	vadd.s32 v24, v17;
	v17, _, _ =	vpop (xrf0)  }
0x565: {  	[tilespmem:v16+s16+$0x0] =	vst.idx.msk vm7, v26;
	vm4 =	vmand vm4, vm5;
	v17 =	vadd.s32 v29, v17;
	vm5 =	vlt.s32 v19, $0x1000;
	v25, _, _ =	vpop (xrf0)  }
0x566: {  	s28 =	sadd.s32 $0x80, s28;
	[tilespmem:v16+s17+$0x0] =	vst.idx.msk vm7, v28;
	v16 =	vadd.s32 v27, v25;
	vm7 =	vlt.s32 v17, $0x1000;
	vm5 =	vmand vm8, vm5;
	v25, _, _ =	vpop (xrf0)  }
0x567: {  	v14 =	vadd.s32 v24, v22  }
0x568: {  	v14 =	vxor.u32 $0x80000000, v14  }
0x569: {  	(xrf0) =	vmax.scan.msk.u32 $0xffff, v14;
	_ =	sdelay $0x5  }
0x56a: {  	v14, _, _ =	vpop (xrf0)  }
0x56b: {  	(v2sf) =	vpush v14, $0xF;
	_ =	sdelay $0x9  }
0x56c: {  	[tilespmem:v18+s16+$0x0] =	vst.idx.msk vm3, v23  }
0x56d: {  	[tilespmem:v21+s16+$0x0] =	vst.idx.msk vm6, v13  }
0x56e: {  	v58 =	vadd.s32 $0x50, v6;
	vm0 =	vmand vm0, vm7;
	[tilespmem:v21+s17+$0x0] =	vst.idx.msk vm6, v6  }
0x56f: {  	v57 =	vadd.s32 v15, v25;
	v8 =	vsub.s32 v8, v4;
	vm15 =	vlt.s32 v16, $0x1000;
	[tilespmem:v18+s17+$0x0] =	vst.idx.msk vm3, v58  }
0x570: {  	v60 =	vsub.s32 v10, v4;
	vm8 =	vlt.s32 v57, $0x1000;
	[tilespmem:v20+s16+$0x0] =	vst.idx.msk vm4, v8;
	vm1 =	vmand vm1, vm15  }
0x571: {  	v59 =	vadd.s32 $0x30, v6;
	p0 =	por !p1, !p0;
	[tilespmem:v19+s16+$0x0] =	vst.idx.msk vm5, v60;
	vm2 =	vmand vm2, vm8;
	s3 =	spop (v2sf)  }
0x572: {  	p0 =	por !p0, !p0;
	[tilespmem:v20+s17+$0x0] =	vst.idx.msk vm4, v59;
	s4 =	sadd.s32 $0x7FFFFFC1, s3  }
0x573: {  	v63 =	vsub.s32 v11, v4;
	[tilespmem:v19+s17+$0x0] =	vst.idx.msk vm5, v7;
	p1 =	sgt.u32 @!p0 s4, $0xFC0  }
0x574: {  	[tilespmem:v17+s16+$0x0] =	vst.idx.msk vm0, v63;
	p0 =	por p0, !p1  }
.Ltmp106:
0x575: {  	v61 =	vsub.s32 v9, v4;
	v4 =	vsub.s32 v12, v4;
	[tilespmem:v17+s17+$0x0] =	vst.idx.msk vm0, v5;
	(pc) =	sbr.rel @!p0 .LBB2_136-.Ltmp106, $4  }
0x576: {  	[tilespmem:v16+s16+$0x0] =	vst.idx.msk vm1, v4  }
0x577: {  	v5 =	vadd.s32 $0x40, v6;
	[tilespmem:v57+s16+$0x0] =	vst.idx.msk vm2, v61  }
0x578: {  	v62 =	vadd.s32 $0x10, v6;
	[tilespmem:v16+s17+$0x0] =	vst.idx.msk vm1, v5  }
0x579: {  	[tilespmem:v57+s17+$0x0] =	vst.idx.msk vm2, v62;
	s3 =	sadd.s32 $0x80000001, s3  }
0x57a: {  	p0 =	slt.s32 s3, $0x1000;
	s0 =	smov.u32 s3  }
0x57b: {  	s0 =	simm.s32 @!p0 $0x1000  }
0x57c: {  	s1 =	sadd.s32 $0xF, s0  }
0x57d: {  	s4 =	sand.u32 $0xF, s1  }
0x57e: {  	p6 =	slt.s32 s3, $0xFFFFFFF2;
	s30 =	sshra.s32 s1, $0x1F;
	p1 =	sne.s32 s4, $0x0  }
0x57f: {  	s31 =	sshrl.u32 s30, $0x1C;
	p0 =	por !p6, !p1  }
0x580: {  	v4 =	vadd.s32 s0, v2;
	s0 =	sadd.s32 s31, s1;
	s1 =	simm.s32 $0x1;
	p0 =	por !p0, !p0  }
0x581: {  	s0 =	sshra.s32 s0, $0x4;
	s1 =	simm.s32 @!p0 $0x0  }
0x582: {  	s0 =	ssub.s32 s0, s1  }
0x583: {  	s1 =	sshrl.u32 s0, $0x1F  }
0x584: {  	vm0 =	vlt.s32 v4, $0x1000;
	vm1 =	vlt.s32 v4, $0xFFF;
	s1 =	sadd.s32 s1, s0  }
0x585: {  	v5 =	vnsel vm1, $0xFFF, v4;
	s25 =	sand.u32 $0xFFFFFFFE, s1  }
0x586: {  	p1 =	slt.s32 s25, $0x1  }
.Ltmp107:
0x587: {  	_ = 	snop;
	(pc) =	sbr.rel @p1 .LBB2_160-.Ltmp107, $4  }
0x588: {  	_ = 	snop  }
0x589: {  	v4 =	vimm.s32 $0x0  }
0x58a: {  	[tilespmem:v5+s16+$0x0] =	vst.idx.msk vm0, v4  }
0x58b: {  	[tilespmem:v5+s17+$0x0] =	vst.idx.msk vm0, v3  }
0x58c: {  	p2 =	sgt.s32 s25, $0x2  }
.Ltmp108:
0x58d: {  	_ = 	snop;
	(pc) =	sbr.rel @!p2 .LBB2_141-.Ltmp108, $3  }
0x58e: {  	_ =	sdelay $0x1  }
0x58f: {  	s1 =	simm.s32 $0x18010  }
0x590: {  	v4 =	vimm.s32 $0x0;
	p0 =	por $0x0, $0x0;
	v5 =	vld [tilespmem:s1+$0xFFFFFFF0]  }
0x591: {  	_ = 	snop  }
0x592: {  	v7 =	vld [tilespmem:s1+$0x0];
	p2 =	sgt.s32 s25, $0x4  }
.Ltmp109:
0x593: {  	_ = 	snop;
	(pc) =	sbr.rel @!p2 .LBB2_159-.Ltmp109, $4  }
0x594: {  	_ = 	snop  }
0x595: {  	v6 =	vshrl.u32 v5, $0x1  }
0x596: {  	s1 =	simm.s32 $0x18030;
	vm0 =	vgt.s32 v4, v6  }
0x597: {  	s3 =	simm.s32 $0x4;
	p0 =	por $0x1, $0x1;
	v5 =	vld [tilespmem:s1+$0xFFFFFFF0];
	v7 =	vshrl.u32 v7, $0x1;
	v6 =	vsel vm0, v4, v6  }
.LBB2_158:
0x598: {  	s3 =	sadd.s32 $0x2, s3  }
0x599: {  	v8 =	vld [tilespmem:s1+$0x0];
	v6 =	vmax.u32 v6, v7;
	p2 =	slt.s32 s3, s25  }
.Ltmp110:
0x59a: {  	(pc) =	sbr.rel @p2 .LBB2_158-.Ltmp110, $4  }
0x59b: {  	_ = 	snop  }
0x59c: {  	s1 =	sadd.s32 $0x20, s1;
	v7 =	vshrl.u32 v5, $0x1  }
0x59d: {  	v5 =	vld [tilespmem:s1+$0xFFFFFFF0];
	vm0 =	vgt.s32 v6, v7  }
0x59e: {  	v6 =	vsel vm0, v6, v7;
	v7 =	vshrl.u32 v8, $0x1  }
.LBB2_159:
0x59f: {  	_ = 	snop  }
0x5a0: {  	v8 =	vld [tilespmem:s1+$0x0];
	_ =	sdelay $0x1  }
0x5a1: {  	v6 =	vmax.u32 @p0 v6, v7  }
0x5a2: {  	v4 =	vpsel p0, v6, v4;
	v5 =	vshrl.u32 v5, $0x1  }
0x5a3: {  	vm0 =	vgt.s32 v4, v5  }
0x5a4: {  	v4 =	vsel vm0, v4, v5;
	v5 =	vshrl.u32 v8, $0x1  }
0x5a5: {  	v4 =	vmax.u32 v4, v5  }
.LBB2_160:
0x5a6: {  	s1 =	ssub.s32 s0, s25  }
0x5a7: {  	p0 =	slt.s32 s1, $0x1  }
0x5a8: {  	s1 =	sshll.u32 @!p0 s25, $0x6  }
0x5a9: {  	s1 =	sshra.s32 @!p0 s1, $0x2  }
0x5aa: {  	v5 =	vld @!p0 [tilespmem:s1+$0x18000];
	_ =	sdelay $0x4  }
0x5ab: {  	v5 =	vshrl.u32 @!p0 v5, $0x1  }
0x5ac: {  	vm0 =	vgt.s32 @!p0 v4, v5  }
0x5ad: {  	v5 =	vsel @!p0 vm0, v4, v5  }
0x5ae: {  	v4 =	vpsel p0, v4, v5  }
0x5af: {  	v4 =	vxor.u32 $0x80000000, v4  }
0x5b0: {  	(xrf0) =	vmax.scan.msk.u32 $0xffff, v4;
	_ =	sdelay $0x5  }
0x5b1: {  	v4, _, _ =	vpop (xrf0)  }
0x5b2: {  	(v2sf) =	vpush v4, $0xF;
	_ =	sdelay $0xe  }
0x5b3: {  	s31 =	spop (v2sf)  }
0x5b4: {  	s1 =	sxor.u32 $0x80000000, s31  }
0x5b5: {  	s1 =	scvt.s32.f32 s1  }
.Ltmp111:
0x5b6: {  	_ = 	snop;
	(pc) =	sbr.rel .LBB2_161-.Ltmp111, $4  }
0x5b7: {  	s1 =	sshrl.u32 s1, $0x17  }
0x5b8: {  	s1 =	smax.u32 s1, $0x7E  }
0x5b9: {  	s3 =	sshll.u32 s25, $0x6;
	s29 =	simm.s32 $0x0;
	s1 =	smin.u32 s1, $0x9D  }
0x5ba: {  	s26 =	simm.s32 $0x0;
	s28 =	sshra.s32 @!p0 s3, $0x2;
	s1 =	sadd.s32 $0xFFFFFF82, s1  }
.LBB2_162:
0x5bb: {  	v4 =	vimm.s32 $0x0  }
.LBB2_163:
0x5bc: {  	v5 =	vld @!p0 [tilespmem:s28+$0x18000];
	_ =	sdelay $0x4  }
0x5bd: {  	vm0 =	vge.u32 @!p0 v5, s3;
	v5 =	vimm.s32 @!p0 $0x0  }
0x5be: {  	v5 =	vsel @!p0 vm0, $0x1, v5  }
0x5bf: {  	v5 =	vadd.s32 @!p0 v5, v4  }
0x5c0: {  	v4 =	vpsel p0, v4, v5  }
0x5c1: {  	(xrf0) =	vadd.scan.msk.s32 $0xffff, v4;
	_ =	sdelay $0x5  }
0x5c2: {  	v4, _, _ =	vpop (xrf0)  }
0x5c3: {  	(v2sf) =	vpush v4, $0xF;
	_ =	sdelay $0xb  }
0x5c4: {  	p3 =	seq.s32 s1, s29  }
.Ltmp112:
0x5c5: {  	_ = 	snop;
	(pc) =	sbr.rel @p3 .LBB2_164-.Ltmp112, $4  }
0x5c6: {  	_ = 	snop  }
0x5c7: {  	s4 =	spop (v2sf)  }
0x5c8: {  	s31 =	sadd.s32 $0x1, s29;
	p2 =	sgt.s32 s4, $0x3F  }
0x5c9: {  	s29 =	smov.u32 s31;
	s26 =	smov.u32 @p2 s3  }
.LBB2_161:
.Ltmp113:
0x5ca: {  	(pc) =	sbr.rel @p1 .LBB2_162-.Ltmp113, $4  }
0x5cb: {  	_ = 	snop  }
0x5cc: {  	s3 =	ssub.s32 s1, s29  }
0x5cd: {  	s3 =	sshll.u32 s15, s3  }
0x5ce: {  	s3 =	sor.u32 s26, s3  }
0x5cf: {  	p3 =	sgt.s32 s25, $0x2  }
.Ltmp114:
0x5d0: {  	_ = 	snop;
	(pc) =	sbr.rel @!p3 .LBB2_167-.Ltmp114, $4  }
0x5d1: {  	_ = 	snop  }
0x5d2: {  	s4 =	simm.s32 $0x18010  }
0x5d3: {  	v7 =	vld [tilespmem:s4+$0xFFFFFFF0]  }
0x5d4: {  	v4 =	vmov s3;
	v5 =	vimm.s32 $0x0;
	p2 =	por $0x0, $0x0;
	v6 =	vld [tilespmem:s4+$0x0]  }
0x5d5: {  	p3 =	sgt.s32 s25, $0x4  }
.Ltmp115:
0x5d6: {  	_ = 	snop;
	(pc) =	sbr.rel @!p3 .LBB2_170-.Ltmp115, $4  }
0x5d7: {  	_ = 	snop  }
0x5d8: {  	s30 =	simm.s32 $0x18030;
	vm0 =	vge.u32 v7, v4  }
0x5d9: {  	v7 =	vld [tilespmem:s30+$0xFFFFFFF0];
	v8 =	vsel vm0, $0x1, v1;
	vm15 =	vge.u32 v6, v4  }
0x5da: {  	s4 =	simm.s32 $0x4;
	p2 =	por $0x1, $0x1;
	v6 =	vld [tilespmem:s30+$0x0];
	v8 =	vadd.s32 v8, v5;
	v9 =	vsel vm15, $0x1, v1  }
.LBB2_169:
0x5db: {  	s4 =	sadd.s32 $0x2, s4  }
0x5dc: {  	v8 =	vadd.s32 v9, v8;
	p3 =	slt.s32 s4, s25  }
.Ltmp116:
0x5dd: {  	(pc) =	sbr.rel @p3 .LBB2_169-.Ltmp116, $4  }
0x5de: {  	_ = 	snop  }
0x5df: {  	s30 =	sadd.s32 $0x20, s30;
	vm0 =	vge.u32 v7, v4  }
0x5e0: {  	v7 =	vld [tilespmem:s30+$0xFFFFFFF0];
	v9 =	vsel vm0, $0x1, v1;
	vm0 =	vge.u32 v6, v4  }
0x5e1: {  	v6 =	vld [tilespmem:s30+$0x0];
	v8 =	vadd.s32 v9, v8;
	v9 =	vsel vm0, $0x1, v1  }
.LBB2_170:
0x5e2: {  	_ =	sdelay $0x1  }
.Ltmp117:
0x5e3: {  	_ = 	snop;
	(pc) =	sbr.rel .LBB2_163-.Ltmp117, $4  }
0x5e4: {  	v8 =	vadd.s32 @p2 v9, v8;
	vm0 =	vge.u32 v7, v4  }
0x5e5: {  	v7 =	vsel vm0, $0x1, v1;
	vm15 =	vge.u32 v6, v4;
	v4 =	vpsel p2, v8, v5  }
0x5e6: {  	v4 =	vadd.s32 v7, v4;
	v5 =	vsel vm15, $0x1, v1  }
0x5e7: {  	v4 =	vadd.s32 v5, v4  }
.LBB2_167:
.Ltmp118:
0x5e8: {  	(pc) =	sbr.rel .LBB2_170-.Ltmp118, $2  }
0x5e9: {  	_ =	sdelay $0x2  }
0x5ea: {  	_ = 	snop  }
.LBB2_164:
0x5eb: {  	p2 =	slt.s32 s0, $0x1  }
.Ltmp119:
0x5ec: {  	_ = 	snop;
	(pc) =	sbr.rel @p2 .LBB2_165-.Ltmp119, $2  }
0x5ed: {  	_ =	sdelay $0x2  }
0x5ee: {  	v4 =	vmov s26;
	v5 =	vimm.s32 $0x0  }
0x5ef: {  	s1 =	simm.s32 $0x18000  }
0x5f0: {  	p3 =	sne.s32 s0, $0x1;
	v6 =	vld [tilespmem:s1+$0x0]  }
.Ltmp120:
0x5f1: {  	_ = 	snop;
	(pc) =	sbr.rel @!p3 .LBB2_173-.Ltmp120, $2  }
0x5f2: {  	_ =	sdelay $0x2  }
0x5f3: {  	s3 =	simm.s32 $0x18010;
	s1 =	sadd.s32 $0xFFFFFFFF, s0;
	vm0 =	vge.u32 v6, v4;
	vm1 =	vgt.u32 v6, v4;
	v6 =	vimm.s32 $0x0  }
.LBB2_172:
0x5f4: {  	v7 =	vld [tilespmem:s3+$0x0];
	p3 =	sne.s32 s1, $0x1;
	s1 =	sadd.s32 $0xFFFFFFFF, s1;
	v8 =	vsel vm0, $0x1, v1;
	v9 =	vsel vm1, $0x1, v1  }
.Ltmp121:
0x5f5: {  	v5 =	vadd.s32 v8, v5;
	v6 =	vadd.s32 v9, v6;
	(pc) =	sbr.rel @p3 .LBB2_172-.Ltmp121, $2  }
0x5f6: {  	_ =	sdelay $0x2  }
0x5f7: {  	s3 =	sadd.s32 $0x10, s3;
	vm0 =	vge.u32 v7, v4;
	vm1 =	vgt.u32 v7, v4  }
.LBB2_173:
.Ltmp122:
0x5f8: {  	(pc) =	sbr.rel .LBB2_174-.Ltmp122, $3  }
0x5f9: {  	_ =	sdelay $0x1  }
0x5fa: {  	v7 =	vsel vm0, $0x1, v1;
	v8 =	vsel vm1, $0x1, v1  }
0x5fb: {  	v5 =	vadd.s32 v7, v5;
	v6 =	vadd.s32 v8, v6  }
.LBB2_165:
0x5fc: {  	v6 =	vimm.s32 $0x0  }
.LBB2_174:
0x5fd: {  	(xrf0) =	vadd.scan.msk.s32 $0xffff, v5;
	_ =	sdelay $0x5  }
0x5fe: {  	(xrf0) =	vadd.scan.msk.s32 $0xffff, v6;
	v5, _, _ =	vpop (xrf0)  }
0x5ff: {  	(v2sf) =	vpush v5, $0xF;
	_ =	sdelay $0x4  }
0x600: {  	v5, _, _ =	vpop (xrf0)  }
0x601: {  	(v2sf) =	vpush v5, $0xF;
	_ =	sdelay $0x8  }
0x602: {  	s1 =	spop (v2sf)  }
0x603: {  	p3 =	seq.s32 s1, $0x40  }
.Ltmp123:
0x604: {  	_ = 	snop;
	(pc) =	sbr.rel @!p3 .LBB2_175-.Ltmp123, $2  }
0x605: {  	_ =	sdelay $0x2  }
0x606: {  	s28 =	simm.s32 $0x7FFF;
	s1 =	spop (v2sf)  }
.LBB2_182:
0x607: {  	_ =	swait.ge [sflag:s21], $0x8000  }
0x608: {  	[sflag:s21] =	ssyncset.done $0x0  }
0x609: {  	[sflag:s21] =	ssyncadd.s32 $0xFFFF8000  }
0x60a: {  	v5 =	vld [tilespmem:$0x1A000];
	_ =	sdelay $0x7  }
0x60b: {  	[tilespmem:v5+s18+$0x0] =	vst.idx.msk $0xffff, v0  }
0x60c: {  	v5 =	vld [tilespmem:$0x1A010];
	_ =	sdelay $0x7  }
0x60d: {  	[tilespmem:v5+s18+$0x0] =	vst.idx.msk $0xffff, v0  }
0x60e: {  	v5 =	vld [tilespmem:$0x1A020];
	_ =	sdelay $0x7  }
0x60f: {  	[tilespmem:v5+s18+$0x0] =	vst.idx.msk $0xffff, v0  }
0x610: {  	v5 =	vld [tilespmem:$0x1A030];
	_ =	sdelay $0x3  }
.Ltmp124:
0x611: {  	_ = 	snop;
	(pc) =	sbr.rel @p1 .LBB2_183-.Ltmp124, $2  }
0x612: {  	_ =	sdelay $0x2  }
0x613: {  	[tilespmem:v5+s18+$0x0] =	vst.idx.msk $0xffff, v0  }
0x614: {  	p6 =	sgt.s32 s25, $0x2  }
.Ltmp125:
0x615: {  	_ = 	snop;
	(pc) =	sbr.rel @!p6 .LBB2_187-.Ltmp125, $4  }
0x616: {  	_ = 	snop  }
0x617: {  	s29 =	simm.s32 $0x19010  }
0x618: {  	s30 =	simm.s32 $0x18010;
	p1 =	por $0x0, $0x0;
	p2 =	por $0x0, $0x0  }
0x619: {  	v6 =	vmov s28;
	v5 =	vimm.s32 $0xFFFFFFFF;
	p3 =	por $0x0, $0x0;
	p4 =	por $0x0, $0x0;
	p5 =	por $0x0, $0x0  }
0x61a: {  	p6 =	sgt.s32 s25, $0x4  }
.Ltmp126:
0x61b: {  	_ = 	snop;
	(pc) =	sbr.rel @!p6 .LBB2_189-.Ltmp126, $4  }
0x61c: {  	_ = 	snop  }
0x61d: {  	v13 =	vld [tilespmem:s30+$0xFFFFFFF0]  }
0x61e: {  	v8 =	vld [tilespmem:s29+$0xFFFFFFF0]  }
0x61f: {  	v18 =	vld [tilespmem:s30+$0x0];
	p1 =	por $0x1, $0x1  }
0x620: {  	v7 =	vld [tilespmem:s29+$0x0];
	_ =	sdelay $0x3  }
0x621: {  	p6 =	sgt.s32 s25, $0x6;
	vm0 =	vgt.u32 v13, v4;
	vm1 =	veq.s32 v13, v4;
	vm2 =	vle.s32 v8, v6  }
.Ltmp127:
0x622: {  	vm1 =	vmand vm1, vm2;
	vm13 =	veq.s32 v18, v4;
	vm3 =	vle.s32 v7, v6;
	(pc) =	sbr.rel @!p6 .LBB2_191-.Ltmp127, $4  }
0x623: {  	s0 =	simm.s32 $0x19030;
	vm14 =	vgt.u32 v18, v4;
	vm8 =	vmor vm0, vm1;
	vm15 =	vmand vm13, vm3  }
0x624: {  	s1 =	simm.s32 $0x18030;
	v12 =	vld [tilespmem:s0+$0xFFFFFFF0];
	v9 =	vsel vm8, $0x1, v1;
	v10 =	vmpcnt.ones.xlane vm8;
	vm11 =	vmor vm14, vm15  }
0x625: {  	v13 =	vld [tilespmem:s1+$0xFFFFFFF0];
	(xrf0) =	vadd.scan.msk.s32 $0xffff, v9;
	v11 =	vsel vm11, $0x1, v1  }
0x626: {  	p2 =	por $0x1, $0x1;
	v18 =	vld [tilespmem:s1+$0x0];
	v30 =	vmpcnt.ones.xlane vm11;
	v16 =	vadd.s32 v5, v10;
	(xrf0) =	vadd.scan.msk.s32 $0xffff, v11  }
0x627: {  	_ =	sdelay $0x2  }
0x628: {  	vm2 =	vle.s32 v12, v6;
	vm1 =	veq.s32 v13, v4  }
0x629: {  	vm0 =	vgt.u32 v13, v4;
	vm1 =	vmand vm1, vm2  }
0x62a: {  	v14 =	vld [tilespmem:s0+$0x0];
	vm10 =	vmmov vm8;
	vm8 =	vmor vm0, vm1  }
0x62b: {  	v11 =	vmpcnt.ones.xlane vm8  }
0x62c: {  	s0 =	simm.s32 $0x19050;
	v28 =	vadd.s32 v16, v30  }
0x62d: {  	vm4 =	vmmov vm11;
	s1 =	simm.s32 $0x18050;
	v24 =	vld [tilespmem:s0+$0xFFFFFFF0];
	v15 =	vadd.s32 v28, v11;
	v11 =	vimm.s32 $0x0  }
0x62e: {  	p6 =	sgt.s32 s25, $0x8;
	v13 =	vld [tilespmem:s1+$0xFFFFFFF0];
	vm13 =	veq.s32 v18, v4;
	vm14 =	vgt.u32 v18, v4;
	v9, _, _ =	vpop (xrf0);
	v11 =	vsel vm10, $0xFFFFFFFF, v11  }
.Ltmp128:
0x62f: {  	v18 =	vld [tilespmem:s1+$0x0];
	vm3 =	vle.s32 v14, v6;
	v9 =	vadd.s32 v5, v9;
	[tilespmem:$0x1FEE0] =	vst v11;
	v11 =	vimm.s32 $0x0;
	(pc) =	sbr.rel @!p6 .LBB2_193-.Ltmp128, $4  }
0x630: {  	vm15 =	vmand vm13, vm3;
	v10 =	vsel vm8, $0x1, v1;
	v11 =	vsel vm4, $0xFFFFFFFF, v11  }
0x631: {  	vm5 =	vlt.s32 v9, $0x40;
	vm11 =	vmor vm14, vm15;
	[tilespmem:$0x1FEF0] =	vst v11;
	v11 =	vimm.s32 $0x0  }
0x632: {  	v17, _, _ =	vpop (xrf0);
	(xrf0) =	vadd.scan.msk.s32 $0xffff, v10;
	v19 =	vsel vm11, $0x1, v1;
	v11 =	vsel vm5, $0xFFFFFFFF, v11  }
0x633: {  	p3 =	por $0x1, $0x1;
	v10 =	vadd.s32 v16, v17;
	v30 =	vmpcnt.ones.xlane vm11;
	(xrf0) =	vadd.scan.msk.s32 $0xffff, v19;
	[tilespmem:$0x1FF00] =	vst v11  }
0x634: {  	vm0 =	vmand vm10, vm5  }
0x635: {  	v11 =	vnsel vm0, $0x0, v8  }
0x636: {  	v20 =	vld [tilespmem:s0+$0x0];
	vm1 =	vlt.s32 v10, $0x40;
	vm10 =	vmmov vm8;
	vm7 =	vmmov vm11  }
0x637: {  	vm2 =	vle.s32 v24, v6;
	vm6 =	vmand vm4, vm1;
	vm1 =	veq.s32 v13, v4  }
0x638: {  	vm3 =	vmmov vm0;
	vm0 =	vgt.u32 v13, v4;
	vm1 =	vmand vm1, vm2  }
0x639: {  	v39 =	vadd.s32 v15, v30;
	v21 =	vnsel vm6, $0x0, v7;
	vm14 =	vmor vm0, vm1  }
0x63a: {  	s1 =	simm.s32 $0x18070;
	p6 =	sgt.s32 s25, $0xA;
	vm2 =	veq.s32 v18, v4;
	vm0 =	vgt.u32 v18, v4;
	v17 =	vmpcnt.ones.xlane vm14;
	v34 =	vld.idx.msk [tilespmem:v11+s14+$0x0], $0xffff;
	v11, _, _ =	vpop (xrf0)  }
.Ltmp129:
0x63b: {  	s0 =	simm.s32 $0x19070;
	v13 =	vld [tilespmem:s1+$0xFFFFFFF0];
	vm4 =	vle.s32 v20, v6;
	v36 =	vadd.s32 v28, v11;
	v11 =	vimm.s32 $0x0;
	(pc) =	sbr.rel @!p6 .LBB2_195-.Ltmp129, $4  }
0x63c: {  	v25 =	vld [tilespmem:s0+$0xFFFFFFF0];
	v16 =	vsel vm14, $0x1, v1;
	vm1 =	vmand vm2, vm4;
	v11 =	vsel vm10, $0xFFFFFFFF, v11  }
0x63d: {  	v18 =	vld [tilespmem:s1+$0x0];
	v26 =	vadd.s32 v39, v17;
	vm15 =	vmor vm0, vm1;
	[tilespmem:$0x1FEC0] =	vst v11;
	v11 =	vimm.s32 $0x0  }
0x63e: {  	(xrf0) =	vadd.scan.msk.s32 $0xffff, v16;
	v19, _, _ =	vpop (xrf0);
	v23 =	vsel vm15, $0x1, v1;
	v22 =	vmpcnt.ones.xlane vm15;
	v11 =	vsel vm7, $0xFFFFFFFF, v11  }
0x63f: {  	p4 =	por $0x1, $0x1;
	vm13 =	vlt.s32 v36, $0x40;
	v37 =	vadd.s32 v15, v19;
	(xrf0) =	vadd.scan.msk.s32 $0xffff, v23;
	[tilespmem:$0x1FED0] =	vst v11  }
0x640: {  	v11 =	vld [tilespmem:s0+$0x0]  }
0x641: {  	vm1 =	vmand vm10, vm13  }
0x642: {  	vm5 =	veq.s32 v13, v4;
	v16 =	vnsel vm1, $0x0, v12;
	vm8 =	vle.s32 v25, v6  }
0x643: {  	vm4 =	vmmov vm1;
	vm1 =	vgt.u32 v13, v4;
	vm5 =	vmand vm5, vm8  }
0x644: {  	vm0 =	vlt.s32 v37, $0x40;
	vm8 =	vmor vm1, vm5  }
0x645: {  	vm11 =	veq.s32 v18, v4;
	v19 =	vmpcnt.ones.xlane vm8;
	vm9 =	vle.s32 v11, v6  }
0x646: {  	v28 =	vadd.s32 v26, v22;
	v17 =	vld.idx.msk [tilespmem:v21+s14+$0x0], $0xffff;
	vm1 =	vgt.u32 v18, v4;
	vm5 =	vmand vm11, vm9  }
0x647: {  	vm10 =	vmmov vm14;
	vm2 =	vmmov vm15;
	p6 =	sgt.s32 s25, $0xC;
	vm11 =	vmor vm1, vm5  }
.Ltmp130:
0x648: {  	[tilespmem:v8+s18+$0x0] =	vst.idx.msk vm3, v34;
	vm7 =	vmand vm7, vm0;
	vm0 =	vmmov vm6;
	v27 =	vld.idx.msk [tilespmem:v16+s14+$0x0], $0xffff;
	v16, _, _ =	vpop (xrf0);
	v23 =	vsel vm11, $0x1, v1;
	(pc) =	sbr.rel @!p6 .LBB2_197-.Ltmp130, $4  }
0x649: {  	s1 =	simm.s32 $0x18090;
	v29 =	vmovc v14;
	v18 =	vsel vm8, $0x1, v1;
	v40 =	vadd.s32 v39, v16;
	v16 =	vadd.s32 v28, v19;
	v19 =	vmovc v10  }
0x64a: {  	s0 =	simm.s32 $0x19090;
	v38 =	vmovc v20;
	v35 =	vmov v37;
	v31 =	vmov v24;
	v13 =	vld [tilespmem:s1+$0xFFFFFFF0];
	v15 =	vnsel vm7, $0x0, v14;
	(xrf0) =	vadd.scan.msk.s32 $0xffff, v18  }
0x64b: {  	v42 =	vld [tilespmem:s0+$0xFFFFFFF0];
	[tilespmem:v7+s18+$0x0] =	vst.idx.msk vm6, v17;
	v17, _, _ =	vpop (xrf0);
	v30 =	vmpcnt.ones.xlane vm11;
	(xrf0) =	vadd.scan.msk.s32 $0xffff, v23;
	v23 =	vmov v12  }
0x64c: {  	s3 =	simm.s32 $0xC;
	p5 =	por $0x1, $0x1;
	v32 =	vmovc v36;
	[tilespmem:v9+s22+$0x0] =	vst.idx.msk vm3, v8;
	v18 =	vld [tilespmem:s1+$0x0];
	vm5 =	vlt.s32 v40, $0x40;
	v33 =	vadd.s32 v26, v17;
	v17 =	vmov v7  }
.LBB2_198:
0x64d: {  	v41 =	vadd.s32 v16, v30;
	vm1 =	vmand vm10, vm5;
	vm5 =	vlt.s32 v33, $0x40  }
0x64e: {  	s3 =	sadd.s32 $0x2, s3;
	[tilespmem:v19+s22+$0x0] =	vst.idx.msk vm0, v17;
	v17 =	vmovc v29;
	v29 =	vmovc v38;
	v38 =	vmov v11;
	v11 =	vld [tilespmem:s0+$0x0];
	v19 =	vmov v35;
	v35 =	vmov v33  }
0x64f: {  	vm0 =	vmmov vm7;
	p6 =	slt.s32 s3, s25;
	v30 =	vnsel vm1, $0x0, v31;
	v33 =	vld.idx.msk [tilespmem:v15+s14+$0x0], $0xffff;
	vm7 =	vmand vm2, vm5  }
0x650: {  	vm10 =	vmmov vm8;
	vm2 =	vmmov vm11;
	v15 =	vnsel vm7, $0x0, v29;
	[tilespmem:v23+s18+$0x0] =	vst.idx.msk vm4, v27  }
0x651: {  	[tilespmem:v32+s22+$0x0] =	vst.idx.msk vm4, v23;
	v23 =	vmovc v31;
	v31 =	vmovc v25;
	v25 =	vmov v42;
	v32 =	vmov v40;
	vm4 =	vmmov vm1  }
0x652: {  	vm5 =	veq.s32 v13, v4;
	vm1 =	vgt.u32 v13, v4;
	vm8 =	vle.s32 v25, v6;
	v40, _, _ =	vpop (xrf0)  }
.Ltmp131:
0x653: {  	vm9 =	veq.s32 v18, v4;
	vm5 =	vmand vm5, vm8;
	vm11 =	vle.s32 v11, v6;
	v43, _, _ =	vpop (xrf0);
	(pc) =	sbr.rel @p6 .LBB2_198-.Ltmp131, $4  }
0x654: {  	s1 =	sadd.s32 $0x20, s1;
	vm8 =	vmor vm1, vm5;
	vm1 =	vgt.u32 v18, v4;
	vm5 =	vmand vm9, vm11;
	v27 =	vld.idx.msk [tilespmem:v30+s14+$0x0], $0xffff  }
0x655: {  	s0 =	sadd.s32 $0x20, s0;
	v13 =	vld [tilespmem:s1+$0xFFFFFFF0];
	v18 =	vsel vm8, $0x1, v1;
	v44 =	vmpcnt.ones.xlane vm8;
	vm11 =	vmor vm1, vm5;
	[tilespmem:v17+s18+$0x0] =	vst.idx.msk vm0, v33  }
0x656: {  	v40 =	vadd.s32 v28, v40;
	v28 =	vmovc v41;
	v42 =	vld [tilespmem:s0+$0xFFFFFFF0];
	v33 =	vsel vm11, $0x1, v1;
	v30 =	vmpcnt.ones.xlane vm11;
	(xrf0) =	vadd.scan.msk.s32 $0xffff, v18  }
0x657: {  	vm5 =	vlt.s32 v40, $0x40;
	v18 =	vld [tilespmem:s1+$0x0];
	(xrf0) =	vadd.scan.msk.s32 $0xffff, v33;
	v33 =	vadd.s32 v16, v43;
	v16 =	vadd.s32 v41, v44  }
0x658: {  	_ =	sdelay $0x2  }
0x659: {  	v41 =	vmov v25;
	v25 =	vmov v42  }
.LBB2_200:
0x65a: {  	vm5 =	vmand @p3 vm10, vm5;
	vm1 =	vlt.s32 @p3 v33, $0x40;
	vm9 =	veq.s32 @p1 v13, v4  }
0x65b: {  	vm10 =	vle.s32 @p1 v25, v6;
	vm8 =	vmmov @p2 vm8;
	v30 =	vadd.s32 @p2 v16, v30  }
0x65c: {  	v42 =	vld @p1 [tilespmem:s0+$0x0];
	vm7 =	vmmov @p4 vm7;
	v11 =	vpsel p2, v11, v14;
	v33 =	vpsel p3, v33, v10  }
0x65d: {  	v47 =	vld [tilespmem:$0x1FEC0];
	vm12 =	vmand @p3 vm2, vm1;
	vm1 =	vmand @p1 vm9, vm10;
	vm2 =	vgt.u32 @p1 v13, v4  }
0x65e: {  	v43 =	vld [tilespmem:$0x1FED0];
	v24 =	vpsel p1, v25, v24;
	v13, _, _ =	vpop @p2 (xrf0);
	v30 =	vpsel p2, v30, v5;
	vm2 =	vmor @p1 vm2, vm1  }
0x65f: {  	v50 =	vld [tilespmem:$0x1FEE0];
	vm1 =	veq.s32 @p1 v18, v4;
	v28 =	vadd.s32 @p2 v28, v13;
	vm6 =	vmmov @p3 vm12;
	v44, _, _ =	vpop @p2 (xrf0)  }
0x660: {  	v51 =	vld [tilespmem:$0x1FF00];
	v46 =	vsel @p1 vm2, $0x1, v1;
	v44 =	vadd.s32 @p2 v16, v44;
	vm14 =	vmmov @p1 vm2  }
0x661: {  	s1 =	sadd.s32 @p1 $0x20, s1;
	v52 =	vld [tilespmem:$0x1FEF0];
	[tilespmem:v19+s22+$0x0] =	vst.idx.msk @p5 vm0, v17;
	v25 =	vpsel p2, v28, v36;
	vm0 =	vmmov @p3 vm6;
	v37 =	vpsel p2, v44, v37  }
0x662: {  	s0 =	sadd.s32 @p1 $0x20, s0;
	[tilespmem:v23+s18+$0x0] =	vst.idx.msk @p4 vm4, v27;
	s30 =	smov.u32 @p1 s1;
	v44 =	vnsel @p3 vm5, $0x0, v31;
	vm5 =	vmmov @p3 vm5;
	vm6 =	vmmov @p3 vm0  }
0x663: {  	s29 =	smov.u32 @p1 s0;
	[tilespmem:v32+s22+$0x0] =	vst.idx.msk @p4 vm4, v23;
	v45 =	vld [tilespmem:s30+$0x0];
	v23 =	vmovc @p2 v25;
	vm9 =	vle.s32 @p1 v42, v6;
	vm10 =	vnez.u8 v47;
	vm3 =	vmmov @p3 vm5  }
0x664: {  	v49 =	vld [tilespmem:s29+$0x0];
	vm5 =	vlt.s32 @p2 v37, $0x40;
	v53 =	vpsel p1, v42, v20;
	v23 =	vpsel p2, v23, v0  }
0x665: {  	v20 =	vmovc @p3 v31;
	v31 =	vmovc @p3 v40;
	vm1 =	vmand @p1 vm1, vm9;
	vm9 =	vgt.u32 @p1 v18, v4;
	vm10 =	vmmov @p2 vm8  }
0x666: {  	vm8 =	vmmov @p2 vm11;
	v20 =	vpsel p3, v20, v8;
	v31 =	vpsel p3, v31, v9  }
0x667: {  	v18 =	vmovc @p1 v30;
	v8 =	vpsel p1, v24, v8;
	vm1 =	vmor @p1 vm9, vm1;
	vm9 =	vlt.s32 @p2 v28, $0x40  }
0x668: {  	v63 =	vld [tilespmem:s30+$0xFFFFFFF0];
	vm11 =	veq.s32 v45, v4;
	v18 =	vpsel p1, v18, v39;
	vm13 =	vmmov @p2 vm9  }
0x669: {  	v48 =	vld [tilespmem:s29+$0xFFFFFFF0];
	vm9 =	vnez.u8 v43;
	v43 =	vnsel @p3 vm12, $0x0, v38;
	vm12 =	vle.s32 v49, v6  }
0x66a: {  	(xrf0) =	vadd.scan.msk.s32 @p1 $0xffff, v46;
	v28 =	vmovc @p2 v37;
	v46 =	vsel @p1 vm1, $0x1, v1;
	vm15 =	vmmov @p1 vm1;
	v47 =	vmpcnt.ones.xlane @p1 vm1  }
0x66b: {  	v38 =	vpsel p3, v38, v7;
	v7 =	vpsel p1, v53, v7;
	v57 =	vpsel p2, v28, v0  }
0x66c: {  	vm9 =	vmmov @p2 vm8;
	vm10 =	vmand @p2 vm10, vm13;
	vm13 =	vnez.u8 v52  }
0x66d: {  	v21 =	vpsel p3, v43, v21;
	v14 =	vpsel p2, v57, v0;
	vm8 =	vmand @p2 vm9, vm5  }
0x66e: {  	vm5 =	veq.s32 v63, v4;
	vm9 =	vle.s32 v48, v6;
	v6 =	vmpcnt.ones.xlane @p1 vm2  }
0x66f: {  	vm2 =	vmand vm11, vm12;
	vm12 =	vgt.u32 v45, v4;
	v22 =	vpsel p1, v47, v22  }
0x670: {  	v39, _, _ =	vpop @p1 (xrf0);
	vm11 =	vmmov @p2 vm10;
	vm5 =	vmand vm5, vm9;
	vm9 =	vgt.u32 v63, v4  }
0x671: {  	v4 =	vadd.s32 @p1 v18, v39;
	vm2 =	vmor vm12, vm2;
	vm12 =	vnez.u8 v50  }
0x672: {  	(xrf0) =	vadd.scan.msk.s32 @p1 $0xffff, v46;
	v17 =	vnsel @p2 vm8, $0x0, v11;
	v11 =	vpsel p2, v11, v0;
	vm8 =	vmmov @p2 vm8  }
0x673: {  	vm4 =	vmmov @p2 vm11;
	vm5 =	vmor vm9, vm5;
	vm9 =	vmmov @p1 vm14  }
0x674: {  	vm1 =	vlt.s32 @p1 v4, $0x40;
	vm14 =	vnez.u8 v51;
	v6 =	vadd.s32 @p1 v30, v6  }
0x675: {  	v56 =	vsel vm2, $0x1, v1;
	v17 =	vpsel p2, v17, v0;
	v4 =	vpsel p1, v4, v9  }
0x676: {  	v18 =	vmovc @p4 v29;
	v29 =	vld.idx.msk @p3 [tilespmem:v44+s14+$0x0], $0xffff;
	vm12 =	vmmov @p1 vm9;
	vm14 =	vmmov @p1 vm1;
	vm1 =	vmmov @p1 vm15  }
0x677: {  	v30 =	vmovc @p4 v35;
	v35 =	vmovc @p2 v41;
	v6 =	vpsel p1, v6, v26;
	v26 =	vpsel p4, v18, v0;
	v54 =	vsel vm5, $0x1, v1  }
0x678: {  	v15 =	vld.idx.msk @p4 [tilespmem:v15+s14+$0x0], $0xffff;
	vm9 =	vmmov @p4 vm7;
	v30 =	vpsel p4, v30, v0;
	v12 =	vpsel p2, v35, v12;
	v19, _, _ =	vpop @p1 (xrf0);
	(xrf0) =	vadd.scan.msk.s32 $0xffff, v54  }
0x679: {  	v55 =	vmpcnt.ones.xlane vm5;
	vm5 =	vmmov vm5;
	v4 =	vpsel p1, v4, v0;
	(xrf0) =	vadd.scan.msk.s32 $0xffff, v56  }
0x67a: {  	vm13 =	vmmov @p1 vm1;
	v35 =	vnsel @p2 vm10, $0x0, v12;
	v22 =	vadd.s32 @p1 v6, v22  }
0x67b: {  	vm10 =	vmand @p1 vm12, vm14;
	v12 =	vpsel p2, v12, v0;
	v5 =	vpsel p1, v22, v5  }
0x67c: {  	v27 =	vmovc @p3 v38;
	v21 =	vld.idx.msk @p3 [tilespmem:v21+s14+$0x0], $0xffff;
	v9 =	vnsel @p1 vm10, $0x0, v8;
	v29 =	vpsel p3, v29, v34;
	v6 =	vadd.s32 @p1 v6, v19  }
0x67d: {  	v22 =	vadd.s32 v5, v55;
	[tilespmem:v18+s18+$0x0] =	vst.idx.msk @p4 vm7, v15;
	vm7 =	vmmov @p2 vm8;
	v6 =	vpsel p1, v6, v10  }
0x67e: {  	vm8 =	vmmov vm2;
	v17 =	vld.idx.msk @p2 [tilespmem:v17+s14+$0x0], $0xffff;
	v10 =	vmov @p3 v33;
	vm1 =	vlt.s32 @p1 v6, $0x40;
	v58, _, _ =	vpop (xrf0)  }
0x67f: {  	v19 =	vld.idx.msk @p2 [tilespmem:v35+s14+$0x0], $0xffff;
	v10 =	vpsel p3, v10, v0;
	vm1 =	vmand @p1 vm13, vm1;
	v59, _, _ =	vpop (xrf0);
	v5 =	vadd.s32 v5, v58  }
0x680: {  	[tilespmem:v20+s18+$0x0] =	vst.idx.msk @p3 vm3, v29;
	v15 =	vnsel @p1 vm1, $0x0, v7;
	vm13 =	vlt.s32 v5, $0x40;
	v60 =	vadd.s32 v22, v59  }
0x681: {  	[tilespmem:v31+s22+$0x0] =	vst.idx.msk @p3 vm3, v20;
	v15 =	vpsel p1, v15, v0;
	vm14 =	vmand vm5, vm13;
	vm5 =	vlt.s32 v60, $0x40  }
0x682: {  	[tilespmem:v30+s22+$0x0] =	vst.idx.msk @p4 vm9, v26;
	vm9 =	vmmov @p1 vm10;
	vm15 =	vmand vm8, vm5;
	vm5 =	vmmov @p2 vm7  }
0x683: {  	v8 =	vpsel p1, v8, v0;
	[tilespmem:v27+s18+$0x0] =	vst.idx.msk @p3 vm0, v21;
	v9 =	vld.idx.msk @p1 [tilespmem:v9+s14+$0x0], $0xffff;
	vm8 =	vmmov @p1 vm9;
	v61 =	vnsel vm14, $0x0, v48  }
0x684: {  	v33 =	vpsel p3, v27, v0;
	vm1 =	vmmov @p1 vm1;
	[tilespmem:v11+s18+$0x0] =	vst.idx.msk @p2 vm7, v17;
	v19 =	vpsel p2, v19, v0  }
0x685: {  	v6 =	vpsel p1, v6, v0;
	vm1 =	vmmov @p1 vm1;
	[tilespmem:v12+s18+$0x0] =	vst.idx.msk @p2 vm4, v19;
	v62 =	vnsel vm15, $0x0, v49  }
0x686: {  	v7 =	vpsel p1, v7, v0;
	[tilespmem:v23+s22+$0x0] =	vst.idx.msk @p2 vm4, v12;
	vm4 =	vmmov @p1 vm1;
	v12 =	vld.idx.msk @p1 [tilespmem:v15+s14+$0x0], $0xffff  }
0x687: {  	v6 =	vpsel p1, v6, v0;
	v11 =	vpsel p2, v11, v0;
	[tilespmem:v10+s22+$0x0] =	vst.idx.msk @p3 vm6, v33;
	vm3 =	vmmov vm14  }
0x688: {  	v9 =	vpsel p1, v9, v0;
	v63 =	vld.idx.msk [tilespmem:v61+s14+$0x0], $0xffff;
	[tilespmem:v14+s22+$0x0] =	vst.idx.msk @p2 vm5, v11  }
0x689: {  	vm0 =	vmmov vm15;
	[tilespmem:v8+s18+$0x0] =	vst.idx.msk @p1 vm8, v9  }
0x68a: {  	[tilespmem:v4+s22+$0x0] =	vst.idx.msk @p1 vm8, v8;
	v4 =	vld.idx.msk [tilespmem:v62+s14+$0x0], $0xffff  }
0x68b: {  	[tilespmem:v7+s18+$0x0] =	vst.idx.msk @p1 vm1, v12;
	v7 =	vpsel p1, v7, v0  }
.Ltmp132:
0x68c: {  	[tilespmem:v6+s22+$0x0] =	vst.idx.msk @p1 vm4, v7;
	(pc) =	sbr.rel .LBB2_184-.Ltmp132, $4  }
0x68d: {  	[tilespmem:v48+s18+$0x0] =	vst.idx.msk vm3, v63  }
0x68e: {  	v6 =	vmpcnt.ones.xlane vm2;
	[tilespmem:v5+s22+$0x0] =	vst.idx.msk vm3, v48  }
0x68f: {  	[tilespmem:v49+s18+$0x0] =	vst.idx.msk vm0, v4  }
0x690: {  	v4 =	vadd.s32 v22, v6;
	[tilespmem:v60+s22+$0x0] =	vst.idx.msk vm0, v49  }
.LBB2_175:
.Ltmp133:
0x691: {  	(pc) =	sbr.rel .LBB2_176-.Ltmp133, $2  }
0x692: {  	_ =	sdelay $0x2  }
0x693: {  	s1 =	ssub.s32 $0x40, s1;
	s28 =	simm.s32 $0x0;
	s3 =	simm.s32 $0x0  }
.LBB2_177:
0x694: {  	v5 =	vimm.s32 $0x0  }
.LBB2_181:
0x695: {  	(xrf0) =	vadd.scan.msk.s32 $0xffff, v5;
	_ =	sdelay $0x5  }
0x696: {  	v5, _, _ =	vpop (xrf0)  }
0x697: {  	(v2sf) =	vpush v5, $0xF;
	_ =	sdelay $0xa  }
0x698: {  	s3 =	sadd.s32 $0x1, s3  }
0x699: {  	p4 =	sne.s32 s3, $0xF  }
.Ltmp134:
0x69a: {  	_ = 	snop;
	(pc) =	sbr.rel @!p4 .LBB2_182-.Ltmp134, $4  }
0x69b: {  	_ = 	snop  }
0x69c: {  	s4 =	spop (v2sf)  }
0x69d: {  	p3 =	slt.s32 s4, s1  }
0x69e: {  	s28 =	smov.u32 @p3 s29  }
.LBB2_176:
.Ltmp135:
0x69f: {  	(pc) =	sbr.rel @p2 .LBB2_177-.Ltmp135, $3  }
0x6a0: {  	_ =	sdelay $0x1  }
0x6a1: {  	s4 =	sshrl.u32 s23, s3  }
0x6a2: {  	s29 =	sor.u32 s4, s28  }
0x6a3: {  	s4 =	simm.s32 $0x18000  }
0x6a4: {  	s30 =	simm.s32 $0x19000;
	p3 =	sne.s32 s0, $0x1;
	v7 =	vld [tilespmem:s4+$0x0]  }
.Ltmp136:
0x6a5: {  	v8 =	vld [tilespmem:s30+$0x0];
	(pc) =	sbr.rel @!p3 .LBB2_180-.Ltmp136, $2  }
0x6a6: {  	_ =	sdelay $0x2  }
0x6a7: {  	v6 =	vmov s29;
	v5 =	vimm.s32 $0x0;
	s5 =	simm.s32 $0x18010;
	s4 =	sadd.s32 $0xFFFFFFFF, s0  }
.LBB2_179:
0x6a8: {  	vm0 =	veq.s32 v7, v4;
	v7 =	vld [tilespmem:s5+$0x0];
	vm1 =	vlt.s32 v8, v6;
	s30 =	sadd.s32 $0x10, s30;
	p3 =	sne.s32 s4, $0x1  }
.Ltmp137:
0x6a9: {  	s4 =	sadd.s32 $0xFFFFFFFF, s4;
	v8 =	vld [tilespmem:s30+$0x0];
	vm0 =	vmand vm0, vm1;
	(pc) =	sbr.rel @p3 .LBB2_179-.Ltmp137, $3  }
0x6aa: {  	v9 =	vsel vm0, $0x1, v1  }
0x6ab: {  	v5 =	vadd.s32 v9, v5;
	_ =	sdelay $0x1  }
0x6ac: {  	s5 =	sadd.s32 $0x10, s5  }
.LBB2_180:
.Ltmp138:
0x6ad: {  	(pc) =	sbr.rel .LBB2_181-.Ltmp138, $4  }
0x6ae: {  	vm0 =	veq.s32 v7, v4;
	vm1 =	vlt.s32 v8, v6  }
0x6af: {  	vm0 =	vmand vm0, vm1  }
0x6b0: {  	v6 =	vsel vm0, $0x1, v1  }
0x6b1: {  	v5 =	vadd.s32 v6, v5  }
.LBB2_9:
.Ltmp139:
0x6b2: {  	(pc) =	sbr.rel .LBB2_12-.Ltmp139, $2  }
0x6b3: {  	_ =	sdelay $0x2  }
0x6b4: {  	_ = 	snop  }
.LBB2_45:
.Ltmp140:
0x6b5: {  	(pc) =	sbr.rel .LBB2_58-.Ltmp140, $4  }
0x6b6: {  	_ = 	snop  }
0x6b7: {  	_ = 	snop  }
0x6b8: {  	_ = 	snop  }
0x6b9: {  	s0 =	simm.s32 $0x19010;
	s1 =	simm.s32 $0x18010  }
.LBB2_43:
.Ltmp141:
0x6ba: {  	(pc) =	sbr.rel .LBB2_61-.Ltmp141, $2  }
0x6bb: {  	_ =	sdelay $0x2  }
0x6bc: {  	_ = 	snop  }
.LBB2_94:
.Ltmp142:
0x6bd: {  	(pc) =	sbr.rel .LBB2_107-.Ltmp142, $4  }
0x6be: {  	_ = 	snop  }
0x6bf: {  	_ = 	snop  }
0x6c0: {  	_ = 	snop  }
0x6c1: {  	s0 =	simm.s32 $0x19010;
	s1 =	simm.s32 $0x18010  }
.LBB2_92:
.Ltmp143:
0x6c2: {  	(pc) =	sbr.rel .LBB2_110-.Ltmp143, $2  }
0x6c3: {  	_ =	sdelay $0x2  }
0x6c4: {  	_ = 	snop  }
.LBB2_143:
.Ltmp144:
0x6c5: {  	(pc) =	sbr.rel .LBB2_156-.Ltmp144, $4  }
0x6c6: {  	_ = 	snop  }
0x6c7: {  	_ = 	snop  }
0x6c8: {  	_ = 	snop  }
0x6c9: {  	s0 =	simm.s32 $0x19010;
	s1 =	simm.s32 $0x18010  }
.LBB2_141:
.Ltmp145:
0x6ca: {  	(pc) =	sbr.rel .LBB2_159-.Ltmp145, $2  }
0x6cb: {  	_ =	sdelay $0x2  }
0x6cc: {  	_ = 	snop  }
.LBB2_187:
.Ltmp146:
0x6cd: {  	(pc) =	sbr.rel .LBB2_200-.Ltmp146, $4  }
0x6ce: {  	_ = 	snop  }
0x6cf: {  	_ = 	snop  }
0x6d0: {  	_ = 	snop  }
0x6d1: {  	s0 =	simm.s32 $0x19010;
	s1 =	simm.s32 $0x18010  }
.LBB2_47:
.Ltmp147:
0x6d2: {  	(pc) =	sbr.rel .LBB2_58-.Ltmp147, $4  }
0x6d3: {  	_ = 	snop  }
0x6d4: {  	_ = 	snop  }
0x6d5: {  	_ = 	snop  }
0x6d6: {  	s0 =	simm.s32 $0x19010;
	s1 =	simm.s32 $0x18010;
	v25 =	vmov v8  }
.LBB2_96:
.Ltmp148:
0x6d7: {  	(pc) =	sbr.rel .LBB2_107-.Ltmp148, $4  }
0x6d8: {  	_ = 	snop  }
0x6d9: {  	_ = 	snop  }
0x6da: {  	_ = 	snop  }
0x6db: {  	s0 =	simm.s32 $0x19010;
	s1 =	simm.s32 $0x18010;
	v25 =	vmov v8  }
.LBB2_145:
.Ltmp149:
0x6dc: {  	(pc) =	sbr.rel .LBB2_156-.Ltmp149, $4  }
0x6dd: {  	_ = 	snop  }
0x6de: {  	_ = 	snop  }
0x6df: {  	_ = 	snop  }
0x6e0: {  	s0 =	simm.s32 $0x19010;
	s1 =	simm.s32 $0x18010;
	v25 =	vmov v8  }
.LBB2_189:
.Ltmp150:
0x6e1: {  	(pc) =	sbr.rel .LBB2_200-.Ltmp150, $4  }
0x6e2: {  	_ = 	snop  }
0x6e3: {  	_ = 	snop  }
0x6e4: {  	_ = 	snop  }
0x6e5: {  	s0 =	simm.s32 $0x19010;
	s1 =	simm.s32 $0x18010;
	v25 =	vmov v8  }
.LBB2_49:
.Ltmp151:
0x6e6: {  	(pc) =	sbr.rel .LBB2_58-.Ltmp151, $4  }
0x6e7: {  	_ = 	snop  }
0x6e8: {  	_ = 	snop  }
0x6e9: {  	_ = 	snop  }
0x6ea: {  	v11 =	vmovc v7;
	v41 =	vmov v8;
	v28 =	vimm.s32 $0xFFFFFFFF;
	v25 =	vmov v12  }
.LBB2_98:
.Ltmp152:
0x6eb: {  	(pc) =	sbr.rel .LBB2_107-.Ltmp152, $4  }
0x6ec: {  	_ = 	snop  }
0x6ed: {  	_ = 	snop  }
0x6ee: {  	_ = 	snop  }
0x6ef: {  	v11 =	vmovc v7;
	v41 =	vmov v8;
	v28 =	vimm.s32 $0xFFFFFFFF;
	v25 =	vmov v12  }
.LBB2_147:
.Ltmp153:
0x6f0: {  	(pc) =	sbr.rel .LBB2_156-.Ltmp153, $4  }
0x6f1: {  	_ = 	snop  }
0x6f2: {  	_ = 	snop  }
0x6f3: {  	_ = 	snop  }
0x6f4: {  	v11 =	vmovc v7;
	v41 =	vmov v8;
	v28 =	vimm.s32 $0xFFFFFFFF;
	v25 =	vmov v12  }
.LBB2_191:
.Ltmp154:
0x6f5: {  	(pc) =	sbr.rel .LBB2_200-.Ltmp154, $4  }
0x6f6: {  	_ = 	snop  }
0x6f7: {  	_ = 	snop  }
0x6f8: {  	_ = 	snop  }
0x6f9: {  	v11 =	vmovc v7;
	v41 =	vmov v8;
	v28 =	vimm.s32 $0xFFFFFFFF;
	v25 =	vmov v12  }
.LBB2_51:
.Ltmp155:
0x6fa: {  	(pc) =	sbr.rel .LBB2_58-.Ltmp155, $3  }
0x6fb: {  	_ =	sdelay $0x1  }
0x6fc: {  	v11 =	vmovc v14;
	v41 =	vmov v12;
	v25 =	vmov v24;
	v16 =	vmov v15  }
0x6fd: {  	v33 =	vmovc v10;
	v38 =	vmovc v7;
	v31 =	vmov v8;
	vm2 =	vmmov vm4;
	v40 =	vmov v9  }
.LBB2_100:
.Ltmp156:
0x6fe: {  	(pc) =	sbr.rel .LBB2_107-.Ltmp156, $3  }
0x6ff: {  	_ =	sdelay $0x1  }
0x700: {  	v11 =	vmovc v14;
	v41 =	vmov v12;
	v25 =	vmov v24;
	v16 =	vmov v15  }
0x701: {  	v33 =	vmovc v10;
	v38 =	vmovc v7;
	v31 =	vmov v8;
	vm2 =	vmmov vm4;
	v40 =	vmov v9  }
.LBB2_149:
.Ltmp157:
0x702: {  	(pc) =	sbr.rel .LBB2_156-.Ltmp157, $3  }
0x703: {  	_ =	sdelay $0x1  }
0x704: {  	v11 =	vmovc v14;
	v41 =	vmov v12;
	v25 =	vmov v24;
	v16 =	vmov v15  }
0x705: {  	v33 =	vmovc v10;
	v38 =	vmovc v7;
	v31 =	vmov v8;
	vm2 =	vmmov vm4;
	v40 =	vmov v9  }
.LBB2_193:
.Ltmp158:
0x706: {  	(pc) =	sbr.rel .LBB2_200-.Ltmp158, $3  }
0x707: {  	_ =	sdelay $0x1  }
0x708: {  	v11 =	vmovc v14;
	v41 =	vmov v12;
	v25 =	vmov v24;
	v16 =	vmov v15  }
0x709: {  	v33 =	vmovc v10;
	v38 =	vmovc v7;
	v31 =	vmov v8;
	vm2 =	vmmov vm4;
	v40 =	vmov v9  }
.LBB2_53:
.Ltmp159:
0x70a: {  	v30 =	vmov v22;
	(pc) =	sbr.rel .LBB2_58-.Ltmp159, $4  }
0x70b: {  	v16 =	vmovc v26;
	vm5 =	vmmov vm13;
	v33 =	vmovc v37;
	v29 =	vmov v7;
	v38 =	vmov v14  }
0x70c: {  	v11 =	vmovc v20;
	v35 =	vmovc v10;
	v31 =	vmov v12;
	vm2 =	vmmov vm7;
	v15 =	vmov v21  }
0x70d: {  	vm7 =	vmmov vm6;
	v27 =	vmovc v34;
	vm4 =	vmmov vm3;
	v23 =	vmovc v8;
	vm8 =	vmmov vm14  }
0x70e: {  	vm11 =	vmmov vm15;
	v32 =	vmovc v9;
	v41 =	vmovc v24;
	v40 =	vmov v36;
	v28 =	vmov v39  }
.LBB2_102:
.Ltmp160:
0x70f: {  	v30 =	vmov v22;
	(pc) =	sbr.rel .LBB2_107-.Ltmp160, $4  }
0x710: {  	v16 =	vmovc v26;
	vm5 =	vmmov vm13;
	v33 =	vmovc v37;
	v29 =	vmov v7;
	v38 =	vmov v14  }
0x711: {  	v11 =	vmovc v20;
	v35 =	vmovc v10;
	v31 =	vmov v12;
	vm2 =	vmmov vm7;
	v15 =	vmov v21  }
0x712: {  	vm7 =	vmmov vm6;
	v27 =	vmovc v34;
	vm4 =	vmmov vm3;
	v23 =	vmovc v8;
	vm8 =	vmmov vm14  }
0x713: {  	vm11 =	vmmov vm15;
	v32 =	vmovc v9;
	v41 =	vmovc v24;
	v40 =	vmov v36;
	v28 =	vmov v39  }
.LBB2_151:
.Ltmp161:
0x714: {  	v30 =	vmov v22;
	(pc) =	sbr.rel .LBB2_156-.Ltmp161, $4  }
0x715: {  	v16 =	vmovc v26;
	vm5 =	vmmov vm13;
	v33 =	vmovc v37;
	v29 =	vmov v7;
	v38 =	vmov v14  }
0x716: {  	v11 =	vmovc v20;
	v35 =	vmovc v10;
	v31 =	vmov v12;
	vm2 =	vmmov vm7;
	v15 =	vmov v21  }
0x717: {  	vm7 =	vmmov vm6;
	v27 =	vmovc v34;
	vm4 =	vmmov vm3;
	v23 =	vmovc v8;
	vm8 =	vmmov vm14  }
0x718: {  	vm11 =	vmmov vm15;
	v32 =	vmovc v9;
	v41 =	vmovc v24;
	v40 =	vmov v36;
	v28 =	vmov v39  }
.LBB2_195:
.Ltmp162:
0x719: {  	v30 =	vmov v22;
	(pc) =	sbr.rel .LBB2_200-.Ltmp162, $4  }
0x71a: {  	v16 =	vmovc v26;
	vm5 =	vmmov vm13;
	v33 =	vmovc v37;
	v29 =	vmov v7;
	v38 =	vmov v14  }
0x71b: {  	v11 =	vmovc v20;
	v35 =	vmovc v10;
	v31 =	vmov v12;
	vm2 =	vmmov vm7;
	v15 =	vmov v21  }
0x71c: {  	vm7 =	vmmov vm6;
	v27 =	vmovc v34;
	vm4 =	vmmov vm3;
	v23 =	vmovc v8;
	vm8 =	vmmov vm14  }
0x71d: {  	vm11 =	vmmov vm15;
	v32 =	vmovc v9;
	v41 =	vmovc v24;
	v40 =	vmov v36;
	v28 =	vmov v39  }
.LBB2_55:
.Ltmp163:
0x71e: {  	(pc) =	sbr.rel .LBB2_58-.Ltmp163, $3  }
0x71f: {  	_ =	sdelay $0x1  }
0x720: {  	v41 =	vmovc v25;
	v17 =	vmovc v7;
	v19 =	vmov v10;
	v29 =	vmov v14;
	v38 =	vmov v20  }
0x721: {  	v35 =	vmovc v37;
	v31 =	vmovc v24;
	v23 =	vmov v12;
	v32 =	vmov v36;
	v25 =	vmov v42  }
.LBB2_104:
.Ltmp164:
0x722: {  	(pc) =	sbr.rel .LBB2_107-.Ltmp164, $3  }
0x723: {  	_ =	sdelay $0x1  }
0x724: {  	v41 =	vmovc v25;
	v17 =	vmovc v7;
	v19 =	vmov v10;
	v29 =	vmov v14;
	v38 =	vmov v20  }
0x725: {  	v35 =	vmovc v37;
	v31 =	vmovc v24;
	v23 =	vmov v12;
	v32 =	vmov v36;
	v25 =	vmov v42  }
.LBB2_153:
.Ltmp165:
0x726: {  	(pc) =	sbr.rel .LBB2_156-.Ltmp165, $3  }
0x727: {  	_ =	sdelay $0x1  }
0x728: {  	v41 =	vmovc v25;
	v17 =	vmovc v7;
	v19 =	vmov v10;
	v29 =	vmov v14;
	v38 =	vmov v20  }
0x729: {  	v35 =	vmovc v37;
	v31 =	vmovc v24;
	v23 =	vmov v12;
	v32 =	vmov v36;
	v25 =	vmov v42  }
.LBB2_197:
.Ltmp166:
0x72a: {  	(pc) =	sbr.rel .LBB2_200-.Ltmp166, $3  }
0x72b: {  	_ =	sdelay $0x1  }
0x72c: {  	v41 =	vmovc v25;
	v17 =	vmovc v7;
	v19 =	vmov v10;
	v29 =	vmov v14;
	v38 =	vmov v20  }
0x72d: {  	v35 =	vmovc v37;
	v31 =	vmovc v24;
	v23 =	vmov v12;
	v32 =	vmov v36;
	v25 =	vmov v42  }
.LBB2_185:
0x72e: {  	_ =	sfence.sel $0x180000  }
0x72f: {  	[bflag:$0x0] =	sbarrier.arrive $0xFFFF  }
0x730: {  	_ =	strace $0x90000047  }
0x731: {  	s0 =	stileid.u32;
	[bflag:$0x2] =	sbarrier.arrive $0xFFFF  }
0x732: {  	p0 =	sne.s32 s0, $0x0;
	s0 =	rddreg [dreg:$0x2]  }
0x733: {  	s0 =	sadd.s32 @!p0 $0x100000, s0  }
0x734: {  	[sflag:s0] =	ssyncadd.tile.s32 @!p0 $0x1;
	_ =	shalt  }
.Lfunc_end2:
_tile_overlayer_lowered:
.L_overlay_start_2:
0x735: {  	(tag) =	ssettag $0x2  }
0x736: {  	s0 =	rddreg [dreg:$0x0];
	s2 =	stileid.u32  }
0x737: {  	s1 =	rddreg [dreg:$0x1];
	p0 =	sne.s32 s2, $0x0  }
0x738: {  	s3 =	rddreg [dreg:$0x2];
	[bflag:$0x3] =	sbarrier.arrive $0xFFFF;
	s2 =	simm.s32 @!p0 $0x1C04  }
0x739: {  	[timem:s3], [sflag:s2] =	dma.local @!p0 [hbm:s0], s1  }
0x73a: {  	s0 =	simm.s32 @!p0 $0x4  }
0x73b: {  	_ =	swait.ge @!p0 [sflag:s0], s1  }
0x73c: {  	s1 =	ssub.s32 @!p0 $0x0, s1;
	[sflag:s0] =	ssyncset.done @!p0 $0x0  }
0x73d: {  	[sflag:s0] =	ssyncadd.s32 @!p0 s1  }
0x73e: {  	[bflag:$0x3] =	sbarrier.arrive $0xFFFF  }
0x73f: {  	_ =	shalt  }

</sc_bundles>
